<compile_context>
chip_gen: v7x
topology: tpu7x:2x2x1
jax: 0.10.2.dev20260603
libtpu: 0.0.44.dev20260713+nightly
codegen_flags: <defaults>
</compile_context>

<pallas_src>
import jax
import jax.numpy as jnp
from jax import lax
from jax.experimental import pallas as pl
from jax.experimental.pallas import tpu as pltpu
from jax.experimental.pallas import tpu_sc as plsc

N_USERS = 50000
N_ITEMS = 50000
N_WARM = 40000
D0 = 256
D1 = 128
HID = 128
EMB = 32

R = 2000
NB = N_ITEMS // R

NC = 2
NS = 16
NW = NC * NS
KE = 256
GRP = KE // 128
RCH = 200
NRCH = N_USERS // RCH
NREP = (NRCH + NS - 1) // NS
NWCH = (N_WARM + 127) // 128
WPAD = NWCH * 128


def _l2n(x, eps=1e-12):
    n = jnp.sqrt(jnp.sum(x * x, axis=-1, keepdims=True))
    return x / jnp.maximum(n, eps)


def _k1_body(f0_ref, f1_ref, w0_ref, w1_ref, x0_ref, x1_ref, st_ref):
    i = pl.program_id(0)
    f0 = _l2n(f0_ref[...])
    x0 = jnp.dot(f0, w0_ref[...], preferred_element_type=jnp.float32,
                 precision=lax.Precision.HIGHEST)
    x0_ref[...] = x0
    f1 = _l2n(f1_ref[...])
    x1 = jnp.dot(f1, w1_ref[...], preferred_element_type=jnp.float32,
                 precision=lax.Precision.HIGHEST)
    x1_ref[...] = x1

    @pl.when(i == 0)
    def _():
        st_ref[...] = jnp.zeros_like(st_ref)

    st_ref[0:1, :] += jnp.sum(x0, axis=0, keepdims=True)
    st_ref[1:2, :] += jnp.sum(x0 * x0, axis=0, keepdims=True)
    st_ref[2:3, :] += jnp.sum(x1, axis=0, keepdims=True)
    st_ref[3:4, :] += jnp.sum(x1 * x1, axis=0, keepdims=True)


_k1 = pl.pallas_call(
    _k1_body,
    grid=(NB,),
    in_specs=[
        pl.BlockSpec((R, D0), lambda i: (i, 0)),
        pl.BlockSpec((R, D1), lambda i: (i, 0)),
        pl.BlockSpec((D0, HID), lambda i: (0, 0)),
        pl.BlockSpec((D1, HID), lambda i: (0, 0)),
    ],
    out_specs=[
        pl.BlockSpec((R, HID), lambda i: (i, 0)),
        pl.BlockSpec((R, HID), lambda i: (i, 0)),
        pl.BlockSpec((8, HID), lambda i: (0, 0)),
    ],
    out_shape=[
        jax.ShapeDtypeStruct((N_ITEMS, HID), jnp.float32),
        jax.ShapeDtypeStruct((N_ITEMS, HID), jnp.float32),
        jax.ShapeDtypeStruct((8, HID), jnp.float32),
    ],
)


def _k2_body(x0_ref, x1_ref, p_ref, wf_ref, nf_ref):
    h = (jax.nn.relu(x0_ref[...] * p_ref[0:1, :] + p_ref[1:2, :])
         + jax.nn.relu(x1_ref[...] * p_ref[2:3, :] + p_ref[3:4, :]))
    o = jnp.dot(h, wf_ref[...], preferred_element_type=jnp.float32,
                precision=lax.Precision.HIGHEST) + p_ref[4:5, 0:EMB]
    nf_ref[...] = _l2n(o)


_k2 = pl.pallas_call(
    _k2_body,
    grid=(NB,),
    in_specs=[
        pl.BlockSpec((R, HID), lambda i: (i, 0)),
        pl.BlockSpec((R, HID), lambda i: (i, 0)),
        pl.BlockSpec((8, HID), lambda i: (0, 0)),
        pl.BlockSpec((HID, EMB), lambda i: (0, 0)),
    ],
    out_specs=pl.BlockSpec((R, EMB), lambda i: (i, 0)),
    out_shape=jax.ShapeDtypeStruct((N_ITEMS, EMB), jnp.float32),
)


def _sca_body(nf_hbm, warm_hbm, item_hbm, idx_v, emb_v, sem):
    c = lax.axis_index("c")
    s = lax.axis_index("s")
    wid = c * NS + s
    nrep = (NWCH + NW - 1) // NW
    for rep in range(nrep):
        k = rep * NW + wid

        @pl.when(k < NWCH)
        def _():
            pltpu.sync_copy(warm_hbm.at[pl.ds(k, 1)], idx_v)
            pltpu.async_copy(nf_hbm.at[idx_v.at[0]], emb_v, sem).wait()
            pltpu.sync_copy(
                emb_v, item_hbm.at[pl.ds(pl.multiple_of(k * 128, 8), 128)])


_sca = pl.kernel(
    _sca_body,
    out_type=jax.ShapeDtypeStruct((WPAD, EMB), jnp.float32),
    mesh=plsc.VectorSubcoreMesh(core_axis_name="c", subcore_axis_name="s",
                                num_cores=NC, num_subcores=NS),
    compiler_params=pltpu.CompilerParams(needs_layout_passes=False,
                                         use_tc_tiling_on_sc=False),
    scratch_types=[
        pltpu.VMEM((1, 128), jnp.int32),
        pltpu.VMEM((128, EMB), jnp.float32),
        pltpu.SemaphoreType.DMA,
    ],
)


def _sc_body(item_hbm, cols_hbm, rows_hbm, vals_hbm, out_hbm,
             part_sh, cols_a, rows_a, vals_a, gath_a,
             cols_b, rows_b, vals_b, gath_b, sem_ga, sem_gb, sem_s):
    c = lax.axis_index("c")
    s = lax.axis_index("s")
    wid = c * NS + s
    n_iter = vals_hbm.shape[0] // (NW * KE)
    tile_edges = n_iter * KE

    def _z(j, cry):
        gath_a[j, pl.ds(0, 16)] = jnp.zeros((16,), jnp.float32)
        gath_a[j, pl.ds(16, 16)] = jnp.zeros((16,), jnp.float32)
        return cry

    lax.fori_loop(0, RCH, _z, 0)
    for rep in range(NREP):
        k = rep * NS + s

        @pl.when(k < NRCH)
        def _():
            pltpu.sync_copy(
                gath_a.at[pl.ds(0, RCH)],
                part_sh.at[pl.ds(pl.multiple_of(k * RCH, 8), RCH)])

    plsc.subcore_barrier()

    def _stage(i, cols_x, rows_x, vals_x):
        base = pl.multiple_of(wid * tile_edges + i * KE, KE)
        gbase = pl.multiple_of((wid * tile_edges + i * KE) // 128, GRP)
        pltpu.sync_copy(cols_hbm.at[pl.ds(gbase, GRP)], cols_x)
        pltpu.sync_copy(rows_hbm.at[pl.ds(gbase, GRP)], rows_x)
        pltpu.sync_copy(vals_hbm.at[pl.ds(base, KE)], vals_x)

    def _fire_gather(cols_x, gath_x, sem_x):
        for g in range(GRP):
            pltpu.async_copy(item_hbm.at[cols_x.at[g]],
                             gath_x.at[pl.ds(g * 128, 128)], sem_x)

    def _drain_gather(cols_x, gath_x, sem_x):
        for g in range(GRP):
            pltpu.make_async_copy(item_hbm.at[cols_x.at[g]],
                                  gath_x.at[pl.ds(g * 128, 128)],
                                  sem_x).wait()

    def _scale(vals_x, gath_x):
        def _sc16(j, cry2):
            e0 = j * 16
            for mm in range(16):
                b = plsc.load_gather(
                    vals_x, [jnp.full((16,), e0 + mm, jnp.int32)])
                gath_x[e0 + mm, pl.ds(0, 16)] = \
                    gath_x[e0 + mm, pl.ds(0, 16)] * b
                gath_x[e0 + mm, pl.ds(16, 16)] = \
                    gath_x[e0 + mm, pl.ds(16, 16)] * b
            return cry2

        lax.fori_loop(0, KE // 16, _sc16, 0)

    def _scatter(rows_x, gath_x):
        descs = []
        for g in range(GRP):
            descs.append(pltpu.async_copy(
                gath_x.at[pl.ds(g * 128, 128)],
                part_sh.at[rows_x.at[g]], sem_s, add=True))
        for d in descs:
            d.wait()

    _stage(0, cols_a, rows_a, vals_a)
    _fire_gather(cols_a, gath_a, sem_ga)

    def _pair(j, cry):
        a = 2 * j
        _stage(a + 1, cols_b, rows_b, vals_b)
        _fire_gather(cols_b, gath_b, sem_gb)
        _drain_gather(cols_a, gath_a, sem_ga)
        _scale(vals_a, gath_a)
        _scatter(rows_a, gath_a)

        @pl.when(a + 2 < n_iter)
        def _():
            _stage(a + 2, cols_a, rows_a, vals_a)
            _fire_gather(cols_a, gath_a, sem_ga)

        _drain_gather(cols_b, gath_b, sem_gb)
        _scale(vals_b, gath_b)
        _scatter(rows_b, gath_b)
        return cry

    lax.fori_loop(0, n_iter // 2, _pair, 0)

    plsc.subcore_barrier()
    for rep in range(NREP):
        k = rep * NS + s

        @pl.when(k < NRCH)
        def _():
            pltpu.sync_copy(
                part_sh.at[pl.ds(pl.multiple_of(k * RCH, 8), RCH)],
                out_hbm.at[pl.ds(pl.multiple_of(c * N_USERS + k * RCH, 8),
                                 RCH)])


_scb = pl.kernel(
    _sc_body,
    out_type=jax.ShapeDtypeStruct((NC * N_USERS, EMB), jnp.float32),
    mesh=plsc.VectorSubcoreMesh(core_axis_name="c", subcore_axis_name="s",
                                num_cores=NC, num_subcores=NS),
    compiler_params=pltpu.CompilerParams(needs_layout_passes=False,
                                         use_tc_tiling_on_sc=False),
    scratch_types=[
        pltpu.VMEM_SHARED((N_USERS, EMB), jnp.float32),
        pltpu.VMEM((GRP, 128), jnp.int32),
        pltpu.VMEM((GRP, 128), jnp.int32),
        pltpu.VMEM((KE,), jnp.float32),
        pltpu.VMEM((KE, EMB), jnp.float32),
        pltpu.VMEM((GRP, 128), jnp.int32),
        pltpu.VMEM((GRP, 128), jnp.int32),
        pltpu.VMEM((KE,), jnp.float32),
        pltpu.VMEM((KE, EMB), jnp.float32),
        pltpu.SemaphoreType.DMA,
        pltpu.SemaphoreType.DMA,
        pltpu.SemaphoreType.DMA,
    ],
)


def _k4_body(p0_ref, p1_ref, u_ref):
    u_ref[...] = _l2n(p0_ref[...] + p1_ref[...])


_k4 = pl.pallas_call(
    _k4_body,
    grid=(NB,),
    in_specs=[
        pl.BlockSpec((R, EMB), lambda i: (i, 0)),
        pl.BlockSpec((R, EMB), lambda i: (NB + i, 0)),
    ],
    out_specs=pl.BlockSpec((R, EMB), lambda i: (i, 0)),
    out_shape=jax.ShapeDtypeStruct((N_USERS, EMB), jnp.float32),
)


def kernel(feats0, feats1, adj_rows, adj_cols, adj_vals, warm_idx,
           W0, b0, g0, be0, W1, b1, g1, be1, fuse_w, Wf, bf):
    x0, x1, st = _k1(feats0, feats1, W0, W1)

    n = jnp.float32(N_ITEMS)
    w = jax.nn.softmax(fuse_w)
    mu0 = st[0] / n
    var0 = st[1] / n - mu0 * mu0
    sr0 = g0 * lax.rsqrt(var0 + 1e-5)
    mu1 = st[2] / n
    var1 = st[3] / n - mu1 * mu1
    sr1 = g1 * lax.rsqrt(var1 + 1e-5)
    p = jnp.zeros((8, HID), jnp.float32)
    p = p.at[0].set(w[0] * sr0)
    p = p.at[1].set(w[0] * (be0 - mu0 * sr0))
    p = p.at[2].set(w[1] * sr1)
    p = p.at[3].set(w[1] * (be1 - mu1 * sr1))
    p = p.at[4, 0:EMB].set(bf)

    nf = _k2(x0, x1, p, Wf)

    e = adj_rows.shape[0]
    chunk = 2 * NW * KE
    epad = ((e + chunk - 1) // chunk) * chunk
    pad = epad - e
    rows_p = jnp.pad(adj_rows, (0, pad)).reshape(epad // 128, 128)
    cols_p = jnp.pad(adj_cols, (0, pad)).reshape(epad // 128, 128)
    vals_p = jnp.pad(adj_vals, (0, pad))

    warm_p = jnp.pad(warm_idx, (0, WPAD - N_WARM)).reshape(NWCH, 128)
    item = _sca(nf, warm_p)
    partials = _scb(item, cols_p, rows_p, vals_p)
    user = _k4(partials, partials)
    return (user, nf)

# --- scband reference (transcript-rebuilt; emitter-appended) ---
"""Pipeline reference for scband-teacher-learner-13314398617932 (READ-ONLY COPY).

The authoritative reference and input builder live on the scoring server;
editing this copy changes nothing except your own understanding.
"""

import jax, jax.numpy as jnp
import numpy as np

N_USERS = 50000
N_ITEMS = 50000
N_WARM = 40000
N_EDGES = 1600000
D0 = 256
D1 = 128
HID = 128
EMB = 32

def l2norm(x, eps=1e-12):
    n = jnp.sqrt(jnp.sum(x * x, axis=-1, keepdims=True))
    return x / jnp.maximum(n, eps)

def batchnorm(x, g, b, eps=1e-5):
    mu = jnp.mean(x, axis=0, keepdims=True)
    var = jnp.var(x, axis=0, keepdims=True)
    return g * (x - mu) / jnp.sqrt(var + eps) + b

def setup_inputs(seed: int = 0):
    key = jax.random.key(seed)
    ks = jax.random.split(key, 16)
    feats0 = jax.random.normal(ks[0], (N_ITEMS, D0), dtype=jnp.float32)
    feats1 = jax.random.normal(ks[1], (N_ITEMS, D1), dtype=jnp.float32)
    adj_rows = jax.random.randint(ks[2], (N_EDGES,), 0, N_USERS)
    adj_cols = jax.random.randint(ks[3], (N_EDGES,), 0, N_WARM)
    adj_vals = jax.random.uniform(ks[4], (N_EDGES,), dtype=jnp.float32) / 32.0
    warm_idx = jnp.sort(jax.random.randint(ks[5], (N_WARM,), 0, N_ITEMS))
    W0 = jax.random.normal(ks[6], (D0, HID), dtype=jnp.float32) * 0.02
    b0 = jnp.zeros((HID,), dtype=jnp.float32)
    g0 = jnp.ones((HID,), dtype=jnp.float32)
    be0 = jnp.zeros((HID,), dtype=jnp.float32)
    W1 = jax.random.normal(ks[7], (D1, HID), dtype=jnp.float32) * 0.02
    b1 = jnp.zeros((HID,), dtype=jnp.float32)
    g1 = jnp.ones((HID,), dtype=jnp.float32)
    be1 = jnp.zeros((HID,), dtype=jnp.float32)
    fuse_w = jnp.zeros((2,), dtype=jnp.float32)
    Wf = jax.random.normal(ks[8], (HID, EMB), dtype=jnp.float32) * 0.02
    bf = jnp.zeros((EMB,), dtype=jnp.float32)
    return {"feats0": feats0, "feats1": feats1, "adj_rows": adj_rows, "adj_cols": adj_cols, "adj_vals": adj_vals, "warm_idx": warm_idx, "W0": W0, "b0": b0, "g0": g0, "be0": be0, "W1": W1, "b1": b1, "g1": g1, "be1": be1, "fuse_w": fuse_w, "Wf": Wf, "bf": bf}

def reference(feats0, feats1, adj_rows, adj_cols, adj_vals, warm_idx, W0, b0, g0, be0, W1, b1, g1, be1, fuse_w, Wf, bf):
    # feats_raw are L2-normalized (F.normalize in __init__)
    f0 = l2norm(feats0)
    f1 = l2norm(feats1)
    # per-modality Linear -> BatchNorm(batch stats) -> ReLU
    h0 = jax.nn.relu(batchnorm(f0 @ W0 + b0, g0, be0))
    h1 = jax.nn.relu(batchnorm(f1 @ W1 + b1, g1, be1))
    # LearnedWeightedSum fuser: softmax-weighted sum over modalities
    w = jax.nn.softmax(fuse_w)
    fused = w[0] * h0 + w[1] * h1
    feats_out = fused @ Wf + bf
    nf = l2norm(feats_out)
    # user_vecs = sparse.mm(ui_adj, normalize(feats_out)[warm_idx])
    item_emb = jnp.take(nf, warm_idx, axis=0)
    gathered = adj_vals[:, None] * jnp.take(item_emb, adj_cols, axis=0)
    user_vecs = jnp.zeros((N_USERS, EMB), dtype=feats_out.dtype).at[adj_rows].add(gathered)
    return (l2norm(user_vecs), l2norm(feats_out))

if __name__ == "__main__":
    import jax
    _d = setup_inputs()
    print(jax.jit(kernel)(*tuple(_d.values())))

</pallas_src>

<mosaic_0001>
#map = affine_map<(d0, d1) -> (0, 0)>
module attributes {stable_mosaic.version = 14 : i64} {
  func.func @_sca_body(%arg0: i32, %arg1: i32, %arg2: memref<50000x32xf32, #tpu.memory_space<hbm>>, %arg3: memref<313x128xi32, #tpu.memory_space<hbm>>, %arg4: memref<40064x32xf32, #tpu.memory_space<hbm>>, %arg5: memref<1x128xi32, #tpu.memory_space<vmem>>, %arg6: memref<128x32xf32, #tpu.memory_space<vmem>>, %arg7: memref<!tpu.dma_semaphore, #tpu.memory_space<semaphore_mem>>) attributes {dimension_semantics = [#tpu.dimension_semantics<core_parallel>, #tpu.dimension_semantics<subcore_parallel>], iteration_bounds = array<i64: 2, 16>, scalar_prefetch = 0 : i64, scratch_operands = 3 : i64, tpu.core_type = #tpu.core_type<sc_vector_subcore>, window_params = [{transform_indices = #map}, {transform_indices = #map}, {transform_indices = #map}]} {
    %mul3A = arith.constant 16 : i32
    %mul3A_0 = arith.muli %arg0, %mul3A : i32
    %add3A = arith.addi %mul3A_0, %arg1 : i32
    %add3A_1 = arith.constant 0 : i32
    %add3A_2 = arith.addi %add3A_1, %add3A : i32
    %lt3A = arith.constant 313 : i32
    %lt3A_3 = arith.cmpi slt, %add3A_2, %lt3A : i32
    %convert_element_type3A = arith.extui %lt3A_3 : i1 to i32
    %cond3A = arith.constant 0 : i32
    %cond3A_4 = arith.cmpi ne, %convert_element_type3A, %cond3A : i32
    scf.if %cond3A_4 {
      "tpu.region"() ({
        %run_scoped3A = tpu.sem_alloc : memref<!tpu.dma_semaphore, #tpu.memory_space<semaphore_mem>>
        %dma_start3A_82 = arith.constant 0 : i32
        %dma_start3A_83 = tpu.memref_slice %arg3[%add3A_2, %dma_start3A_82] : memref<313x128xi32, #tpu.memory_space<hbm>> -> memref<1x128xi32, #tpu.memory_space<hbm>>
        %dma_start3A_84 = arith.constant 0 : i32
        %dma_start3A_85 = tpu.memref_slice %arg3[%add3A_2, %dma_start3A_84] : memref<313x128xi32, #tpu.memory_space<hbm>> -> memref<1x128xi32, #tpu.memory_space<hbm>>
        tpu.enqueue_dma source(%dma_start3A_85 : memref<1x128xi32, #tpu.memory_space<hbm>>) target(%arg5 : memref<1x128xi32, #tpu.memory_space<vmem>>) target_semaphore(%run_scoped3A : memref<!tpu.dma_semaphore, #tpu.memory_space<semaphore_mem>>)
        %dma_wait3A_86 = arith.constant 0 : i32
        %dma_wait3A_87 = tpu.memref_slice %arg3[%add3A_2, %dma_wait3A_86] : memref<313x128xi32, #tpu.memory_space<hbm>> -> memref<1x128xi32, #tpu.memory_space<hbm>>
        %dma_wait3A_88 = arith.constant 0 : i32
        %dma_wait3A_89 = tpu.memref_slice %arg3[%add3A_2, %dma_wait3A_88] : memref<313x128xi32, #tpu.memory_space<hbm>> -> memref<1x128xi32, #tpu.memory_space<hbm>>
        tpu.wait_dma2 semaphore(%run_scoped3A : memref<!tpu.dma_semaphore, #tpu.memory_space<semaphore_mem>>) src(%dma_wait3A_89 : memref<1x128xi32, #tpu.memory_space<hbm>>) dst(%arg5 : memref<1x128xi32, #tpu.memory_space<vmem>>)
        tpu.yield
      }) : () -> ()
      %dma_start3A = arith.constant 0 : i32
      %dma_start3A_68 = arith.constant 0 : i32
      %dma_start3A_69 = tpu.memref_slice %arg5[%dma_start3A, %dma_start3A_68] : memref<1x128xi32, #tpu.memory_space<vmem>> -> memref<1x128xi32, #tpu.memory_space<vmem>>
      %dma_start3A_70 = tpu.memref_squeeze %dma_start3A_69 : memref<1x128xi32, #tpu.memory_space<vmem>> -> memref<128xi32, #tpu.memory_space<vmem>>
      %dma_start3A_71 = arith.constant 0 : i32
      %dma_start3A_72 = arith.constant 0 : i32
      %dma_start3A_73 = tpu.memref_slice %arg2[%dma_start3A_71, %dma_start3A_72] : memref<50000x32xf32, #tpu.memory_space<hbm>> -> memref<50000x32xf32, #tpu.memory_space<hbm>>
      tpu.enqueue_indirect_dma source(%dma_start3A_73 : memref<50000x32xf32, #tpu.memory_space<hbm>>) target(%arg6 : memref<128x32xf32, #tpu.memory_space<vmem>>) offsets(%dma_start3A_70 : memref<128xi32, #tpu.memory_space<vmem>>) semaphore(%arg7 : memref<!tpu.dma_semaphore, #tpu.memory_space<semaphore_mem>>)
      %dma_wait3A = arith.constant 0 : i32
      %dma_wait3A_74 = arith.constant 0 : i32
      %dma_wait3A_75 = tpu.memref_slice %arg5[%dma_wait3A, %dma_wait3A_74] : memref<1x128xi32, #tpu.memory_space<vmem>> -> memref<1x128xi32, #tpu.memory_space<vmem>>
      %dma_wait3A_76 = tpu.memref_squeeze %dma_wait3A_75 : memref<1x128xi32, #tpu.memory_space<vmem>> -> memref<128xi32, #tpu.memory_space<vmem>>
      %dma_wait3A_77 = arith.constant 0 : i32
      %dma_wait3A_78 = arith.constant 0 : i32
      %dma_wait3A_79 = tpu.memref_slice %arg2[%dma_wait3A_77, %dma_wait3A_78] : memref<50000x32xf32, #tpu.memory_space<hbm>> -> memref<50000x32xf32, #tpu.memory_space<hbm>>
      tpu.wait_indirect_dma semaphore(%arg7 : memref<!tpu.dma_semaphore, #tpu.memory_space<semaphore_mem>>) src(%dma_wait3A_79 : memref<50000x32xf32, #tpu.memory_space<hbm>>) dst(%arg6 : memref<128x32xf32, #tpu.memory_space<vmem>>)
      %mul3A_80 = arith.constant 128 : i32
      %mul3A_81 = arith.muli %add3A_2, %mul3A_80 : i32
      %multiple_of3A = tpu.assume_multiple %mul3A_81, 8 : i32
      "tpu.region"() ({
        %run_scoped3A = tpu.sem_alloc : memref<!tpu.dma_semaphore, #tpu.memory_space<semaphore_mem>>
        %dma_start3A_82 = arith.constant 0 : i32
        %dma_start3A_83 = tpu.memref_slice %arg4[%multiple_of3A, %dma_start3A_82] : memref<40064x32xf32, #tpu.memory_space<hbm>> -> memref<128x32xf32, #tpu.memory_space<hbm>>
        %dma_start3A_84 = arith.constant 0 : i32
        %dma_start3A_85 = tpu.memref_slice %arg4[%multiple_of3A, %dma_start3A_84] : memref<40064x32xf32, #tpu.memory_space<hbm>> -> memref<128x32xf32, #tpu.memory_space<hbm>>
        tpu.enqueue_dma source(%arg6 : memref<128x32xf32, #tpu.memory_space<vmem>>) target(%dma_start3A_85 : memref<128x32xf32, #tpu.memory_space<hbm>>) target_semaphore(%run_scoped3A : memref<!tpu.dma_semaphore, #tpu.memory_space<semaphore_mem>>)
        %dma_wait3A_86 = arith.constant 0 : i32
        %dma_wait3A_87 = tpu.memref_slice %arg4[%multiple_of3A, %dma_wait3A_86] : memref<40064x32xf32, #tpu.memory_space<hbm>> -> memref<128x32xf32, #tpu.memory_space<hbm>>
        %dma_wait3A_88 = arith.constant 0 : i32
        %dma_wait3A_89 = tpu.memref_slice %arg4[%multiple_of3A, %dma_wait3A_88] : memref<40064x32xf32, #tpu.memory_space<hbm>> -> memref<128x32xf32, #tpu.memory_space<hbm>>
        tpu.wait_dma2 semaphore(%run_scoped3A : memref<!tpu.dma_semaphore, #tpu.memory_space<semaphore_mem>>) src(%arg6 : memref<128x32xf32, #tpu.memory_space<vmem>>) dst(%dma_wait3A_89 : memref<128x32xf32, #tpu.memory_space<hbm>>)
        tpu.yield
      }) : () -> ()
    } else {
    }
    %add3A_5 = arith.constant 32 : i32
    %add3A_6 = arith.addi %add3A_5, %add3A : i32
    %lt3A_7 = arith.constant 313 : i32
    %lt3A_8 = arith.cmpi slt, %add3A_6, %lt3A_7 : i32
    %convert_element_type3A_9 = arith.extui %lt3A_8 : i1 to i32
    %cond3A_10 = arith.constant 0 : i32
    %cond3A_11 = arith.cmpi ne, %convert_element_type3A_9, %cond3A_10 : i32
    scf.if %cond3A_11 {
      "tpu.region"() ({
        %run_scoped3A = tpu.sem_alloc : memref<!tpu.dma_semaphore, #tpu.memory_space<semaphore_mem>>
        %dma_start3A_82 = arith.constant 0 : i32
        %dma_start3A_83 = tpu.memref_slice %arg3[%add3A_6, %dma_start3A_82] : memref<313x128xi32, #tpu.memory_space<hbm>> -> memref<1x128xi32, #tpu.memory_space<hbm>>
        %dma_start3A_84 = arith.constant 0 : i32
        %dma_start3A_85 = tpu.memref_slice %arg3[%add3A_6, %dma_start3A_84] : memref<313x128xi32, #tpu.memory_space<hbm>> -> memref<1x128xi32, #tpu.memory_space<hbm>>
        tpu.enqueue_dma source(%dma_start3A_85 : memref<1x128xi32, #tpu.memory_space<hbm>>) target(%arg5 : memref<1x128xi32, #tpu.memory_space<vmem>>) target_semaphore(%run_scoped3A : memref<!tpu.dma_semaphore, #tpu.memory_space<semaphore_mem>>)
        %dma_wait3A_86 = arith.constant 0 : i32
        %dma_wait3A_87 = tpu.memref_slice %arg3[%add3A_6, %dma_wait3A_86] : memref<313x128xi32, #tpu.memory_space<hbm>> -> memref<1x128xi32, #tpu.memory_space<hbm>>
        %dma_wait3A_88 = arith.constant 0 : i32
        %dma_wait3A_89 = tpu.memref_slice %arg3[%add3A_6, %dma_wait3A_88] : memref<313x128xi32, #tpu.memory_space<hbm>> -> memref<1x128xi32, #tpu.memory_space<hbm>>
        tpu.wait_dma2 semaphore(%run_scoped3A : memref<!tpu.dma_semaphore, #tpu.memory_space<semaphore_mem>>) src(%dma_wait3A_89 : memref<1x128xi32, #tpu.memory_space<hbm>>) dst(%arg5 : memref<1x128xi32, #tpu.memory_space<vmem>>)
        tpu.yield
      }) : () -> ()
      %dma_start3A = arith.constant 0 : i32
      %dma_start3A_68 = arith.constant 0 : i32
      %dma_start3A_69 = tpu.memref_slice %arg5[%dma_start3A, %dma_start3A_68] : memref<1x128xi32, #tpu.memory_space<vmem>> -> memref<1x128xi32, #tpu.memory_space<vmem>>
      %dma_start3A_70 = tpu.memref_squeeze %dma_start3A_69 : memref<1x128xi32, #tpu.memory_space<vmem>> -> memref<128xi32, #tpu.memory_space<vmem>>
      %dma_start3A_71 = arith.constant 0 : i32
      %dma_start3A_72 = arith.constant 0 : i32
      %dma_start3A_73 = tpu.memref_slice %arg2[%dma_start3A_71, %dma_start3A_72] : memref<50000x32xf32, #tpu.memory_space<hbm>> -> memref<50000x32xf32, #tpu.memory_space<hbm>>
      tpu.enqueue_indirect_dma source(%dma_start3A_73 : memref<50000x32xf32, #tpu.memory_space<hbm>>) target(%arg6 : memref<128x32xf32, #tpu.memory_space<vmem>>) offsets(%dma_start3A_70 : memref<128xi32, #tpu.memory_space<vmem>>) semaphore(%arg7 : memref<!tpu.dma_semaphore, #tpu.memory_space<semaphore_mem>>)
      %dma_wait3A = arith.constant 0 : i32
      %dma_wait3A_74 = arith.constant 0 : i32
      %dma_wait3A_75 = tpu.memref_slice %arg5[%dma_wait3A, %dma_wait3A_74] : memref<1x128xi32, #tpu.memory_space<vmem>> -> memref<1x128xi32, #tpu.memory_space<vmem>>
      %dma_wait3A_76 = tpu.memref_squeeze %dma_wait3A_75 : memref<1x128xi32, #tpu.memory_space<vmem>> -> memref<128xi32, #tpu.memory_space<vmem>>
      %dma_wait3A_77 = arith.constant 0 : i32
      %dma_wait3A_78 = arith.constant 0 : i32
      %dma_wait3A_79 = tpu.memref_slice %arg2[%dma_wait3A_77, %dma_wait3A_78] : memref<50000x32xf32, #tpu.memory_space<hbm>> -> memref<50000x32xf32, #tpu.memory_space<hbm>>
      tpu.wait_indirect_dma semaphore(%arg7 : memref<!tpu.dma_semaphore, #tpu.memory_space<semaphore_mem>>) src(%dma_wait3A_79 : memref<50000x32xf32, #tpu.memory_space<hbm>>) dst(%arg6 : memref<128x32xf32, #tpu.memory_space<vmem>>)
      %mul3A_80 = arith.constant 128 : i32
      %mul3A_81 = arith.muli %add3A_6, %mul3A_80 : i32
      %multiple_of3A = tpu.assume_multiple %mul3A_81, 8 : i32
      "tpu.region"() ({
        %run_scoped3A = tpu.sem_alloc : memref<!tpu.dma_semaphore, #tpu.memory_space<semaphore_mem>>
        %dma_start3A_82 = arith.constant 0 : i32
        %dma_start3A_83 = tpu.memref_slice %arg4[%multiple_of3A, %dma_start3A_82] : memref<40064x32xf32, #tpu.memory_space<hbm>> -> memref<128x32xf32, #tpu.memory_space<hbm>>
        %dma_start3A_84 = arith.constant 0 : i32
        %dma_start3A_85 = tpu.memref_slice %arg4[%multiple_of3A, %dma_start3A_84] : memref<40064x32xf32, #tpu.memory_space<hbm>> -> memref<128x32xf32, #tpu.memory_space<hbm>>
        tpu.enqueue_dma source(%arg6 : memref<128x32xf32, #tpu.memory_space<vmem>>) target(%dma_start3A_85 : memref<128x32xf32, #tpu.memory_space<hbm>>) target_semaphore(%run_scoped3A : memref<!tpu.dma_semaphore, #tpu.memory_space<semaphore_mem>>)
        %dma_wait3A_86 = arith.constant 0 : i32
        %dma_wait3A_87 = tpu.memref_slice %arg4[%multiple_of3A, %dma_wait3A_86] : memref<40064x32xf32, #tpu.memory_space<hbm>> -> memref<128x32xf32, #tpu.memory_space<hbm>>
        %dma_wait3A_88 = arith.constant 0 : i32
        %dma_wait3A_89 = tpu.memref_slice %arg4[%multiple_of3A, %dma_wait3A_88] : memref<40064x32xf32, #tpu.memory_space<hbm>> -> memref<128x32xf32, #tpu.memory_space<hbm>>
        tpu.wait_dma2 semaphore(%run_scoped3A : memref<!tpu.dma_semaphore, #tpu.memory_space<semaphore_mem>>) src(%arg6 : memref<128x32xf32, #tpu.memory_space<vmem>>) dst(%dma_wait3A_89 : memref<128x32xf32, #tpu.memory_space<hbm>>)
        tpu.yield
      }) : () -> ()
    } else {
    }
    %add3A_12 = arith.constant 64 : i32
    %add3A_13 = arith.addi %add3A_12, %add3A : i32
    %lt3A_14 = arith.constant 313 : i32
    %lt3A_15 = arith.cmpi slt, %add3A_13, %lt3A_14 : i32
    %convert_element_type3A_16 = arith.extui %lt3A_15 : i1 to i32
    %cond3A_17 = arith.constant 0 : i32
    %cond3A_18 = arith.cmpi ne, %convert_element_type3A_16, %cond3A_17 : i32
    scf.if %cond3A_18 {
      "tpu.region"() ({
        %run_scoped3A = tpu.sem_alloc : memref<!tpu.dma_semaphore, #tpu.memory_space<semaphore_mem>>
        %dma_start3A_82 = arith.constant 0 : i32
        %dma_start3A_83 = tpu.memref_slice %arg3[%add3A_13, %dma_start3A_82] : memref<313x128xi32, #tpu.memory_space<hbm>> -> memref<1x128xi32, #tpu.memory_space<hbm>>
        %dma_start3A_84 = arith.constant 0 : i32
        %dma_start3A_85 = tpu.memref_slice %arg3[%add3A_13, %dma_start3A_84] : memref<313x128xi32, #tpu.memory_space<hbm>> -> memref<1x128xi32, #tpu.memory_space<hbm>>
        tpu.enqueue_dma source(%dma_start3A_85 : memref<1x128xi32, #tpu.memory_space<hbm>>) target(%arg5 : memref<1x128xi32, #tpu.memory_space<vmem>>) target_semaphore(%run_scoped3A : memref<!tpu.dma_semaphore, #tpu.memory_space<semaphore_mem>>)
        %dma_wait3A_86 = arith.constant 0 : i32
        %dma_wait3A_87 = tpu.memref_slice %arg3[%add3A_13, %dma_wait3A_86] : memref<313x128xi32, #tpu.memory_space<hbm>> -> memref<1x128xi32, #tpu.memory_space<hbm>>
        %dma_wait3A_88 = arith.constant 0 : i32
        %dma_wait3A_89 = tpu.memref_slice %arg3[%add3A_13, %dma_wait3A_88] : memref<313x128xi32, #tpu.memory_space<hbm>> -> memref<1x128xi32, #tpu.memory_space<hbm>>
        tpu.wait_dma2 semaphore(%run_scoped3A : memref<!tpu.dma_semaphore, #tpu.memory_space<semaphore_mem>>) src(%dma_wait3A_89 : memref<1x128xi32, #tpu.memory_space<hbm>>) dst(%arg5 : memref<1x128xi32, #tpu.memory_space<vmem>>)
        tpu.yield
      }) : () -> ()
      %dma_start3A = arith.constant 0 : i32
      %dma_start3A_68 = arith.constant 0 : i32
      %dma_start3A_69 = tpu.memref_slice %arg5[%dma_start3A, %dma_start3A_68] : memref<1x128xi32, #tpu.memory_space<vmem>> -> memref<1x128xi32, #tpu.memory_space<vmem>>
      %dma_start3A_70 = tpu.memref_squeeze %dma_start3A_69 : memref<1x128xi32, #tpu.memory_space<vmem>> -> memref<128xi32, #tpu.memory_space<vmem>>
      %dma_start3A_71 = arith.constant 0 : i32
      %dma_start3A_72 = arith.constant 0 : i32
      %dma_start3A_73 = tpu.memref_slice %arg2[%dma_start3A_71, %dma_start3A_72] : memref<50000x32xf32, #tpu.memory_space<hbm>> -> memref<50000x32xf32, #tpu.memory_space<hbm>>
      tpu.enqueue_indirect_dma source(%dma_start3A_73 : memref<50000x32xf32, #tpu.memory_space<hbm>>) target(%arg6 : memref<128x32xf32, #tpu.memory_space<vmem>>) offsets(%dma_start3A_70 : memref<128xi32, #tpu.memory_space<vmem>>) semaphore(%arg7 : memref<!tpu.dma_semaphore, #tpu.memory_space<semaphore_mem>>)
      %dma_wait3A = arith.constant 0 : i32
      %dma_wait3A_74 = arith.constant 0 : i32
      %dma_wait3A_75 = tpu.memref_slice %arg5[%dma_wait3A, %dma_wait3A_74] : memref<1x128xi32, #tpu.memory_space<vmem>> -> memref<1x128xi32, #tpu.memory_space<vmem>>
      %dma_wait3A_76 = tpu.memref_squeeze %dma_wait3A_75 : memref<1x128xi32, #tpu.memory_space<vmem>> -> memref<128xi32, #tpu.memory_space<vmem>>
      %dma_wait3A_77 = arith.constant 0 : i32
      %dma_wait3A_78 = arith.constant 0 : i32
      %dma_wait3A_79 = tpu.memref_slice %arg2[%dma_wait3A_77, %dma_wait3A_78] : memref<50000x32xf32, #tpu.memory_space<hbm>> -> memref<50000x32xf32, #tpu.memory_space<hbm>>
      tpu.wait_indirect_dma semaphore(%arg7 : memref<!tpu.dma_semaphore, #tpu.memory_space<semaphore_mem>>) src(%dma_wait3A_79 : memref<50000x32xf32, #tpu.memory_space<hbm>>) dst(%arg6 : memref<128x32xf32, #tpu.memory_space<vmem>>)
      %mul3A_80 = arith.constant 128 : i32
      %mul3A_81 = arith.muli %add3A_13, %mul3A_80 : i32
      %multiple_of3A = tpu.assume_multiple %mul3A_81, 8 : i32
      "tpu.region"() ({
        %run_scoped3A = tpu.sem_alloc : memref<!tpu.dma_semaphore, #tpu.memory_space<semaphore_mem>>
        %dma_start3A_82 = arith.constant 0 : i32
        %dma_start3A_83 = tpu.memref_slice %arg4[%multiple_of3A, %dma_start3A_82] : memref<40064x32xf32, #tpu.memory_space<hbm>> -> memref<128x32xf32, #tpu.memory_space<hbm>>
        %dma_start3A_84 = arith.constant 0 : i32
        %dma_start3A_85 = tpu.memref_slice %arg4[%multiple_of3A, %dma_start3A_84] : memref<40064x32xf32, #tpu.memory_space<hbm>> -> memref<128x32xf32, #tpu.memory_space<hbm>>
        tpu.enqueue_dma source(%arg6 : memref<128x32xf32, #tpu.memory_space<vmem>>) target(%dma_start3A_85 : memref<128x32xf32, #tpu.memory_space<hbm>>) target_semaphore(%run_scoped3A : memref<!tpu.dma_semaphore, #tpu.memory_space<semaphore_mem>>)
        %dma_wait3A_86 = arith.constant 0 : i32
        %dma_wait3A_87 = tpu.memref_slice %arg4[%multiple_of3A, %dma_wait3A_86] : memref<40064x32xf32, #tpu.memory_space<hbm>> -> memref<128x32xf32, #tpu.memory_space<hbm>>
        %dma_wait3A_88 = arith.constant 0 : i32
        %dma_wait3A_89 = tpu.memref_slice %arg4[%multiple_of3A, %dma_wait3A_88] : memref<40064x32xf32, #tpu.memory_space<hbm>> -> memref<128x32xf32, #tpu.memory_space<hbm>>
        tpu.wait_dma2 semaphore(%run_scoped3A : memref<!tpu.dma_semaphore, #tpu.memory_space<semaphore_mem>>) src(%arg6 : memref<128x32xf32, #tpu.memory_space<vmem>>) dst(%dma_wait3A_89 : memref<128x32xf32, #tpu.memory_space<hbm>>)
        tpu.yield
      }) : () -> ()
    } else {
    }
    %add3A_19 = arith.constant 96 : i32
    %add3A_20 = arith.addi %add3A_19, %add3A : i32
    %lt3A_21 = arith.constant 313 : i32
    %lt3A_22 = arith.cmpi slt, %add3A_20, %lt3A_21 : i32
    %convert_element_type3A_23 = arith.extui %lt3A_22 : i1 to i32
    %cond3A_24 = arith.constant 0 : i32
    %cond3A_25 = arith.cmpi ne, %convert_element_type3A_23, %cond3A_24 : i32
    scf.if %cond3A_25 {
      "tpu.region"() ({
        %run_scoped3A = tpu.sem_alloc : memref<!tpu.dma_semaphore, #tpu.memory_space<semaphore_mem>>
        %dma_start3A_82 = arith.constant 0 : i32
        %dma_start3A_83 = tpu.memref_slice %arg3[%add3A_20, %dma_start3A_82] : memref<313x128xi32, #tpu.memory_space<hbm>> -> memref<1x128xi32, #tpu.memory_space<hbm>>
        %dma_start3A_84 = arith.constant 0 : i32
        %dma_start3A_85 = tpu.memref_slice %arg3[%add3A_20, %dma_start3A_84] : memref<313x128xi32, #tpu.memory_space<hbm>> -> memref<1x128xi32, #tpu.memory_space<hbm>>
        tpu.enqueue_dma source(%dma_start3A_85 : memref<1x128xi32, #tpu.memory_space<hbm>>) target(%arg5 : memref<1x128xi32, #tpu.memory_space<vmem>>) target_semaphore(%run_scoped3A : memref<!tpu.dma_semaphore, #tpu.memory_space<semaphore_mem>>)
        %dma_wait3A_86 = arith.constant 0 : i32
        %dma_wait3A_87 = tpu.memref_slice %arg3[%add3A_20, %dma_wait3A_86] : memref<313x128xi32, #tpu.memory_space<hbm>> -> memref<1x128xi32, #tpu.memory_space<hbm>>
        %dma_wait3A_88 = arith.constant 0 : i32
        %dma_wait3A_89 = tpu.memref_slice %arg3[%add3A_20, %dma_wait3A_88] : memref<313x128xi32, #tpu.memory_space<hbm>> -> memref<1x128xi32, #tpu.memory_space<hbm>>
        tpu.wait_dma2 semaphore(%run_scoped3A : memref<!tpu.dma_semaphore, #tpu.memory_space<semaphore_mem>>) src(%dma_wait3A_89 : memref<1x128xi32, #tpu.memory_space<hbm>>) dst(%arg5 : memref<1x128xi32, #tpu.memory_space<vmem>>)
        tpu.yield
      }) : () -> ()
      %dma_start3A = arith.constant 0 : i32
      %dma_start3A_68 = arith.constant 0 : i32
      %dma_start3A_69 = tpu.memref_slice %arg5[%dma_start3A, %dma_start3A_68] : memref<1x128xi32, #tpu.memory_space<vmem>> -> memref<1x128xi32, #tpu.memory_space<vmem>>
      %dma_start3A_70 = tpu.memref_squeeze %dma_start3A_69 : memref<1x128xi32, #tpu.memory_space<vmem>> -> memref<128xi32, #tpu.memory_space<vmem>>
      %dma_start3A_71 = arith.constant 0 : i32
      %dma_start3A_72 = arith.constant 0 : i32
      %dma_start3A_73 = tpu.memref_slice %arg2[%dma_start3A_71, %dma_start3A_72] : memref<50000x32xf32, #tpu.memory_space<hbm>> -> memref<50000x32xf32, #tpu.memory_space<hbm>>
      tpu.enqueue_indirect_dma source(%dma_start3A_73 : memref<50000x32xf32, #tpu.memory_space<hbm>>) target(%arg6 : memref<128x32xf32, #tpu.memory_space<vmem>>) offsets(%dma_start3A_70 : memref<128xi32, #tpu.memory_space<vmem>>) semaphore(%arg7 : memref<!tpu.dma_semaphore, #tpu.memory_space<semaphore_mem>>)
      %dma_wait3A = arith.constant 0 : i32
      %dma_wait3A_74 = arith.constant 0 : i32
      %dma_wait3A_75 = tpu.memref_slice %arg5[%dma_wait3A, %dma_wait3A_74] : memref<1x128xi32, #tpu.memory_space<vmem>> -> memref<1x128xi32, #tpu.memory_space<vmem>>
      %dma_wait3A_76 = tpu.memref_squeeze %dma_wait3A_75 : memref<1x128xi32, #tpu.memory_space<vmem>> -> memref<128xi32, #tpu.memory_space<vmem>>
      %dma_wait3A_77 = arith.constant 0 : i32
      %dma_wait3A_78 = arith.constant 0 : i32
      %dma_wait3A_79 = tpu.memref_slice %arg2[%dma_wait3A_77, %dma_wait3A_78] : memref<50000x32xf32, #tpu.memory_space<hbm>> -> memref<50000x32xf32, #tpu.memory_space<hbm>>
      tpu.wait_indirect_dma semaphore(%arg7 : memref<!tpu.dma_semaphore, #tpu.memory_space<semaphore_mem>>) src(%dma_wait3A_79 : memref<50000x32xf32, #tpu.memory_space<hbm>>) dst(%arg6 : memref<128x32xf32, #tpu.memory_space<vmem>>)
      %mul3A_80 = arith.constant 128 : i32
      %mul3A_81 = arith.muli %add3A_20, %mul3A_80 : i32
      %multiple_of3A = tpu.assume_multiple %mul3A_81, 8 : i32
      "tpu.region"() ({
        %run_scoped3A = tpu.sem_alloc : memref<!tpu.dma_semaphore, #tpu.memory_space<semaphore_mem>>
        %dma_start3A_82 = arith.constant 0 : i32
        %dma_start3A_83 = tpu.memref_slice %arg4[%multiple_of3A, %dma_start3A_82] : memref<40064x32xf32, #tpu.memory_space<hbm>> -> memref<128x32xf32, #tpu.memory_space<hbm>>
        %dma_start3A_84 = arith.constant 0 : i32
        %dma_start3A_85 = tpu.memref_slice %arg4[%multiple_of3A, %dma_start3A_84] : memref<40064x32xf32, #tpu.memory_space<hbm>> -> memref<128x32xf32, #tpu.memory_space<hbm>>
        tpu.enqueue_dma source(%arg6 : memref<128x32xf32, #tpu.memory_space<vmem>>) target(%dma_start3A_85 : memref<128x32xf32, #tpu.memory_space<hbm>>) target_semaphore(%run_scoped3A : memref<!tpu.dma_semaphore, #tpu.memory_space<semaphore_mem>>)
        %dma_wait3A_86 = arith.constant 0 : i32
        %dma_wait3A_87 = tpu.memref_slice %arg4[%multiple_of3A, %dma_wait3A_86] : memref<40064x32xf32, #tpu.memory_space<hbm>> -> memref<128x32xf32, #tpu.memory_space<hbm>>
        %dma_wait3A_88 = arith.constant 0 : i32
        %dma_wait3A_89 = tpu.memref_slice %arg4[%multiple_of3A, %dma_wait3A_88] : memref<40064x32xf32, #tpu.memory_space<hbm>> -> memref<128x32xf32, #tpu.memory_space<hbm>>
        tpu.wait_dma2 semaphore(%run_scoped3A : memref<!tpu.dma_semaphore, #tpu.memory_space<semaphore_mem>>) src(%arg6 : memref<128x32xf32, #tpu.memory_space<vmem>>) dst(%dma_wait3A_89 : memref<128x32xf32, #tpu.memory_space<hbm>>)
        tpu.yield
      }) : () -> ()
    } else {
    }
    %add3A_26 = arith.constant 128 : i32
    %add3A_27 = arith.addi %add3A_26, %add3A : i32
    %lt3A_28 = arith.constant 313 : i32
    %lt3A_29 = arith.cmpi slt, %add3A_27, %lt3A_28 : i32
    %convert_element_type3A_30 = arith.extui %lt3A_29 : i1 to i32
    %cond3A_31 = arith.constant 0 : i32
    %cond3A_32 = arith.cmpi ne, %convert_element_type3A_30, %cond3A_31 : i32
    scf.if %cond3A_32 {
      "tpu.region"() ({
        %run_scoped3A = tpu.sem_alloc : memref<!tpu.dma_semaphore, #tpu.memory_space<semaphore_mem>>
        %dma_start3A_82 = arith.constant 0 : i32
        %dma_start3A_83 = tpu.memref_slice %arg3[%add3A_27, %dma_start3A_82] : memref<313x128xi32, #tpu.memory_space<hbm>> -> memref<1x128xi32, #tpu.memory_space<hbm>>
        %dma_start3A_84 = arith.constant 0 : i32
        %dma_start3A_85 = tpu.memref_slice %arg3[%add3A_27, %dma_start3A_84] : memref<313x128xi32, #tpu.memory_space<hbm>> -> memref<1x128xi32, #tpu.memory_space<hbm>>
        tpu.enqueue_dma source(%dma_start3A_85 : memref<1x128xi32, #tpu.memory_space<hbm>>) target(%arg5 : memref<1x128xi32, #tpu.memory_space<vmem>>) target_semaphore(%run_scoped3A : memref<!tpu.dma_semaphore, #tpu.memory_space<semaphore_mem>>)
        %dma_wait3A_86 = arith.constant 0 : i32
        %dma_wait3A_87 = tpu.memref_slice %arg3[%add3A_27, %dma_wait3A_86] : memref<313x128xi32, #tpu.memory_space<hbm>> -> memref<1x128xi32, #tpu.memory_space<hbm>>
        %dma_wait3A_88 = arith.constant 0 : i32
        %dma_wait3A_89 = tpu.memref_slice %arg3[%add3A_27, %dma_wait3A_88] : memref<313x128xi32, #tpu.memory_space<hbm>> -> memref<1x128xi32, #tpu.memory_space<hbm>>
        tpu.wait_dma2 semaphore(%run_scoped3A : memref<!tpu.dma_semaphore, #tpu.memory_space<semaphore_mem>>) src(%dma_wait3A_89 : memref<1x128xi32, #tpu.memory_space<hbm>>) dst(%arg5 : memref<1x128xi32, #tpu.memory_space<vmem>>)
        tpu.yield
      }) : () -> ()
      %dma_start3A = arith.constant 0 : i32
      %dma_start3A_68 = arith.constant 0 : i32
      %dma_start3A_69 = tpu.memref_slice %arg5[%dma_start3A, %dma_start3A_68] : memref<1x128xi32, #tpu.memory_space<vmem>> -> memref<1x128xi32, #tpu.memory_space<vmem>>
      %dma_start3A_70 = tpu.memref_squeeze %dma_start3A_69 : memref<1x128xi32, #tpu.memory_space<vmem>> -> memref<128xi32, #tpu.memory_space<vmem>>
      %dma_start3A_71 = arith.constant 0 : i32
      %dma_start3A_72 = arith.constant 0 : i32
      %dma_start3A_73 = tpu.memref_slice %arg2[%dma_start3A_71, %dma_start3A_72] : memref<50000x32xf32, #tpu.memory_space<hbm>> -> memref<50000x32xf32, #tpu.memory_space<hbm>>
      tpu.enqueue_indirect_dma source(%dma_start3A_73 : memref<50000x32xf32, #tpu.memory_space<hbm>>) target(%arg6 : memref<128x32xf32, #tpu.memory_space<vmem>>) offsets(%dma_start3A_70 : memref<128xi32, #tpu.memory_space<vmem>>) semaphore(%arg7 : memref<!tpu.dma_semaphore, #tpu.memory_space<semaphore_mem>>)
      %dma_wait3A = arith.constant 0 : i32
      %dma_wait3A_74 = arith.constant 0 : i32
      %dma_wait3A_75 = tpu.memref_slice %arg5[%dma_wait3A, %dma_wait3A_74] : memref<1x128xi32, #tpu.memory_space<vmem>> -> memref<1x128xi32, #tpu.memory_space<vmem>>
      %dma_wait3A_76 = tpu.memref_squeeze %dma_wait3A_75 : memref<1x128xi32, #tpu.memory_space<vmem>> -> memref<128xi32, #tpu.memory_space<vmem>>
      %dma_wait3A_77 = arith.constant 0 : i32
      %dma_wait3A_78 = arith.constant 0 : i32
      %dma_wait3A_79 = tpu.memref_slice %arg2[%dma_wait3A_77, %dma_wait3A_78] : memref<50000x32xf32, #tpu.memory_space<hbm>> -> memref<50000x32xf32, #tpu.memory_space<hbm>>
      tpu.wait_indirect_dma semaphore(%arg7 : memref<!tpu.dma_semaphore, #tpu.memory_space<semaphore_mem>>) src(%dma_wait3A_79 : memref<50000x32xf32, #tpu.memory_space<hbm>>) dst(%arg6 : memref<128x32xf32, #tpu.memory_space<vmem>>)
      %mul3A_80 = arith.constant 128 : i32
      %mul3A_81 = arith.muli %add3A_27, %mul3A_80 : i32
      %multiple_of3A = tpu.assume_multiple %mul3A_81, 8 : i32
      "tpu.region"() ({
        %run_scoped3A = tpu.sem_alloc : memref<!tpu.dma_semaphore, #tpu.memory_space<semaphore_mem>>
        %dma_start3A_82 = arith.constant 0 : i32
        %dma_start3A_83 = tpu.memref_slice %arg4[%multiple_of3A, %dma_start3A_82] : memref<40064x32xf32, #tpu.memory_space<hbm>> -> memref<128x32xf32, #tpu.memory_space<hbm>>
        %dma_start3A_84 = arith.constant 0 : i32
        %dma_start3A_85 = tpu.memref_slice %arg4[%multiple_of3A, %dma_start3A_84] : memref<40064x32xf32, #tpu.memory_space<hbm>> -> memref<128x32xf32, #tpu.memory_space<hbm>>
        tpu.enqueue_dma source(%arg6 : memref<128x32xf32, #tpu.memory_space<vmem>>) target(%dma_start3A_85 : memref<128x32xf32, #tpu.memory_space<hbm>>) target_semaphore(%run_scoped3A : memref<!tpu.dma_semaphore, #tpu.memory_space<semaphore_mem>>)
        %dma_wait3A_86 = arith.constant 0 : i32
        %dma_wait3A_87 = tpu.memref_slice %arg4[%multiple_of3A, %dma_wait3A_86] : memref<40064x32xf32, #tpu.memory_space<hbm>> -> memref<128x32xf32, #tpu.memory_space<hbm>>
        %dma_wait3A_88 = arith.constant 0 : i32
        %dma_wait3A_89 = tpu.memref_slice %arg4[%multiple_of3A, %dma_wait3A_88] : memref<40064x32xf32, #tpu.memory_space<hbm>> -> memref<128x32xf32, #tpu.memory_space<hbm>>
        tpu.wait_dma2 semaphore(%run_scoped3A : memref<!tpu.dma_semaphore, #tpu.memory_space<semaphore_mem>>) src(%arg6 : memref<128x32xf32, #tpu.memory_space<vmem>>) dst(%dma_wait3A_89 : memref<128x32xf32, #tpu.memory_space<hbm>>)
        tpu.yield
      }) : () -> ()
    } else {
    }
    %add3A_33 = arith.constant 160 : i32
    %add3A_34 = arith.addi %add3A_33, %add3A : i32
    %lt3A_35 = arith.constant 313 : i32
    %lt3A_36 = arith.cmpi slt, %add3A_34, %lt3A_35 : i32
    %convert_element_type3A_37 = arith.extui %lt3A_36 : i1 to i32
    %cond3A_38 = arith.constant 0 : i32
    %cond3A_39 = arith.cmpi ne, %convert_element_type3A_37, %cond3A_38 : i32
    scf.if %cond3A_39 {
      "tpu.region"() ({
        %run_scoped3A = tpu.sem_alloc : memref<!tpu.dma_semaphore, #tpu.memory_space<semaphore_mem>>
        %dma_start3A_82 = arith.constant 0 : i32
        %dma_start3A_83 = tpu.memref_slice %arg3[%add3A_34, %dma_start3A_82] : memref<313x128xi32, #tpu.memory_space<hbm>> -> memref<1x128xi32, #tpu.memory_space<hbm>>
        %dma_start3A_84 = arith.constant 0 : i32
        %dma_start3A_85 = tpu.memref_slice %arg3[%add3A_34, %dma_start3A_84] : memref<313x128xi32, #tpu.memory_space<hbm>> -> memref<1x128xi32, #tpu.memory_space<hbm>>
        tpu.enqueue_dma source(%dma_start3A_85 : memref<1x128xi32, #tpu.memory_space<hbm>>) target(%arg5 : memref<1x128xi32, #tpu.memory_space<vmem>>) target_semaphore(%run_scoped3A : memref<!tpu.dma_semaphore, #tpu.memory_space<semaphore_mem>>)
        %dma_wait3A_86 = arith.constant 0 : i32
        %dma_wait3A_87 = tpu.memref_slice %arg3[%add3A_34, %dma_wait3A_86] : memref<313x128xi32, #tpu.memory_space<hbm>> -> memref<1x128xi32, #tpu.memory_space<hbm>>
        %dma_wait3A_88 = arith.constant 0 : i32
        %dma_wait3A_89 = tpu.memref_slice %arg3[%add3A_34, %dma_wait3A_88] : memref<313x128xi32, #tpu.memory_space<hbm>> -> memref<1x128xi32, #tpu.memory_space<hbm>>
        tpu.wait_dma2 semaphore(%run_scoped3A : memref<!tpu.dma_semaphore, #tpu.memory_space<semaphore_mem>>) src(%dma_wait3A_89 : memref<1x128xi32, #tpu.memory_space<hbm>>) dst(%arg5 : memref<1x128xi32, #tpu.memory_space<vmem>>)
        tpu.yield
      }) : () -> ()
      %dma_start3A = arith.constant 0 : i32
      %dma_start3A_68 = arith.constant 0 : i32
      %dma_start3A_69 = tpu.memref_slice %arg5[%dma_start3A, %dma_start3A_68] : memref<1x128xi32, #tpu.memory_space<vmem>> -> memref<1x128xi32, #tpu.memory_space<vmem>>
      %dma_start3A_70 = tpu.memref_squeeze %dma_start3A_69 : memref<1x128xi32, #tpu.memory_space<vmem>> -> memref<128xi32, #tpu.memory_space<vmem>>
      %dma_start3A_71 = arith.constant 0 : i32
      %dma_start3A_72 = arith.constant 0 : i32
      %dma_start3A_73 = tpu.memref_slice %arg2[%dma_start3A_71, %dma_start3A_72] : memref<50000x32xf32, #tpu.memory_space<hbm>> -> memref<50000x32xf32, #tpu.memory_space<hbm>>
      tpu.enqueue_indirect_dma source(%dma_start3A_73 : memref<50000x32xf32, #tpu.memory_space<hbm>>) target(%arg6 : memref<128x32xf32, #tpu.memory_space<vmem>>) offsets(%dma_start3A_70 : memref<128xi32, #tpu.memory_space<vmem>>) semaphore(%arg7 : memref<!tpu.dma_semaphore, #tpu.memory_space<semaphore_mem>>)
      %dma_wait3A = arith.constant 0 : i32
      %dma_wait3A_74 = arith.constant 0 : i32
      %dma_wait3A_75 = tpu.memref_slice %arg5[%dma_wait3A, %dma_wait3A_74] : memref<1x128xi32, #tpu.memory_space<vmem>> -> memref<1x128xi32, #tpu.memory_space<vmem>>
      %dma_wait3A_76 = tpu.memref_squeeze %dma_wait3A_75 : memref<1x128xi32, #tpu.memory_space<vmem>> -> memref<128xi32, #tpu.memory_space<vmem>>
      %dma_wait3A_77 = arith.constant 0 : i32
      %dma_wait3A_78 = arith.constant 0 : i32
      %dma_wait3A_79 = tpu.memref_slice %arg2[%dma_wait3A_77, %dma_wait3A_78] : memref<50000x32xf32, #tpu.memory_space<hbm>> -> memref<50000x32xf32, #tpu.memory_space<hbm>>
      tpu.wait_indirect_dma semaphore(%arg7 : memref<!tpu.dma_semaphore, #tpu.memory_space<semaphore_mem>>) src(%dma_wait3A_79 : memref<50000x32xf32, #tpu.memory_space<hbm>>) dst(%arg6 : memref<128x32xf32, #tpu.memory_space<vmem>>)
      %mul3A_80 = arith.constant 128 : i32
      %mul3A_81 = arith.muli %add3A_34, %mul3A_80 : i32
      %multiple_of3A = tpu.assume_multiple %mul3A_81, 8 : i32
      "tpu.region"() ({
        %run_scoped3A = tpu.sem_alloc : memref<!tpu.dma_semaphore, #tpu.memory_space<semaphore_mem>>
        %dma_start3A_82 = arith.constant 0 : i32
        %dma_start3A_83 = tpu.memref_slice %arg4[%multiple_of3A, %dma_start3A_82] : memref<40064x32xf32, #tpu.memory_space<hbm>> -> memref<128x32xf32, #tpu.memory_space<hbm>>
        %dma_start3A_84 = arith.constant 0 : i32
        %dma_start3A_85 = tpu.memref_slice %arg4[%multiple_of3A, %dma_start3A_84] : memref<40064x32xf32, #tpu.memory_space<hbm>> -> memref<128x32xf32, #tpu.memory_space<hbm>>
        tpu.enqueue_dma source(%arg6 : memref<128x32xf32, #tpu.memory_space<vmem>>) target(%dma_start3A_85 : memref<128x32xf32, #tpu.memory_space<hbm>>) target_semaphore(%run_scoped3A : memref<!tpu.dma_semaphore, #tpu.memory_space<semaphore_mem>>)
        %dma_wait3A_86 = arith.constant 0 : i32
        %dma_wait3A_87 = tpu.memref_slice %arg4[%multiple_of3A, %dma_wait3A_86] : memref<40064x32xf32, #tpu.memory_space<hbm>> -> memref<128x32xf32, #tpu.memory_space<hbm>>
        %dma_wait3A_88 = arith.constant 0 : i32
        %dma_wait3A_89 = tpu.memref_slice %arg4[%multiple_of3A, %dma_wait3A_88] : memref<40064x32xf32, #tpu.memory_space<hbm>> -> memref<128x32xf32, #tpu.memory_space<hbm>>
        tpu.wait_dma2 semaphore(%run_scoped3A : memref<!tpu.dma_semaphore, #tpu.memory_space<semaphore_mem>>) src(%arg6 : memref<128x32xf32, #tpu.memory_space<vmem>>) dst(%dma_wait3A_89 : memref<128x32xf32, #tpu.memory_space<hbm>>)
        tpu.yield
      }) : () -> ()
    } else {
    }
    %add3A_40 = arith.constant 192 : i32
    %add3A_41 = arith.addi %add3A_40, %add3A : i32
    %lt3A_42 = arith.constant 313 : i32
    %lt3A_43 = arith.cmpi slt, %add3A_41, %lt3A_42 : i32
    %convert_element_type3A_44 = arith.extui %lt3A_43 : i1 to i32
    %cond3A_45 = arith.constant 0 : i32
    %cond3A_46 = arith.cmpi ne, %convert_element_type3A_44, %cond3A_45 : i32
    scf.if %cond3A_46 {
      "tpu.region"() ({
        %run_scoped3A = tpu.sem_alloc : memref<!tpu.dma_semaphore, #tpu.memory_space<semaphore_mem>>
        %dma_start3A_82 = arith.constant 0 : i32
        %dma_start3A_83 = tpu.memref_slice %arg3[%add3A_41, %dma_start3A_82] : memref<313x128xi32, #tpu.memory_space<hbm>> -> memref<1x128xi32, #tpu.memory_space<hbm>>
        %dma_start3A_84 = arith.constant 0 : i32
        %dma_start3A_85 = tpu.memref_slice %arg3[%add3A_41, %dma_start3A_84] : memref<313x128xi32, #tpu.memory_space<hbm>> -> memref<1x128xi32, #tpu.memory_space<hbm>>
        tpu.enqueue_dma source(%dma_start3A_85 : memref<1x128xi32, #tpu.memory_space<hbm>>) target(%arg5 : memref<1x128xi32, #tpu.memory_space<vmem>>) target_semaphore(%run_scoped3A : memref<!tpu.dma_semaphore, #tpu.memory_space<semaphore_mem>>)
        %dma_wait3A_86 = arith.constant 0 : i32
        %dma_wait3A_87 = tpu.memref_slice %arg3[%add3A_41, %dma_wait3A_86] : memref<313x128xi32, #tpu.memory_space<hbm>> -> memref<1x128xi32, #tpu.memory_space<hbm>>
        %dma_wait3A_88 = arith.constant 0 : i32
        %dma_wait3A_89 = tpu.memref_slice %arg3[%add3A_41, %dma_wait3A_88] : memref<313x128xi32, #tpu.memory_space<hbm>> -> memref<1x128xi32, #tpu.memory_space<hbm>>
        tpu.wait_dma2 semaphore(%run_scoped3A : memref<!tpu.dma_semaphore, #tpu.memory_space<semaphore_mem>>) src(%dma_wait3A_89 : memref<1x128xi32, #tpu.memory_space<hbm>>) dst(%arg5 : memref<1x128xi32, #tpu.memory_space<vmem>>)
        tpu.yield
      }) : () -> ()
      %dma_start3A = arith.constant 0 : i32
      %dma_start3A_68 = arith.constant 0 : i32
      %dma_start3A_69 = tpu.memref_slice %arg5[%dma_start3A, %dma_start3A_68] : memref<1x128xi32, #tpu.memory_space<vmem>> -> memref<1x128xi32, #tpu.memory_space<vmem>>
      %dma_start3A_70 = tpu.memref_squeeze %dma_start3A_69 : memref<1x128xi32, #tpu.memory_space<vmem>> -> memref<128xi32, #tpu.memory_space<vmem>>
      %dma_start3A_71 = arith.constant 0 : i32
      %dma_start3A_72 = arith.constant 0 : i32
      %dma_start3A_73 = tpu.memref_slice %arg2[%dma_start3A_71, %dma_start3A_72] : memref<50000x32xf32, #tpu.memory_space<hbm>> -> memref<50000x32xf32, #tpu.memory_space<hbm>>
      tpu.enqueue_indirect_dma source(%dma_start3A_73 : memref<50000x32xf32, #tpu.memory_space<hbm>>) target(%arg6 : memref<128x32xf32, #tpu.memory_space<vmem>>) offsets(%dma_start3A_70 : memref<128xi32, #tpu.memory_space<vmem>>) semaphore(%arg7 : memref<!tpu.dma_semaphore, #tpu.memory_space<semaphore_mem>>)
      %dma_wait3A = arith.constant 0 : i32
      %dma_wait3A_74 = arith.constant 0 : i32
      %dma_wait3A_75 = tpu.memref_slice %arg5[%dma_wait3A, %dma_wait3A_74] : memref<1x128xi32, #tpu.memory_space<vmem>> -> memref<1x128xi32, #tpu.memory_space<vmem>>
      %dma_wait3A_76 = tpu.memref_squeeze %dma_wait3A_75 : memref<1x128xi32, #tpu.memory_space<vmem>> -> memref<128xi32, #tpu.memory_space<vmem>>
      %dma_wait3A_77 = arith.constant 0 : i32
      %dma_wait3A_78 = arith.constant 0 : i32
      %dma_wait3A_79 = tpu.memref_slice %arg2[%dma_wait3A_77, %dma_wait3A_78] : memref<50000x32xf32, #tpu.memory_space<hbm>> -> memref<50000x32xf32, #tpu.memory_space<hbm>>
      tpu.wait_indirect_dma semaphore(%arg7 : memref<!tpu.dma_semaphore, #tpu.memory_space<semaphore_mem>>) src(%dma_wait3A_79 : memref<50000x32xf32, #tpu.memory_space<hbm>>) dst(%arg6 : memref<128x32xf32, #tpu.memory_space<vmem>>)
      %mul3A_80 = arith.constant 128 : i32
      %mul3A_81 = arith.muli %add3A_41, %mul3A_80 : i32
      %multiple_of3A = tpu.assume_multiple %mul3A_81, 8 : i32
      "tpu.region"() ({
        %run_scoped3A = tpu.sem_alloc : memref<!tpu.dma_semaphore, #tpu.memory_space<semaphore_mem>>
        %dma_start3A_82 = arith.constant 0 : i32
        %dma_start3A_83 = tpu.memref_slice %arg4[%multiple_of3A, %dma_start3A_82] : memref<40064x32xf32, #tpu.memory_space<hbm>> -> memref<128x32xf32, #tpu.memory_space<hbm>>
        %dma_start3A_84 = arith.constant 0 : i32
        %dma_start3A_85 = tpu.memref_slice %arg4[%multiple_of3A, %dma_start3A_84] : memref<40064x32xf32, #tpu.memory_space<hbm>> -> memref<128x32xf32, #tpu.memory_space<hbm>>
        tpu.enqueue_dma source(%arg6 : memref<128x32xf32, #tpu.memory_space<vmem>>) target(%dma_start3A_85 : memref<128x32xf32, #tpu.memory_space<hbm>>) target_semaphore(%run_scoped3A : memref<!tpu.dma_semaphore, #tpu.memory_space<semaphore_mem>>)
        %dma_wait3A_86 = arith.constant 0 : i32
        %dma_wait3A_87 = tpu.memref_slice %arg4[%multiple_of3A, %dma_wait3A_86] : memref<40064x32xf32, #tpu.memory_space<hbm>> -> memref<128x32xf32, #tpu.memory_space<hbm>>
        %dma_wait3A_88 = arith.constant 0 : i32
        %dma_wait3A_89 = tpu.memref_slice %arg4[%multiple_of3A, %dma_wait3A_88] : memref<40064x32xf32, #tpu.memory_space<hbm>> -> memref<128x32xf32, #tpu.memory_space<hbm>>
        tpu.wait_dma2 semaphore(%run_scoped3A : memref<!tpu.dma_semaphore, #tpu.memory_space<semaphore_mem>>) src(%arg6 : memref<128x32xf32, #tpu.memory_space<vmem>>) dst(%dma_wait3A_89 : memref<128x32xf32, #tpu.memory_space<hbm>>)
        tpu.yield
      }) : () -> ()
    } else {
    }
    %add3A_47 = arith.constant 224 : i32
    %add3A_48 = arith.addi %add3A_47, %add3A : i32
    %lt3A_49 = arith.constant 313 : i32
    %lt3A_50 = arith.cmpi slt, %add3A_48, %lt3A_49 : i32
    %convert_element_type3A_51 = arith.extui %lt3A_50 : i1 to i32
    %cond3A_52 = arith.constant 0 : i32
    %cond3A_53 = arith.cmpi ne, %convert_element_type3A_51, %cond3A_52 : i32
    scf.if %cond3A_53 {
      "tpu.region"() ({
        %run_scoped3A = tpu.sem_alloc : memref<!tpu.dma_semaphore, #tpu.memory_space<semaphore_mem>>
        %dma_start3A_82 = arith.constant 0 : i32
        %dma_start3A_83 = tpu.memref_slice %arg3[%add3A_48, %dma_start3A_82] : memref<313x128xi32, #tpu.memory_space<hbm>> -> memref<1x128xi32, #tpu.memory_space<hbm>>
        %dma_start3A_84 = arith.constant 0 : i32
        %dma_start3A_85 = tpu.memref_slice %arg3[%add3A_48, %dma_start3A_84] : memref<313x128xi32, #tpu.memory_space<hbm>> -> memref<1x128xi32, #tpu.memory_space<hbm>>
        tpu.enqueue_dma source(%dma_start3A_85 : memref<1x128xi32, #tpu.memory_space<hbm>>) target(%arg5 : memref<1x128xi32, #tpu.memory_space<vmem>>) target_semaphore(%run_scoped3A : memref<!tpu.dma_semaphore, #tpu.memory_space<semaphore_mem>>)
        %dma_wait3A_86 = arith.constant 0 : i32
        %dma_wait3A_87 = tpu.memref_slice %arg3[%add3A_48, %dma_wait3A_86] : memref<313x128xi32, #tpu.memory_space<hbm>> -> memref<1x128xi32, #tpu.memory_space<hbm>>
        %dma_wait3A_88 = arith.constant 0 : i32
        %dma_wait3A_89 = tpu.memref_slice %arg3[%add3A_48, %dma_wait3A_88] : memref<313x128xi32, #tpu.memory_space<hbm>> -> memref<1x128xi32, #tpu.memory_space<hbm>>
        tpu.wait_dma2 semaphore(%run_scoped3A : memref<!tpu.dma_semaphore, #tpu.memory_space<semaphore_mem>>) src(%dma_wait3A_89 : memref<1x128xi32, #tpu.memory_space<hbm>>) dst(%arg5 : memref<1x128xi32, #tpu.memory_space<vmem>>)
        tpu.yield
      }) : () -> ()
      %dma_start3A = arith.constant 0 : i32
      %dma_start3A_68 = arith.constant 0 : i32
      %dma_start3A_69 = tpu.memref_slice %arg5[%dma_start3A, %dma_start3A_68] : memref<1x128xi32, #tpu.memory_space<vmem>> -> memref<1x128xi32, #tpu.memory_space<vmem>>
      %dma_start3A_70 = tpu.memref_squeeze %dma_start3A_69 : memref<1x128xi32, #tpu.memory_space<vmem>> -> memref<128xi32, #tpu.memory_space<vmem>>
      %dma_start3A_71 = arith.constant 0 : i32
      %dma_start3A_72 = arith.constant 0 : i32
      %dma_start3A_73 = tpu.memref_slice %arg2[%dma_start3A_71, %dma_start3A_72] : memref<50000x32xf32, #tpu.memory_space<hbm>> -> memref<50000x32xf32, #tpu.memory_space<hbm>>
      tpu.enqueue_indirect_dma source(%dma_start3A_73 : memref<50000x32xf32, #tpu.memory_space<hbm>>) target(%arg6 : memref<128x32xf32, #tpu.memory_space<vmem>>) offsets(%dma_start3A_70 : memref<128xi32, #tpu.memory_space<vmem>>) semaphore(%arg7 : memref<!tpu.dma_semaphore, #tpu.memory_space<semaphore_mem>>)
      %dma_wait3A = arith.constant 0 : i32
      %dma_wait3A_74 = arith.constant 0 : i32
      %dma_wait3A_75 = tpu.memref_slice %arg5[%dma_wait3A, %dma_wait3A_74] : memref<1x128xi32, #tpu.memory_space<vmem>> -> memref<1x128xi32, #tpu.memory_space<vmem>>
      %dma_wait3A_76 = tpu.memref_squeeze %dma_wait3A_75 : memref<1x128xi32, #tpu.memory_space<vmem>> -> memref<128xi32, #tpu.memory_space<vmem>>
      %dma_wait3A_77 = arith.constant 0 : i32
      %dma_wait3A_78 = arith.constant 0 : i32
      %dma_wait3A_79 = tpu.memref_slice %arg2[%dma_wait3A_77, %dma_wait3A_78] : memref<50000x32xf32, #tpu.memory_space<hbm>> -> memref<50000x32xf32, #tpu.memory_space<hbm>>
      tpu.wait_indirect_dma semaphore(%arg7 : memref<!tpu.dma_semaphore, #tpu.memory_space<semaphore_mem>>) src(%dma_wait3A_79 : memref<50000x32xf32, #tpu.memory_space<hbm>>) dst(%arg6 : memref<128x32xf32, #tpu.memory_space<vmem>>)
      %mul3A_80 = arith.constant 128 : i32
      %mul3A_81 = arith.muli %add3A_48, %mul3A_80 : i32
      %multiple_of3A = tpu.assume_multiple %mul3A_81, 8 : i32
      "tpu.region"() ({
        %run_scoped3A = tpu.sem_alloc : memref<!tpu.dma_semaphore, #tpu.memory_space<semaphore_mem>>
        %dma_start3A_82 = arith.constant 0 : i32
        %dma_start3A_83 = tpu.memref_slice %arg4[%multiple_of3A, %dma_start3A_82] : memref<40064x32xf32, #tpu.memory_space<hbm>> -> memref<128x32xf32, #tpu.memory_space<hbm>>
        %dma_start3A_84 = arith.constant 0 : i32
        %dma_start3A_85 = tpu.memref_slice %arg4[%multiple_of3A, %dma_start3A_84] : memref<40064x32xf32, #tpu.memory_space<hbm>> -> memref<128x32xf32, #tpu.memory_space<hbm>>
        tpu.enqueue_dma source(%arg6 : memref<128x32xf32, #tpu.memory_space<vmem>>) target(%dma_start3A_85 : memref<128x32xf32, #tpu.memory_space<hbm>>) target_semaphore(%run_scoped3A : memref<!tpu.dma_semaphore, #tpu.memory_space<semaphore_mem>>)
        %dma_wait3A_86 = arith.constant 0 : i32
        %dma_wait3A_87 = tpu.memref_slice %arg4[%multiple_of3A, %dma_wait3A_86] : memref<40064x32xf32, #tpu.memory_space<hbm>> -> memref<128x32xf32, #tpu.memory_space<hbm>>
        %dma_wait3A_88 = arith.constant 0 : i32
        %dma_wait3A_89 = tpu.memref_slice %arg4[%multiple_of3A, %dma_wait3A_88] : memref<40064x32xf32, #tpu.memory_space<hbm>> -> memref<128x32xf32, #tpu.memory_space<hbm>>
        tpu.wait_dma2 semaphore(%run_scoped3A : memref<!tpu.dma_semaphore, #tpu.memory_space<semaphore_mem>>) src(%arg6 : memref<128x32xf32, #tpu.memory_space<vmem>>) dst(%dma_wait3A_89 : memref<128x32xf32, #tpu.memory_space<hbm>>)
        tpu.yield
      }) : () -> ()
    } else {
    }
    %add3A_54 = arith.constant 256 : i32
    %add3A_55 = arith.addi %add3A_54, %add3A : i32
    %lt3A_56 = arith.constant 313 : i32
    %lt3A_57 = arith.cmpi slt, %add3A_55, %lt3A_56 : i32
    %convert_element_type3A_58 = arith.extui %lt3A_57 : i1 to i32
    %cond3A_59 = arith.constant 0 : i32
    %cond3A_60 = arith.cmpi ne, %convert_element_type3A_58, %cond3A_59 : i32
    scf.if %cond3A_60 {
      "tpu.region"() ({
        %run_scoped3A = tpu.sem_alloc : memref<!tpu.dma_semaphore, #tpu.memory_space<semaphore_mem>>
        %dma_start3A_82 = arith.constant 0 : i32
        %dma_start3A_83 = tpu.memref_slice %arg3[%add3A_55, %dma_start3A_82] : memref<313x128xi32, #tpu.memory_space<hbm>> -> memref<1x128xi32, #tpu.memory_space<hbm>>
        %dma_start3A_84 = arith.constant 0 : i32
        %dma_start3A_85 = tpu.memref_slice %arg3[%add3A_55, %dma_start3A_84] : memref<313x128xi32, #tpu.memory_space<hbm>> -> memref<1x128xi32, #tpu.memory_space<hbm>>
        tpu.enqueue_dma source(%dma_start3A_85 : memref<1x128xi32, #tpu.memory_space<hbm>>) target(%arg5 : memref<1x128xi32, #tpu.memory_space<vmem>>) target_semaphore(%run_scoped3A : memref<!tpu.dma_semaphore, #tpu.memory_space<semaphore_mem>>)
        %dma_wait3A_86 = arith.constant 0 : i32
        %dma_wait3A_87 = tpu.memref_slice %arg3[%add3A_55, %dma_wait3A_86] : memref<313x128xi32, #tpu.memory_space<hbm>> -> memref<1x128xi32, #tpu.memory_space<hbm>>
        %dma_wait3A_88 = arith.constant 0 : i32
        %dma_wait3A_89 = tpu.memref_slice %arg3[%add3A_55, %dma_wait3A_88] : memref<313x128xi32, #tpu.memory_space<hbm>> -> memref<1x128xi32, #tpu.memory_space<hbm>>
        tpu.wait_dma2 semaphore(%run_scoped3A : memref<!tpu.dma_semaphore, #tpu.memory_space<semaphore_mem>>) src(%dma_wait3A_89 : memref<1x128xi32, #tpu.memory_space<hbm>>) dst(%arg5 : memref<1x128xi32, #tpu.memory_space<vmem>>)
        tpu.yield
      }) : () -> ()
      %dma_start3A = arith.constant 0 : i32
      %dma_start3A_68 = arith.constant 0 : i32
      %dma_start3A_69 = tpu.memref_slice %arg5[%dma_start3A, %dma_start3A_68] : memref<1x128xi32, #tpu.memory_space<vmem>> -> memref<1x128xi32, #tpu.memory_space<vmem>>
      %dma_start3A_70 = tpu.memref_squeeze %dma_start3A_69 : memref<1x128xi32, #tpu.memory_space<vmem>> -> memref<128xi32, #tpu.memory_space<vmem>>
      %dma_start3A_71 = arith.constant 0 : i32
      %dma_start3A_72 = arith.constant 0 : i32
      %dma_start3A_73 = tpu.memref_slice %arg2[%dma_start3A_71, %dma_start3A_72] : memref<50000x32xf32, #tpu.memory_space<hbm>> -> memref<50000x32xf32, #tpu.memory_space<hbm>>
      tpu.enqueue_indirect_dma source(%dma_start3A_73 : memref<50000x32xf32, #tpu.memory_space<hbm>>) target(%arg6 : memref<128x32xf32, #tpu.memory_space<vmem>>) offsets(%dma_start3A_70 : memref<128xi32, #tpu.memory_space<vmem>>) semaphore(%arg7 : memref<!tpu.dma_semaphore, #tpu.memory_space<semaphore_mem>>)
      %dma_wait3A = arith.constant 0 : i32
      %dma_wait3A_74 = arith.constant 0 : i32
      %dma_wait3A_75 = tpu.memref_slice %arg5[%dma_wait3A, %dma_wait3A_74] : memref<1x128xi32, #tpu.memory_space<vmem>> -> memref<1x128xi32, #tpu.memory_space<vmem>>
      %dma_wait3A_76 = tpu.memref_squeeze %dma_wait3A_75 : memref<1x128xi32, #tpu.memory_space<vmem>> -> memref<128xi32, #tpu.memory_space<vmem>>
      %dma_wait3A_77 = arith.constant 0 : i32
      %dma_wait3A_78 = arith.constant 0 : i32
      %dma_wait3A_79 = tpu.memref_slice %arg2[%dma_wait3A_77, %dma_wait3A_78] : memref<50000x32xf32, #tpu.memory_space<hbm>> -> memref<50000x32xf32, #tpu.memory_space<hbm>>
      tpu.wait_indirect_dma semaphore(%arg7 : memref<!tpu.dma_semaphore, #tpu.memory_space<semaphore_mem>>) src(%dma_wait3A_79 : memref<50000x32xf32, #tpu.memory_space<hbm>>) dst(%arg6 : memref<128x32xf32, #tpu.memory_space<vmem>>)
      %mul3A_80 = arith.constant 128 : i32
      %mul3A_81 = arith.muli %add3A_55, %mul3A_80 : i32
      %multiple_of3A = tpu.assume_multiple %mul3A_81, 8 : i32
      "tpu.region"() ({
        %run_scoped3A = tpu.sem_alloc : memref<!tpu.dma_semaphore, #tpu.memory_space<semaphore_mem>>
        %dma_start3A_82 = arith.constant 0 : i32
        %dma_start3A_83 = tpu.memref_slice %arg4[%multiple_of3A, %dma_start3A_82] : memref<40064x32xf32, #tpu.memory_space<hbm>> -> memref<128x32xf32, #tpu.memory_space<hbm>>
        %dma_start3A_84 = arith.constant 0 : i32
        %dma_start3A_85 = tpu.memref_slice %arg4[%multiple_of3A, %dma_start3A_84] : memref<40064x32xf32, #tpu.memory_space<hbm>> -> memref<128x32xf32, #tpu.memory_space<hbm>>
        tpu.enqueue_dma source(%arg6 : memref<128x32xf32, #tpu.memory_space<vmem>>) target(%dma_start3A_85 : memref<128x32xf32, #tpu.memory_space<hbm>>) target_semaphore(%run_scoped3A : memref<!tpu.dma_semaphore, #tpu.memory_space<semaphore_mem>>)
        %dma_wait3A_86 = arith.constant 0 : i32
        %dma_wait3A_87 = tpu.memref_slice %arg4[%multiple_of3A, %dma_wait3A_86] : memref<40064x32xf32, #tpu.memory_space<hbm>> -> memref<128x32xf32, #tpu.memory_space<hbm>>
        %dma_wait3A_88 = arith.constant 0 : i32
        %dma_wait3A_89 = tpu.memref_slice %arg4[%multiple_of3A, %dma_wait3A_88] : memref<40064x32xf32, #tpu.memory_space<hbm>> -> memref<128x32xf32, #tpu.memory_space<hbm>>
        tpu.wait_dma2 semaphore(%run_scoped3A : memref<!tpu.dma_semaphore, #tpu.memory_space<semaphore_mem>>) src(%arg6 : memref<128x32xf32, #tpu.memory_space<vmem>>) dst(%dma_wait3A_89 : memref<128x32xf32, #tpu.memory_space<hbm>>)
        tpu.yield
      }) : () -> ()
    } else {
    }
    %add3A_61 = arith.constant 288 : i32
    %add3A_62 = arith.addi %add3A_61, %add3A : i32
    %lt3A_63 = arith.constant 313 : i32
    %lt3A_64 = arith.cmpi slt, %add3A_62, %lt3A_63 : i32
    %convert_element_type3A_65 = arith.extui %lt3A_64 : i1 to i32
    %cond3A_66 = arith.constant 0 : i32
    %cond3A_67 = arith.cmpi ne, %convert_element_type3A_65, %cond3A_66 : i32
    scf.if %cond3A_67 {
      "tpu.region"() ({
        %run_scoped3A = tpu.sem_alloc : memref<!tpu.dma_semaphore, #tpu.memory_space<semaphore_mem>>
        %dma_start3A_82 = arith.constant 0 : i32
        %dma_start3A_83 = tpu.memref_slice %arg3[%add3A_62, %dma_start3A_82] : memref<313x128xi32, #tpu.memory_space<hbm>> -> memref<1x128xi32, #tpu.memory_space<hbm>>
        %dma_start3A_84 = arith.constant 0 : i32
        %dma_start3A_85 = tpu.memref_slice %arg3[%add3A_62, %dma_start3A_84] : memref<313x128xi32, #tpu.memory_space<hbm>> -> memref<1x128xi32, #tpu.memory_space<hbm>>
        tpu.enqueue_dma source(%dma_start3A_85 : memref<1x128xi32, #tpu.memory_space<hbm>>) target(%arg5 : memref<1x128xi32, #tpu.memory_space<vmem>>) target_semaphore(%run_scoped3A : memref<!tpu.dma_semaphore, #tpu.memory_space<semaphore_mem>>)
        %dma_wait3A_86 = arith.constant 0 : i32
        %dma_wait3A_87 = tpu.memref_slice %arg3[%add3A_62, %dma_wait3A_86] : memref<313x128xi32, #tpu.memory_space<hbm>> -> memref<1x128xi32, #tpu.memory_space<hbm>>
        %dma_wait3A_88 = arith.constant 0 : i32
        %dma_wait3A_89 = tpu.memref_slice %arg3[%add3A_62, %dma_wait3A_88] : memref<313x128xi32, #tpu.memory_space<hbm>> -> memref<1x128xi32, #tpu.memory_space<hbm>>
        tpu.wait_dma2 semaphore(%run_scoped3A : memref<!tpu.dma_semaphore, #tpu.memory_space<semaphore_mem>>) src(%dma_wait3A_89 : memref<1x128xi32, #tpu.memory_space<hbm>>) dst(%arg5 : memref<1x128xi32, #tpu.memory_space<vmem>>)
        tpu.yield
      }) : () -> ()
      %dma_start3A = arith.constant 0 : i32
      %dma_start3A_68 = arith.constant 0 : i32
      %dma_start3A_69 = tpu.memref_slice %arg5[%dma_start3A, %dma_start3A_68] : memref<1x128xi32, #tpu.memory_space<vmem>> -> memref<1x128xi32, #tpu.memory_space<vmem>>
      %dma_start3A_70 = tpu.memref_squeeze %dma_start3A_69 : memref<1x128xi32, #tpu.memory_space<vmem>> -> memref<128xi32, #tpu.memory_space<vmem>>
      %dma_start3A_71 = arith.constant 0 : i32
      %dma_start3A_72 = arith.constant 0 : i32
      %dma_start3A_73 = tpu.memref_slice %arg2[%dma_start3A_71, %dma_start3A_72] : memref<50000x32xf32, #tpu.memory_space<hbm>> -> memref<50000x32xf32, #tpu.memory_space<hbm>>
      tpu.enqueue_indirect_dma source(%dma_start3A_73 : memref<50000x32xf32, #tpu.memory_space<hbm>>) target(%arg6 : memref<128x32xf32, #tpu.memory_space<vmem>>) offsets(%dma_start3A_70 : memref<128xi32, #tpu.memory_space<vmem>>) semaphore(%arg7 : memref<!tpu.dma_semaphore, #tpu.memory_space<semaphore_mem>>)
      %dma_wait3A = arith.constant 0 : i32
      %dma_wait3A_74 = arith.constant 0 : i32
      %dma_wait3A_75 = tpu.memref_slice %arg5[%dma_wait3A, %dma_wait3A_74] : memref<1x128xi32, #tpu.memory_space<vmem>> -> memref<1x128xi32, #tpu.memory_space<vmem>>
      %dma_wait3A_76 = tpu.memref_squeeze %dma_wait3A_75 : memref<1x128xi32, #tpu.memory_space<vmem>> -> memref<128xi32, #tpu.memory_space<vmem>>
      %dma_wait3A_77 = arith.constant 0 : i32
      %dma_wait3A_78 = arith.constant 0 : i32
      %dma_wait3A_79 = tpu.memref_slice %arg2[%dma_wait3A_77, %dma_wait3A_78] : memref<50000x32xf32, #tpu.memory_space<hbm>> -> memref<50000x32xf32, #tpu.memory_space<hbm>>
      tpu.wait_indirect_dma semaphore(%arg7 : memref<!tpu.dma_semaphore, #tpu.memory_space<semaphore_mem>>) src(%dma_wait3A_79 : memref<50000x32xf32, #tpu.memory_space<hbm>>) dst(%arg6 : memref<128x32xf32, #tpu.memory_space<vmem>>)
      %mul3A_80 = arith.constant 128 : i32
      %mul3A_81 = arith.muli %add3A_62, %mul3A_80 : i32
      %multiple_of3A = tpu.assume_multiple %mul3A_81, 8 : i32
      "tpu.region"() ({
        %run_scoped3A = tpu.sem_alloc : memref<!tpu.dma_semaphore, #tpu.memory_space<semaphore_mem>>
        %dma_start3A_82 = arith.constant 0 : i32
        %dma_start3A_83 = tpu.memref_slice %arg4[%multiple_of3A, %dma_start3A_82] : memref<40064x32xf32, #tpu.memory_space<hbm>> -> memref<128x32xf32, #tpu.memory_space<hbm>>
        %dma_start3A_84 = arith.constant 0 : i32
        %dma_start3A_85 = tpu.memref_slice %arg4[%multiple_of3A, %dma_start3A_84] : memref<40064x32xf32, #tpu.memory_space<hbm>> -> memref<128x32xf32, #tpu.memory_space<hbm>>
        tpu.enqueue_dma source(%arg6 : memref<128x32xf32, #tpu.memory_space<vmem>>) target(%dma_start3A_85 : memref<128x32xf32, #tpu.memory_space<hbm>>) target_semaphore(%run_scoped3A : memref<!tpu.dma_semaphore, #tpu.memory_space<semaphore_mem>>)
        %dma_wait3A_86 = arith.constant 0 : i32
        %dma_wait3A_87 = tpu.memref_slice %arg4[%multiple_of3A, %dma_wait3A_86] : memref<40064x32xf32, #tpu.memory_space<hbm>> -> memref<128x32xf32, #tpu.memory_space<hbm>>
        %dma_wait3A_88 = arith.constant 0 : i32
        %dma_wait3A_89 = tpu.memref_slice %arg4[%multiple_of3A, %dma_wait3A_88] : memref<40064x32xf32, #tpu.memory_space<hbm>> -> memref<128x32xf32, #tpu.memory_space<hbm>>
        tpu.wait_dma2 semaphore(%run_scoped3A : memref<!tpu.dma_semaphore, #tpu.memory_space<semaphore_mem>>) src(%arg6 : memref<128x32xf32, #tpu.memory_space<vmem>>) dst(%dma_wait3A_89 : memref<128x32xf32, #tpu.memory_space<hbm>>)
        tpu.yield
      }) : () -> ()
    } else {
    }
    return
  }
}

#map = affine_map<(d0, d1) -> (0, 0)>
#map1 = affine_map<(d0, d1) -> (0)>
module attributes {stable_mosaic.version = 14 : i64} {
  func.func @_sc_body(%arg0: i32, %arg1: i32, %arg2: memref<40064x32xf32, #tpu.memory_space<hbm>>, %arg3: memref<12544x128xi32, #tpu.memory_space<hbm>>, %arg4: memref<12544x128xi32, #tpu.memory_space<hbm>>, %arg5: memref<1605632xf32, #tpu.memory_space<hbm>>, %arg6: memref<100000x32xf32, #tpu.memory_space<hbm>>, %arg7: memref<50000x32xf32, #tpu.memory_space<vmem_shared>>, %arg8: memref<2x128xi32, #tpu.memory_space<vmem>>, %arg9: memref<2x128xi32, #tpu.memory_space<vmem>>, %arg10: memref<256xf32, #tpu.memory_space<vmem>>, %arg11: memref<256x32xf32, #tpu.memory_space<vmem>>, %arg12: memref<2x128xi32, #tpu.memory_space<vmem>>, %arg13: memref<2x128xi32, #tpu.memory_space<vmem>>, %arg14: memref<256xf32, #tpu.memory_space<vmem>>, %arg15: memref<256x32xf32, #tpu.memory_space<vmem>>, %arg16: memref<!tpu.dma_semaphore, #tpu.memory_space<semaphore_mem>>, %arg17: memref<!tpu.dma_semaphore, #tpu.memory_space<semaphore_mem>>, %arg18: memref<!tpu.dma_semaphore, #tpu.memory_space<semaphore_mem>>) attributes {dimension_semantics = [#tpu.dimension_semantics<core_parallel>, #tpu.dimension_semantics<subcore_parallel>], iteration_bounds = array<i64: 2, 16>, scalar_prefetch = 0 : i64, scratch_operands = 12 : i64, tpu.core_type = #tpu.core_type<sc_vector_subcore>, window_params = [{transform_indices = #map}, {transform_indices = #map}, {transform_indices = #map}, {transform_indices = #map1}, {transform_indices = #map}]} {
    %mul3A = arith.constant 16 : i32
    %mul3A_0 = arith.muli %arg0, %mul3A : i32
    %add3A = arith.addi %mul3A_0, %arg1 : i32
    %scan3A = arith.constant 0 : i32
    %scan3A_1 = arith.constant 0 : i32
    %scan3A_2 = arith.constant 200 : i32
    %scan3A_3 = arith.addi %scan3A_1, %scan3A_2 : i32
    %scan3A_4 = arith.constant 1 : i32
    scf.for %scan3A_278 = %scan3A_1 to %scan3A_3 step %scan3A_4  : i32 {
      %broadcast_in_dim3A = arith.constant 0.000000e+00 : f32
      %broadcast_in_dim3A_279 = vector.broadcast %broadcast_in_dim3A : f32 to vector<16xf32>
      %swap3A = arith.index_cast %scan3A_278 : i32 to index
      %swap3A_280 = arith.constant 0 : index
      %swap3A_281 = tpu.vector_load %arg11[%swap3A, %swap3A_280] {strides = array<i32>} : memref<256x32xf32, #tpu.memory_space<vmem>>, vector<16xf32>,
      tpu.vector_store %arg11[%swap3A, %swap3A_280], %broadcast_in_dim3A_279 {strides = array<i32>} : memref<256x32xf32, #tpu.memory_space<vmem>>, vector<16xf32>,
      %broadcast_in_dim3A_282 = arith.constant 0.000000e+00 : f32
      %broadcast_in_dim3A_283 = vector.broadcast %broadcast_in_dim3A_282 : f32 to vector<16xf32>
      %swap3A_284 = arith.index_cast %scan3A_278 : i32 to index
      %swap3A_285 = arith.constant 16 : index
      %swap3A_286 = tpu.vector_load %arg11[%swap3A_284, %swap3A_285] {strides = array<i32>} : memref<256x32xf32, #tpu.memory_space<vmem>>, vector<16xf32>,
      tpu.vector_store %arg11[%swap3A_284, %swap3A_285], %broadcast_in_dim3A_283 {strides = array<i32>} : memref<256x32xf32, #tpu.memory_space<vmem>>, vector<16xf32>,
    }
    %scan3A_5 = arith.constant 200 : i32
    %add3A_6 = arith.constant 0 : i32
    %add3A_7 = arith.addi %add3A_6, %arg1 : i32
    %lt3A = arith.constant 250 : i32
    %lt3A_8 = arith.cmpi slt, %add3A_7, %lt3A : i32
    %convert_element_type3A = arith.extui %lt3A_8 : i1 to i32
    %cond3A = arith.constant 0 : i32
    %cond3A_9 = arith.cmpi ne, %convert_element_type3A, %cond3A : i32
    scf.if %cond3A_9 {
      %mul3A_278 = arith.constant 200 : i32
      %mul3A_279 = arith.muli %add3A_7, %mul3A_278 : i32
      %multiple_of3A_280 = tpu.assume_multiple %mul3A_279, 8 : i32
      "tpu.region"() ({
        %run_scoped3A = tpu.sem_alloc : memref<!tpu.dma_semaphore, #tpu.memory_space<semaphore_mem>>
        %dma_start3A_281 = arith.constant 0 : i32
        %dma_start3A_282 = arith.constant 0 : i32
        %dma_start3A_283 = tpu.memref_slice %arg11[%dma_start3A_281, %dma_start3A_282] : memref<256x32xf32, #tpu.memory_space<vmem>> -> memref<200x32xf32, #tpu.memory_space<vmem>>
        %dma_start3A_284 = arith.constant 0 : i32
        %dma_start3A_285 = tpu.memref_slice %arg7[%multiple_of3A_280, %dma_start3A_284] : memref<50000x32xf32, #tpu.memory_space<vmem_shared>> -> memref<200x32xf32, #tpu.memory_space<vmem_shared>>
        %dma_start3A_286 = arith.constant 0 : i32
        %dma_start3A_287 = tpu.memref_slice %arg7[%multiple_of3A_280, %dma_start3A_286] : memref<50000x32xf32, #tpu.memory_space<vmem_shared>> -> memref<200x32xf32, #tpu.memory_space<vmem_shared>>
        %dma_start3A_288 = arith.constant 0 : i32
        %dma_start3A_289 = arith.constant 0 : i32
        %dma_start3A_290 = tpu.memref_slice %arg11[%dma_start3A_288, %dma_start3A_289] : memref<256x32xf32, #tpu.memory_space<vmem>> -> memref<200x32xf32, #tpu.memory_space<vmem>>
        tpu.enqueue_dma source(%dma_start3A_290 : memref<200x32xf32, #tpu.memory_space<vmem>>) target(%dma_start3A_287 : memref<200x32xf32, #tpu.memory_space<vmem_shared>>) target_semaphore(%run_scoped3A : memref<!tpu.dma_semaphore, #tpu.memory_space<semaphore_mem>>)
        %dma_wait3A = arith.constant 0 : i32
        %dma_wait3A_291 = arith.constant 0 : i32
        %dma_wait3A_292 = tpu.memref_slice %arg11[%dma_wait3A, %dma_wait3A_291] : memref<256x32xf32, #tpu.memory_space<vmem>> -> memref<200x32xf32, #tpu.memory_space<vmem>>
        %dma_wait3A_293 = arith.constant 0 : i32
        %dma_wait3A_294 = tpu.memref_slice %arg7[%multiple_of3A_280, %dma_wait3A_293] : memref<50000x32xf32, #tpu.memory_space<vmem_shared>> -> memref<200x32xf32, #tpu.memory_space<vmem_shared>>
        %dma_wait3A_295 = arith.constant 0 : i32
        %dma_wait3A_296 = tpu.memref_slice %arg7[%multiple_of3A_280, %dma_wait3A_295] : memref<50000x32xf32, #tpu.memory_space<vmem_shared>> -> memref<200x32xf32, #tpu.memory_space<vmem_shared>>
        %dma_wait3A_297 = arith.constant 0 : i32
        %dma_wait3A_298 = arith.constant 0 : i32
        %dma_wait3A_299 = tpu.memref_slice %arg11[%dma_wait3A_297, %dma_wait3A_298] : memref<256x32xf32, #tpu.memory_space<vmem>> -> memref<200x32xf32, #tpu.memory_space<vmem>>
        tpu.wait_dma2 semaphore(%run_scoped3A : memref<!tpu.dma_semaphore, #tpu.memory_space<semaphore_mem>>) src(%dma_wait3A_299 : memref<200x32xf32, #tpu.memory_space<vmem>>) dst(%dma_wait3A_296 : memref<200x32xf32, #tpu.memory_space<vmem_shared>>)
        tpu.yield
      }) : () -> ()
    } else {
    }
    %add3A_10 = arith.constant 16 : i32
    %add3A_11 = arith.addi %add3A_10, %arg1 : i32
    %lt3A_12 = arith.constant 250 : i32
    %lt3A_13 = arith.cmpi slt, %add3A_11, %lt3A_12 : i32
    %convert_element_type3A_14 = arith.extui %lt3A_13 : i1 to i32
    %cond3A_15 = arith.constant 0 : i32
    %cond3A_16 = arith.cmpi ne, %convert_element_type3A_14, %cond3A_15 : i32
    scf.if %cond3A_16 {
      %mul3A_278 = arith.constant 200 : i32
      %mul3A_279 = arith.muli %add3A_11, %mul3A_278 : i32
      %multiple_of3A_280 = tpu.assume_multiple %mul3A_279, 8 : i32
      "tpu.region"() ({
        %run_scoped3A = tpu.sem_alloc : memref<!tpu.dma_semaphore, #tpu.memory_space<semaphore_mem>>
        %dma_start3A_281 = arith.constant 0 : i32
        %dma_start3A_282 = arith.constant 0 : i32
        %dma_start3A_283 = tpu.memref_slice %arg11[%dma_start3A_281, %dma_start3A_282] : memref<256x32xf32, #tpu.memory_space<vmem>> -> memref<200x32xf32, #tpu.memory_space<vmem>>
        %dma_start3A_284 = arith.constant 0 : i32
        %dma_start3A_285 = tpu.memref_slice %arg7[%multiple_of3A_280, %dma_start3A_284] : memref<50000x32xf32, #tpu.memory_space<vmem_shared>> -> memref<200x32xf32, #tpu.memory_space<vmem_shared>>
        %dma_start3A_286 = arith.constant 0 : i32
        %dma_start3A_287 = tpu.memref_slice %arg7[%multiple_of3A_280, %dma_start3A_286] : memref<50000x32xf32, #tpu.memory_space<vmem_shared>> -> memref<200x32xf32, #tpu.memory_space<vmem_shared>>
        %dma_start3A_288 = arith.constant 0 : i32
        %dma_start3A_289 = arith.constant 0 : i32
        %dma_start3A_290 = tpu.memref_slice %arg11[%dma_start3A_288, %dma_start3A_289] : memref<256x32xf32, #tpu.memory_space<vmem>> -> memref<200x32xf32, #tpu.memory_space<vmem>>
        tpu.enqueue_dma source(%dma_start3A_290 : memref<200x32xf32, #tpu.memory_space<vmem>>) target(%dma_start3A_287 : memref<200x32xf32, #tpu.memory_space<vmem_shared>>) target_semaphore(%run_scoped3A : memref<!tpu.dma_semaphore, #tpu.memory_space<semaphore_mem>>)
        %dma_wait3A = arith.constant 0 : i32
        %dma_wait3A_291 = arith.constant 0 : i32
        %dma_wait3A_292 = tpu.memref_slice %arg11[%dma_wait3A, %dma_wait3A_291] : memref<256x32xf32, #tpu.memory_space<vmem>> -> memref<200x32xf32, #tpu.memory_space<vmem>>
        %dma_wait3A_293 = arith.constant 0 : i32
        %dma_wait3A_294 = tpu.memref_slice %arg7[%multiple_of3A_280, %dma_wait3A_293] : memref<50000x32xf32, #tpu.memory_space<vmem_shared>> -> memref<200x32xf32, #tpu.memory_space<vmem_shared>>
        %dma_wait3A_295 = arith.constant 0 : i32
        %dma_wait3A_296 = tpu.memref_slice %arg7[%multiple_of3A_280, %dma_wait3A_295] : memref<50000x32xf32, #tpu.memory_space<vmem_shared>> -> memref<200x32xf32, #tpu.memory_space<vmem_shared>>
        %dma_wait3A_297 = arith.constant 0 : i32
        %dma_wait3A_298 = arith.constant 0 : i32
        %dma_wait3A_299 = tpu.memref_slice %arg11[%dma_wait3A_297, %dma_wait3A_298] : memref<256x32xf32, #tpu.memory_space<vmem>> -> memref<200x32xf32, #tpu.memory_space<vmem>>
        tpu.wait_dma2 semaphore(%run_scoped3A : memref<!tpu.dma_semaphore, #tpu.memory_space<semaphore_mem>>) src(%dma_wait3A_299 : memref<200x32xf32, #tpu.memory_space<vmem>>) dst(%dma_wait3A_296 : memref<200x32xf32, #tpu.memory_space<vmem_shared>>)
        tpu.yield
      }) : () -> ()
    } else {
    }
    %add3A_17 = arith.constant 32 : i32
    %add3A_18 = arith.addi %add3A_17, %arg1 : i32
    %lt3A_19 = arith.constant 250 : i32
    %lt3A_20 = arith.cmpi slt, %add3A_18, %lt3A_19 : i32
    %convert_element_type3A_21 = arith.extui %lt3A_20 : i1 to i32
    %cond3A_22 = arith.constant 0 : i32
    %cond3A_23 = arith.cmpi ne, %convert_element_type3A_21, %cond3A_22 : i32
    scf.if %cond3A_23 {
      %mul3A_278 = arith.constant 200 : i32
      %mul3A_279 = arith.muli %add3A_18, %mul3A_278 : i32
      %multiple_of3A_280 = tpu.assume_multiple %mul3A_279, 8 : i32
      "tpu.region"() ({
        %run_scoped3A = tpu.sem_alloc : memref<!tpu.dma_semaphore, #tpu.memory_space<semaphore_mem>>
        %dma_start3A_281 = arith.constant 0 : i32
        %dma_start3A_282 = arith.constant 0 : i32
        %dma_start3A_283 = tpu.memref_slice %arg11[%dma_start3A_281, %dma_start3A_282] : memref<256x32xf32, #tpu.memory_space<vmem>> -> memref<200x32xf32, #tpu.memory_space<vmem>>
        %dma_start3A_284 = arith.constant 0 : i32
        %dma_start3A_285 = tpu.memref_slice %arg7[%multiple_of3A_280, %dma_start3A_284] : memref<50000x32xf32, #tpu.memory_space<vmem_shared>> -> memref<200x32xf32, #tpu.memory_space<vmem_shared>>
        %dma_start3A_286 = arith.constant 0 : i32
        %dma_start3A_287 = tpu.memref_slice %arg7[%multiple_of3A_280, %dma_start3A_286] : memref<50000x32xf32, #tpu.memory_space<vmem_shared>> -> memref<200x32xf32, #tpu.memory_space<vmem_shared>>
        %dma_start3A_288 = arith.constant 0 : i32
        %dma_start3A_289 = arith.constant 0 : i32
        %dma_start3A_290 = tpu.memref_slice %arg11[%dma_start3A_288, %dma_start3A_289] : memref<256x32xf32, #tpu.memory_space<vmem>> -> memref<200x32xf32, #tpu.memory_space<vmem>>
        tpu.enqueue_dma source(%dma_start3A_290 : memref<200x32xf32, #tpu.memory_space<vmem>>) target(%dma_start3A_287 : memref<200x32xf32, #tpu.memory_space<vmem_shared>>) target_semaphore(%run_scoped3A : memref<!tpu.dma_semaphore, #tpu.memory_space<semaphore_mem>>)
        %dma_wait3A = arith.constant 0 : i32
        %dma_wait3A_291 = arith.constant 0 : i32
        %dma_wait3A_292 = tpu.memref_slice %arg11[%dma_wait3A, %dma_wait3A_291] : memref<256x32xf32, #tpu.memory_space<vmem>> -> memref<200x32xf32, #tpu.memory_space<vmem>>
        %dma_wait3A_293 = arith.constant 0 : i32
        %dma_wait3A_294 = tpu.memref_slice %arg7[%multiple_of3A_280, %dma_wait3A_293] : memref<50000x32xf32, #tpu.memory_space<vmem_shared>> -> memref<200x32xf32, #tpu.memory_space<vmem_shared>>
        %dma_wait3A_295 = arith.constant 0 : i32
        %dma_wait3A_296 = tpu.memref_slice %arg7[%multiple_of3A_280, %dma_wait3A_295] : memref<50000x32xf32, #tpu.memory_space<vmem_shared>> -> memref<200x32xf32, #tpu.memory_space<vmem_shared>>
        %dma_wait3A_297 = arith.constant 0 : i32
        %dma_wait3A_298 = arith.constant 0 : i32
        %dma_wait3A_299 = tpu.memref_slice %arg11[%dma_wait3A_297, %dma_wait3A_298] : memref<256x32xf32, #tpu.memory_space<vmem>> -> memref<200x32xf32, #tpu.memory_space<vmem>>
        tpu.wait_dma2 semaphore(%run_scoped3A : memref<!tpu.dma_semaphore, #tpu.memory_space<semaphore_mem>>) src(%dma_wait3A_299 : memref<200x32xf32, #tpu.memory_space<vmem>>) dst(%dma_wait3A_296 : memref<200x32xf32, #tpu.memory_space<vmem_shared>>)
        tpu.yield
      }) : () -> ()
    } else {
    }
    %add3A_24 = arith.constant 48 : i32
    %add3A_25 = arith.addi %add3A_24, %arg1 : i32
    %lt3A_26 = arith.constant 250 : i32
    %lt3A_27 = arith.cmpi slt, %add3A_25, %lt3A_26 : i32
    %convert_element_type3A_28 = arith.extui %lt3A_27 : i1 to i32
    %cond3A_29 = arith.constant 0 : i32
    %cond3A_30 = arith.cmpi ne, %convert_element_type3A_28, %cond3A_29 : i32
    scf.if %cond3A_30 {
      %mul3A_278 = arith.constant 200 : i32
      %mul3A_279 = arith.muli %add3A_25, %mul3A_278 : i32
      %multiple_of3A_280 = tpu.assume_multiple %mul3A_279, 8 : i32
      "tpu.region"() ({
        %run_scoped3A = tpu.sem_alloc : memref<!tpu.dma_semaphore, #tpu.memory_space<semaphore_mem>>
        %dma_start3A_281 = arith.constant 0 : i32
        %dma_start3A_282 = arith.constant 0 : i32
        %dma_start3A_283 = tpu.memref_slice %arg11[%dma_start3A_281, %dma_start3A_282] : memref<256x32xf32, #tpu.memory_space<vmem>> -> memref<200x32xf32, #tpu.memory_space<vmem>>
        %dma_start3A_284 = arith.constant 0 : i32
        %dma_start3A_285 = tpu.memref_slice %arg7[%multiple_of3A_280, %dma_start3A_284] : memref<50000x32xf32, #tpu.memory_space<vmem_shared>> -> memref<200x32xf32, #tpu.memory_space<vmem_shared>>
        %dma_start3A_286 = arith.constant 0 : i32
        %dma_start3A_287 = tpu.memref_slice %arg7[%multiple_of3A_280, %dma_start3A_286] : memref<50000x32xf32, #tpu.memory_space<vmem_shared>> -> memref<200x32xf32, #tpu.memory_space<vmem_shared>>
        %dma_start3A_288 = arith.constant 0 : i32
        %dma_start3A_289 = arith.constant 0 : i32
        %dma_start3A_290 = tpu.memref_slice %arg11[%dma_start3A_288, %dma_start3A_289] : memref<256x32xf32, #tpu.memory_space<vmem>> -> memref<200x32xf32, #tpu.memory_space<vmem>>
        tpu.enqueue_dma source(%dma_start3A_290 : memref<200x32xf32, #tpu.memory_space<vmem>>) target(%dma_start3A_287 : memref<200x32xf32, #tpu.memory_space<vmem_shared>>) target_semaphore(%run_scoped3A : memref<!tpu.dma_semaphore, #tpu.memory_space<semaphore_mem>>)
        %dma_wait3A = arith.constant 0 : i32
        %dma_wait3A_291 = arith.constant 0 : i32
        %dma_wait3A_292 = tpu.memref_slice %arg11[%dma_wait3A, %dma_wait3A_291] : memref<256x32xf32, #tpu.memory_space<vmem>> -> memref<200x32xf32, #tpu.memory_space<vmem>>
        %dma_wait3A_293 = arith.constant 0 : i32
        %dma_wait3A_294 = tpu.memref_slice %arg7[%multiple_of3A_280, %dma_wait3A_293] : memref<50000x32xf32, #tpu.memory_space<vmem_shared>> -> memref<200x32xf32, #tpu.memory_space<vmem_shared>>
        %dma_wait3A_295 = arith.constant 0 : i32
        %dma_wait3A_296 = tpu.memref_slice %arg7[%multiple_of3A_280, %dma_wait3A_295] : memref<50000x32xf32, #tpu.memory_space<vmem_shared>> -> memref<200x32xf32, #tpu.memory_space<vmem_shared>>
        %dma_wait3A_297 = arith.constant 0 : i32
        %dma_wait3A_298 = arith.constant 0 : i32
        %dma_wait3A_299 = tpu.memref_slice %arg11[%dma_wait3A_297, %dma_wait3A_298] : memref<256x32xf32, #tpu.memory_space<vmem>> -> memref<200x32xf32, #tpu.memory_space<vmem>>
        tpu.wait_dma2 semaphore(%run_scoped3A : memref<!tpu.dma_semaphore, #tpu.memory_space<semaphore_mem>>) src(%dma_wait3A_299 : memref<200x32xf32, #tpu.memory_space<vmem>>) dst(%dma_wait3A_296 : memref<200x32xf32, #tpu.memory_space<vmem_shared>>)
        tpu.yield
      }) : () -> ()
    } else {
    }
    %add3A_31 = arith.constant 64 : i32
    %add3A_32 = arith.addi %add3A_31, %arg1 : i32
    %lt3A_33 = arith.constant 250 : i32
    %lt3A_34 = arith.cmpi slt, %add3A_32, %lt3A_33 : i32
    %convert_element_type3A_35 = arith.extui %lt3A_34 : i1 to i32
    %cond3A_36 = arith.constant 0 : i32
    %cond3A_37 = arith.cmpi ne, %convert_element_type3A_35, %cond3A_36 : i32
    scf.if %cond3A_37 {
      %mul3A_278 = arith.constant 200 : i32
      %mul3A_279 = arith.muli %add3A_32, %mul3A_278 : i32
      %multiple_of3A_280 = tpu.assume_multiple %mul3A_279, 8 : i32
      "tpu.region"() ({
        %run_scoped3A = tpu.sem_alloc : memref<!tpu.dma_semaphore, #tpu.memory_space<semaphore_mem>>
        %dma_start3A_281 = arith.constant 0 : i32
        %dma_start3A_282 = arith.constant 0 : i32
        %dma_start3A_283 = tpu.memref_slice %arg11[%dma_start3A_281, %dma_start3A_282] : memref<256x32xf32, #tpu.memory_space<vmem>> -> memref<200x32xf32, #tpu.memory_space<vmem>>
        %dma_start3A_284 = arith.constant 0 : i32
        %dma_start3A_285 = tpu.memref_slice %arg7[%multiple_of3A_280, %dma_start3A_284] : memref<50000x32xf32, #tpu.memory_space<vmem_shared>> -> memref<200x32xf32, #tpu.memory_space<vmem_shared>>
        %dma_start3A_286 = arith.constant 0 : i32
        %dma_start3A_287 = tpu.memref_slice %arg7[%multiple_of3A_280, %dma_start3A_286] : memref<50000x32xf32, #tpu.memory_space<vmem_shared>> -> memref<200x32xf32, #tpu.memory_space<vmem_shared>>
        %dma_start3A_288 = arith.constant 0 : i32
        %dma_start3A_289 = arith.constant 0 : i32
        %dma_start3A_290 = tpu.memref_slice %arg11[%dma_start3A_288, %dma_start3A_289] : memref<256x32xf32, #tpu.memory_space<vmem>> -> memref<200x32xf32, #tpu.memory_space<vmem>>
        tpu.enqueue_dma source(%dma_start3A_290 : memref<200x32xf32, #tpu.memory_space<vmem>>) target(%dma_start3A_287 : memref<200x32xf32, #tpu.memory_space<vmem_shared>>) target_semaphore(%run_scoped3A : memref<!tpu.dma_semaphore, #tpu.memory_space<semaphore_mem>>)
        %dma_wait3A = arith.constant 0 : i32
        %dma_wait3A_291 = arith.constant 0 : i32
        %dma_wait3A_292 = tpu.memref_slice %arg11[%dma_wait3A, %dma_wait3A_291] : memref<256x32xf32, #tpu.memory_space<vmem>> -> memref<200x32xf32, #tpu.memory_space<vmem>>
        %dma_wait3A_293 = arith.constant 0 : i32
        %dma_wait3A_294 = tpu.memref_slice %arg7[%multiple_of3A_280, %dma_wait3A_293] : memref<50000x32xf32, #tpu.memory_space<vmem_shared>> -> memref<200x32xf32, #tpu.memory_space<vmem_shared>>
        %dma_wait3A_295 = arith.constant 0 : i32
        %dma_wait3A_296 = tpu.memref_slice %arg7[%multiple_of3A_280, %dma_wait3A_295] : memref<50000x32xf32, #tpu.memory_space<vmem_shared>> -> memref<200x32xf32, #tpu.memory_space<vmem_shared>>
        %dma_wait3A_297 = arith.constant 0 : i32
        %dma_wait3A_298 = arith.constant 0 : i32
        %dma_wait3A_299 = tpu.memref_slice %arg11[%dma_wait3A_297, %dma_wait3A_298] : memref<256x32xf32, #tpu.memory_space<vmem>> -> memref<200x32xf32, #tpu.memory_space<vmem>>
        tpu.wait_dma2 semaphore(%run_scoped3A : memref<!tpu.dma_semaphore, #tpu.memory_space<semaphore_mem>>) src(%dma_wait3A_299 : memref<200x32xf32, #tpu.memory_space<vmem>>) dst(%dma_wait3A_296 : memref<200x32xf32, #tpu.memory_space<vmem_shared>>)
        tpu.yield
      }) : () -> ()
    } else {
    }
    %add3A_38 = arith.constant 80 : i32
    %add3A_39 = arith.addi %add3A_38, %arg1 : i32
    %lt3A_40 = arith.constant 250 : i32
    %lt3A_41 = arith.cmpi slt, %add3A_39, %lt3A_40 : i32
    %convert_element_type3A_42 = arith.extui %lt3A_41 : i1 to i32
    %cond3A_43 = arith.constant 0 : i32
    %cond3A_44 = arith.cmpi ne, %convert_element_type3A_42, %cond3A_43 : i32
    scf.if %cond3A_44 {
      %mul3A_278 = arith.constant 200 : i32
      %mul3A_279 = arith.muli %add3A_39, %mul3A_278 : i32
      %multiple_of3A_280 = tpu.assume_multiple %mul3A_279, 8 : i32
      "tpu.region"() ({
        %run_scoped3A = tpu.sem_alloc : memref<!tpu.dma_semaphore, #tpu.memory_space<semaphore_mem>>
        %dma_start3A_281 = arith.constant 0 : i32
        %dma_start3A_282 = arith.constant 0 : i32
        %dma_start3A_283 = tpu.memref_slice %arg11[%dma_start3A_281, %dma_start3A_282] : memref<256x32xf32, #tpu.memory_space<vmem>> -> memref<200x32xf32, #tpu.memory_space<vmem>>
        %dma_start3A_284 = arith.constant 0 : i32
        %dma_start3A_285 = tpu.memref_slice %arg7[%multiple_of3A_280, %dma_start3A_284] : memref<50000x32xf32, #tpu.memory_space<vmem_shared>> -> memref<200x32xf32, #tpu.memory_space<vmem_shared>>
        %dma_start3A_286 = arith.constant 0 : i32
        %dma_start3A_287 = tpu.memref_slice %arg7[%multiple_of3A_280, %dma_start3A_286] : memref<50000x32xf32, #tpu.memory_space<vmem_shared>> -> memref<200x32xf32, #tpu.memory_space<vmem_shared>>
        %dma_start3A_288 = arith.constant 0 : i32
        %dma_start3A_289 = arith.constant 0 : i32
        %dma_start3A_290 = tpu.memref_slice %arg11[%dma_start3A_288, %dma_start3A_289] : memref<256x32xf32, #tpu.memory_space<vmem>> -> memref<200x32xf32, #tpu.memory_space<vmem>>
        tpu.enqueue_dma source(%dma_start3A_290 : memref<200x32xf32, #tpu.memory_space<vmem>>) target(%dma_start3A_287 : memref<200x32xf32, #tpu.memory_space<vmem_shared>>) target_semaphore(%run_scoped3A : memref<!tpu.dma_semaphore, #tpu.memory_space<semaphore_mem>>)
        %dma_wait3A = arith.constant 0 : i32
        %dma_wait3A_291 = arith.constant 0 : i32
        %dma_wait3A_292 = tpu.memref_slice %arg11[%dma_wait3A, %dma_wait3A_291] : memref<256x32xf32, #tpu.memory_space<vmem>> -> memref<200x32xf32, #tpu.memory_space<vmem>>
        %dma_wait3A_293 = arith.constant 0 : i32
        %dma_wait3A_294 = tpu.memref_slice %arg7[%multiple_of3A_280, %dma_wait3A_293] : memref<50000x32xf32, #tpu.memory_space<vmem_shared>> -> memref<200x32xf32, #tpu.memory_space<vmem_shared>>
        %dma_wait3A_295 = arith.constant 0 : i32
        %dma_wait3A_296 = tpu.memref_slice %arg7[%multiple_of3A_280, %dma_wait3A_295] : memref<50000x32xf32, #tpu.memory_space<vmem_shared>> -> memref<200x32xf32, #tpu.memory_space<vmem_shared>>
        %dma_wait3A_297 = arith.constant 0 : i32
        %dma_wait3A_298 = arith.constant 0 : i32
        %dma_wait3A_299 = tpu.memref_slice %arg11[%dma_wait3A_297, %dma_wait3A_298] : memref<256x32xf32, #tpu.memory_space<vmem>> -> memref<200x32xf32, #tpu.memory_space<vmem>>
        tpu.wait_dma2 semaphore(%run_scoped3A : memref<!tpu.dma_semaphore, #tpu.memory_space<semaphore_mem>>) src(%dma_wait3A_299 : memref<200x32xf32, #tpu.memory_space<vmem>>) dst(%dma_wait3A_296 : memref<200x32xf32, #tpu.memory_space<vmem_shared>>)
        tpu.yield
      }) : () -> ()
    } else {
    }
    %add3A_45 = arith.constant 96 : i32
    %add3A_46 = arith.addi %add3A_45, %arg1 : i32
    %lt3A_47 = arith.constant 250 : i32
    %lt3A_48 = arith.cmpi slt, %add3A_46, %lt3A_47 : i32
    %convert_element_type3A_49 = arith.extui %lt3A_48 : i1 to i32
    %cond3A_50 = arith.constant 0 : i32
    %cond3A_51 = arith.cmpi ne, %convert_element_type3A_49, %cond3A_50 : i32
    scf.if %cond3A_51 {
      %mul3A_278 = arith.constant 200 : i32
      %mul3A_279 = arith.muli %add3A_46, %mul3A_278 : i32
      %multiple_of3A_280 = tpu.assume_multiple %mul3A_279, 8 : i32
      "tpu.region"() ({
        %run_scoped3A = tpu.sem_alloc : memref<!tpu.dma_semaphore, #tpu.memory_space<semaphore_mem>>
        %dma_start3A_281 = arith.constant 0 : i32
        %dma_start3A_282 = arith.constant 0 : i32
        %dma_start3A_283 = tpu.memref_slice %arg11[%dma_start3A_281, %dma_start3A_282] : memref<256x32xf32, #tpu.memory_space<vmem>> -> memref<200x32xf32, #tpu.memory_space<vmem>>
        %dma_start3A_284 = arith.constant 0 : i32
        %dma_start3A_285 = tpu.memref_slice %arg7[%multiple_of3A_280, %dma_start3A_284] : memref<50000x32xf32, #tpu.memory_space<vmem_shared>> -> memref<200x32xf32, #tpu.memory_space<vmem_shared>>
        %dma_start3A_286 = arith.constant 0 : i32
        %dma_start3A_287 = tpu.memref_slice %arg7[%multiple_of3A_280, %dma_start3A_286] : memref<50000x32xf32, #tpu.memory_space<vmem_shared>> -> memref<200x32xf32, #tpu.memory_space<vmem_shared>>
        %dma_start3A_288 = arith.constant 0 : i32
        %dma_start3A_289 = arith.constant 0 : i32
        %dma_start3A_290 = tpu.memref_slice %arg11[%dma_start3A_288, %dma_start3A_289] : memref<256x32xf32, #tpu.memory_space<vmem>> -> memref<200x32xf32, #tpu.memory_space<vmem>>
        tpu.enqueue_dma source(%dma_start3A_290 : memref<200x32xf32, #tpu.memory_space<vmem>>) target(%dma_start3A_287 : memref<200x32xf32, #tpu.memory_space<vmem_shared>>) target_semaphore(%run_scoped3A : memref<!tpu.dma_semaphore, #tpu.memory_space<semaphore_mem>>)
        %dma_wait3A = arith.constant 0 : i32
        %dma_wait3A_291 = arith.constant 0 : i32
        %dma_wait3A_292 = tpu.memref_slice %arg11[%dma_wait3A, %dma_wait3A_291] : memref<256x32xf32, #tpu.memory_space<vmem>> -> memref<200x32xf32, #tpu.memory_space<vmem>>
        %dma_wait3A_293 = arith.constant 0 : i32
        %dma_wait3A_294 = tpu.memref_slice %arg7[%multiple_of3A_280, %dma_wait3A_293] : memref<50000x32xf32, #tpu.memory_space<vmem_shared>> -> memref<200x32xf32, #tpu.memory_space<vmem_shared>>
        %dma_wait3A_295 = arith.constant 0 : i32
        %dma_wait3A_296 = tpu.memref_slice %arg7[%multiple_of3A_280, %dma_wait3A_295] : memref<50000x32xf32, #tpu.memory_space<vmem_shared>> -> memref<200x32xf32, #tpu.memory_space<vmem_shared>>
        %dma_wait3A_297 = arith.constant 0 : i32
        %dma_wait3A_298 = arith.constant 0 : i32
        %dma_wait3A_299 = tpu.memref_slice %arg11[%dma_wait3A_297, %dma_wait3A_298] : memref<256x32xf32, #tpu.memory_space<vmem>> -> memref<200x32xf32, #tpu.memory_space<vmem>>
        tpu.wait_dma2 semaphore(%run_scoped3A : memref<!tpu.dma_semaphore, #tpu.memory_space<semaphore_mem>>) src(%dma_wait3A_299 : memref<200x32xf32, #tpu.memory_space<vmem>>) dst(%dma_wait3A_296 : memref<200x32xf32, #tpu.memory_space<vmem_shared>>)
        tpu.yield
      }) : () -> ()
    } else {
    }
    %add3A_52 = arith.constant 112 : i32
    %add3A_53 = arith.addi %add3A_52, %arg1 : i32
    %lt3A_54 = arith.constant 250 : i32
    %lt3A_55 = arith.cmpi slt, %add3A_53, %lt3A_54 : i32
    %convert_element_type3A_56 = arith.extui %lt3A_55 : i1 to i32
    %cond3A_57 = arith.constant 0 : i32
    %cond3A_58 = arith.cmpi ne, %convert_element_type3A_56, %cond3A_57 : i32
    scf.if %cond3A_58 {
      %mul3A_278 = arith.constant 200 : i32
      %mul3A_279 = arith.muli %add3A_53, %mul3A_278 : i32
      %multiple_of3A_280 = tpu.assume_multiple %mul3A_279, 8 : i32
      "tpu.region"() ({
        %run_scoped3A = tpu.sem_alloc : memref<!tpu.dma_semaphore, #tpu.memory_space<semaphore_mem>>
        %dma_start3A_281 = arith.constant 0 : i32
        %dma_start3A_282 = arith.constant 0 : i32
        %dma_start3A_283 = tpu.memref_slice %arg11[%dma_start3A_281, %dma_start3A_282] : memref<256x32xf32, #tpu.memory_space<vmem>> -> memref<200x32xf32, #tpu.memory_space<vmem>>
        %dma_start3A_284 = arith.constant 0 : i32
        %dma_start3A_285 = tpu.memref_slice %arg7[%multiple_of3A_280, %dma_start3A_284] : memref<50000x32xf32, #tpu.memory_space<vmem_shared>> -> memref<200x32xf32, #tpu.memory_space<vmem_shared>>
        %dma_start3A_286 = arith.constant 0 : i32
        %dma_start3A_287 = tpu.memref_slice %arg7[%multiple_of3A_280, %dma_start3A_286] : memref<50000x32xf32, #tpu.memory_space<vmem_shared>> -> memref<200x32xf32, #tpu.memory_space<vmem_shared>>
        %dma_start3A_288 = arith.constant 0 : i32
        %dma_start3A_289 = arith.constant 0 : i32
        %dma_start3A_290 = tpu.memref_slice %arg11[%dma_start3A_288, %dma_start3A_289] : memref<256x32xf32, #tpu.memory_space<vmem>> -> memref<200x32xf32, #tpu.memory_space<vmem>>
        tpu.enqueue_dma source(%dma_start3A_290 : memref<200x32xf32, #tpu.memory_space<vmem>>) target(%dma_start3A_287 : memref<200x32xf32, #tpu.memory_space<vmem_shared>>) target_semaphore(%run_scoped3A : memref<!tpu.dma_semaphore, #tpu.memory_space<semaphore_mem>>)
        %dma_wait3A = arith.constant 0 : i32
        %dma_wait3A_291 = arith.constant 0 : i32
        %dma_wait3A_292 = tpu.memref_slice %arg11[%dma_wait3A, %dma_wait3A_291] : memref<256x32xf32, #tpu.memory_space<vmem>> -> memref<200x32xf32, #tpu.memory_space<vmem>>
        %dma_wait3A_293 = arith.constant 0 : i32
        %dma_wait3A_294 = tpu.memref_slice %arg7[%multiple_of3A_280, %dma_wait3A_293] : memref<50000x32xf32, #tpu.memory_space<vmem_shared>> -> memref<200x32xf32, #tpu.memory_space<vmem_shared>>
        %dma_wait3A_295 = arith.constant 0 : i32
        %dma_wait3A_296 = tpu.memref_slice %arg7[%multiple_of3A_280, %dma_wait3A_295] : memref<50000x32xf32, #tpu.memory_space<vmem_shared>> -> memref<200x32xf32, #tpu.memory_space<vmem_shared>>
        %dma_wait3A_297 = arith.constant 0 : i32
        %dma_wait3A_298 = arith.constant 0 : i32
        %dma_wait3A_299 = tpu.memref_slice %arg11[%dma_wait3A_297, %dma_wait3A_298] : memref<256x32xf32, #tpu.memory_space<vmem>> -> memref<200x32xf32, #tpu.memory_space<vmem>>
        tpu.wait_dma2 semaphore(%run_scoped3A : memref<!tpu.dma_semaphore, #tpu.memory_space<semaphore_mem>>) src(%dma_wait3A_299 : memref<200x32xf32, #tpu.memory_space<vmem>>) dst(%dma_wait3A_296 : memref<200x32xf32, #tpu.memory_space<vmem_shared>>)
        tpu.yield
      }) : () -> ()
    } else {
    }
    %add3A_59 = arith.constant 128 : i32
    %add3A_60 = arith.addi %add3A_59, %arg1 : i32
    %lt3A_61 = arith.constant 250 : i32
    %lt3A_62 = arith.cmpi slt, %add3A_60, %lt3A_61 : i32
    %convert_element_type3A_63 = arith.extui %lt3A_62 : i1 to i32
    %cond3A_64 = arith.constant 0 : i32
    %cond3A_65 = arith.cmpi ne, %convert_element_type3A_63, %cond3A_64 : i32
    scf.if %cond3A_65 {
      %mul3A_278 = arith.constant 200 : i32
      %mul3A_279 = arith.muli %add3A_60, %mul3A_278 : i32
      %multiple_of3A_280 = tpu.assume_multiple %mul3A_279, 8 : i32
      "tpu.region"() ({
        %run_scoped3A = tpu.sem_alloc : memref<!tpu.dma_semaphore, #tpu.memory_space<semaphore_mem>>
        %dma_start3A_281 = arith.constant 0 : i32
        %dma_start3A_282 = arith.constant 0 : i32
        %dma_start3A_283 = tpu.memref_slice %arg11[%dma_start3A_281, %dma_start3A_282] : memref<256x32xf32, #tpu.memory_space<vmem>> -> memref<200x32xf32, #tpu.memory_space<vmem>>
        %dma_start3A_284 = arith.constant 0 : i32
        %dma_start3A_285 = tpu.memref_slice %arg7[%multiple_of3A_280, %dma_start3A_284] : memref<50000x32xf32, #tpu.memory_space<vmem_shared>> -> memref<200x32xf32, #tpu.memory_space<vmem_shared>>
        %dma_start3A_286 = arith.constant 0 : i32
        %dma_start3A_287 = tpu.memref_slice %arg7[%multiple_of3A_280, %dma_start3A_286] : memref<50000x32xf32, #tpu.memory_space<vmem_shared>> -> memref<200x32xf32, #tpu.memory_space<vmem_shared>>
        %dma_start3A_288 = arith.constant 0 : i32
        %dma_start3A_289 = arith.constant 0 : i32
        %dma_start3A_290 = tpu.memref_slice %arg11[%dma_start3A_288, %dma_start3A_289] : memref<256x32xf32, #tpu.memory_space<vmem>> -> memref<200x32xf32, #tpu.memory_space<vmem>>
        tpu.enqueue_dma source(%dma_start3A_290 : memref<200x32xf32, #tpu.memory_space<vmem>>) target(%dma_start3A_287 : memref<200x32xf32, #tpu.memory_space<vmem_shared>>) target_semaphore(%run_scoped3A : memref<!tpu.dma_semaphore, #tpu.memory_space<semaphore_mem>>)
        %dma_wait3A = arith.constant 0 : i32
        %dma_wait3A_291 = arith.constant 0 : i32
        %dma_wait3A_292 = tpu.memref_slice %arg11[%dma_wait3A, %dma_wait3A_291] : memref<256x32xf32, #tpu.memory_space<vmem>> -> memref<200x32xf32, #tpu.memory_space<vmem>>
        %dma_wait3A_293 = arith.constant 0 : i32
        %dma_wait3A_294 = tpu.memref_slice %arg7[%multiple_of3A_280, %dma_wait3A_293] : memref<50000x32xf32, #tpu.memory_space<vmem_shared>> -> memref<200x32xf32, #tpu.memory_space<vmem_shared>>
        %dma_wait3A_295 = arith.constant 0 : i32
        %dma_wait3A_296 = tpu.memref_slice %arg7[%multiple_of3A_280, %dma_wait3A_295] : memref<50000x32xf32, #tpu.memory_space<vmem_shared>> -> memref<200x32xf32, #tpu.memory_space<vmem_shared>>
        %dma_wait3A_297 = arith.constant 0 : i32
        %dma_wait3A_298 = arith.constant 0 : i32
        %dma_wait3A_299 = tpu.memref_slice %arg11[%dma_wait3A_297, %dma_wait3A_298] : memref<256x32xf32, #tpu.memory_space<vmem>> -> memref<200x32xf32, #tpu.memory_space<vmem>>
        tpu.wait_dma2 semaphore(%run_scoped3A : memref<!tpu.dma_semaphore, #tpu.memory_space<semaphore_mem>>) src(%dma_wait3A_299 : memref<200x32xf32, #tpu.memory_space<vmem>>) dst(%dma_wait3A_296 : memref<200x32xf32, #tpu.memory_space<vmem_shared>>)
        tpu.yield
      }) : () -> ()
    } else {
    }
    %add3A_66 = arith.constant 144 : i32
    %add3A_67 = arith.addi %add3A_66, %arg1 : i32
    %lt3A_68 = arith.constant 250 : i32
    %lt3A_69 = arith.cmpi slt, %add3A_67, %lt3A_68 : i32
    %convert_element_type3A_70 = arith.extui %lt3A_69 : i1 to i32
    %cond3A_71 = arith.constant 0 : i32
    %cond3A_72 = arith.cmpi ne, %convert_element_type3A_70, %cond3A_71 : i32
    scf.if %cond3A_72 {
      %mul3A_278 = arith.constant 200 : i32
      %mul3A_279 = arith.muli %add3A_67, %mul3A_278 : i32
      %multiple_of3A_280 = tpu.assume_multiple %mul3A_279, 8 : i32
      "tpu.region"() ({
        %run_scoped3A = tpu.sem_alloc : memref<!tpu.dma_semaphore, #tpu.memory_space<semaphore_mem>>
        %dma_start3A_281 = arith.constant 0 : i32
        %dma_start3A_282 = arith.constant 0 : i32
        %dma_start3A_283 = tpu.memref_slice %arg11[%dma_start3A_281, %dma_start3A_282] : memref<256x32xf32, #tpu.memory_space<vmem>> -> memref<200x32xf32, #tpu.memory_space<vmem>>
        %dma_start3A_284 = arith.constant 0 : i32
        %dma_start3A_285 = tpu.memref_slice %arg7[%multiple_of3A_280, %dma_start3A_284] : memref<50000x32xf32, #tpu.memory_space<vmem_shared>> -> memref<200x32xf32, #tpu.memory_space<vmem_shared>>
        %dma_start3A_286 = arith.constant 0 : i32
        %dma_start3A_287 = tpu.memref_slice %arg7[%multiple_of3A_280, %dma_start3A_286] : memref<50000x32xf32, #tpu.memory_space<vmem_shared>> -> memref<200x32xf32, #tpu.memory_space<vmem_shared>>
        %dma_start3A_288 = arith.constant 0 : i32
        %dma_start3A_289 = arith.constant 0 : i32
        %dma_start3A_290 = tpu.memref_slice %arg11[%dma_start3A_288, %dma_start3A_289] : memref<256x32xf32, #tpu.memory_space<vmem>> -> memref<200x32xf32, #tpu.memory_space<vmem>>
        tpu.enqueue_dma source(%dma_start3A_290 : memref<200x32xf32, #tpu.memory_space<vmem>>) target(%dma_start3A_287 : memref<200x32xf32, #tpu.memory_space<vmem_shared>>) target_semaphore(%run_scoped3A : memref<!tpu.dma_semaphore, #tpu.memory_space<semaphore_mem>>)
        %dma_wait3A = arith.constant 0 : i32
        %dma_wait3A_291 = arith.constant 0 : i32
        %dma_wait3A_292 = tpu.memref_slice %arg11[%dma_wait3A, %dma_wait3A_291] : memref<256x32xf32, #tpu.memory_space<vmem>> -> memref<200x32xf32, #tpu.memory_space<vmem>>
        %dma_wait3A_293 = arith.constant 0 : i32
        %dma_wait3A_294 = tpu.memref_slice %arg7[%multiple_of3A_280, %dma_wait3A_293] : memref<50000x32xf32, #tpu.memory_space<vmem_shared>> -> memref<200x32xf32, #tpu.memory_space<vmem_shared>>
        %dma_wait3A_295 = arith.constant 0 : i32
        %dma_wait3A_296 = tpu.memref_slice %arg7[%multiple_of3A_280, %dma_wait3A_295] : memref<50000x32xf32, #tpu.memory_space<vmem_shared>> -> memref<200x32xf32, #tpu.memory_space<vmem_shared>>
        %dma_wait3A_297 = arith.constant 0 : i32
        %dma_wait3A_298 = arith.constant 0 : i32
        %dma_wait3A_299 = tpu.memref_slice %arg11[%dma_wait3A_297, %dma_wait3A_298] : memref<256x32xf32, #tpu.memory_space<vmem>> -> memref<200x32xf32, #tpu.memory_space<vmem>>
        tpu.wait_dma2 semaphore(%run_scoped3A : memref<!tpu.dma_semaphore, #tpu.memory_space<semaphore_mem>>) src(%dma_wait3A_299 : memref<200x32xf32, #tpu.memory_space<vmem>>) dst(%dma_wait3A_296 : memref<200x32xf32, #tpu.memory_space<vmem_shared>>)
        tpu.yield
      }) : () -> ()
    } else {
    }
    %add3A_73 = arith.constant 160 : i32
    %add3A_74 = arith.addi %add3A_73, %arg1 : i32
    %lt3A_75 = arith.constant 250 : i32
    %lt3A_76 = arith.cmpi slt, %add3A_74, %lt3A_75 : i32
    %convert_element_type3A_77 = arith.extui %lt3A_76 : i1 to i32
    %cond3A_78 = arith.constant 0 : i32
    %cond3A_79 = arith.cmpi ne, %convert_element_type3A_77, %cond3A_78 : i32
    scf.if %cond3A_79 {
      %mul3A_278 = arith.constant 200 : i32
      %mul3A_279 = arith.muli %add3A_74, %mul3A_278 : i32
      %multiple_of3A_280 = tpu.assume_multiple %mul3A_279, 8 : i32
      "tpu.region"() ({
        %run_scoped3A = tpu.sem_alloc : memref<!tpu.dma_semaphore, #tpu.memory_space<semaphore_mem>>
        %dma_start3A_281 = arith.constant 0 : i32
        %dma_start3A_282 = arith.constant 0 : i32
        %dma_start3A_283 = tpu.memref_slice %arg11[%dma_start3A_281, %dma_start3A_282] : memref<256x32xf32, #tpu.memory_space<vmem>> -> memref<200x32xf32, #tpu.memory_space<vmem>>
        %dma_start3A_284 = arith.constant 0 : i32
        %dma_start3A_285 = tpu.memref_slice %arg7[%multiple_of3A_280, %dma_start3A_284] : memref<50000x32xf32, #tpu.memory_space<vmem_shared>> -> memref<200x32xf32, #tpu.memory_space<vmem_shared>>
        %dma_start3A_286 = arith.constant 0 : i32
        %dma_start3A_287 = tpu.memref_slice %arg7[%multiple_of3A_280, %dma_start3A_286] : memref<50000x32xf32, #tpu.memory_space<vmem_shared>> -> memref<200x32xf32, #tpu.memory_space<vmem_shared>>
        %dma_start3A_288 = arith.constant 0 : i32
        %dma_start3A_289 = arith.constant 0 : i32
        %dma_start3A_290 = tpu.memref_slice %arg11[%dma_start3A_288, %dma_start3A_289] : memref<256x32xf32, #tpu.memory_space<vmem>> -> memref<200x32xf32, #tpu.memory_space<vmem>>
        tpu.enqueue_dma source(%dma_start3A_290 : memref<200x32xf32, #tpu.memory_space<vmem>>) target(%dma_start3A_287 : memref<200x32xf32, #tpu.memory_space<vmem_shared>>) target_semaphore(%run_scoped3A : memref<!tpu.dma_semaphore, #tpu.memory_space<semaphore_mem>>)
        %dma_wait3A = arith.constant 0 : i32
        %dma_wait3A_291 = arith.constant 0 : i32
        %dma_wait3A_292 = tpu.memref_slice %arg11[%dma_wait3A, %dma_wait3A_291] : memref<256x32xf32, #tpu.memory_space<vmem>> -> memref<200x32xf32, #tpu.memory_space<vmem>>
        %dma_wait3A_293 = arith.constant 0 : i32
        %dma_wait3A_294 = tpu.memref_slice %arg7[%multiple_of3A_280, %dma_wait3A_293] : memref<50000x32xf32, #tpu.memory_space<vmem_shared>> -> memref<200x32xf32, #tpu.memory_space<vmem_shared>>
        %dma_wait3A_295 = arith.constant 0 : i32
        %dma_wait3A_296 = tpu.memref_slice %arg7[%multiple_of3A_280, %dma_wait3A_295] : memref<50000x32xf32, #tpu.memory_space<vmem_shared>> -> memref<200x32xf32, #tpu.memory_space<vmem_shared>>
        %dma_wait3A_297 = arith.constant 0 : i32
        %dma_wait3A_298 = arith.constant 0 : i32
        %dma_wait3A_299 = tpu.memref_slice %arg11[%dma_wait3A_297, %dma_wait3A_298] : memref<256x32xf32, #tpu.memory_space<vmem>> -> memref<200x32xf32, #tpu.memory_space<vmem>>
        tpu.wait_dma2 semaphore(%run_scoped3A : memref<!tpu.dma_semaphore, #tpu.memory_space<semaphore_mem>>) src(%dma_wait3A_299 : memref<200x32xf32, #tpu.memory_space<vmem>>) dst(%dma_wait3A_296 : memref<200x32xf32, #tpu.memory_space<vmem_shared>>)
        tpu.yield
      }) : () -> ()
    } else {
    }
    %add3A_80 = arith.constant 176 : i32
    %add3A_81 = arith.addi %add3A_80, %arg1 : i32
    %lt3A_82 = arith.constant 250 : i32
    %lt3A_83 = arith.cmpi slt, %add3A_81, %lt3A_82 : i32
    %convert_element_type3A_84 = arith.extui %lt3A_83 : i1 to i32
    %cond3A_85 = arith.constant 0 : i32
    %cond3A_86 = arith.cmpi ne, %convert_element_type3A_84, %cond3A_85 : i32
    scf.if %cond3A_86 {
      %mul3A_278 = arith.constant 200 : i32
      %mul3A_279 = arith.muli %add3A_81, %mul3A_278 : i32
      %multiple_of3A_280 = tpu.assume_multiple %mul3A_279, 8 : i32
      "tpu.region"() ({
        %run_scoped3A = tpu.sem_alloc : memref<!tpu.dma_semaphore, #tpu.memory_space<semaphore_mem>>
        %dma_start3A_281 = arith.constant 0 : i32
        %dma_start3A_282 = arith.constant 0 : i32
        %dma_start3A_283 = tpu.memref_slice %arg11[%dma_start3A_281, %dma_start3A_282] : memref<256x32xf32, #tpu.memory_space<vmem>> -> memref<200x32xf32, #tpu.memory_space<vmem>>
        %dma_start3A_284 = arith.constant 0 : i32
        %dma_start3A_285 = tpu.memref_slice %arg7[%multiple_of3A_280, %dma_start3A_284] : memref<50000x32xf32, #tpu.memory_space<vmem_shared>> -> memref<200x32xf32, #tpu.memory_space<vmem_shared>>
        %dma_start3A_286 = arith.constant 0 : i32
        %dma_start3A_287 = tpu.memref_slice %arg7[%multiple_of3A_280, %dma_start3A_286] : memref<50000x32xf32, #tpu.memory_space<vmem_shared>> -> memref<200x32xf32, #tpu.memory_space<vmem_shared>>
        %dma_start3A_288 = arith.constant 0 : i32
        %dma_start3A_289 = arith.constant 0 : i32
        %dma_start3A_290 = tpu.memref_slice %arg11[%dma_start3A_288, %dma_start3A_289] : memref<256x32xf32, #tpu.memory_space<vmem>> -> memref<200x32xf32, #tpu.memory_space<vmem>>
        tpu.enqueue_dma source(%dma_start3A_290 : memref<200x32xf32, #tpu.memory_space<vmem>>) target(%dma_start3A_287 : memref<200x32xf32, #tpu.memory_space<vmem_shared>>) target_semaphore(%run_scoped3A : memref<!tpu.dma_semaphore, #tpu.memory_space<semaphore_mem>>)
        %dma_wait3A = arith.constant 0 : i32
        %dma_wait3A_291 = arith.constant 0 : i32
        %dma_wait3A_292 = tpu.memref_slice %arg11[%dma_wait3A, %dma_wait3A_291] : memref<256x32xf32, #tpu.memory_space<vmem>> -> memref<200x32xf32, #tpu.memory_space<vmem>>
        %dma_wait3A_293 = arith.constant 0 : i32
        %dma_wait3A_294 = tpu.memref_slice %arg7[%multiple_of3A_280, %dma_wait3A_293] : memref<50000x32xf32, #tpu.memory_space<vmem_shared>> -> memref<200x32xf32, #tpu.memory_space<vmem_shared>>
        %dma_wait3A_295 = arith.constant 0 : i32
        %dma_wait3A_296 = tpu.memref_slice %arg7[%multiple_of3A_280, %dma_wait3A_295] : memref<50000x32xf32, #tpu.memory_space<vmem_shared>> -> memref<200x32xf32, #tpu.memory_space<vmem_shared>>
        %dma_wait3A_297 = arith.constant 0 : i32
        %dma_wait3A_298 = arith.constant 0 : i32
        %dma_wait3A_299 = tpu.memref_slice %arg11[%dma_wait3A_297, %dma_wait3A_298] : memref<256x32xf32, #tpu.memory_space<vmem>> -> memref<200x32xf32, #tpu.memory_space<vmem>>
        tpu.wait_dma2 semaphore(%run_scoped3A : memref<!tpu.dma_semaphore, #tpu.memory_space<semaphore_mem>>) src(%dma_wait3A_299 : memref<200x32xf32, #tpu.memory_space<vmem>>) dst(%dma_wait3A_296 : memref<200x32xf32, #tpu.memory_space<vmem_shared>>)
        tpu.yield
      }) : () -> ()
    } else {
    }
    %add3A_87 = arith.constant 192 : i32
    %add3A_88 = arith.addi %add3A_87, %arg1 : i32
    %lt3A_89 = arith.constant 250 : i32
    %lt3A_90 = arith.cmpi slt, %add3A_88, %lt3A_89 : i32
    %convert_element_type3A_91 = arith.extui %lt3A_90 : i1 to i32
    %cond3A_92 = arith.constant 0 : i32
    %cond3A_93 = arith.cmpi ne, %convert_element_type3A_91, %cond3A_92 : i32
    scf.if %cond3A_93 {
      %mul3A_278 = arith.constant 200 : i32
      %mul3A_279 = arith.muli %add3A_88, %mul3A_278 : i32
      %multiple_of3A_280 = tpu.assume_multiple %mul3A_279, 8 : i32
      "tpu.region"() ({
        %run_scoped3A = tpu.sem_alloc : memref<!tpu.dma_semaphore, #tpu.memory_space<semaphore_mem>>
        %dma_start3A_281 = arith.constant 0 : i32
        %dma_start3A_282 = arith.constant 0 : i32
        %dma_start3A_283 = tpu.memref_slice %arg11[%dma_start3A_281, %dma_start3A_282] : memref<256x32xf32, #tpu.memory_space<vmem>> -> memref<200x32xf32, #tpu.memory_space<vmem>>
        %dma_start3A_284 = arith.constant 0 : i32
        %dma_start3A_285 = tpu.memref_slice %arg7[%multiple_of3A_280, %dma_start3A_284] : memref<50000x32xf32, #tpu.memory_space<vmem_shared>> -> memref<200x32xf32, #tpu.memory_space<vmem_shared>>
        %dma_start3A_286 = arith.constant 0 : i32
        %dma_start3A_287 = tpu.memref_slice %arg7[%multiple_of3A_280, %dma_start3A_286] : memref<50000x32xf32, #tpu.memory_space<vmem_shared>> -> memref<200x32xf32, #tpu.memory_space<vmem_shared>>
        %dma_start3A_288 = arith.constant 0 : i32
        %dma_start3A_289 = arith.constant 0 : i32
        %dma_start3A_290 = tpu.memref_slice %arg11[%dma_start3A_288, %dma_start3A_289] : memref<256x32xf32, #tpu.memory_space<vmem>> -> memref<200x32xf32, #tpu.memory_space<vmem>>
        tpu.enqueue_dma source(%dma_start3A_290 : memref<200x32xf32, #tpu.memory_space<vmem>>) target(%dma_start3A_287 : memref<200x32xf32, #tpu.memory_space<vmem_shared>>) target_semaphore(%run_scoped3A : memref<!tpu.dma_semaphore, #tpu.memory_space<semaphore_mem>>)
        %dma_wait3A = arith.constant 0 : i32
        %dma_wait3A_291 = arith.constant 0 : i32
        %dma_wait3A_292 = tpu.memref_slice %arg11[%dma_wait3A, %dma_wait3A_291] : memref<256x32xf32, #tpu.memory_space<vmem>> -> memref<200x32xf32, #tpu.memory_space<vmem>>
        %dma_wait3A_293 = arith.constant 0 : i32
        %dma_wait3A_294 = tpu.memref_slice %arg7[%multiple_of3A_280, %dma_wait3A_293] : memref<50000x32xf32, #tpu.memory_space<vmem_shared>> -> memref<200x32xf32, #tpu.memory_space<vmem_shared>>
        %dma_wait3A_295 = arith.constant 0 : i32
        %dma_wait3A_296 = tpu.memref_slice %arg7[%multiple_of3A_280, %dma_wait3A_295] : memref<50000x32xf32, #tpu.memory_space<vmem_shared>> -> memref<200x32xf32, #tpu.memory_space<vmem_shared>>
        %dma_wait3A_297 = arith.constant 0 : i32
        %dma_wait3A_298 = arith.constant 0 : i32
        %dma_wait3A_299 = tpu.memref_slice %arg11[%dma_wait3A_297, %dma_wait3A_298] : memref<256x32xf32, #tpu.memory_space<vmem>> -> memref<200x32xf32, #tpu.memory_space<vmem>>
        tpu.wait_dma2 semaphore(%run_scoped3A : memref<!tpu.dma_semaphore, #tpu.memory_space<semaphore_mem>>) src(%dma_wait3A_299 : memref<200x32xf32, #tpu.memory_space<vmem>>) dst(%dma_wait3A_296 : memref<200x32xf32, #tpu.memory_space<vmem_shared>>)
        tpu.yield
      }) : () -> ()
    } else {
    }
    %add3A_94 = arith.constant 208 : i32
    %add3A_95 = arith.addi %add3A_94, %arg1 : i32
    %lt3A_96 = arith.constant 250 : i32
    %lt3A_97 = arith.cmpi slt, %add3A_95, %lt3A_96 : i32
    %convert_element_type3A_98 = arith.extui %lt3A_97 : i1 to i32
    %cond3A_99 = arith.constant 0 : i32
    %cond3A_100 = arith.cmpi ne, %convert_element_type3A_98, %cond3A_99 : i32
    scf.if %cond3A_100 {
      %mul3A_278 = arith.constant 200 : i32
      %mul3A_279 = arith.muli %add3A_95, %mul3A_278 : i32
      %multiple_of3A_280 = tpu.assume_multiple %mul3A_279, 8 : i32
      "tpu.region"() ({
        %run_scoped3A = tpu.sem_alloc : memref<!tpu.dma_semaphore, #tpu.memory_space<semaphore_mem>>
        %dma_start3A_281 = arith.constant 0 : i32
        %dma_start3A_282 = arith.constant 0 : i32
        %dma_start3A_283 = tpu.memref_slice %arg11[%dma_start3A_281, %dma_start3A_282] : memref<256x32xf32, #tpu.memory_space<vmem>> -> memref<200x32xf32, #tpu.memory_space<vmem>>
        %dma_start3A_284 = arith.constant 0 : i32
        %dma_start3A_285 = tpu.memref_slice %arg7[%multiple_of3A_280, %dma_start3A_284] : memref<50000x32xf32, #tpu.memory_space<vmem_shared>> -> memref<200x32xf32, #tpu.memory_space<vmem_shared>>
        %dma_start3A_286 = arith.constant 0 : i32
        %dma_start3A_287 = tpu.memref_slice %arg7[%multiple_of3A_280, %dma_start3A_286] : memref<50000x32xf32, #tpu.memory_space<vmem_shared>> -> memref<200x32xf32, #tpu.memory_space<vmem_shared>>
        %dma_start3A_288 = arith.constant 0 : i32
        %dma_start3A_289 = arith.constant 0 : i32
        %dma_start3A_290 = tpu.memref_slice %arg11[%dma_start3A_288, %dma_start3A_289] : memref<256x32xf32, #tpu.memory_space<vmem>> -> memref<200x32xf32, #tpu.memory_space<vmem>>
        tpu.enqueue_dma source(%dma_start3A_290 : memref<200x32xf32, #tpu.memory_space<vmem>>) target(%dma_start3A_287 : memref<200x32xf32, #tpu.memory_space<vmem_shared>>) target_semaphore(%run_scoped3A : memref<!tpu.dma_semaphore, #tpu.memory_space<semaphore_mem>>)
        %dma_wait3A = arith.constant 0 : i32
        %dma_wait3A_291 = arith.constant 0 : i32
        %dma_wait3A_292 = tpu.memref_slice %arg11[%dma_wait3A, %dma_wait3A_291] : memref<256x32xf32, #tpu.memory_space<vmem>> -> memref<200x32xf32, #tpu.memory_space<vmem>>
        %dma_wait3A_293 = arith.constant 0 : i32
        %dma_wait3A_294 = tpu.memref_slice %arg7[%multiple_of3A_280, %dma_wait3A_293] : memref<50000x32xf32, #tpu.memory_space<vmem_shared>> -> memref<200x32xf32, #tpu.memory_space<vmem_shared>>
        %dma_wait3A_295 = arith.constant 0 : i32
        %dma_wait3A_296 = tpu.memref_slice %arg7[%multiple_of3A_280, %dma_wait3A_295] : memref<50000x32xf32, #tpu.memory_space<vmem_shared>> -> memref<200x32xf32, #tpu.memory_space<vmem_shared>>
        %dma_wait3A_297 = arith.constant 0 : i32
        %dma_wait3A_298 = arith.constant 0 : i32
        %dma_wait3A_299 = tpu.memref_slice %arg11[%dma_wait3A_297, %dma_wait3A_298] : memref<256x32xf32, #tpu.memory_space<vmem>> -> memref<200x32xf32, #tpu.memory_space<vmem>>
        tpu.wait_dma2 semaphore(%run_scoped3A : memref<!tpu.dma_semaphore, #tpu.memory_space<semaphore_mem>>) src(%dma_wait3A_299 : memref<200x32xf32, #tpu.memory_space<vmem>>) dst(%dma_wait3A_296 : memref<200x32xf32, #tpu.memory_space<vmem_shared>>)
        tpu.yield
      }) : () -> ()
    } else {
    }
    %add3A_101 = arith.constant 224 : i32
    %add3A_102 = arith.addi %add3A_101, %arg1 : i32
    %lt3A_103 = arith.constant 250 : i32
    %lt3A_104 = arith.cmpi slt, %add3A_102, %lt3A_103 : i32
    %convert_element_type3A_105 = arith.extui %lt3A_104 : i1 to i32
    %cond3A_106 = arith.constant 0 : i32
    %cond3A_107 = arith.cmpi ne, %convert_element_type3A_105, %cond3A_106 : i32
    scf.if %cond3A_107 {
      %mul3A_278 = arith.constant 200 : i32
      %mul3A_279 = arith.muli %add3A_102, %mul3A_278 : i32
      %multiple_of3A_280 = tpu.assume_multiple %mul3A_279, 8 : i32
      "tpu.region"() ({
        %run_scoped3A = tpu.sem_alloc : memref<!tpu.dma_semaphore, #tpu.memory_space<semaphore_mem>>
        %dma_start3A_281 = arith.constant 0 : i32
        %dma_start3A_282 = arith.constant 0 : i32
        %dma_start3A_283 = tpu.memref_slice %arg11[%dma_start3A_281, %dma_start3A_282] : memref<256x32xf32, #tpu.memory_space<vmem>> -> memref<200x32xf32, #tpu.memory_space<vmem>>
        %dma_start3A_284 = arith.constant 0 : i32
        %dma_start3A_285 = tpu.memref_slice %arg7[%multiple_of3A_280, %dma_start3A_284] : memref<50000x32xf32, #tpu.memory_space<vmem_shared>> -> memref<200x32xf32, #tpu.memory_space<vmem_shared>>
        %dma_start3A_286 = arith.constant 0 : i32
        %dma_start3A_287 = tpu.memref_slice %arg7[%multiple_of3A_280, %dma_start3A_286] : memref<50000x32xf32, #tpu.memory_space<vmem_shared>> -> memref<200x32xf32, #tpu.memory_space<vmem_shared>>
        %dma_start3A_288 = arith.constant 0 : i32
        %dma_start3A_289 = arith.constant 0 : i32
        %dma_start3A_290 = tpu.memref_slice %arg11[%dma_start3A_288, %dma_start3A_289] : memref<256x32xf32, #tpu.memory_space<vmem>> -> memref<200x32xf32, #tpu.memory_space<vmem>>
        tpu.enqueue_dma source(%dma_start3A_290 : memref<200x32xf32, #tpu.memory_space<vmem>>) target(%dma_start3A_287 : memref<200x32xf32, #tpu.memory_space<vmem_shared>>) target_semaphore(%run_scoped3A : memref<!tpu.dma_semaphore, #tpu.memory_space<semaphore_mem>>)
        %dma_wait3A = arith.constant 0 : i32
        %dma_wait3A_291 = arith.constant 0 : i32
        %dma_wait3A_292 = tpu.memref_slice %arg11[%dma_wait3A, %dma_wait3A_291] : memref<256x32xf32, #tpu.memory_space<vmem>> -> memref<200x32xf32, #tpu.memory_space<vmem>>
        %dma_wait3A_293 = arith.constant 0 : i32
        %dma_wait3A_294 = tpu.memref_slice %arg7[%multiple_of3A_280, %dma_wait3A_293] : memref<50000x32xf32, #tpu.memory_space<vmem_shared>> -> memref<200x32xf32, #tpu.memory_space<vmem_shared>>
        %dma_wait3A_295 = arith.constant 0 : i32
        %dma_wait3A_296 = tpu.memref_slice %arg7[%multiple_of3A_280, %dma_wait3A_295] : memref<50000x32xf32, #tpu.memory_space<vmem_shared>> -> memref<200x32xf32, #tpu.memory_space<vmem_shared>>
        %dma_wait3A_297 = arith.constant 0 : i32
        %dma_wait3A_298 = arith.constant 0 : i32
        %dma_wait3A_299 = tpu.memref_slice %arg11[%dma_wait3A_297, %dma_wait3A_298] : memref<256x32xf32, #tpu.memory_space<vmem>> -> memref<200x32xf32, #tpu.memory_space<vmem>>
        tpu.wait_dma2 semaphore(%run_scoped3A : memref<!tpu.dma_semaphore, #tpu.memory_space<semaphore_mem>>) src(%dma_wait3A_299 : memref<200x32xf32, #tpu.memory_space<vmem>>) dst(%dma_wait3A_296 : memref<200x32xf32, #tpu.memory_space<vmem_shared>>)
        tpu.yield
      }) : () -> ()
    } else {
    }
    %add3A_108 = arith.constant 240 : i32
    %add3A_109 = arith.addi %add3A_108, %arg1 : i32
    %lt3A_110 = arith.constant 250 : i32
    %lt3A_111 = arith.cmpi slt, %add3A_109, %lt3A_110 : i32
    %convert_element_type3A_112 = arith.extui %lt3A_111 : i1 to i32
    %cond3A_113 = arith.constant 0 : i32
    %cond3A_114 = arith.cmpi ne, %convert_element_type3A_112, %cond3A_113 : i32
    scf.if %cond3A_114 {
      %mul3A_278 = arith.constant 200 : i32
      %mul3A_279 = arith.muli %add3A_109, %mul3A_278 : i32
      %multiple_of3A_280 = tpu.assume_multiple %mul3A_279, 8 : i32
      "tpu.region"() ({
        %run_scoped3A = tpu.sem_alloc : memref<!tpu.dma_semaphore, #tpu.memory_space<semaphore_mem>>
        %dma_start3A_281 = arith.constant 0 : i32
        %dma_start3A_282 = arith.constant 0 : i32
        %dma_start3A_283 = tpu.memref_slice %arg11[%dma_start3A_281, %dma_start3A_282] : memref<256x32xf32, #tpu.memory_space<vmem>> -> memref<200x32xf32, #tpu.memory_space<vmem>>
        %dma_start3A_284 = arith.constant 0 : i32
        %dma_start3A_285 = tpu.memref_slice %arg7[%multiple_of3A_280, %dma_start3A_284] : memref<50000x32xf32, #tpu.memory_space<vmem_shared>> -> memref<200x32xf32, #tpu.memory_space<vmem_shared>>
        %dma_start3A_286 = arith.constant 0 : i32
        %dma_start3A_287 = tpu.memref_slice %arg7[%multiple_of3A_280, %dma_start3A_286] : memref<50000x32xf32, #tpu.memory_space<vmem_shared>> -> memref<200x32xf32, #tpu.memory_space<vmem_shared>>
        %dma_start3A_288 = arith.constant 0 : i32
        %dma_start3A_289 = arith.constant 0 : i32
        %dma_start3A_290 = tpu.memref_slice %arg11[%dma_start3A_288, %dma_start3A_289] : memref<256x32xf32, #tpu.memory_space<vmem>> -> memref<200x32xf32, #tpu.memory_space<vmem>>
        tpu.enqueue_dma source(%dma_start3A_290 : memref<200x32xf32, #tpu.memory_space<vmem>>) target(%dma_start3A_287 : memref<200x32xf32, #tpu.memory_space<vmem_shared>>) target_semaphore(%run_scoped3A : memref<!tpu.dma_semaphore, #tpu.memory_space<semaphore_mem>>)
        %dma_wait3A = arith.constant 0 : i32
        %dma_wait3A_291 = arith.constant 0 : i32
        %dma_wait3A_292 = tpu.memref_slice %arg11[%dma_wait3A, %dma_wait3A_291] : memref<256x32xf32, #tpu.memory_space<vmem>> -> memref<200x32xf32, #tpu.memory_space<vmem>>
        %dma_wait3A_293 = arith.constant 0 : i32
        %dma_wait3A_294 = tpu.memref_slice %arg7[%multiple_of3A_280, %dma_wait3A_293] : memref<50000x32xf32, #tpu.memory_space<vmem_shared>> -> memref<200x32xf32, #tpu.memory_space<vmem_shared>>
        %dma_wait3A_295 = arith.constant 0 : i32
        %dma_wait3A_296 = tpu.memref_slice %arg7[%multiple_of3A_280, %dma_wait3A_295] : memref<50000x32xf32, #tpu.memory_space<vmem_shared>> -> memref<200x32xf32, #tpu.memory_space<vmem_shared>>
        %dma_wait3A_297 = arith.constant 0 : i32
        %dma_wait3A_298 = arith.constant 0 : i32
        %dma_wait3A_299 = tpu.memref_slice %arg11[%dma_wait3A_297, %dma_wait3A_298] : memref<256x32xf32, #tpu.memory_space<vmem>> -> memref<200x32xf32, #tpu.memory_space<vmem>>
        tpu.wait_dma2 semaphore(%run_scoped3A : memref<!tpu.dma_semaphore, #tpu.memory_space<semaphore_mem>>) src(%dma_wait3A_299 : memref<200x32xf32, #tpu.memory_space<vmem>>) dst(%dma_wait3A_296 : memref<200x32xf32, #tpu.memory_space<vmem_shared>>)
        tpu.yield
      }) : () -> ()
    } else {
    }
    %barrier3A = arith.constant 0 : index
    tpu.barrier barrier_id(%barrier3A)
    %mul3A_115 = arith.constant 50176 : i32
    %mul3A_116 = arith.muli %add3A, %mul3A_115 : i32
    %add3A_117 = arith.constant 0 : i32
    %add3A_118 = arith.addi %mul3A_116, %add3A_117 : i32
    %multiple_of3A = tpu.assume_multiple %add3A_118, 256 : i32
    %mul3A_119 = arith.constant 50176 : i32
    %mul3A_120 = arith.muli %add3A, %mul3A_119 : i32
    %add3A_121 = arith.constant 0 : i32
    %add3A_122 = arith.addi %mul3A_120, %add3A_121 : i32
    %jit3A = arith.constant 128 : i32
    %div3A = arith.divsi %add3A_122, %jit3A : i32
    %sign3A = arith.constant 0 : i32
    %sign3A_123 = arith.cmpi sgt, %add3A_122, %sign3A : i32
    %sign3A_124 = arith.extui %sign3A_123 : i1 to i32
    %sign3A_125 = arith.constant 0 : i32
    %sign3A_126 = arith.cmpi slt, %add3A_122, %sign3A_125 : i32
    %sign3A_127 = arith.extui %sign3A_126 : i1 to i32
    %sign3A_128 = arith.subi %sign3A_124, %sign3A_127 : i32
    %sign3A_129 = arith.constant 0 : i32
    %sign3A_130 = arith.cmpi sgt, %jit3A, %sign3A_129 : i32
    %sign3A_131 = arith.extui %sign3A_130 : i1 to i32
    %sign3A_132 = arith.constant 0 : i32
    %sign3A_133 = arith.cmpi slt, %jit3A, %sign3A_132 : i32
    %sign3A_134 = arith.extui %sign3A_133 : i1 to i32
    %sign3A_135 = arith.subi %sign3A_131, %sign3A_134 : i32
    %ne3A = arith.cmpi ne, %sign3A_128, %sign3A_135 : i32
    %rem3A = arith.remsi %add3A_122, %jit3A : i32
    %ne3A_136 = arith.constant 0 : i32
    %ne3A_137 = arith.cmpi ne, %rem3A, %ne3A_136 : i32
    %and3A = arith.andi %ne3A, %ne3A_137 : i1
    %sub3A = arith.constant 1 : i32
    %sub3A_138 = arith.subi %div3A, %sub3A : i32
    %select_n3A = arith.select %and3A, %sub3A_138, %div3A : i32
    %multiple_of3A_139 = tpu.assume_multiple %select_n3A, 2 : i32
    "tpu.region"() ({
      %run_scoped3A = tpu.sem_alloc : memref<!tpu.dma_semaphore, #tpu.memory_space<semaphore_mem>>
      %dma_start3A_278 = arith.constant 0 : i32
      %dma_start3A_279 = tpu.memref_slice %arg3[%multiple_of3A_139, %dma_start3A_278] : memref<12544x128xi32, #tpu.memory_space<hbm>> -> memref<2x128xi32, #tpu.memory_space<hbm>>
      %dma_start3A_280 = arith.constant 0 : i32
      %dma_start3A_281 = tpu.memref_slice %arg3[%multiple_of3A_139, %dma_start3A_280] : memref<12544x128xi32, #tpu.memory_space<hbm>> -> memref<2x128xi32, #tpu.memory_space<hbm>>
      tpu.enqueue_dma source(%dma_start3A_281 : memref<2x128xi32, #tpu.memory_space<hbm>>) target(%arg8 : memref<2x128xi32, #tpu.memory_space<vmem>>) target_semaphore(%run_scoped3A : memref<!tpu.dma_semaphore, #tpu.memory_space<semaphore_mem>>)
      %dma_wait3A = arith.constant 0 : i32
      %dma_wait3A_282 = tpu.memref_slice %arg3[%multiple_of3A_139, %dma_wait3A] : memref<12544x128xi32, #tpu.memory_space<hbm>> -> memref<2x128xi32, #tpu.memory_space<hbm>>
      %dma_wait3A_283 = arith.constant 0 : i32
      %dma_wait3A_284 = tpu.memref_slice %arg3[%multiple_of3A_139, %dma_wait3A_283] : memref<12544x128xi32, #tpu.memory_space<hbm>> -> memref<2x128xi32, #tpu.memory_space<hbm>>
      tpu.wait_dma2 semaphore(%run_scoped3A : memref<!tpu.dma_semaphore, #tpu.memory_space<semaphore_mem>>) src(%dma_wait3A_284 : memref<2x128xi32, #tpu.memory_space<hbm>>) dst(%arg8 : memref<2x128xi32, #tpu.memory_space<vmem>>)
      tpu.yield
    }) : () -> ()
    "tpu.region"() ({
      %run_scoped3A = tpu.sem_alloc : memref<!tpu.dma_semaphore, #tpu.memory_space<semaphore_mem>>
      %dma_start3A_278 = arith.constant 0 : i32
      %dma_start3A_279 = tpu.memref_slice %arg4[%multiple_of3A_139, %dma_start3A_278] : memref<12544x128xi32, #tpu.memory_space<hbm>> -> memref<2x128xi32, #tpu.memory_space<hbm>>
      %dma_start3A_280 = arith.constant 0 : i32
      %dma_start3A_281 = tpu.memref_slice %arg4[%multiple_of3A_139, %dma_start3A_280] : memref<12544x128xi32, #tpu.memory_space<hbm>> -> memref<2x128xi32, #tpu.memory_space<hbm>>
      tpu.enqueue_dma source(%dma_start3A_281 : memref<2x128xi32, #tpu.memory_space<hbm>>) target(%arg9 : memref<2x128xi32, #tpu.memory_space<vmem>>) target_semaphore(%run_scoped3A : memref<!tpu.dma_semaphore, #tpu.memory_space<semaphore_mem>>)
      %dma_wait3A = arith.constant 0 : i32
      %dma_wait3A_282 = tpu.memref_slice %arg4[%multiple_of3A_139, %dma_wait3A] : memref<12544x128xi32, #tpu.memory_space<hbm>> -> memref<2x128xi32, #tpu.memory_space<hbm>>
      %dma_wait3A_283 = arith.constant 0 : i32
      %dma_wait3A_284 = tpu.memref_slice %arg4[%multiple_of3A_139, %dma_wait3A_283] : memref<12544x128xi32, #tpu.memory_space<hbm>> -> memref<2x128xi32, #tpu.memory_space<hbm>>
      tpu.wait_dma2 semaphore(%run_scoped3A : memref<!tpu.dma_semaphore, #tpu.memory_space<semaphore_mem>>) src(%dma_wait3A_284 : memref<2x128xi32, #tpu.memory_space<hbm>>) dst(%arg9 : memref<2x128xi32, #tpu.memory_space<vmem>>)
      tpu.yield
    }) : () -> ()
    "tpu.region"() ({
      %run_scoped3A = tpu.sem_alloc : memref<!tpu.dma_semaphore, #tpu.memory_space<semaphore_mem>>
      %dma_start3A_278 = tpu.memref_slice %arg5[%multiple_of3A] : memref<1605632xf32, #tpu.memory_space<hbm>> -> memref<256xf32, #tpu.memory_space<hbm>>
      %dma_start3A_279 = tpu.memref_slice %arg5[%multiple_of3A] : memref<1605632xf32, #tpu.memory_space<hbm>> -> memref<256xf32, #tpu.memory_space<hbm>>
      tpu.enqueue_dma source(%dma_start3A_279 : memref<256xf32, #tpu.memory_space<hbm>>) target(%arg10 : memref<256xf32, #tpu.memory_space<vmem>>) target_semaphore(%run_scoped3A : memref<!tpu.dma_semaphore, #tpu.memory_space<semaphore_mem>>)
      %dma_wait3A = tpu.memref_slice %arg5[%multiple_of3A] : memref<1605632xf32, #tpu.memory_space<hbm>> -> memref<256xf32, #tpu.memory_space<hbm>>
      %dma_wait3A_280 = tpu.memref_slice %arg5[%multiple_of3A] : memref<1605632xf32, #tpu.memory_space<hbm>> -> memref<256xf32, #tpu.memory_space<hbm>>
      tpu.wait_dma2 semaphore(%run_scoped3A : memref<!tpu.dma_semaphore, #tpu.memory_space<semaphore_mem>>) src(%dma_wait3A_280 : memref<256xf32, #tpu.memory_space<hbm>>) dst(%arg10 : memref<256xf32, #tpu.memory_space<vmem>>)
      tpu.yield
    }) : () -> ()
    %dma_start3A = arith.constant 0 : i32
    %dma_start3A_140 = arith.constant 0 : i32
    %dma_start3A_141 = arith.constant 0 : i32
    %dma_start3A_142 = tpu.memref_slice %arg11[%dma_start3A_140, %dma_start3A_141] : memref<256x32xf32, #tpu.memory_space<vmem>> -> memref<128x32xf32, #tpu.memory_space<vmem>>
    %dma_start3A_143 = arith.constant 0 : i32
    %dma_start3A_144 = tpu.memref_slice %arg8[%dma_start3A, %dma_start3A_143] : memref<2x128xi32, #tpu.memory_space<vmem>> -> memref<1x128xi32, #tpu.memory_space<vmem>>
    %dma_start3A_145 = tpu.memref_squeeze %dma_start3A_144 : memref<1x128xi32, #tpu.memory_space<vmem>> -> memref<128xi32, #tpu.memory_space<vmem>>
    %dma_start3A_146 = arith.constant 0 : i32
    %dma_start3A_147 = arith.constant 0 : i32
    %dma_start3A_148 = tpu.memref_slice %arg2[%dma_start3A_146, %dma_start3A_147] : memref<40064x32xf32, #tpu.memory_space<hbm>> -> memref<40064x32xf32, #tpu.memory_space<hbm>>
    tpu.enqueue_indirect_dma source(%dma_start3A_148 : memref<40064x32xf32, #tpu.memory_space<hbm>>) target(%dma_start3A_142 : memref<128x32xf32, #tpu.memory_space<vmem>>) offsets(%dma_start3A_145 : memref<128xi32, #tpu.memory_space<vmem>>) semaphore(%arg16 : memref<!tpu.dma_semaphore, #tpu.memory_space<semaphore_mem>>)
    %dma_start3A_149 = arith.constant 1 : i32
    %dma_start3A_150 = arith.constant 128 : i32
    %dma_start3A_151 = arith.constant 0 : i32
    %dma_start3A_152 = tpu.memref_slice %arg11[%dma_start3A_150, %dma_start3A_151] : memref<256x32xf32, #tpu.memory_space<vmem>> -> memref<128x32xf32, #tpu.memory_space<vmem>>
    %dma_start3A_153 = arith.constant 0 : i32
    %dma_start3A_154 = tpu.memref_slice %arg8[%dma_start3A_149, %dma_start3A_153] : memref<2x128xi32, #tpu.memory_space<vmem>> -> memref<1x128xi32, #tpu.memory_space<vmem>>
    %dma_start3A_155 = tpu.memref_squeeze %dma_start3A_154 : memref<1x128xi32, #tpu.memory_space<vmem>> -> memref<128xi32, #tpu.memory_space<vmem>>
    %dma_start3A_156 = arith.constant 0 : i32
    %dma_start3A_157 = arith.constant 0 : i32
    %dma_start3A_158 = tpu.memref_slice %arg2[%dma_start3A_156, %dma_start3A_157] : memref<40064x32xf32, #tpu.memory_space<hbm>> -> memref<40064x32xf32, #tpu.memory_space<hbm>>
    tpu.enqueue_indirect_dma source(%dma_start3A_158 : memref<40064x32xf32, #tpu.memory_space<hbm>>) target(%dma_start3A_152 : memref<128x32xf32, #tpu.memory_space<vmem>>) offsets(%dma_start3A_155 : memref<128xi32, #tpu.memory_space<vmem>>) semaphore(%arg16 : memref<!tpu.dma_semaphore, #tpu.memory_space<semaphore_mem>>)
    %scan3A_159 = arith.constant 0 : i32
    %scan3A_160 = arith.constant 0 : i32
    %scan3A_161 = arith.constant 98 : i32
    %scan3A_162 = arith.addi %scan3A_160, %scan3A_161 : i32
    %scan3A_163 = arith.constant 1 : i32
    scf.for %scan3A_278 = %scan3A_160 to %scan3A_162 step %scan3A_163  : i32 {
      %mul3A_279 = arith.constant 2 : i32
      %mul3A_280 = arith.muli %mul3A_279, %scan3A_278 : i32
      %add3A_281 = arith.constant 1 : i32
      %add3A_282 = arith.addi %mul3A_280, %add3A_281 : i32
      %mul3A_283 = arith.constant 50176 : i32
      %mul3A_284 = arith.muli %add3A, %mul3A_283 : i32
      %mul3A_285 = arith.constant 256 : i32
      %mul3A_286 = arith.muli %add3A_282, %mul3A_285 : i32
      %add3A_287 = arith.addi %mul3A_284, %mul3A_286 : i32
      %multiple_of3A_288 = tpu.assume_multiple %add3A_287, 256 : i32
      %mul3A_289 = arith.constant 50176 : i32
      %mul3A_290 = arith.muli %add3A, %mul3A_289 : i32
      %mul3A_291 = arith.constant 256 : i32
      %mul3A_292 = arith.muli %add3A_282, %mul3A_291 : i32
      %add3A_293 = arith.addi %mul3A_290, %mul3A_292 : i32
      %jit3A_294 = arith.constant 128 : i32
      %div3A_295 = arith.divsi %add3A_293, %jit3A_294 : i32
      %sign3A_296 = arith.constant 0 : i32
      %sign3A_297 = arith.cmpi sgt, %add3A_293, %sign3A_296 : i32
      %sign3A_298 = arith.extui %sign3A_297 : i1 to i32
      %sign3A_299 = arith.constant 0 : i32
      %sign3A_300 = arith.cmpi slt, %add3A_293, %sign3A_299 : i32
      %sign3A_301 = arith.extui %sign3A_300 : i1 to i32
      %sign3A_302 = arith.subi %sign3A_298, %sign3A_301 : i32
      %sign3A_303 = arith.constant 0 : i32
      %sign3A_304 = arith.cmpi sgt, %jit3A_294, %sign3A_303 : i32
      %sign3A_305 = arith.extui %sign3A_304 : i1 to i32
      %sign3A_306 = arith.constant 0 : i32
      %sign3A_307 = arith.cmpi slt, %jit3A_294, %sign3A_306 : i32
      %sign3A_308 = arith.extui %sign3A_307 : i1 to i32
      %sign3A_309 = arith.subi %sign3A_305, %sign3A_308 : i32
      %ne3A_310 = arith.cmpi ne, %sign3A_302, %sign3A_309 : i32
      %rem3A_311 = arith.remsi %add3A_293, %jit3A_294 : i32
      %ne3A_312 = arith.constant 0 : i32
      %ne3A_313 = arith.cmpi ne, %rem3A_311, %ne3A_312 : i32
      %and3A_314 = arith.andi %ne3A_310, %ne3A_313 : i1
      %sub3A_315 = arith.constant 1 : i32
      %sub3A_316 = arith.subi %div3A_295, %sub3A_315 : i32
      %select_n3A_317 = arith.select %and3A_314, %sub3A_316, %div3A_295 : i32
      %multiple_of3A_318 = tpu.assume_multiple %select_n3A_317, 2 : i32
      "tpu.region"() ({
        %run_scoped3A = tpu.sem_alloc : memref<!tpu.dma_semaphore, #tpu.memory_space<semaphore_mem>>
        %dma_start3A_477 = arith.constant 0 : i32
        %dma_start3A_478 = tpu.memref_slice %arg3[%multiple_of3A_318, %dma_start3A_477] : memref<12544x128xi32, #tpu.memory_space<hbm>> -> memref<2x128xi32, #tpu.memory_space<hbm>>
        %dma_start3A_479 = arith.constant 0 : i32
        %dma_start3A_480 = tpu.memref_slice %arg3[%multiple_of3A_318, %dma_start3A_479] : memref<12544x128xi32, #tpu.memory_space<hbm>> -> memref<2x128xi32, #tpu.memory_space<hbm>>
        tpu.enqueue_dma source(%dma_start3A_480 : memref<2x128xi32, #tpu.memory_space<hbm>>) target(%arg12 : memref<2x128xi32, #tpu.memory_space<vmem>>) target_semaphore(%run_scoped3A : memref<!tpu.dma_semaphore, #tpu.memory_space<semaphore_mem>>)
        %dma_wait3A_481 = arith.constant 0 : i32
        %dma_wait3A_482 = tpu.memref_slice %arg3[%multiple_of3A_318, %dma_wait3A_481] : memref<12544x128xi32, #tpu.memory_space<hbm>> -> memref<2x128xi32, #tpu.memory_space<hbm>>
        %dma_wait3A_483 = arith.constant 0 : i32
        %dma_wait3A_484 = tpu.memref_slice %arg3[%multiple_of3A_318, %dma_wait3A_483] : memref<12544x128xi32, #tpu.memory_space<hbm>> -> memref<2x128xi32, #tpu.memory_space<hbm>>
        tpu.wait_dma2 semaphore(%run_scoped3A : memref<!tpu.dma_semaphore, #tpu.memory_space<semaphore_mem>>) src(%dma_wait3A_484 : memref<2x128xi32, #tpu.memory_space<hbm>>) dst(%arg12 : memref<2x128xi32, #tpu.memory_space<vmem>>)
        tpu.yield
      }) : () -> ()
      "tpu.region"() ({
        %run_scoped3A = tpu.sem_alloc : memref<!tpu.dma_semaphore, #tpu.memory_space<semaphore_mem>>
        %dma_start3A_477 = arith.constant 0 : i32
        %dma_start3A_478 = tpu.memref_slice %arg4[%multiple_of3A_318, %dma_start3A_477] : memref<12544x128xi32, #tpu.memory_space<hbm>> -> memref<2x128xi32, #tpu.memory_space<hbm>>
        %dma_start3A_479 = arith.constant 0 : i32
        %dma_start3A_480 = tpu.memref_slice %arg4[%multiple_of3A_318, %dma_start3A_479] : memref<12544x128xi32, #tpu.memory_space<hbm>> -> memref<2x128xi32, #tpu.memory_space<hbm>>
        tpu.enqueue_dma source(%dma_start3A_480 : memref<2x128xi32, #tpu.memory_space<hbm>>) target(%arg13 : memref<2x128xi32, #tpu.memory_space<vmem>>) target_semaphore(%run_scoped3A : memref<!tpu.dma_semaphore, #tpu.memory_space<semaphore_mem>>)
        %dma_wait3A_481 = arith.constant 0 : i32
        %dma_wait3A_482 = tpu.memref_slice %arg4[%multiple_of3A_318, %dma_wait3A_481] : memref<12544x128xi32, #tpu.memory_space<hbm>> -> memref<2x128xi32, #tpu.memory_space<hbm>>
        %dma_wait3A_483 = arith.constant 0 : i32
        %dma_wait3A_484 = tpu.memref_slice %arg4[%multiple_of3A_318, %dma_wait3A_483] : memref<12544x128xi32, #tpu.memory_space<hbm>> -> memref<2x128xi32, #tpu.memory_space<hbm>>
        tpu.wait_dma2 semaphore(%run_scoped3A : memref<!tpu.dma_semaphore, #tpu.memory_space<semaphore_mem>>) src(%dma_wait3A_484 : memref<2x128xi32, #tpu.memory_space<hbm>>) dst(%arg13 : memref<2x128xi32, #tpu.memory_space<vmem>>)
        tpu.yield
      }) : () -> ()
      "tpu.region"() ({
        %run_scoped3A = tpu.sem_alloc : memref<!tpu.dma_semaphore, #tpu.memory_space<semaphore_mem>>
        %dma_start3A_477 = tpu.memref_slice %arg5[%multiple_of3A_288] : memref<1605632xf32, #tpu.memory_space<hbm>> -> memref<256xf32, #tpu.memory_space<hbm>>
        %dma_start3A_478 = tpu.memref_slice %arg5[%multiple_of3A_288] : memref<1605632xf32, #tpu.memory_space<hbm>> -> memref<256xf32, #tpu.memory_space<hbm>>
        tpu.enqueue_dma source(%dma_start3A_478 : memref<256xf32, #tpu.memory_space<hbm>>) target(%arg14 : memref<256xf32, #tpu.memory_space<vmem>>) target_semaphore(%run_scoped3A : memref<!tpu.dma_semaphore, #tpu.memory_space<semaphore_mem>>)
        %dma_wait3A_479 = tpu.memref_slice %arg5[%multiple_of3A_288] : memref<1605632xf32, #tpu.memory_space<hbm>> -> memref<256xf32, #tpu.memory_space<hbm>>
        %dma_wait3A_480 = tpu.memref_slice %arg5[%multiple_of3A_288] : memref<1605632xf32, #tpu.memory_space<hbm>> -> memref<256xf32, #tpu.memory_space<hbm>>
        tpu.wait_dma2 semaphore(%run_scoped3A : memref<!tpu.dma_semaphore, #tpu.memory_space<semaphore_mem>>) src(%dma_wait3A_480 : memref<256xf32, #tpu.memory_space<hbm>>) dst(%arg14 : memref<256xf32, #tpu.memory_space<vmem>>)
        tpu.yield
      }) : () -> ()
      %dma_start3A_319 = arith.constant 0 : i32
      %dma_start3A_320 = arith.constant 0 : i32
      %dma_start3A_321 = arith.constant 0 : i32
      %dma_start3A_322 = tpu.memref_slice %arg15[%dma_start3A_320, %dma_start3A_321] : memref<256x32xf32, #tpu.memory_space<vmem>> -> memref<128x32xf32, #tpu.memory_space<vmem>>
      %dma_start3A_323 = arith.constant 0 : i32
      %dma_start3A_324 = tpu.memref_slice %arg12[%dma_start3A_319, %dma_start3A_323] : memref<2x128xi32, #tpu.memory_space<vmem>> -> memref<1x128xi32, #tpu.memory_space<vmem>>
      %dma_start3A_325 = tpu.memref_squeeze %dma_start3A_324 : memref<1x128xi32, #tpu.memory_space<vmem>> -> memref<128xi32, #tpu.memory_space<vmem>>
      %dma_start3A_326 = arith.constant 0 : i32
      %dma_start3A_327 = arith.constant 0 : i32
      %dma_start3A_328 = tpu.memref_slice %arg2[%dma_start3A_326, %dma_start3A_327] : memref<40064x32xf32, #tpu.memory_space<hbm>> -> memref<40064x32xf32, #tpu.memory_space<hbm>>
      tpu.enqueue_indirect_dma source(%dma_start3A_328 : memref<40064x32xf32, #tpu.memory_space<hbm>>) target(%dma_start3A_322 : memref<128x32xf32, #tpu.memory_space<vmem>>) offsets(%dma_start3A_325 : memref<128xi32, #tpu.memory_space<vmem>>) semaphore(%arg17 : memref<!tpu.dma_semaphore, #tpu.memory_space<semaphore_mem>>)
      %dma_start3A_329 = arith.constant 1 : i32
      %dma_start3A_330 = arith.constant 128 : i32
      %dma_start3A_331 = arith.constant 0 : i32
      %dma_start3A_332 = tpu.memref_slice %arg15[%dma_start3A_330, %dma_start3A_331] : memref<256x32xf32, #tpu.memory_space<vmem>> -> memref<128x32xf32, #tpu.memory_space<vmem>>
      %dma_start3A_333 = arith.constant 0 : i32
      %dma_start3A_334 = tpu.memref_slice %arg12[%dma_start3A_329, %dma_start3A_333] : memref<2x128xi32, #tpu.memory_space<vmem>> -> memref<1x128xi32, #tpu.memory_space<vmem>>
      %dma_start3A_335 = tpu.memref_squeeze %dma_start3A_334 : memref<1x128xi32, #tpu.memory_space<vmem>> -> memref<128xi32, #tpu.memory_space<vmem>>
      %dma_start3A_336 = arith.constant 0 : i32
      %dma_start3A_337 = arith.constant 0 : i32
      %dma_start3A_338 = tpu.memref_slice %arg2[%dma_start3A_336, %dma_start3A_337] : memref<40064x32xf32, #tpu.memory_space<hbm>> -> memref<40064x32xf32, #tpu.memory_space<hbm>>
      tpu.enqueue_indirect_dma source(%dma_start3A_338 : memref<40064x32xf32, #tpu.memory_space<hbm>>) target(%dma_start3A_332 : memref<128x32xf32, #tpu.memory_space<vmem>>) offsets(%dma_start3A_335 : memref<128xi32, #tpu.memory_space<vmem>>) semaphore(%arg17 : memref<!tpu.dma_semaphore, #tpu.memory_space<semaphore_mem>>)
      %dma_wait3A = arith.constant 0 : i32
      %dma_wait3A_339 = arith.constant 0 : i32
      %dma_wait3A_340 = arith.constant 0 : i32
      %dma_wait3A_341 = tpu.memref_slice %arg11[%dma_wait3A_339, %dma_wait3A_340] : memref<256x32xf32, #tpu.memory_space<vmem>> -> memref<128x32xf32, #tpu.memory_space<vmem>>
      %dma_wait3A_342 = arith.constant 0 : i32
      %dma_wait3A_343 = tpu.memref_slice %arg8[%dma_wait3A, %dma_wait3A_342] : memref<2x128xi32, #tpu.memory_space<vmem>> -> memref<1x128xi32, #tpu.memory_space<vmem>>
      %dma_wait3A_344 = tpu.memref_squeeze %dma_wait3A_343 : memref<1x128xi32, #tpu.memory_space<vmem>> -> memref<128xi32, #tpu.memory_space<vmem>>
      %dma_wait3A_345 = arith.constant 0 : i32
      %dma_wait3A_346 = arith.constant 0 : i32
      %dma_wait3A_347 = tpu.memref_slice %arg2[%dma_wait3A_345, %dma_wait3A_346] : memref<40064x32xf32, #tpu.memory_space<hbm>> -> memref<40064x32xf32, #tpu.memory_space<hbm>>
      tpu.wait_indirect_dma semaphore(%arg16 : memref<!tpu.dma_semaphore, #tpu.memory_space<semaphore_mem>>) src(%dma_wait3A_347 : memref<40064x32xf32, #tpu.memory_space<hbm>>) dst(%dma_wait3A_341 : memref<128x32xf32, #tpu.memory_space<vmem>>)
      %dma_wait3A_348 = arith.constant 1 : i32
      %dma_wait3A_349 = arith.constant 128 : i32
      %dma_wait3A_350 = arith.constant 0 : i32
      %dma_wait3A_351 = tpu.memref_slice %arg11[%dma_wait3A_349, %dma_wait3A_350] : memref<256x32xf32, #tpu.memory_space<vmem>> -> memref<128x32xf32, #tpu.memory_space<vmem>>
      %dma_wait3A_352 = arith.constant 0 : i32
      %dma_wait3A_353 = tpu.memref_slice %arg8[%dma_wait3A_348, %dma_wait3A_352] : memref<2x128xi32, #tpu.memory_space<vmem>> -> memref<1x128xi32, #tpu.memory_space<vmem>>
      %dma_wait3A_354 = tpu.memref_squeeze %dma_wait3A_353 : memref<1x128xi32, #tpu.memory_space<vmem>> -> memref<128xi32, #tpu.memory_space<vmem>>
      %dma_wait3A_355 = arith.constant 0 : i32
      %dma_wait3A_356 = arith.constant 0 : i32
      %dma_wait3A_357 = tpu.memref_slice %arg2[%dma_wait3A_355, %dma_wait3A_356] : memref<40064x32xf32, #tpu.memory_space<hbm>> -> memref<40064x32xf32, #tpu.memory_space<hbm>>
      tpu.wait_indirect_dma semaphore(%arg16 : memref<!tpu.dma_semaphore, #tpu.memory_space<semaphore_mem>>) src(%dma_wait3A_357 : memref<40064x32xf32, #tpu.memory_space<hbm>>) dst(%dma_wait3A_351 : memref<128x32xf32, #tpu.memory_space<vmem>>)
      %scan3A_358 = arith.constant 0 : i32
      %scan3A_359 = arith.constant 0 : i32
      %scan3A_360 = arith.constant 16 : i32
      %scan3A_361 = arith.addi %scan3A_359, %scan3A_360 : i32
      %scan3A_362 = arith.constant 1 : i32
      scf.for %scan3A_477 = %scan3A_359 to %scan3A_361 step %scan3A_362  : i32 {
        %mul3A_478 = arith.constant 16 : i32
        %mul3A_479 = arith.muli %scan3A_477, %mul3A_478 : i32
        %add3A_480 = arith.constant 0 : i32
        %add3A_481 = arith.addi %mul3A_479, %add3A_480 : i32
        %broadcast_in_dim3A = vector.broadcast %add3A_481 : i32 to vector<16xi32>
        %gather3A = tpu.vector_load_idx %arg10[%broadcast_in_dim3A] : memref<256xf32, #tpu.memory_space<vmem>>[vector<16xi32>], vector<16xf32>,
        %add3A_482 = arith.constant 0 : i32
        %add3A_483 = arith.addi %mul3A_479, %add3A_482 : i32
        %get3A = arith.index_cast %add3A_483 : i32 to index
        %get3A_484 = arith.constant 0 : index
        %get3A_485 = tpu.vector_load %arg11[%get3A, %get3A_484] {strides = array<i32>} : memref<256x32xf32, #tpu.memory_space<vmem>>, vector<16xf32>,
        %mul3A_486 = arith.mulf %get3A_485, %gather3A : vector<16xf32>
        %add3A_487 = arith.constant 0 : i32
        %add3A_488 = arith.addi %mul3A_479, %add3A_487 : i32
        %swap3A = arith.index_cast %add3A_488 : i32 to index
        %swap3A_489 = arith.constant 0 : index
        %swap3A_490 = tpu.vector_load %arg11[%swap3A, %swap3A_489] {strides = array<i32>} : memref<256x32xf32, #tpu.memory_space<vmem>>, vector<16xf32>,
        tpu.vector_store %arg11[%swap3A, %swap3A_489], %mul3A_486 {strides = array<i32>} : memref<256x32xf32, #tpu.memory_space<vmem>>, vector<16xf32>,
        %add3A_491 = arith.constant 0 : i32
        %add3A_492 = arith.addi %mul3A_479, %add3A_491 : i32
        %get3A_493 = arith.index_cast %add3A_492 : i32 to index
        %get3A_494 = arith.constant 16 : index
        %get3A_495 = tpu.vector_load %arg11[%get3A_493, %get3A_494] {strides = array<i32>} : memref<256x32xf32, #tpu.memory_space<vmem>>, vector<16xf32>,
        %mul3A_496 = arith.mulf %get3A_495, %gather3A : vector<16xf32>
        %add3A_497 = arith.constant 0 : i32
        %add3A_498 = arith.addi %mul3A_479, %add3A_497 : i32
        %swap3A_499 = arith.index_cast %add3A_498 : i32 to index
        %swap3A_500 = arith.constant 16 : index
        %swap3A_501 = tpu.vector_load %arg11[%swap3A_499, %swap3A_500] {strides = array<i32>} : memref<256x32xf32, #tpu.memory_space<vmem>>, vector<16xf32>,
        tpu.vector_store %arg11[%swap3A_499, %swap3A_500], %mul3A_496 {strides = array<i32>} : memref<256x32xf32, #tpu.memory_space<vmem>>, vector<16xf32>,
        %add3A_502 = arith.constant 1 : i32
        %add3A_503 = arith.addi %mul3A_479, %add3A_502 : i32
        %broadcast_in_dim3A_504 = vector.broadcast %add3A_503 : i32 to vector<16xi32>
        %gather3A_505 = tpu.vector_load_idx %arg10[%broadcast_in_dim3A_504] : memref<256xf32, #tpu.memory_space<vmem>>[vector<16xi32>], vector<16xf32>,
        %add3A_506 = arith.constant 1 : i32
        %add3A_507 = arith.addi %mul3A_479, %add3A_506 : i32
        %get3A_508 = arith.index_cast %add3A_507 : i32 to index
        %get3A_509 = arith.constant 0 : index
        %get3A_510 = tpu.vector_load %arg11[%get3A_508, %get3A_509] {strides = array<i32>} : memref<256x32xf32, #tpu.memory_space<vmem>>, vector<16xf32>,
        %mul3A_511 = arith.mulf %get3A_510, %gather3A_505 : vector<16xf32>
        %add3A_512 = arith.constant 1 : i32
        %add3A_513 = arith.addi %mul3A_479, %add3A_512 : i32
        %swap3A_514 = arith.index_cast %add3A_513 : i32 to index
        %swap3A_515 = arith.constant 0 : index
        %swap3A_516 = tpu.vector_load %arg11[%swap3A_514, %swap3A_515] {strides = array<i32>} : memref<256x32xf32, #tpu.memory_space<vmem>>, vector<16xf32>,
        tpu.vector_store %arg11[%swap3A_514, %swap3A_515], %mul3A_511 {strides = array<i32>} : memref<256x32xf32, #tpu.memory_space<vmem>>, vector<16xf32>,
        %add3A_517 = arith.constant 1 : i32
        %add3A_518 = arith.addi %mul3A_479, %add3A_517 : i32
        %get3A_519 = arith.index_cast %add3A_518 : i32 to index
        %get3A_520 = arith.constant 16 : index
        %get3A_521 = tpu.vector_load %arg11[%get3A_519, %get3A_520] {strides = array<i32>} : memref<256x32xf32, #tpu.memory_space<vmem>>, vector<16xf32>,
        %mul3A_522 = arith.mulf %get3A_521, %gather3A_505 : vector<16xf32>
        %add3A_523 = arith.constant 1 : i32
        %add3A_524 = arith.addi %mul3A_479, %add3A_523 : i32
        %swap3A_525 = arith.index_cast %add3A_524 : i32 to index
        %swap3A_526 = arith.constant 16 : index
        %swap3A_527 = tpu.vector_load %arg11[%swap3A_525, %swap3A_526] {strides = array<i32>} : memref<256x32xf32, #tpu.memory_space<vmem>>, vector<16xf32>,
        tpu.vector_store %arg11[%swap3A_525, %swap3A_526], %mul3A_522 {strides = array<i32>} : memref<256x32xf32, #tpu.memory_space<vmem>>, vector<16xf32>,
        %add3A_528 = arith.constant 2 : i32
        %add3A_529 = arith.addi %mul3A_479, %add3A_528 : i32
        %broadcast_in_dim3A_530 = vector.broadcast %add3A_529 : i32 to vector<16xi32>
        %gather3A_531 = tpu.vector_load_idx %arg10[%broadcast_in_dim3A_530] : memref<256xf32, #tpu.memory_space<vmem>>[vector<16xi32>], vector<16xf32>,
        %add3A_532 = arith.constant 2 : i32
        %add3A_533 = arith.addi %mul3A_479, %add3A_532 : i32
        %get3A_534 = arith.index_cast %add3A_533 : i32 to index
        %get3A_535 = arith.constant 0 : index
        %get3A_536 = tpu.vector_load %arg11[%get3A_534, %get3A_535] {strides = array<i32>} : memref<256x32xf32, #tpu.memory_space<vmem>>, vector<16xf32>,
        %mul3A_537 = arith.mulf %get3A_536, %gather3A_531 : vector<16xf32>
        %add3A_538 = arith.constant 2 : i32
        %add3A_539 = arith.addi %mul3A_479, %add3A_538 : i32
        %swap3A_540 = arith.index_cast %add3A_539 : i32 to index
        %swap3A_541 = arith.constant 0 : index
        %swap3A_542 = tpu.vector_load %arg11[%swap3A_540, %swap3A_541] {strides = array<i32>} : memref<256x32xf32, #tpu.memory_space<vmem>>, vector<16xf32>,
        tpu.vector_store %arg11[%swap3A_540, %swap3A_541], %mul3A_537 {strides = array<i32>} : memref<256x32xf32, #tpu.memory_space<vmem>>, vector<16xf32>,
        %add3A_543 = arith.constant 2 : i32
        %add3A_544 = arith.addi %mul3A_479, %add3A_543 : i32
        %get3A_545 = arith.index_cast %add3A_544 : i32 to index
        %get3A_546 = arith.constant 16 : index
        %get3A_547 = tpu.vector_load %arg11[%get3A_545, %get3A_546] {strides = array<i32>} : memref<256x32xf32, #tpu.memory_space<vmem>>, vector<16xf32>,
        %mul3A_548 = arith.mulf %get3A_547, %gather3A_531 : vector<16xf32>
        %add3A_549 = arith.constant 2 : i32
        %add3A_550 = arith.addi %mul3A_479, %add3A_549 : i32
        %swap3A_551 = arith.index_cast %add3A_550 : i32 to index
        %swap3A_552 = arith.constant 16 : index
        %swap3A_553 = tpu.vector_load %arg11[%swap3A_551, %swap3A_552] {strides = array<i32>} : memref<256x32xf32, #tpu.memory_space<vmem>>, vector<16xf32>,
        tpu.vector_store %arg11[%swap3A_551, %swap3A_552], %mul3A_548 {strides = array<i32>} : memref<256x32xf32, #tpu.memory_space<vmem>>, vector<16xf32>,
        %add3A_554 = arith.constant 3 : i32
        %add3A_555 = arith.addi %mul3A_479, %add3A_554 : i32
        %broadcast_in_dim3A_556 = vector.broadcast %add3A_555 : i32 to vector<16xi32>
        %gather3A_557 = tpu.vector_load_idx %arg10[%broadcast_in_dim3A_556] : memref<256xf32, #tpu.memory_space<vmem>>[vector<16xi32>], vector<16xf32>,
        %add3A_558 = arith.constant 3 : i32
        %add3A_559 = arith.addi %mul3A_479, %add3A_558 : i32
        %get3A_560 = arith.index_cast %add3A_559 : i32 to index
        %get3A_561 = arith.constant 0 : index
        %get3A_562 = tpu.vector_load %arg11[%get3A_560, %get3A_561] {strides = array<i32>} : memref<256x32xf32, #tpu.memory_space<vmem>>, vector<16xf32>,
        %mul3A_563 = arith.mulf %get3A_562, %gather3A_557 : vector<16xf32>
        %add3A_564 = arith.constant 3 : i32
        %add3A_565 = arith.addi %mul3A_479, %add3A_564 : i32
        %swap3A_566 = arith.index_cast %add3A_565 : i32 to index
        %swap3A_567 = arith.constant 0 : index
        %swap3A_568 = tpu.vector_load %arg11[%swap3A_566, %swap3A_567] {strides = array<i32>} : memref<256x32xf32, #tpu.memory_space<vmem>>, vector<16xf32>,
        tpu.vector_store %arg11[%swap3A_566, %swap3A_567], %mul3A_563 {strides = array<i32>} : memref<256x32xf32, #tpu.memory_space<vmem>>, vector<16xf32>,
        %add3A_569 = arith.constant 3 : i32
        %add3A_570 = arith.addi %mul3A_479, %add3A_569 : i32
        %get3A_571 = arith.index_cast %add3A_570 : i32 to index
        %get3A_572 = arith.constant 16 : index
        %get3A_573 = tpu.vector_load %arg11[%get3A_571, %get3A_572] {strides = array<i32>} : memref<256x32xf32, #tpu.memory_space<vmem>>, vector<16xf32>,
        %mul3A_574 = arith.mulf %get3A_573, %gather3A_557 : vector<16xf32>
        %add3A_575 = arith.constant 3 : i32
        %add3A_576 = arith.addi %mul3A_479, %add3A_575 : i32
        %swap3A_577 = arith.index_cast %add3A_576 : i32 to index
        %swap3A_578 = arith.constant 16 : index
        %swap3A_579 = tpu.vector_load %arg11[%swap3A_577, %swap3A_578] {strides = array<i32>} : memref<256x32xf32, #tpu.memory_space<vmem>>, vector<16xf32>,
        tpu.vector_store %arg11[%swap3A_577, %swap3A_578], %mul3A_574 {strides = array<i32>} : memref<256x32xf32, #tpu.memory_space<vmem>>, vector<16xf32>,
        %add3A_580 = arith.constant 4 : i32
        %add3A_581 = arith.addi %mul3A_479, %add3A_580 : i32
        %broadcast_in_dim3A_582 = vector.broadcast %add3A_581 : i32 to vector<16xi32>
        %gather3A_583 = tpu.vector_load_idx %arg10[%broadcast_in_dim3A_582] : memref<256xf32, #tpu.memory_space<vmem>>[vector<16xi32>], vector<16xf32>,
        %add3A_584 = arith.constant 4 : i32
        %add3A_585 = arith.addi %mul3A_479, %add3A_584 : i32
        %get3A_586 = arith.index_cast %add3A_585 : i32 to index
        %get3A_587 = arith.constant 0 : index
        %get3A_588 = tpu.vector_load %arg11[%get3A_586, %get3A_587] {strides = array<i32>} : memref<256x32xf32, #tpu.memory_space<vmem>>, vector<16xf32>,
        %mul3A_589 = arith.mulf %get3A_588, %gather3A_583 : vector<16xf32>
        %add3A_590 = arith.constant 4 : i32
        %add3A_591 = arith.addi %mul3A_479, %add3A_590 : i32
        %swap3A_592 = arith.index_cast %add3A_591 : i32 to index
        %swap3A_593 = arith.constant 0 : index
        %swap3A_594 = tpu.vector_load %arg11[%swap3A_592, %swap3A_593] {strides = array<i32>} : memref<256x32xf32, #tpu.memory_space<vmem>>, vector<16xf32>,
        tpu.vector_store %arg11[%swap3A_592, %swap3A_593], %mul3A_589 {strides = array<i32>} : memref<256x32xf32, #tpu.memory_space<vmem>>, vector<16xf32>,
        %add3A_595 = arith.constant 4 : i32
        %add3A_596 = arith.addi %mul3A_479, %add3A_595 : i32
        %get3A_597 = arith.index_cast %add3A_596 : i32 to index
        %get3A_598 = arith.constant 16 : index
        %get3A_599 = tpu.vector_load %arg11[%get3A_597, %get3A_598] {strides = array<i32>} : memref<256x32xf32, #tpu.memory_space<vmem>>, vector<16xf32>,
        %mul3A_600 = arith.mulf %get3A_599, %gather3A_583 : vector<16xf32>
        %add3A_601 = arith.constant 4 : i32
        %add3A_602 = arith.addi %mul3A_479, %add3A_601 : i32
        %swap3A_603 = arith.index_cast %add3A_602 : i32 to index
        %swap3A_604 = arith.constant 16 : index
        %swap3A_605 = tpu.vector_load %arg11[%swap3A_603, %swap3A_604] {strides = array<i32>} : memref<256x32xf32, #tpu.memory_space<vmem>>, vector<16xf32>,
        tpu.vector_store %arg11[%swap3A_603, %swap3A_604], %mul3A_600 {strides = array<i32>} : memref<256x32xf32, #tpu.memory_space<vmem>>, vector<16xf32>,
        %add3A_606 = arith.constant 5 : i32
        %add3A_607 = arith.addi %mul3A_479, %add3A_606 : i32
        %broadcast_in_dim3A_608 = vector.broadcast %add3A_607 : i32 to vector<16xi32>
        %gather3A_609 = tpu.vector_load_idx %arg10[%broadcast_in_dim3A_608] : memref<256xf32, #tpu.memory_space<vmem>>[vector<16xi32>], vector<16xf32>,
        %add3A_610 = arith.constant 5 : i32
        %add3A_611 = arith.addi %mul3A_479, %add3A_610 : i32
        %get3A_612 = arith.index_cast %add3A_611 : i32 to index
        %get3A_613 = arith.constant 0 : index
        %get3A_614 = tpu.vector_load %arg11[%get3A_612, %get3A_613] {strides = array<i32>} : memref<256x32xf32, #tpu.memory_space<vmem>>, vector<16xf32>,
        %mul3A_615 = arith.mulf %get3A_614, %gather3A_609 : vector<16xf32>
        %add3A_616 = arith.constant 5 : i32
        %add3A_617 = arith.addi %mul3A_479, %add3A_616 : i32
        %swap3A_618 = arith.index_cast %add3A_617 : i32 to index
        %swap3A_619 = arith.constant 0 : index
        %swap3A_620 = tpu.vector_load %arg11[%swap3A_618, %swap3A_619] {strides = array<i32>} : memref<256x32xf32, #tpu.memory_space<vmem>>, vector<16xf32>,
        tpu.vector_store %arg11[%swap3A_618, %swap3A_619], %mul3A_615 {strides = array<i32>} : memref<256x32xf32, #tpu.memory_space<vmem>>, vector<16xf32>,
        %add3A_621 = arith.constant 5 : i32
        %add3A_622 = arith.addi %mul3A_479, %add3A_621 : i32
        %get3A_623 = arith.index_cast %add3A_622 : i32 to index
        %get3A_624 = arith.constant 16 : index
        %get3A_625 = tpu.vector_load %arg11[%get3A_623, %get3A_624] {strides = array<i32>} : memref<256x32xf32, #tpu.memory_space<vmem>>, vector<16xf32>,
        %mul3A_626 = arith.mulf %get3A_625, %gather3A_609 : vector<16xf32>
        %add3A_627 = arith.constant 5 : i32
        %add3A_628 = arith.addi %mul3A_479, %add3A_627 : i32
        %swap3A_629 = arith.index_cast %add3A_628 : i32 to index
        %swap3A_630 = arith.constant 16 : index
        %swap3A_631 = tpu.vector_load %arg11[%swap3A_629, %swap3A_630] {strides = array<i32>} : memref<256x32xf32, #tpu.memory_space<vmem>>, vector<16xf32>,
        tpu.vector_store %arg11[%swap3A_629, %swap3A_630], %mul3A_626 {strides = array<i32>} : memref<256x32xf32, #tpu.memory_space<vmem>>, vector<16xf32>,
        %add3A_632 = arith.constant 6 : i32
        %add3A_633 = arith.addi %mul3A_479, %add3A_632 : i32
        %broadcast_in_dim3A_634 = vector.broadcast %add3A_633 : i32 to vector<16xi32>
        %gather3A_635 = tpu.vector_load_idx %arg10[%broadcast_in_dim3A_634] : memref<256xf32, #tpu.memory_space<vmem>>[vector<16xi32>], vector<16xf32>,
        %add3A_636 = arith.constant 6 : i32
        %add3A_637 = arith.addi %mul3A_479, %add3A_636 : i32
        %get3A_638 = arith.index_cast %add3A_637 : i32 to index
        %get3A_639 = arith.constant 0 : index
        %get3A_640 = tpu.vector_load %arg11[%get3A_638, %get3A_639] {strides = array<i32>} : memref<256x32xf32, #tpu.memory_space<vmem>>, vector<16xf32>,
        %mul3A_641 = arith.mulf %get3A_640, %gather3A_635 : vector<16xf32>
        %add3A_642 = arith.constant 6 : i32
        %add3A_643 = arith.addi %mul3A_479, %add3A_642 : i32
        %swap3A_644 = arith.index_cast %add3A_643 : i32 to index
        %swap3A_645 = arith.constant 0 : index
        %swap3A_646 = tpu.vector_load %arg11[%swap3A_644, %swap3A_645] {strides = array<i32>} : memref<256x32xf32, #tpu.memory_space<vmem>>, vector<16xf32>,
        tpu.vector_store %arg11[%swap3A_644, %swap3A_645], %mul3A_641 {strides = array<i32>} : memref<256x32xf32, #tpu.memory_space<vmem>>, vector<16xf32>,
        %add3A_647 = arith.constant 6 : i32
        %add3A_648 = arith.addi %mul3A_479, %add3A_647 : i32
        %get3A_649 = arith.index_cast %add3A_648 : i32 to index
        %get3A_650 = arith.constant 16 : index
        %get3A_651 = tpu.vector_load %arg11[%get3A_649, %get3A_650] {strides = array<i32>} : memref<256x32xf32, #tpu.memory_space<vmem>>, vector<16xf32>,
        %mul3A_652 = arith.mulf %get3A_651, %gather3A_635 : vector<16xf32>
        %add3A_653 = arith.constant 6 : i32
        %add3A_654 = arith.addi %mul3A_479, %add3A_653 : i32
        %swap3A_655 = arith.index_cast %add3A_654 : i32 to index
        %swap3A_656 = arith.constant 16 : index
        %swap3A_657 = tpu.vector_load %arg11[%swap3A_655, %swap3A_656] {strides = array<i32>} : memref<256x32xf32, #tpu.memory_space<vmem>>, vector<16xf32>,
        tpu.vector_store %arg11[%swap3A_655, %swap3A_656], %mul3A_652 {strides = array<i32>} : memref<256x32xf32, #tpu.memory_space<vmem>>, vector<16xf32>,
        %add3A_658 = arith.constant 7 : i32
        %add3A_659 = arith.addi %mul3A_479, %add3A_658 : i32
        %broadcast_in_dim3A_660 = vector.broadcast %add3A_659 : i32 to vector<16xi32>
        %gather3A_661 = tpu.vector_load_idx %arg10[%broadcast_in_dim3A_660] : memref<256xf32, #tpu.memory_space<vmem>>[vector<16xi32>], vector<16xf32>,
        %add3A_662 = arith.constant 7 : i32
        %add3A_663 = arith.addi %mul3A_479, %add3A_662 : i32
        %get3A_664 = arith.index_cast %add3A_663 : i32 to index
        %get3A_665 = arith.constant 0 : index
        %get3A_666 = tpu.vector_load %arg11[%get3A_664, %get3A_665] {strides = array<i32>} : memref<256x32xf32, #tpu.memory_space<vmem>>, vector<16xf32>,
        %mul3A_667 = arith.mulf %get3A_666, %gather3A_661 : vector<16xf32>
        %add3A_668 = arith.constant 7 : i32
        %add3A_669 = arith.addi %mul3A_479, %add3A_668 : i32
        %swap3A_670 = arith.index_cast %add3A_669 : i32 to index
        %swap3A_671 = arith.constant 0 : index
        %swap3A_672 = tpu.vector_load %arg11[%swap3A_670, %swap3A_671] {strides = array<i32>} : memref<256x32xf32, #tpu.memory_space<vmem>>, vector<16xf32>,
        tpu.vector_store %arg11[%swap3A_670, %swap3A_671], %mul3A_667 {strides = array<i32>} : memref<256x32xf32, #tpu.memory_space<vmem>>, vector<16xf32>,
        %add3A_673 = arith.constant 7 : i32
        %add3A_674 = arith.addi %mul3A_479, %add3A_673 : i32
        %get3A_675 = arith.index_cast %add3A_674 : i32 to index
        %get3A_676 = arith.constant 16 : index
        %get3A_677 = tpu.vector_load %arg11[%get3A_675, %get3A_676] {strides = array<i32>} : memref<256x32xf32, #tpu.memory_space<vmem>>, vector<16xf32>,
        %mul3A_678 = arith.mulf %get3A_677, %gather3A_661 : vector<16xf32>
        %add3A_679 = arith.constant 7 : i32
        %add3A_680 = arith.addi %mul3A_479, %add3A_679 : i32
        %swap3A_681 = arith.index_cast %add3A_680 : i32 to index
        %swap3A_682 = arith.constant 16 : index
        %swap3A_683 = tpu.vector_load %arg11[%swap3A_681, %swap3A_682] {strides = array<i32>} : memref<256x32xf32, #tpu.memory_space<vmem>>, vector<16xf32>,
        tpu.vector_store %arg11[%swap3A_681, %swap3A_682], %mul3A_678 {strides = array<i32>} : memref<256x32xf32, #tpu.memory_space<vmem>>, vector<16xf32>,
        %add3A_684 = arith.constant 8 : i32
        %add3A_685 = arith.addi %mul3A_479, %add3A_684 : i32
        %broadcast_in_dim3A_686 = vector.broadcast %add3A_685 : i32 to vector<16xi32>
        %gather3A_687 = tpu.vector_load_idx %arg10[%broadcast_in_dim3A_686] : memref<256xf32, #tpu.memory_space<vmem>>[vector<16xi32>], vector<16xf32>,
        %add3A_688 = arith.constant 8 : i32
        %add3A_689 = arith.addi %mul3A_479, %add3A_688 : i32
        %get3A_690 = arith.index_cast %add3A_689 : i32 to index
        %get3A_691 = arith.constant 0 : index
        %get3A_692 = tpu.vector_load %arg11[%get3A_690, %get3A_691] {strides = array<i32>} : memref<256x32xf32, #tpu.memory_space<vmem>>, vector<16xf32>,
        %mul3A_693 = arith.mulf %get3A_692, %gather3A_687 : vector<16xf32>
        %add3A_694 = arith.constant 8 : i32
        %add3A_695 = arith.addi %mul3A_479, %add3A_694 : i32
        %swap3A_696 = arith.index_cast %add3A_695 : i32 to index
        %swap3A_697 = arith.constant 0 : index
        %swap3A_698 = tpu.vector_load %arg11[%swap3A_696, %swap3A_697] {strides = array<i32>} : memref<256x32xf32, #tpu.memory_space<vmem>>, vector<16xf32>,
        tpu.vector_store %arg11[%swap3A_696, %swap3A_697], %mul3A_693 {strides = array<i32>} : memref<256x32xf32, #tpu.memory_space<vmem>>, vector<16xf32>,
        %add3A_699 = arith.constant 8 : i32
        %add3A_700 = arith.addi %mul3A_479, %add3A_699 : i32
        %get3A_701 = arith.index_cast %add3A_700 : i32 to index
        %get3A_702 = arith.constant 16 : index
        %get3A_703 = tpu.vector_load %arg11[%get3A_701, %get3A_702] {strides = array<i32>} : memref<256x32xf32, #tpu.memory_space<vmem>>, vector<16xf32>,
        %mul3A_704 = arith.mulf %get3A_703, %gather3A_687 : vector<16xf32>
        %add3A_705 = arith.constant 8 : i32
        %add3A_706 = arith.addi %mul3A_479, %add3A_705 : i32
        %swap3A_707 = arith.index_cast %add3A_706 : i32 to index
        %swap3A_708 = arith.constant 16 : index
        %swap3A_709 = tpu.vector_load %arg11[%swap3A_707, %swap3A_708] {strides = array<i32>} : memref<256x32xf32, #tpu.memory_space<vmem>>, vector<16xf32>,
        tpu.vector_store %arg11[%swap3A_707, %swap3A_708], %mul3A_704 {strides = array<i32>} : memref<256x32xf32, #tpu.memory_space<vmem>>, vector<16xf32>,
        %add3A_710 = arith.constant 9 : i32
        %add3A_711 = arith.addi %mul3A_479, %add3A_710 : i32
        %broadcast_in_dim3A_712 = vector.broadcast %add3A_711 : i32 to vector<16xi32>
        %gather3A_713 = tpu.vector_load_idx %arg10[%broadcast_in_dim3A_712] : memref<256xf32, #tpu.memory_space<vmem>>[vector<16xi32>], vector<16xf32>,
        %add3A_714 = arith.constant 9 : i32
        %add3A_715 = arith.addi %mul3A_479, %add3A_714 : i32
        %get3A_716 = arith.index_cast %add3A_715 : i32 to index
        %get3A_717 = arith.constant 0 : index
        %get3A_718 = tpu.vector_load %arg11[%get3A_716, %get3A_717] {strides = array<i32>} : memref<256x32xf32, #tpu.memory_space<vmem>>, vector<16xf32>,
        %mul3A_719 = arith.mulf %get3A_718, %gather3A_713 : vector<16xf32>
        %add3A_720 = arith.constant 9 : i32
        %add3A_721 = arith.addi %mul3A_479, %add3A_720 : i32
        %swap3A_722 = arith.index_cast %add3A_721 : i32 to index
        %swap3A_723 = arith.constant 0 : index
        %swap3A_724 = tpu.vector_load %arg11[%swap3A_722, %swap3A_723] {strides = array<i32>} : memref<256x32xf32, #tpu.memory_space<vmem>>, vector<16xf32>,
        tpu.vector_store %arg11[%swap3A_722, %swap3A_723], %mul3A_719 {strides = array<i32>} : memref<256x32xf32, #tpu.memory_space<vmem>>, vector<16xf32>,
        %add3A_725 = arith.constant 9 : i32
        %add3A_726 = arith.addi %mul3A_479, %add3A_725 : i32
        %get3A_727 = arith.index_cast %add3A_726 : i32 to index
        %get3A_728 = arith.constant 16 : index
        %get3A_729 = tpu.vector_load %arg11[%get3A_727, %get3A_728] {strides = array<i32>} : memref<256x32xf32, #tpu.memory_space<vmem>>, vector<16xf32>,
        %mul3A_730 = arith.mulf %get3A_729, %gather3A_713 : vector<16xf32>
        %add3A_731 = arith.constant 9 : i32
        %add3A_732 = arith.addi %mul3A_479, %add3A_731 : i32
        %swap3A_733 = arith.index_cast %add3A_732 : i32 to index
        %swap3A_734 = arith.constant 16 : index
        %swap3A_735 = tpu.vector_load %arg11[%swap3A_733, %swap3A_734] {strides = array<i32>} : memref<256x32xf32, #tpu.memory_space<vmem>>, vector<16xf32>,
        tpu.vector_store %arg11[%swap3A_733, %swap3A_734], %mul3A_730 {strides = array<i32>} : memref<256x32xf32, #tpu.memory_space<vmem>>, vector<16xf32>,
        %add3A_736 = arith.constant 10 : i32
        %add3A_737 = arith.addi %mul3A_479, %add3A_736 : i32
        %broadcast_in_dim3A_738 = vector.broadcast %add3A_737 : i32 to vector<16xi32>
        %gather3A_739 = tpu.vector_load_idx %arg10[%broadcast_in_dim3A_738] : memref<256xf32, #tpu.memory_space<vmem>>[vector<16xi32>], vector<16xf32>,
        %add3A_740 = arith.constant 10 : i32
        %add3A_741 = arith.addi %mul3A_479, %add3A_740 : i32
        %get3A_742 = arith.index_cast %add3A_741 : i32 to index
        %get3A_743 = arith.constant 0 : index
        %get3A_744 = tpu.vector_load %arg11[%get3A_742, %get3A_743] {strides = array<i32>} : memref<256x32xf32, #tpu.memory_space<vmem>>, vector<16xf32>,
        %mul3A_745 = arith.mulf %get3A_744, %gather3A_739 : vector<16xf32>
        %add3A_746 = arith.constant 10 : i32
        %add3A_747 = arith.addi %mul3A_479, %add3A_746 : i32
        %swap3A_748 = arith.index_cast %add3A_747 : i32 to index
        %swap3A_749 = arith.constant 0 : index
        %swap3A_750 = tpu.vector_load %arg11[%swap3A_748, %swap3A_749] {strides = array<i32>} : memref<256x32xf32, #tpu.memory_space<vmem>>, vector<16xf32>,
        tpu.vector_store %arg11[%swap3A_748, %swap3A_749], %mul3A_745 {strides = array<i32>} : memref<256x32xf32, #tpu.memory_space<vmem>>, vector<16xf32>,
        %add3A_751 = arith.constant 10 : i32
        %add3A_752 = arith.addi %mul3A_479, %add3A_751 : i32
        %get3A_753 = arith.index_cast %add3A_752 : i32 to index
        %get3A_754 = arith.constant 16 : index
        %get3A_755 = tpu.vector_load %arg11[%get3A_753, %get3A_754] {strides = array<i32>} : memref<256x32xf32, #tpu.memory_space<vmem>>, vector<16xf32>,
        %mul3A_756 = arith.mulf %get3A_755, %gather3A_739 : vector<16xf32>
        %add3A_757 = arith.constant 10 : i32
        %add3A_758 = arith.addi %mul3A_479, %add3A_757 : i32
        %swap3A_759 = arith.index_cast %add3A_758 : i32 to index
        %swap3A_760 = arith.constant 16 : index
        %swap3A_761 = tpu.vector_load %arg11[%swap3A_759, %swap3A_760] {strides = array<i32>} : memref<256x32xf32, #tpu.memory_space<vmem>>, vector<16xf32>,
        tpu.vector_store %arg11[%swap3A_759, %swap3A_760], %mul3A_756 {strides = array<i32>} : memref<256x32xf32, #tpu.memory_space<vmem>>, vector<16xf32>,
        %add3A_762 = arith.constant 11 : i32
        %add3A_763 = arith.addi %mul3A_479, %add3A_762 : i32
        %broadcast_in_dim3A_764 = vector.broadcast %add3A_763 : i32 to vector<16xi32>
        %gather3A_765 = tpu.vector_load_idx %arg10[%broadcast_in_dim3A_764] : memref<256xf32, #tpu.memory_space<vmem>>[vector<16xi32>], vector<16xf32>,
        %add3A_766 = arith.constant 11 : i32
        %add3A_767 = arith.addi %mul3A_479, %add3A_766 : i32
        %get3A_768 = arith.index_cast %add3A_767 : i32 to index
        %get3A_769 = arith.constant 0 : index
        %get3A_770 = tpu.vector_load %arg11[%get3A_768, %get3A_769] {strides = array<i32>} : memref<256x32xf32, #tpu.memory_space<vmem>>, vector<16xf32>,
        %mul3A_771 = arith.mulf %get3A_770, %gather3A_765 : vector<16xf32>
        %add3A_772 = arith.constant 11 : i32
        %add3A_773 = arith.addi %mul3A_479, %add3A_772 : i32
        %swap3A_774 = arith.index_cast %add3A_773 : i32 to index
        %swap3A_775 = arith.constant 0 : index
        %swap3A_776 = tpu.vector_load %arg11[%swap3A_774, %swap3A_775] {strides = array<i32>} : memref<256x32xf32, #tpu.memory_space<vmem>>, vector<16xf32>,
        tpu.vector_store %arg11[%swap3A_774, %swap3A_775], %mul3A_771 {strides = array<i32>} : memref<256x32xf32, #tpu.memory_space<vmem>>, vector<16xf32>,
        %add3A_777 = arith.constant 11 : i32
        %add3A_778 = arith.addi %mul3A_479, %add3A_777 : i32
        %get3A_779 = arith.index_cast %add3A_778 : i32 to index
        %get3A_780 = arith.constant 16 : index
        %get3A_781 = tpu.vector_load %arg11[%get3A_779, %get3A_780] {strides = array<i32>} : memref<256x32xf32, #tpu.memory_space<vmem>>, vector<16xf32>,
        %mul3A_782 = arith.mulf %get3A_781, %gather3A_765 : vector<16xf32>
        %add3A_783 = arith.constant 11 : i32
        %add3A_784 = arith.addi %mul3A_479, %add3A_783 : i32
        %swap3A_785 = arith.index_cast %add3A_784 : i32 to index
        %swap3A_786 = arith.constant 16 : index
        %swap3A_787 = tpu.vector_load %arg11[%swap3A_785, %swap3A_786] {strides = array<i32>} : memref<256x32xf32, #tpu.memory_space<vmem>>, vector<16xf32>,
        tpu.vector_store %arg11[%swap3A_785, %swap3A_786], %mul3A_782 {strides = array<i32>} : memref<256x32xf32, #tpu.memory_space<vmem>>, vector<16xf32>,
        %add3A_788 = arith.constant 12 : i32
        %add3A_789 = arith.addi %mul3A_479, %add3A_788 : i32
        %broadcast_in_dim3A_790 = vector.broadcast %add3A_789 : i32 to vector<16xi32>
        %gather3A_791 = tpu.vector_load_idx %arg10[%broadcast_in_dim3A_790] : memref<256xf32, #tpu.memory_space<vmem>>[vector<16xi32>], vector<16xf32>,
        %add3A_792 = arith.constant 12 : i32
        %add3A_793 = arith.addi %mul3A_479, %add3A_792 : i32
        %get3A_794 = arith.index_cast %add3A_793 : i32 to index
        %get3A_795 = arith.constant 0 : index
        %get3A_796 = tpu.vector_load %arg11[%get3A_794, %get3A_795] {strides = array<i32>} : memref<256x32xf32, #tpu.memory_space<vmem>>, vector<16xf32>,
        %mul3A_797 = arith.mulf %get3A_796, %gather3A_791 : vector<16xf32>
        %add3A_798 = arith.constant 12 : i32
        %add3A_799 = arith.addi %mul3A_479, %add3A_798 : i32
        %swap3A_800 = arith.index_cast %add3A_799 : i32 to index
        %swap3A_801 = arith.constant 0 : index
        %swap3A_802 = tpu.vector_load %arg11[%swap3A_800, %swap3A_801] {strides = array<i32>} : memref<256x32xf32, #tpu.memory_space<vmem>>, vector<16xf32>,
        tpu.vector_store %arg11[%swap3A_800, %swap3A_801], %mul3A_797 {strides = array<i32>} : memref<256x32xf32, #tpu.memory_space<vmem>>, vector<16xf32>,
        %add3A_803 = arith.constant 12 : i32
        %add3A_804 = arith.addi %mul3A_479, %add3A_803 : i32
        %get3A_805 = arith.index_cast %add3A_804 : i32 to index
        %get3A_806 = arith.constant 16 : index
        %get3A_807 = tpu.vector_load %arg11[%get3A_805, %get3A_806] {strides = array<i32>} : memref<256x32xf32, #tpu.memory_space<vmem>>, vector<16xf32>,
        %mul3A_808 = arith.mulf %get3A_807, %gather3A_791 : vector<16xf32>
        %add3A_809 = arith.constant 12 : i32
        %add3A_810 = arith.addi %mul3A_479, %add3A_809 : i32
        %swap3A_811 = arith.index_cast %add3A_810 : i32 to index
        %swap3A_812 = arith.constant 16 : index
        %swap3A_813 = tpu.vector_load %arg11[%swap3A_811, %swap3A_812] {strides = array<i32>} : memref<256x32xf32, #tpu.memory_space<vmem>>, vector<16xf32>,
        tpu.vector_store %arg11[%swap3A_811, %swap3A_812], %mul3A_808 {strides = array<i32>} : memref<256x32xf32, #tpu.memory_space<vmem>>, vector<16xf32>,
        %add3A_814 = arith.constant 13 : i32
        %add3A_815 = arith.addi %mul3A_479, %add3A_814 : i32
        %broadcast_in_dim3A_816 = vector.broadcast %add3A_815 : i32 to vector<16xi32>
        %gather3A_817 = tpu.vector_load_idx %arg10[%broadcast_in_dim3A_816] : memref<256xf32, #tpu.memory_space<vmem>>[vector<16xi32>], vector<16xf32>,
        %add3A_818 = arith.constant 13 : i32
        %add3A_819 = arith.addi %mul3A_479, %add3A_818 : i32
        %get3A_820 = arith.index_cast %add3A_819 : i32 to index
        %get3A_821 = arith.constant 0 : index
        %get3A_822 = tpu.vector_load %arg11[%get3A_820, %get3A_821] {strides = array<i32>} : memref<256x32xf32, #tpu.memory_space<vmem>>, vector<16xf32>,
        %mul3A_823 = arith.mulf %get3A_822, %gather3A_817 : vector<16xf32>
        %add3A_824 = arith.constant 13 : i32
        %add3A_825 = arith.addi %mul3A_479, %add3A_824 : i32
        %swap3A_826 = arith.index_cast %add3A_825 : i32 to index
        %swap3A_827 = arith.constant 0 : index
        %swap3A_828 = tpu.vector_load %arg11[%swap3A_826, %swap3A_827] {strides = array<i32>} : memref<256x32xf32, #tpu.memory_space<vmem>>, vector<16xf32>,
        tpu.vector_store %arg11[%swap3A_826, %swap3A_827], %mul3A_823 {strides = array<i32>} : memref<256x32xf32, #tpu.memory_space<vmem>>, vector<16xf32>,
        %add3A_829 = arith.constant 13 : i32
        %add3A_830 = arith.addi %mul3A_479, %add3A_829 : i32
        %get3A_831 = arith.index_cast %add3A_830 : i32 to index
        %get3A_832 = arith.constant 16 : index
        %get3A_833 = tpu.vector_load %arg11[%get3A_831, %get3A_832] {strides = array<i32>} : memref<256x32xf32, #tpu.memory_space<vmem>>, vector<16xf32>,
        %mul3A_834 = arith.mulf %get3A_833, %gather3A_817 : vector<16xf32>
        %add3A_835 = arith.constant 13 : i32
        %add3A_836 = arith.addi %mul3A_479, %add3A_835 : i32
        %swap3A_837 = arith.index_cast %add3A_836 : i32 to index
        %swap3A_838 = arith.constant 16 : index
        %swap3A_839 = tpu.vector_load %arg11[%swap3A_837, %swap3A_838] {strides = array<i32>} : memref<256x32xf32, #tpu.memory_space<vmem>>, vector<16xf32>,
        tpu.vector_store %arg11[%swap3A_837, %swap3A_838], %mul3A_834 {strides = array<i32>} : memref<256x32xf32, #tpu.memory_space<vmem>>, vector<16xf32>,
        %add3A_840 = arith.constant 14 : i32
        %add3A_841 = arith.addi %mul3A_479, %add3A_840 : i32
        %broadcast_in_dim3A_842 = vector.broadcast %add3A_841 : i32 to vector<16xi32>
        %gather3A_843 = tpu.vector_load_idx %arg10[%broadcast_in_dim3A_842] : memref<256xf32, #tpu.memory_space<vmem>>[vector<16xi32>], vector<16xf32>,
        %add3A_844 = arith.constant 14 : i32
        %add3A_845 = arith.addi %mul3A_479, %add3A_844 : i32
        %get3A_846 = arith.index_cast %add3A_845 : i32 to index
        %get3A_847 = arith.constant 0 : index
        %get3A_848 = tpu.vector_load %arg11[%get3A_846, %get3A_847] {strides = array<i32>} : memref<256x32xf32, #tpu.memory_space<vmem>>, vector<16xf32>,
        %mul3A_849 = arith.mulf %get3A_848, %gather3A_843 : vector<16xf32>
        %add3A_850 = arith.constant 14 : i32
        %add3A_851 = arith.addi %mul3A_479, %add3A_850 : i32
        %swap3A_852 = arith.index_cast %add3A_851 : i32 to index
        %swap3A_853 = arith.constant 0 : index
        %swap3A_854 = tpu.vector_load %arg11[%swap3A_852, %swap3A_853] {strides = array<i32>} : memref<256x32xf32, #tpu.memory_space<vmem>>, vector<16xf32>,
        tpu.vector_store %arg11[%swap3A_852, %swap3A_853], %mul3A_849 {strides = array<i32>} : memref<256x32xf32, #tpu.memory_space<vmem>>, vector<16xf32>,
        %add3A_855 = arith.constant 14 : i32
        %add3A_856 = arith.addi %mul3A_479, %add3A_855 : i32
        %get3A_857 = arith.index_cast %add3A_856 : i32 to index
        %get3A_858 = arith.constant 16 : index
        %get3A_859 = tpu.vector_load %arg11[%get3A_857, %get3A_858] {strides = array<i32>} : memref<256x32xf32, #tpu.memory_space<vmem>>, vector<16xf32>,
        %mul3A_860 = arith.mulf %get3A_859, %gather3A_843 : vector<16xf32>
        %add3A_861 = arith.constant 14 : i32
        %add3A_862 = arith.addi %mul3A_479, %add3A_861 : i32
        %swap3A_863 = arith.index_cast %add3A_862 : i32 to index
        %swap3A_864 = arith.constant 16 : index
        %swap3A_865 = tpu.vector_load %arg11[%swap3A_863, %swap3A_864] {strides = array<i32>} : memref<256x32xf32, #tpu.memory_space<vmem>>, vector<16xf32>,
        tpu.vector_store %arg11[%swap3A_863, %swap3A_864], %mul3A_860 {strides = array<i32>} : memref<256x32xf32, #tpu.memory_space<vmem>>, vector<16xf32>,
        %add3A_866 = arith.constant 15 : i32
        %add3A_867 = arith.addi %mul3A_479, %add3A_866 : i32
        %broadcast_in_dim3A_868 = vector.broadcast %add3A_867 : i32 to vector<16xi32>
        %gather3A_869 = tpu.vector_load_idx %arg10[%broadcast_in_dim3A_868] : memref<256xf32, #tpu.memory_space<vmem>>[vector<16xi32>], vector<16xf32>,
        %add3A_870 = arith.constant 15 : i32
        %add3A_871 = arith.addi %mul3A_479, %add3A_870 : i32
        %get3A_872 = arith.index_cast %add3A_871 : i32 to index
        %get3A_873 = arith.constant 0 : index
        %get3A_874 = tpu.vector_load %arg11[%get3A_872, %get3A_873] {strides = array<i32>} : memref<256x32xf32, #tpu.memory_space<vmem>>, vector<16xf32>,
        %mul3A_875 = arith.mulf %get3A_874, %gather3A_869 : vector<16xf32>
        %add3A_876 = arith.constant 15 : i32
        %add3A_877 = arith.addi %mul3A_479, %add3A_876 : i32
        %swap3A_878 = arith.index_cast %add3A_877 : i32 to index
        %swap3A_879 = arith.constant 0 : index
        %swap3A_880 = tpu.vector_load %arg11[%swap3A_878, %swap3A_879] {strides = array<i32>} : memref<256x32xf32, #tpu.memory_space<vmem>>, vector<16xf32>,
        tpu.vector_store %arg11[%swap3A_878, %swap3A_879], %mul3A_875 {strides = array<i32>} : memref<256x32xf32, #tpu.memory_space<vmem>>, vector<16xf32>,
        %add3A_881 = arith.constant 15 : i32
        %add3A_882 = arith.addi %mul3A_479, %add3A_881 : i32
        %get3A_883 = arith.index_cast %add3A_882 : i32 to index
        %get3A_884 = arith.constant 16 : index
        %get3A_885 = tpu.vector_load %arg11[%get3A_883, %get3A_884] {strides = array<i32>} : memref<256x32xf32, #tpu.memory_space<vmem>>, vector<16xf32>,
        %mul3A_886 = arith.mulf %get3A_885, %gather3A_869 : vector<16xf32>
        %add3A_887 = arith.constant 15 : i32
        %add3A_888 = arith.addi %mul3A_479, %add3A_887 : i32
        %swap3A_889 = arith.index_cast %add3A_888 : i32 to index
        %swap3A_890 = arith.constant 16 : index
        %swap3A_891 = tpu.vector_load %arg11[%swap3A_889, %swap3A_890] {strides = array<i32>} : memref<256x32xf32, #tpu.memory_space<vmem>>, vector<16xf32>,
        tpu.vector_store %arg11[%swap3A_889, %swap3A_890], %mul3A_886 {strides = array<i32>} : memref<256x32xf32, #tpu.memory_space<vmem>>, vector<16xf32>,
      }
      %scan3A_363 = arith.constant 16 : i32
      %dma_start3A_364 = arith.constant 0 : i32
      %dma_start3A_365 = arith.constant 0 : i32
      %dma_start3A_366 = arith.constant 0 : i32
      %dma_start3A_367 = tpu.memref_slice %arg11[%dma_start3A_365, %dma_start3A_366] : memref<256x32xf32, #tpu.memory_space<vmem>> -> memref<128x32xf32, #tpu.memory_space<vmem>>
      %dma_start3A_368 = arith.constant 0 : i32
      %dma_start3A_369 = tpu.memref_slice %arg9[%dma_start3A_364, %dma_start3A_368] : memref<2x128xi32, #tpu.memory_space<vmem>> -> memref<1x128xi32, #tpu.memory_space<vmem>>
      %dma_start3A_370 = tpu.memref_squeeze %dma_start3A_369 : memref<1x128xi32, #tpu.memory_space<vmem>> -> memref<128xi32, #tpu.memory_space<vmem>>
      %dma_start3A_371 = arith.constant 0 : i32
      %dma_start3A_372 = arith.constant 0 : i32
      %dma_start3A_373 = tpu.memref_slice %arg7[%dma_start3A_371, %dma_start3A_372] : memref<50000x32xf32, #tpu.memory_space<vmem_shared>> -> memref<50000x32xf32, #tpu.memory_space<vmem_shared>>
      tpu.enqueue_indirect_dma source(%dma_start3A_367 : memref<128x32xf32, #tpu.memory_space<vmem>>) target(%dma_start3A_373 : memref<50000x32xf32, #tpu.memory_space<vmem_shared>>) offsets(%dma_start3A_370 : memref<128xi32, #tpu.memory_space<vmem>>) semaphore(%arg18 : memref<!tpu.dma_semaphore, #tpu.memory_space<semaphore_mem>>) {add = true}
      %dma_start3A_374 = arith.constant 1 : i32
      %dma_start3A_375 = arith.constant 128 : i32
      %dma_start3A_376 = arith.constant 0 : i32
      %dma_start3A_377 = tpu.memref_slice %arg11[%dma_start3A_375, %dma_start3A_376] : memref<256x32xf32, #tpu.memory_space<vmem>> -> memref<128x32xf32, #tpu.memory_space<vmem>>
      %dma_start3A_378 = arith.constant 0 : i32
      %dma_start3A_379 = tpu.memref_slice %arg9[%dma_start3A_374, %dma_start3A_378] : memref<2x128xi32, #tpu.memory_space<vmem>> -> memref<1x128xi32, #tpu.memory_space<vmem>>
      %dma_start3A_380 = tpu.memref_squeeze %dma_start3A_379 : memref<1x128xi32, #tpu.memory_space<vmem>> -> memref<128xi32, #tpu.memory_space<vmem>>
      %dma_start3A_381 = arith.constant 0 : i32
      %dma_start3A_382 = arith.constant 0 : i32
      %dma_start3A_383 = tpu.memref_slice %arg7[%dma_start3A_381, %dma_start3A_382] : memref<50000x32xf32, #tpu.memory_space<vmem_shared>> -> memref<50000x32xf32, #tpu.memory_space<vmem_shared>>
      tpu.enqueue_indirect_dma source(%dma_start3A_377 : memref<128x32xf32, #tpu.memory_space<vmem>>) target(%dma_start3A_383 : memref<50000x32xf32, #tpu.memory_space<vmem_shared>>) offsets(%dma_start3A_380 : memref<128xi32, #tpu.memory_space<vmem>>) semaphore(%arg18 : memref<!tpu.dma_semaphore, #tpu.memory_space<semaphore_mem>>) {add = true}
      %dma_wait3A_384 = arith.constant 0 : i32
      %dma_wait3A_385 = arith.constant 0 : i32
      %dma_wait3A_386 = arith.constant 0 : i32
      %dma_wait3A_387 = tpu.memref_slice %arg11[%dma_wait3A_385, %dma_wait3A_386] : memref<256x32xf32, #tpu.memory_space<vmem>> -> memref<128x32xf32, #tpu.memory_space<vmem>>
      %dma_wait3A_388 = arith.constant 0 : i32
      %dma_wait3A_389 = tpu.memref_slice %arg9[%dma_wait3A_384, %dma_wait3A_388] : memref<2x128xi32, #tpu.memory_space<vmem>> -> memref<1x128xi32, #tpu.memory_space<vmem>>
      %dma_wait3A_390 = tpu.memref_squeeze %dma_wait3A_389 : memref<1x128xi32, #tpu.memory_space<vmem>> -> memref<128xi32, #tpu.memory_space<vmem>>
      %dma_wait3A_391 = arith.constant 0 : i32
      %dma_wait3A_392 = arith.constant 0 : i32
      %dma_wait3A_393 = tpu.memref_slice %arg7[%dma_wait3A_391, %dma_wait3A_392] : memref<50000x32xf32, #tpu.memory_space<vmem_shared>> -> memref<50000x32xf32, #tpu.memory_space<vmem_shared>>
      tpu.wait_indirect_dma semaphore(%arg18 : memref<!tpu.dma_semaphore, #tpu.memory_space<semaphore_mem>>) src(%dma_wait3A_387 : memref<128x32xf32, #tpu.memory_space<vmem>>) dst(%dma_wait3A_393 : memref<50000x32xf32, #tpu.memory_space<vmem_shared>>)
      %dma_wait3A_394 = arith.constant 1 : i32
      %dma_wait3A_395 = arith.constant 128 : i32
      %dma_wait3A_396 = arith.constant 0 : i32
      %dma_wait3A_397 = tpu.memref_slice %arg11[%dma_wait3A_395, %dma_wait3A_396] : memref<256x32xf32, #tpu.memory_space<vmem>> -> memref<128x32xf32, #tpu.memory_space<vmem>>
      %dma_wait3A_398 = arith.constant 0 : i32
      %dma_wait3A_399 = tpu.memref_slice %arg9[%dma_wait3A_394, %dma_wait3A_398] : memref<2x128xi32, #tpu.memory_space<vmem>> -> memref<1x128xi32, #tpu.memory_space<vmem>>
      %dma_wait3A_400 = tpu.memref_squeeze %dma_wait3A_399 : memref<1x128xi32, #tpu.memory_space<vmem>> -> memref<128xi32, #tpu.memory_space<vmem>>
      %dma_wait3A_401 = arith.constant 0 : i32
      %dma_wait3A_402 = arith.constant 0 : i32
      %dma_wait3A_403 = tpu.memref_slice %arg7[%dma_wait3A_401, %dma_wait3A_402] : memref<50000x32xf32, #tpu.memory_space<vmem_shared>> -> memref<50000x32xf32, #tpu.memory_space<vmem_shared>>
      tpu.wait_indirect_dma semaphore(%arg18 : memref<!tpu.dma_semaphore, #tpu.memory_space<semaphore_mem>>) src(%dma_wait3A_397 : memref<128x32xf32, #tpu.memory_space<vmem>>) dst(%dma_wait3A_403 : memref<50000x32xf32, #tpu.memory_space<vmem_shared>>)
      %add3A_404 = arith.constant 2 : i32
      %add3A_405 = arith.addi %mul3A_280, %add3A_404 : i32
      %lt3A_406 = arith.constant 196 : i32
      %lt3A_407 = arith.cmpi slt, %add3A_405, %lt3A_406 : i32
      %convert_element_type3A_408 = arith.extui %lt3A_407 : i1 to i32
      %cond3A_409 = arith.constant 0 : i32
      %cond3A_410 = arith.cmpi ne, %convert_element_type3A_408, %cond3A_409 : i32
      scf.if %cond3A_410 {
        %add3A_477 = arith.constant 2 : i32
        %add3A_478 = arith.addi %mul3A_280, %add3A_477 : i32
        %mul3A_479 = arith.constant 50176 : i32
        %mul3A_480 = arith.muli %add3A, %mul3A_479 : i32
        %mul3A_481 = arith.constant 256 : i32
        %mul3A_482 = arith.muli %add3A_478, %mul3A_481 : i32
        %add3A_483 = arith.addi %mul3A_480, %mul3A_482 : i32
        %multiple_of3A_484 = tpu.assume_multiple %add3A_483, 256 : i32
        %mul3A_485 = arith.constant 50176 : i32
        %mul3A_486 = arith.muli %add3A, %mul3A_485 : i32
        %mul3A_487 = arith.constant 256 : i32
        %mul3A_488 = arith.muli %add3A_478, %mul3A_487 : i32
        %add3A_489 = arith.addi %mul3A_486, %mul3A_488 : i32
        %jit3A_490 = arith.constant 128 : i32
        %div3A_491 = arith.divsi %add3A_489, %jit3A_490 : i32
        %sign3A_492 = arith.constant 0 : i32
        %sign3A_493 = arith.cmpi sgt, %add3A_489, %sign3A_492 : i32
        %sign3A_494 = arith.extui %sign3A_493 : i1 to i32
        %sign3A_495 = arith.constant 0 : i32
        %sign3A_496 = arith.cmpi slt, %add3A_489, %sign3A_495 : i32
        %sign3A_497 = arith.extui %sign3A_496 : i1 to i32
        %sign3A_498 = arith.subi %sign3A_494, %sign3A_497 : i32
        %sign3A_499 = arith.constant 0 : i32
        %sign3A_500 = arith.cmpi sgt, %jit3A_490, %sign3A_499 : i32
        %sign3A_501 = arith.extui %sign3A_500 : i1 to i32
        %sign3A_502 = arith.constant 0 : i32
        %sign3A_503 = arith.cmpi slt, %jit3A_490, %sign3A_502 : i32
        %sign3A_504 = arith.extui %sign3A_503 : i1 to i32
        %sign3A_505 = arith.subi %sign3A_501, %sign3A_504 : i32
        %ne3A_506 = arith.cmpi ne, %sign3A_498, %sign3A_505 : i32
        %rem3A_507 = arith.remsi %add3A_489, %jit3A_490 : i32
        %ne3A_508 = arith.constant 0 : i32
        %ne3A_509 = arith.cmpi ne, %rem3A_507, %ne3A_508 : i32
        %and3A_510 = arith.andi %ne3A_506, %ne3A_509 : i1
        %sub3A_511 = arith.constant 1 : i32
        %sub3A_512 = arith.subi %div3A_491, %sub3A_511 : i32
        %select_n3A_513 = arith.select %and3A_510, %sub3A_512, %div3A_491 : i32
        %multiple_of3A_514 = tpu.assume_multiple %select_n3A_513, 2 : i32
        "tpu.region"() ({
          %run_scoped3A = tpu.sem_alloc : memref<!tpu.dma_semaphore, #tpu.memory_space<semaphore_mem>>
          %dma_start3A_535 = arith.constant 0 : i32
          %dma_start3A_536 = tpu.memref_slice %arg3[%multiple_of3A_514, %dma_start3A_535] : memref<12544x128xi32, #tpu.memory_space<hbm>> -> memref<2x128xi32, #tpu.memory_space<hbm>>
          %dma_start3A_537 = arith.constant 0 : i32
          %dma_start3A_538 = tpu.memref_slice %arg3[%multiple_of3A_514, %dma_start3A_537] : memref<12544x128xi32, #tpu.memory_space<hbm>> -> memref<2x128xi32, #tpu.memory_space<hbm>>
          tpu.enqueue_dma source(%dma_start3A_538 : memref<2x128xi32, #tpu.memory_space<hbm>>) target(%arg8 : memref<2x128xi32, #tpu.memory_space<vmem>>) target_semaphore(%run_scoped3A : memref<!tpu.dma_semaphore, #tpu.memory_space<semaphore_mem>>)
          %dma_wait3A_539 = arith.constant 0 : i32
          %dma_wait3A_540 = tpu.memref_slice %arg3[%multiple_of3A_514, %dma_wait3A_539] : memref<12544x128xi32, #tpu.memory_space<hbm>> -> memref<2x128xi32, #tpu.memory_space<hbm>>
          %dma_wait3A_541 = arith.constant 0 : i32
          %dma_wait3A_542 = tpu.memref_slice %arg3[%multiple_of3A_514, %dma_wait3A_541] : memref<12544x128xi32, #tpu.memory_space<hbm>> -> memref<2x128xi32, #tpu.memory_space<hbm>>
          tpu.wait_dma2 semaphore(%run_scoped3A : memref<!tpu.dma_semaphore, #tpu.memory_space<semaphore_mem>>) src(%dma_wait3A_542 : memref<2x128xi32, #tpu.memory_space<hbm>>) dst(%arg8 : memref<2x128xi32, #tpu.memory_space<vmem>>)
          tpu.yield
        }) : () -> ()
        "tpu.region"() ({
          %run_scoped3A = tpu.sem_alloc : memref<!tpu.dma_semaphore, #tpu.memory_space<semaphore_mem>>
          %dma_start3A_535 = arith.constant 0 : i32
          %dma_start3A_536 = tpu.memref_slice %arg4[%multiple_of3A_514, %dma_start3A_535] : memref<12544x128xi32, #tpu.memory_space<hbm>> -> memref<2x128xi32, #tpu.memory_space<hbm>>
          %dma_start3A_537 = arith.constant 0 : i32
          %dma_start3A_538 = tpu.memref_slice %arg4[%multiple_of3A_514, %dma_start3A_537] : memref<12544x128xi32, #tpu.memory_space<hbm>> -> memref<2x128xi32, #tpu.memory_space<hbm>>
          tpu.enqueue_dma source(%dma_start3A_538 : memref<2x128xi32, #tpu.memory_space<hbm>>) target(%arg9 : memref<2x128xi32, #tpu.memory_space<vmem>>) target_semaphore(%run_scoped3A : memref<!tpu.dma_semaphore, #tpu.memory_space<semaphore_mem>>)
          %dma_wait3A_539 = arith.constant 0 : i32
          %dma_wait3A_540 = tpu.memref_slice %arg4[%multiple_of3A_514, %dma_wait3A_539] : memref<12544x128xi32, #tpu.memory_space<hbm>> -> memref<2x128xi32, #tpu.memory_space<hbm>>
          %dma_wait3A_541 = arith.constant 0 : i32
          %dma_wait3A_542 = tpu.memref_slice %arg4[%multiple_of3A_514, %dma_wait3A_541] : memref<12544x128xi32, #tpu.memory_space<hbm>> -> memref<2x128xi32, #tpu.memory_space<hbm>>
          tpu.wait_dma2 semaphore(%run_scoped3A : memref<!tpu.dma_semaphore, #tpu.memory_space<semaphore_mem>>) src(%dma_wait3A_542 : memref<2x128xi32, #tpu.memory_space<hbm>>) dst(%arg9 : memref<2x128xi32, #tpu.memory_space<vmem>>)
          tpu.yield
        }) : () -> ()
        "tpu.region"() ({
          %run_scoped3A = tpu.sem_alloc : memref<!tpu.dma_semaphore, #tpu.memory_space<semaphore_mem>>
          %dma_start3A_535 = tpu.memref_slice %arg5[%multiple_of3A_484] : memref<1605632xf32, #tpu.memory_space<hbm>> -> memref<256xf32, #tpu.memory_space<hbm>>
          %dma_start3A_536 = tpu.memref_slice %arg5[%multiple_of3A_484] : memref<1605632xf32, #tpu.memory_space<hbm>> -> memref<256xf32, #tpu.memory_space<hbm>>
          tpu.enqueue_dma source(%dma_start3A_536 : memref<256xf32, #tpu.memory_space<hbm>>) target(%arg10 : memref<256xf32, #tpu.memory_space<vmem>>) target_semaphore(%run_scoped3A : memref<!tpu.dma_semaphore, #tpu.memory_space<semaphore_mem>>)
          %dma_wait3A_537 = tpu.memref_slice %arg5[%multiple_of3A_484] : memref<1605632xf32, #tpu.memory_space<hbm>> -> memref<256xf32, #tpu.memory_space<hbm>>
          %dma_wait3A_538 = tpu.memref_slice %arg5[%multiple_of3A_484] : memref<1605632xf32, #tpu.memory_space<hbm>> -> memref<256xf32, #tpu.memory_space<hbm>>
          tpu.wait_dma2 semaphore(%run_scoped3A : memref<!tpu.dma_semaphore, #tpu.memory_space<semaphore_mem>>) src(%dma_wait3A_538 : memref<256xf32, #tpu.memory_space<hbm>>) dst(%arg10 : memref<256xf32, #tpu.memory_space<vmem>>)
          tpu.yield
        }) : () -> ()
        %dma_start3A_515 = arith.constant 0 : i32
        %dma_start3A_516 = arith.constant 0 : i32
        %dma_start3A_517 = arith.constant 0 : i32
        %dma_start3A_518 = tpu.memref_slice %arg11[%dma_start3A_516, %dma_start3A_517] : memref<256x32xf32, #tpu.memory_space<vmem>> -> memref<128x32xf32, #tpu.memory_space<vmem>>
        %dma_start3A_519 = arith.constant 0 : i32
        %dma_start3A_520 = tpu.memref_slice %arg8[%dma_start3A_515, %dma_start3A_519] : memref<2x128xi32, #tpu.memory_space<vmem>> -> memref<1x128xi32, #tpu.memory_space<vmem>>
        %dma_start3A_521 = tpu.memref_squeeze %dma_start3A_520 : memref<1x128xi32, #tpu.memory_space<vmem>> -> memref<128xi32, #tpu.memory_space<vmem>>
        %dma_start3A_522 = arith.constant 0 : i32
        %dma_start3A_523 = arith.constant 0 : i32
        %dma_start3A_524 = tpu.memref_slice %arg2[%dma_start3A_522, %dma_start3A_523] : memref<40064x32xf32, #tpu.memory_space<hbm>> -> memref<40064x32xf32, #tpu.memory_space<hbm>>
        tpu.enqueue_indirect_dma source(%dma_start3A_524 : memref<40064x32xf32, #tpu.memory_space<hbm>>) target(%dma_start3A_518 : memref<128x32xf32, #tpu.memory_space<vmem>>) offsets(%dma_start3A_521 : memref<128xi32, #tpu.memory_space<vmem>>) semaphore(%arg16 : memref<!tpu.dma_semaphore, #tpu.memory_space<semaphore_mem>>)
        %dma_start3A_525 = arith.constant 1 : i32
        %dma_start3A_526 = arith.constant 128 : i32
        %dma_start3A_527 = arith.constant 0 : i32
        %dma_start3A_528 = tpu.memref_slice %arg11[%dma_start3A_526, %dma_start3A_527] : memref<256x32xf32, #tpu.memory_space<vmem>> -> memref<128x32xf32, #tpu.memory_space<vmem>>
        %dma_start3A_529 = arith.constant 0 : i32
        %dma_start3A_530 = tpu.memref_slice %arg8[%dma_start3A_525, %dma_start3A_529] : memref<2x128xi32, #tpu.memory_space<vmem>> -> memref<1x128xi32, #tpu.memory_space<vmem>>
        %dma_start3A_531 = tpu.memref_squeeze %dma_start3A_530 : memref<1x128xi32, #tpu.memory_space<vmem>> -> memref<128xi32, #tpu.memory_space<vmem>>
        %dma_start3A_532 = arith.constant 0 : i32
        %dma_start3A_533 = arith.constant 0 : i32
        %dma_start3A_534 = tpu.memref_slice %arg2[%dma_start3A_532, %dma_start3A_533] : memref<40064x32xf32, #tpu.memory_space<hbm>> -> memref<40064x32xf32, #tpu.memory_space<hbm>>
        tpu.enqueue_indirect_dma source(%dma_start3A_534 : memref<40064x32xf32, #tpu.memory_space<hbm>>) target(%dma_start3A_528 : memref<128x32xf32, #tpu.memory_space<vmem>>) offsets(%dma_start3A_531 : memref<128xi32, #tpu.memory_space<vmem>>) semaphore(%arg16 : memref<!tpu.dma_semaphore, #tpu.memory_space<semaphore_mem>>)
      } else {
      }
      %dma_wait3A_411 = arith.constant 0 : i32
      %dma_wait3A_412 = arith.constant 0 : i32
      %dma_wait3A_413 = arith.constant 0 : i32
      %dma_wait3A_414 = tpu.memref_slice %arg15[%dma_wait3A_412, %dma_wait3A_413] : memref<256x32xf32, #tpu.memory_space<vmem>> -> memref<128x32xf32, #tpu.memory_space<vmem>>
      %dma_wait3A_415 = arith.constant 0 : i32
      %dma_wait3A_416 = tpu.memref_slice %arg12[%dma_wait3A_411, %dma_wait3A_415] : memref<2x128xi32, #tpu.memory_space<vmem>> -> memref<1x128xi32, #tpu.memory_space<vmem>>
      %dma_wait3A_417 = tpu.memref_squeeze %dma_wait3A_416 : memref<1x128xi32, #tpu.memory_space<vmem>> -> memref<128xi32, #tpu.memory_space<vmem>>
      %dma_wait3A_418 = arith.constant 0 : i32
      %dma_wait3A_419 = arith.constant 0 : i32
      %dma_wait3A_420 = tpu.memref_slice %arg2[%dma_wait3A_418, %dma_wait3A_419] : memref<40064x32xf32, #tpu.memory_space<hbm>> -> memref<40064x32xf32, #tpu.memory_space<hbm>>
      tpu.wait_indirect_dma semaphore(%arg17 : memref<!tpu.dma_semaphore, #tpu.memory_space<semaphore_mem>>) src(%dma_wait3A_420 : memref<40064x32xf32, #tpu.memory_space<hbm>>) dst(%dma_wait3A_414 : memref<128x32xf32, #tpu.memory_space<vmem>>)
      %dma_wait3A_421 = arith.constant 1 : i32
      %dma_wait3A_422 = arith.constant 128 : i32
      %dma_wait3A_423 = arith.constant 0 : i32
      %dma_wait3A_424 = tpu.memref_slice %arg15[%dma_wait3A_422, %dma_wait3A_423] : memref<256x32xf32, #tpu.memory_space<vmem>> -> memref<128x32xf32, #tpu.memory_space<vmem>>
      %dma_wait3A_425 = arith.constant 0 : i32
      %dma_wait3A_426 = tpu.memref_slice %arg12[%dma_wait3A_421, %dma_wait3A_425] : memref<2x128xi32, #tpu.memory_space<vmem>> -> memref<1x128xi32, #tpu.memory_space<vmem>>
      %dma_wait3A_427 = tpu.memref_squeeze %dma_wait3A_426 : memref<1x128xi32, #tpu.memory_space<vmem>> -> memref<128xi32, #tpu.memory_space<vmem>>
      %dma_wait3A_428 = arith.constant 0 : i32
      %dma_wait3A_429 = arith.constant 0 : i32
      %dma_wait3A_430 = tpu.memref_slice %arg2[%dma_wait3A_428, %dma_wait3A_429] : memref<40064x32xf32, #tpu.memory_space<hbm>> -> memref<40064x32xf32, #tpu.memory_space<hbm>>
      tpu.wait_indirect_dma semaphore(%arg17 : memref<!tpu.dma_semaphore, #tpu.memory_space<semaphore_mem>>) src(%dma_wait3A_430 : memref<40064x32xf32, #tpu.memory_space<hbm>>) dst(%dma_wait3A_424 : memref<128x32xf32, #tpu.memory_space<vmem>>)
      %scan3A_431 = arith.constant 0 : i32
      %scan3A_432 = arith.constant 0 : i32
      %scan3A_433 = arith.constant 16 : i32
      %scan3A_434 = arith.addi %scan3A_432, %scan3A_433 : i32
      %scan3A_435 = arith.constant 1 : i32
      scf.for %scan3A_477 = %scan3A_432 to %scan3A_434 step %scan3A_435  : i32 {
        %mul3A_478 = arith.constant 16 : i32
        %mul3A_479 = arith.muli %scan3A_477, %mul3A_478 : i32
        %add3A_480 = arith.constant 0 : i32
        %add3A_481 = arith.addi %mul3A_479, %add3A_480 : i32
        %broadcast_in_dim3A = vector.broadcast %add3A_481 : i32 to vector<16xi32>
        %gather3A = tpu.vector_load_idx %arg14[%broadcast_in_dim3A] : memref<256xf32, #tpu.memory_space<vmem>>[vector<16xi32>], vector<16xf32>,
        %add3A_482 = arith.constant 0 : i32
        %add3A_483 = arith.addi %mul3A_479, %add3A_482 : i32
        %get3A = arith.index_cast %add3A_483 : i32 to index
        %get3A_484 = arith.constant 0 : index
        %get3A_485 = tpu.vector_load %arg15[%get3A, %get3A_484] {strides = array<i32>} : memref<256x32xf32, #tpu.memory_space<vmem>>, vector<16xf32>,
        %mul3A_486 = arith.mulf %get3A_485, %gather3A : vector<16xf32>
        %add3A_487 = arith.constant 0 : i32
        %add3A_488 = arith.addi %mul3A_479, %add3A_487 : i32
        %swap3A = arith.index_cast %add3A_488 : i32 to index
        %swap3A_489 = arith.constant 0 : index
        %swap3A_490 = tpu.vector_load %arg15[%swap3A, %swap3A_489] {strides = array<i32>} : memref<256x32xf32, #tpu.memory_space<vmem>>, vector<16xf32>,
        tpu.vector_store %arg15[%swap3A, %swap3A_489], %mul3A_486 {strides = array<i32>} : memref<256x32xf32, #tpu.memory_space<vmem>>, vector<16xf32>,
        %add3A_491 = arith.constant 0 : i32
        %add3A_492 = arith.addi %mul3A_479, %add3A_491 : i32
        %get3A_493 = arith.index_cast %add3A_492 : i32 to index
        %get3A_494 = arith.constant 16 : index
        %get3A_495 = tpu.vector_load %arg15[%get3A_493, %get3A_494] {strides = array<i32>} : memref<256x32xf32, #tpu.memory_space<vmem>>, vector<16xf32>,
        %mul3A_496 = arith.mulf %get3A_495, %gather3A : vector<16xf32>
        %add3A_497 = arith.constant 0 : i32
        %add3A_498 = arith.addi %mul3A_479, %add3A_497 : i32
        %swap3A_499 = arith.index_cast %add3A_498 : i32 to index
        %swap3A_500 = arith.constant 16 : index
        %swap3A_501 = tpu.vector_load %arg15[%swap3A_499, %swap3A_500] {strides = array<i32>} : memref<256x32xf32, #tpu.memory_space<vmem>>, vector<16xf32>,
        tpu.vector_store %arg15[%swap3A_499, %swap3A_500], %mul3A_496 {strides = array<i32>} : memref<256x32xf32, #tpu.memory_space<vmem>>, vector<16xf32>,
        %add3A_502 = arith.constant 1 : i32
        %add3A_503 = arith.addi %mul3A_479, %add3A_502 : i32
        %broadcast_in_dim3A_504 = vector.broadcast %add3A_503 : i32 to vector<16xi32>
        %gather3A_505 = tpu.vector_load_idx %arg14[%broadcast_in_dim3A_504] : memref<256xf32, #tpu.memory_space<vmem>>[vector<16xi32>], vector<16xf32>,
        %add3A_506 = arith.constant 1 : i32
        %add3A_507 = arith.addi %mul3A_479, %add3A_506 : i32
        %get3A_508 = arith.index_cast %add3A_507 : i32 to index
        %get3A_509 = arith.constant 0 : index
        %get3A_510 = tpu.vector_load %arg15[%get3A_508, %get3A_509] {strides = array<i32>} : memref<256x32xf32, #tpu.memory_space<vmem>>, vector<16xf32>,
        %mul3A_511 = arith.mulf %get3A_510, %gather3A_505 : vector<16xf32>
        %add3A_512 = arith.constant 1 : i32
        %add3A_513 = arith.addi %mul3A_479, %add3A_512 : i32
        %swap3A_514 = arith.index_cast %add3A_513 : i32 to index
        %swap3A_515 = arith.constant 0 : index
        %swap3A_516 = tpu.vector_load %arg15[%swap3A_514, %swap3A_515] {strides = array<i32>} : memref<256x32xf32, #tpu.memory_space<vmem>>, vector<16xf32>,
        tpu.vector_store %arg15[%swap3A_514, %swap3A_515], %mul3A_511 {strides = array<i32>} : memref<256x32xf32, #tpu.memory_space<vmem>>, vector<16xf32>,
        %add3A_517 = arith.constant 1 : i32
        %add3A_518 = arith.addi %mul3A_479, %add3A_517 : i32
        %get3A_519 = arith.index_cast %add3A_518 : i32 to index
        %get3A_520 = arith.constant 16 : index
        %get3A_521 = tpu.vector_load %arg15[%get3A_519, %get3A_520] {strides = array<i32>} : memref<256x32xf32, #tpu.memory_space<vmem>>, vector<16xf32>,
        %mul3A_522 = arith.mulf %get3A_521, %gather3A_505 : vector<16xf32>
        %add3A_523 = arith.constant 1 : i32
        %add3A_524 = arith.addi %mul3A_479, %add3A_523 : i32
        %swap3A_525 = arith.index_cast %add3A_524 : i32 to index
        %swap3A_526 = arith.constant 16 : index
        %swap3A_527 = tpu.vector_load %arg15[%swap3A_525, %swap3A_526] {strides = array<i32>} : memref<256x32xf32, #tpu.memory_space<vmem>>, vector<16xf32>,
        tpu.vector_store %arg15[%swap3A_525, %swap3A_526], %mul3A_522 {strides = array<i32>} : memref<256x32xf32, #tpu.memory_space<vmem>>, vector<16xf32>,
        %add3A_528 = arith.constant 2 : i32
        %add3A_529 = arith.addi %mul3A_479, %add3A_528 : i32
        %broadcast_in_dim3A_530 = vector.broadcast %add3A_529 : i32 to vector<16xi32>
        %gather3A_531 = tpu.vector_load_idx %arg14[%broadcast_in_dim3A_530] : memref<256xf32, #tpu.memory_space<vmem>>[vector<16xi32>], vector<16xf32>,
        %add3A_532 = arith.constant 2 : i32
        %add3A_533 = arith.addi %mul3A_479, %add3A_532 : i32
        %get3A_534 = arith.index_cast %add3A_533 : i32 to index
        %get3A_535 = arith.constant 0 : index
        %get3A_536 = tpu.vector_load %arg15[%get3A_534, %get3A_535] {strides = array<i32>} : memref<256x32xf32, #tpu.memory_space<vmem>>, vector<16xf32>,
        %mul3A_537 = arith.mulf %get3A_536, %gather3A_531 : vector<16xf32>
        %add3A_538 = arith.constant 2 : i32
        %add3A_539 = arith.addi %mul3A_479, %add3A_538 : i32
        %swap3A_540 = arith.index_cast %add3A_539 : i32 to index
        %swap3A_541 = arith.constant 0 : index
        %swap3A_542 = tpu.vector_load %arg15[%swap3A_540, %swap3A_541] {strides = array<i32>} : memref<256x32xf32, #tpu.memory_space<vmem>>, vector<16xf32>,
        tpu.vector_store %arg15[%swap3A_540, %swap3A_541], %mul3A_537 {strides = array<i32>} : memref<256x32xf32, #tpu.memory_space<vmem>>, vector<16xf32>,
        %add3A_543 = arith.constant 2 : i32
        %add3A_544 = arith.addi %mul3A_479, %add3A_543 : i32
        %get3A_545 = arith.index_cast %add3A_544 : i32 to index
        %get3A_546 = arith.constant 16 : index
        %get3A_547 = tpu.vector_load %arg15[%get3A_545, %get3A_546] {strides = array<i32>} : memref<256x32xf32, #tpu.memory_space<vmem>>, vector<16xf32>,
        %mul3A_548 = arith.mulf %get3A_547, %gather3A_531 : vector<16xf32>
        %add3A_549 = arith.constant 2 : i32
        %add3A_550 = arith.addi %mul3A_479, %add3A_549 : i32
        %swap3A_551 = arith.index_cast %add3A_550 : i32 to index
        %swap3A_552 = arith.constant 16 : index
        %swap3A_553 = tpu.vector_load %arg15[%swap3A_551, %swap3A_552] {strides = array<i32>} : memref<256x32xf32, #tpu.memory_space<vmem>>, vector<16xf32>,
        tpu.vector_store %arg15[%swap3A_551, %swap3A_552], %mul3A_548 {strides = array<i32>} : memref<256x32xf32, #tpu.memory_space<vmem>>, vector<16xf32>,
        %add3A_554 = arith.constant 3 : i32
        %add3A_555 = arith.addi %mul3A_479, %add3A_554 : i32
        %broadcast_in_dim3A_556 = vector.broadcast %add3A_555 : i32 to vector<16xi32>
        %gather3A_557 = tpu.vector_load_idx %arg14[%broadcast_in_dim3A_556] : memref<256xf32, #tpu.memory_space<vmem>>[vector<16xi32>], vector<16xf32>,
        %add3A_558 = arith.constant 3 : i32
        %add3A_559 = arith.addi %mul3A_479, %add3A_558 : i32
        %get3A_560 = arith.index_cast %add3A_559 : i32 to index
        %get3A_561 = arith.constant 0 : index
        %get3A_562 = tpu.vector_load %arg15[%get3A_560, %get3A_561] {strides = array<i32>} : memref<256x32xf32, #tpu.memory_space<vmem>>, vector<16xf32>,
        %mul3A_563 = arith.mulf %get3A_562, %gather3A_557 : vector<16xf32>
        %add3A_564 = arith.constant 3 : i32
        %add3A_565 = arith.addi %mul3A_479, %add3A_564 : i32
        %swap3A_566 = arith.index_cast %add3A_565 : i32 to index
        %swap3A_567 = arith.constant 0 : index
        %swap3A_568 = tpu.vector_load %arg15[%swap3A_566, %swap3A_567] {strides = array<i32>} : memref<256x32xf32, #tpu.memory_space<vmem>>, vector<16xf32>,
        tpu.vector_store %arg15[%swap3A_566, %swap3A_567], %mul3A_563 {strides = array<i32>} : memref<256x32xf32, #tpu.memory_space<vmem>>, vector<16xf32>,
        %add3A_569 = arith.constant 3 : i32
        %add3A_570 = arith.addi %mul3A_479, %add3A_569 : i32
        %get3A_571 = arith.index_cast %add3A_570 : i32 to index
        %get3A_572 = arith.constant 16 : index
        %get3A_573 = tpu.vector_load %arg15[%get3A_571, %get3A_572] {strides = array<i32>} : memref<256x32xf32, #tpu.memory_space<vmem>>, vector<16xf32>,
        %mul3A_574 = arith.mulf %get3A_573, %gather3A_557 : vector<16xf32>
        %add3A_575 = arith.constant 3 : i32
        %add3A_576 = arith.addi %mul3A_479, %add3A_575 : i32
        %swap3A_577 = arith.index_cast %add3A_576 : i32 to index
        %swap3A_578 = arith.constant 16 : index
        %swap3A_579 = tpu.vector_load %arg15[%swap3A_577, %swap3A_578] {strides = array<i32>} : memref<256x32xf32, #tpu.memory_space<vmem>>, vector<16xf32>,
        tpu.vector_store %arg15[%swap3A_577, %swap3A_578], %mul3A_574 {strides = array<i32>} : memref<256x32xf32, #tpu.memory_space<vmem>>, vector<16xf32>,
        %add3A_580 = arith.constant 4 : i32
        %add3A_581 = arith.addi %mul3A_479, %add3A_580 : i32
        %broadcast_in_dim3A_582 = vector.broadcast %add3A_581 : i32 to vector<16xi32>
        %gather3A_583 = tpu.vector_load_idx %arg14[%broadcast_in_dim3A_582] : memref<256xf32, #tpu.memory_space<vmem>>[vector<16xi32>], vector<16xf32>,
        %add3A_584 = arith.constant 4 : i32
        %add3A_585 = arith.addi %mul3A_479, %add3A_584 : i32
        %get3A_586 = arith.index_cast %add3A_585 : i32 to index
        %get3A_587 = arith.constant 0 : index
        %get3A_588 = tpu.vector_load %arg15[%get3A_586, %get3A_587] {strides = array<i32>} : memref<256x32xf32, #tpu.memory_space<vmem>>, vector<16xf32>,
        %mul3A_589 = arith.mulf %get3A_588, %gather3A_583 : vector<16xf32>
        %add3A_590 = arith.constant 4 : i32
        %add3A_591 = arith.addi %mul3A_479, %add3A_590 : i32
        %swap3A_592 = arith.index_cast %add3A_591 : i32 to index
        %swap3A_593 = arith.constant 0 : index
        %swap3A_594 = tpu.vector_load %arg15[%swap3A_592, %swap3A_593] {strides = array<i32>} : memref<256x32xf32, #tpu.memory_space<vmem>>, vector<16xf32>,
        tpu.vector_store %arg15[%swap3A_592, %swap3A_593], %mul3A_589 {strides = array<i32>} : memref<256x32xf32, #tpu.memory_space<vmem>>, vector<16xf32>,
        %add3A_595 = arith.constant 4 : i32
        %add3A_596 = arith.addi %mul3A_479, %add3A_595 : i32
        %get3A_597 = arith.index_cast %add3A_596 : i32 to index
        %get3A_598 = arith.constant 16 : index
        %get3A_599 = tpu.vector_load %arg15[%get3A_597, %get3A_598] {strides = array<i32>} : memref<256x32xf32, #tpu.memory_space<vmem>>, vector<16xf32>,
        %mul3A_600 = arith.mulf %get3A_599, %gather3A_583 : vector<16xf32>
        %add3A_601 = arith.constant 4 : i32
        %add3A_602 = arith.addi %mul3A_479, %add3A_601 : i32
        %swap3A_603 = arith.index_cast %add3A_602 : i32 to index
        %swap3A_604 = arith.constant 16 : index
        %swap3A_605 = tpu.vector_load %arg15[%swap3A_603, %swap3A_604] {strides = array<i32>} : memref<256x32xf32, #tpu.memory_space<vmem>>, vector<16xf32>,
        tpu.vector_store %arg15[%swap3A_603, %swap3A_604], %mul3A_600 {strides = array<i32>} : memref<256x32xf32, #tpu.memory_space<vmem>>, vector<16xf32>,
        %add3A_606 = arith.constant 5 : i32
        %add3A_607 = arith.addi %mul3A_479, %add3A_606 : i32
        %broadcast_in_dim3A_608 = vector.broadcast %add3A_607 : i32 to vector<16xi32>
        %gather3A_609 = tpu.vector_load_idx %arg14[%broadcast_in_dim3A_608] : memref<256xf32, #tpu.memory_space<vmem>>[vector<16xi32>], vector<16xf32>,
        %add3A_610 = arith.constant 5 : i32
        %add3A_611 = arith.addi %mul3A_479, %add3A_610 : i32
        %get3A_612 = arith.index_cast %add3A_611 : i32 to index
        %get3A_613 = arith.constant 0 : index
        %get3A_614 = tpu.vector_load %arg15[%get3A_612, %get3A_613] {strides = array<i32>} : memref<256x32xf32, #tpu.memory_space<vmem>>, vector<16xf32>,
        %mul3A_615 = arith.mulf %get3A_614, %gather3A_609 : vector<16xf32>
        %add3A_616 = arith.constant 5 : i32
        %add3A_617 = arith.addi %mul3A_479, %add3A_616 : i32
        %swap3A_618 = arith.index_cast %add3A_617 : i32 to index
        %swap3A_619 = arith.constant 0 : index
        %swap3A_620 = tpu.vector_load %arg15[%swap3A_618, %swap3A_619] {strides = array<i32>} : memref<256x32xf32, #tpu.memory_space<vmem>>, vector<16xf32>,
        tpu.vector_store %arg15[%swap3A_618, %swap3A_619], %mul3A_615 {strides = array<i32>} : memref<256x32xf32, #tpu.memory_space<vmem>>, vector<16xf32>,
        %add3A_621 = arith.constant 5 : i32
        %add3A_622 = arith.addi %mul3A_479, %add3A_621 : i32
        %get3A_623 = arith.index_cast %add3A_622 : i32 to index
        %get3A_624 = arith.constant 16 : index
        %get3A_625 = tpu.vector_load %arg15[%get3A_623, %get3A_624] {strides = array<i32>} : memref<256x32xf32, #tpu.memory_space<vmem>>, vector<16xf32>,
        %mul3A_626 = arith.mulf %get3A_625, %gather3A_609 : vector<16xf32>
        %add3A_627 = arith.constant 5 : i32
        %add3A_628 = arith.addi %mul3A_479, %add3A_627 : i32
        %swap3A_629 = arith.index_cast %add3A_628 : i32 to index
        %swap3A_630 = arith.constant 16 : index
        %swap3A_631 = tpu.vector_load %arg15[%swap3A_629, %swap3A_630] {strides = array<i32>} : memref<256x32xf32, #tpu.memory_space<vmem>>, vector<16xf32>,
        tpu.vector_store %arg15[%swap3A_629, %swap3A_630], %mul3A_626 {strides = array<i32>} : memref<256x32xf32, #tpu.memory_space<vmem>>, vector<16xf32>,
        %add3A_632 = arith.constant 6 : i32
        %add3A_633 = arith.addi %mul3A_479, %add3A_632 : i32
        %broadcast_in_dim3A_634 = vector.broadcast %add3A_633 : i32 to vector<16xi32>
        %gather3A_635 = tpu.vector_load_idx %arg14[%broadcast_in_dim3A_634] : memref<256xf32, #tpu.memory_space<vmem>>[vector<16xi32>], vector<16xf32>,
        %add3A_636 = arith.constant 6 : i32
        %add3A_637 = arith.addi %mul3A_479, %add3A_636 : i32
        %get3A_638 = arith.index_cast %add3A_637 : i32 to index
        %get3A_639 = arith.constant 0 : index
        %get3A_640 = tpu.vector_load %arg15[%get3A_638, %get3A_639] {strides = array<i32>} : memref<256x32xf32, #tpu.memory_space<vmem>>, vector<16xf32>,
        %mul3A_641 = arith.mulf %get3A_640, %gather3A_635 : vector<16xf32>
        %add3A_642 = arith.constant 6 : i32
        %add3A_643 = arith.addi %mul3A_479, %add3A_642 : i32
        %swap3A_644 = arith.index_cast %add3A_643 : i32 to index
        %swap3A_645 = arith.constant 0 : index
        %swap3A_646 = tpu.vector_load %arg15[%swap3A_644, %swap3A_645] {strides = array<i32>} : memref<256x32xf32, #tpu.memory_space<vmem>>, vector<16xf32>,
        tpu.vector_store %arg15[%swap3A_644, %swap3A_645], %mul3A_641 {strides = array<i32>} : memref<256x32xf32, #tpu.memory_space<vmem>>, vector<16xf32>,
        %add3A_647 = arith.constant 6 : i32
        %add3A_648 = arith.addi %mul3A_479, %add3A_647 : i32
        %get3A_649 = arith.index_cast %add3A_648 : i32 to index
        %get3A_650 = arith.constant 16 : index
        %get3A_651 = tpu.vector_load %arg15[%get3A_649, %get3A_650] {strides = array<i32>} : memref<256x32xf32, #tpu.memory_space<vmem>>, vector<16xf32>,
        %mul3A_652 = arith.mulf %get3A_651, %gather3A_635 : vector<16xf32>
        %add3A_653 = arith.constant 6 : i32
        %add3A_654 = arith.addi %mul3A_479, %add3A_653 : i32
        %swap3A_655 = arith.index_cast %add3A_654 : i32 to index
        %swap3A_656 = arith.constant 16 : index
        %swap3A_657 = tpu.vector_load %arg15[%swap3A_655, %swap3A_656] {strides = array<i32>} : memref<256x32xf32, #tpu.memory_space<vmem>>, vector<16xf32>,
        tpu.vector_store %arg15[%swap3A_655, %swap3A_656], %mul3A_652 {strides = array<i32>} : memref<256x32xf32, #tpu.memory_space<vmem>>, vector<16xf32>,
        %add3A_658 = arith.constant 7 : i32
        %add3A_659 = arith.addi %mul3A_479, %add3A_658 : i32
        %broadcast_in_dim3A_660 = vector.broadcast %add3A_659 : i32 to vector<16xi32>
        %gather3A_661 = tpu.vector_load_idx %arg14[%broadcast_in_dim3A_660] : memref<256xf32, #tpu.memory_space<vmem>>[vector<16xi32>], vector<16xf32>,
        %add3A_662 = arith.constant 7 : i32
        %add3A_663 = arith.addi %mul3A_479, %add3A_662 : i32
        %get3A_664 = arith.index_cast %add3A_663 : i32 to index
        %get3A_665 = arith.constant 0 : index
        %get3A_666 = tpu.vector_load %arg15[%get3A_664, %get3A_665] {strides = array<i32>} : memref<256x32xf32, #tpu.memory_space<vmem>>, vector<16xf32>,
        %mul3A_667 = arith.mulf %get3A_666, %gather3A_661 : vector<16xf32>
        %add3A_668 = arith.constant 7 : i32
        %add3A_669 = arith.addi %mul3A_479, %add3A_668 : i32
        %swap3A_670 = arith.index_cast %add3A_669 : i32 to index
        %swap3A_671 = arith.constant 0 : index
        %swap3A_672 = tpu.vector_load %arg15[%swap3A_670, %swap3A_671] {strides = array<i32>} : memref<256x32xf32, #tpu.memory_space<vmem>>, vector<16xf32>,
        tpu.vector_store %arg15[%swap3A_670, %swap3A_671], %mul3A_667 {strides = array<i32>} : memref<256x32xf32, #tpu.memory_space<vmem>>, vector<16xf32>,
        %add3A_673 = arith.constant 7 : i32
        %add3A_674 = arith.addi %mul3A_479, %add3A_673 : i32
        %get3A_675 = arith.index_cast %add3A_674 : i32 to index
        %get3A_676 = arith.constant 16 : index
        %get3A_677 = tpu.vector_load %arg15[%get3A_675, %get3A_676] {strides = array<i32>} : memref<256x32xf32, #tpu.memory_space<vmem>>, vector<16xf32>,
        %mul3A_678 = arith.mulf %get3A_677, %gather3A_661 : vector<16xf32>
        %add3A_679 = arith.constant 7 : i32
        %add3A_680 = arith.addi %mul3A_479, %add3A_679 : i32
        %swap3A_681 = arith.index_cast %add3A_680 : i32 to index
        %swap3A_682 = arith.constant 16 : index
        %swap3A_683 = tpu.vector_load %arg15[%swap3A_681, %swap3A_682] {strides = array<i32>} : memref<256x32xf32, #tpu.memory_space<vmem>>, vector<16xf32>,
        tpu.vector_store %arg15[%swap3A_681, %swap3A_682], %mul3A_678 {strides = array<i32>} : memref<256x32xf32, #tpu.memory_space<vmem>>, vector<16xf32>,
        %add3A_684 = arith.constant 8 : i32
        %add3A_685 = arith.addi %mul3A_479, %add3A_684 : i32
        %broadcast_in_dim3A_686 = vector.broadcast %add3A_685 : i32 to vector<16xi32>
        %gather3A_687 = tpu.vector_load_idx %arg14[%broadcast_in_dim3A_686] : memref<256xf32, #tpu.memory_space<vmem>>[vector<16xi32>], vector<16xf32>,
        %add3A_688 = arith.constant 8 : i32
        %add3A_689 = arith.addi %mul3A_479, %add3A_688 : i32
        %get3A_690 = arith.index_cast %add3A_689 : i32 to index
        %get3A_691 = arith.constant 0 : index
        %get3A_692 = tpu.vector_load %arg15[%get3A_690, %get3A_691] {strides = array<i32>} : memref<256x32xf32, #tpu.memory_space<vmem>>, vector<16xf32>,
        %mul3A_693 = arith.mulf %get3A_692, %gather3A_687 : vector<16xf32>
        %add3A_694 = arith.constant 8 : i32
        %add3A_695 = arith.addi %mul3A_479, %add3A_694 : i32
        %swap3A_696 = arith.index_cast %add3A_695 : i32 to index
        %swap3A_697 = arith.constant 0 : index
        %swap3A_698 = tpu.vector_load %arg15[%swap3A_696, %swap3A_697] {strides = array<i32>} : memref<256x32xf32, #tpu.memory_space<vmem>>, vector<16xf32>,
        tpu.vector_store %arg15[%swap3A_696, %swap3A_697], %mul3A_693 {strides = array<i32>} : memref<256x32xf32, #tpu.memory_space<vmem>>, vector<16xf32>,
        %add3A_699 = arith.constant 8 : i32
        %add3A_700 = arith.addi %mul3A_479, %add3A_699 : i32
        %get3A_701 = arith.index_cast %add3A_700 : i32 to index
        %get3A_702 = arith.constant 16 : index
        %get3A_703 = tpu.vector_load %arg15[%get3A_701, %get3A_702] {strides = array<i32>} : memref<256x32xf32, #tpu.memory_space<vmem>>, vector<16xf32>,
        %mul3A_704 = arith.mulf %get3A_703, %gather3A_687 : vector<16xf32>
        %add3A_705 = arith.constant 8 : i32
        %add3A_706 = arith.addi %mul3A_479, %add3A_705 : i32
        %swap3A_707 = arith.index_cast %add3A_706 : i32 to index
        %swap3A_708 = arith.constant 16 : index
        %swap3A_709 = tpu.vector_load %arg15[%swap3A_707, %swap3A_708] {strides = array<i32>} : memref<256x32xf32, #tpu.memory_space<vmem>>, vector<16xf32>,
        tpu.vector_store %arg15[%swap3A_707, %swap3A_708], %mul3A_704 {strides = array<i32>} : memref<256x32xf32, #tpu.memory_space<vmem>>, vector<16xf32>,
        %add3A_710 = arith.constant 9 : i32
        %add3A_711 = arith.addi %mul3A_479, %add3A_710 : i32
        %broadcast_in_dim3A_712 = vector.broadcast %add3A_711 : i32 to vector<16xi32>
        %gather3A_713 = tpu.vector_load_idx %arg14[%broadcast_in_dim3A_712] : memref<256xf32, #tpu.memory_space<vmem>>[vector<16xi32>], vector<16xf32>,
        %add3A_714 = arith.constant 9 : i32
        %add3A_715 = arith.addi %mul3A_479, %add3A_714 : i32
        %get3A_716 = arith.index_cast %add3A_715 : i32 to index
        %get3A_717 = arith.constant 0 : index
        %get3A_718 = tpu.vector_load %arg15[%get3A_716, %get3A_717] {strides = array<i32>} : memref<256x32xf32, #tpu.memory_space<vmem>>, vector<16xf32>,
        %mul3A_719 = arith.mulf %get3A_718, %gather3A_713 : vector<16xf32>
        %add3A_720 = arith.constant 9 : i32
        %add3A_721 = arith.addi %mul3A_479, %add3A_720 : i32
        %swap3A_722 = arith.index_cast %add3A_721 : i32 to index
        %swap3A_723 = arith.constant 0 : index
        %swap3A_724 = tpu.vector_load %arg15[%swap3A_722, %swap3A_723] {strides = array<i32>} : memref<256x32xf32, #tpu.memory_space<vmem>>, vector<16xf32>,
        tpu.vector_store %arg15[%swap3A_722, %swap3A_723], %mul3A_719 {strides = array<i32>} : memref<256x32xf32, #tpu.memory_space<vmem>>, vector<16xf32>,
        %add3A_725 = arith.constant 9 : i32
        %add3A_726 = arith.addi %mul3A_479, %add3A_725 : i32
        %get3A_727 = arith.index_cast %add3A_726 : i32 to index
        %get3A_728 = arith.constant 16 : index
        %get3A_729 = tpu.vector_load %arg15[%get3A_727, %get3A_728] {strides = array<i32>} : memref<256x32xf32, #tpu.memory_space<vmem>>, vector<16xf32>,
        %mul3A_730 = arith.mulf %get3A_729, %gather3A_713 : vector<16xf32>
        %add3A_731 = arith.constant 9 : i32
        %add3A_732 = arith.addi %mul3A_479, %add3A_731 : i32
        %swap3A_733 = arith.index_cast %add3A_732 : i32 to index
        %swap3A_734 = arith.constant 16 : index
        %swap3A_735 = tpu.vector_load %arg15[%swap3A_733, %swap3A_734] {strides = array<i32>} : memref<256x32xf32, #tpu.memory_space<vmem>>, vector<16xf32>,
        tpu.vector_store %arg15[%swap3A_733, %swap3A_734], %mul3A_730 {strides = array<i32>} : memref<256x32xf32, #tpu.memory_space<vmem>>, vector<16xf32>,
        %add3A_736 = arith.constant 10 : i32
        %add3A_737 = arith.addi %mul3A_479, %add3A_736 : i32
        %broadcast_in_dim3A_738 = vector.broadcast %add3A_737 : i32 to vector<16xi32>
        %gather3A_739 = tpu.vector_load_idx %arg14[%broadcast_in_dim3A_738] : memref<256xf32, #tpu.memory_space<vmem>>[vector<16xi32>], vector<16xf32>,
        %add3A_740 = arith.constant 10 : i32
        %add3A_741 = arith.addi %mul3A_479, %add3A_740 : i32
        %get3A_742 = arith.index_cast %add3A_741 : i32 to index
        %get3A_743 = arith.constant 0 : index
        %get3A_744 = tpu.vector_load %arg15[%get3A_742, %get3A_743] {strides = array<i32>} : memref<256x32xf32, #tpu.memory_space<vmem>>, vector<16xf32>,
        %mul3A_745 = arith.mulf %get3A_744, %gather3A_739 : vector<16xf32>
        %add3A_746 = arith.constant 10 : i32
        %add3A_747 = arith.addi %mul3A_479, %add3A_746 : i32
        %swap3A_748 = arith.index_cast %add3A_747 : i32 to index
        %swap3A_749 = arith.constant 0 : index
        %swap3A_750 = tpu.vector_load %arg15[%swap3A_748, %swap3A_749] {strides = array<i32>} : memref<256x32xf32, #tpu.memory_space<vmem>>, vector<16xf32>,
        tpu.vector_store %arg15[%swap3A_748, %swap3A_749], %mul3A_745 {strides = array<i32>} : memref<256x32xf32, #tpu.memory_space<vmem>>, vector<16xf32>,
        %add3A_751 = arith.constant 10 : i32
        %add3A_752 = arith.addi %mul3A_479, %add3A_751 : i32
        %get3A_753 = arith.index_cast %add3A_752 : i32 to index
        %get3A_754 = arith.constant 16 : index
        %get3A_755 = tpu.vector_load %arg15[%get3A_753, %get3A_754] {strides = array<i32>} : memref<256x32xf32, #tpu.memory_space<vmem>>, vector<16xf32>,
        %mul3A_756 = arith.mulf %get3A_755, %gather3A_739 : vector<16xf32>
        %add3A_757 = arith.constant 10 : i32
        %add3A_758 = arith.addi %mul3A_479, %add3A_757 : i32
        %swap3A_759 = arith.index_cast %add3A_758 : i32 to index
        %swap3A_760 = arith.constant 16 : index
        %swap3A_761 = tpu.vector_load %arg15[%swap3A_759, %swap3A_760] {strides = array<i32>} : memref<256x32xf32, #tpu.memory_space<vmem>>, vector<16xf32>,
        tpu.vector_store %arg15[%swap3A_759, %swap3A_760], %mul3A_756 {strides = array<i32>} : memref<256x32xf32, #tpu.memory_space<vmem>>, vector<16xf32>,
        %add3A_762 = arith.constant 11 : i32
        %add3A_763 = arith.addi %mul3A_479, %add3A_762 : i32
        %broadcast_in_dim3A_764 = vector.broadcast %add3A_763 : i32 to vector<16xi32>
        %gather3A_765 = tpu.vector_load_idx %arg14[%broadcast_in_dim3A_764] : memref<256xf32, #tpu.memory_space<vmem>>[vector<16xi32>], vector<16xf32>,
        %add3A_766 = arith.constant 11 : i32
        %add3A_767 = arith.addi %mul3A_479, %add3A_766 : i32
        %get3A_768 = arith.index_cast %add3A_767 : i32 to index
        %get3A_769 = arith.constant 0 : index
        %get3A_770 = tpu.vector_load %arg15[%get3A_768, %get3A_769] {strides = array<i32>} : memref<256x32xf32, #tpu.memory_space<vmem>>, vector<16xf32>,
        %mul3A_771 = arith.mulf %get3A_770, %gather3A_765 : vector<16xf32>
        %add3A_772 = arith.constant 11 : i32
        %add3A_773 = arith.addi %mul3A_479, %add3A_772 : i32
        %swap3A_774 = arith.index_cast %add3A_773 : i32 to index
        %swap3A_775 = arith.constant 0 : index
        %swap3A_776 = tpu.vector_load %arg15[%swap3A_774, %swap3A_775] {strides = array<i32>} : memref<256x32xf32, #tpu.memory_space<vmem>>, vector<16xf32>,
        tpu.vector_store %arg15[%swap3A_774, %swap3A_775], %mul3A_771 {strides = array<i32>} : memref<256x32xf32, #tpu.memory_space<vmem>>, vector<16xf32>,
        %add3A_777 = arith.constant 11 : i32
        %add3A_778 = arith.addi %mul3A_479, %add3A_777 : i32
        %get3A_779 = arith.index_cast %add3A_778 : i32 to index
        %get3A_780 = arith.constant 16 : index
        %get3A_781 = tpu.vector_load %arg15[%get3A_779, %get3A_780] {strides = array<i32>} : memref<256x32xf32, #tpu.memory_space<vmem>>, vector<16xf32>,
        %mul3A_782 = arith.mulf %get3A_781, %gather3A_765 : vector<16xf32>
        %add3A_783 = arith.constant 11 : i32
        %add3A_784 = arith.addi %mul3A_479, %add3A_783 : i32
        %swap3A_785 = arith.index_cast %add3A_784 : i32 to index
        %swap3A_786 = arith.constant 16 : index
        %swap3A_787 = tpu.vector_load %arg15[%swap3A_785, %swap3A_786] {strides = array<i32>} : memref<256x32xf32, #tpu.memory_space<vmem>>, vector<16xf32>,
        tpu.vector_store %arg15[%swap3A_785, %swap3A_786], %mul3A_782 {strides = array<i32>} : memref<256x32xf32, #tpu.memory_space<vmem>>, vector<16xf32>,
        %add3A_788 = arith.constant 12 : i32
        %add3A_789 = arith.addi %mul3A_479, %add3A_788 : i32
        %broadcast_in_dim3A_790 = vector.broadcast %add3A_789 : i32 to vector<16xi32>
        %gather3A_791 = tpu.vector_load_idx %arg14[%broadcast_in_dim3A_790] : memref<256xf32, #tpu.memory_space<vmem>>[vector<16xi32>], vector<16xf32>,
        %add3A_792 = arith.constant 12 : i32
        %add3A_793 = arith.addi %mul3A_479, %add3A_792 : i32
        %get3A_794 = arith.index_cast %add3A_793 : i32 to index
        %get3A_795 = arith.constant 0 : index
        %get3A_796 = tpu.vector_load %arg15[%get3A_794, %get3A_795] {strides = array<i32>} : memref<256x32xf32, #tpu.memory_space<vmem>>, vector<16xf32>,
        %mul3A_797 = arith.mulf %get3A_796, %gather3A_791 : vector<16xf32>
        %add3A_798 = arith.constant 12 : i32
        %add3A_799 = arith.addi %mul3A_479, %add3A_798 : i32
        %swap3A_800 = arith.index_cast %add3A_799 : i32 to index
        %swap3A_801 = arith.constant 0 : index
        %swap3A_802 = tpu.vector_load %arg15[%swap3A_800, %swap3A_801] {strides = array<i32>} : memref<256x32xf32, #tpu.memory_space<vmem>>, vector<16xf32>,
        tpu.vector_store %arg15[%swap3A_800, %swap3A_801], %mul3A_797 {strides = array<i32>} : memref<256x32xf32, #tpu.memory_space<vmem>>, vector<16xf32>,
        %add3A_803 = arith.constant 12 : i32
        %add3A_804 = arith.addi %mul3A_479, %add3A_803 : i32
        %get3A_805 = arith.index_cast %add3A_804 : i32 to index
        %get3A_806 = arith.constant 16 : index
        %get3A_807 = tpu.vector_load %arg15[%get3A_805, %get3A_806] {strides = array<i32>} : memref<256x32xf32, #tpu.memory_space<vmem>>, vector<16xf32>,
        %mul3A_808 = arith.mulf %get3A_807, %gather3A_791 : vector<16xf32>
        %add3A_809 = arith.constant 12 : i32
        %add3A_810 = arith.addi %mul3A_479, %add3A_809 : i32
        %swap3A_811 = arith.index_cast %add3A_810 : i32 to index
        %swap3A_812 = arith.constant 16 : index
        %swap3A_813 = tpu.vector_load %arg15[%swap3A_811, %swap3A_812] {strides = array<i32>} : memref<256x32xf32, #tpu.memory_space<vmem>>, vector<16xf32>,
        tpu.vector_store %arg15[%swap3A_811, %swap3A_812], %mul3A_808 {strides = array<i32>} : memref<256x32xf32, #tpu.memory_space<vmem>>, vector<16xf32>,
        %add3A_814 = arith.constant 13 : i32
        %add3A_815 = arith.addi %mul3A_479, %add3A_814 : i32
        %broadcast_in_dim3A_816 = vector.broadcast %add3A_815 : i32 to vector<16xi32>
        %gather3A_817 = tpu.vector_load_idx %arg14[%broadcast_in_dim3A_816] : memref<256xf32, #tpu.memory_space<vmem>>[vector<16xi32>], vector<16xf32>,
        %add3A_818 = arith.constant 13 : i32
        %add3A_819 = arith.addi %mul3A_479, %add3A_818 : i32
        %get3A_820 = arith.index_cast %add3A_819 : i32 to index
        %get3A_821 = arith.constant 0 : index
        %get3A_822 = tpu.vector_load %arg15[%get3A_820, %get3A_821] {strides = array<i32>} : memref<256x32xf32, #tpu.memory_space<vmem>>, vector<16xf32>,
        %mul3A_823 = arith.mulf %get3A_822, %gather3A_817 : vector<16xf32>
        %add3A_824 = arith.constant 13 : i32
        %add3A_825 = arith.addi %mul3A_479, %add3A_824 : i32
        %swap3A_826 = arith.index_cast %add3A_825 : i32 to index
        %swap3A_827 = arith.constant 0 : index
        %swap3A_828 = tpu.vector_load %arg15[%swap3A_826, %swap3A_827] {strides = array<i32>} : memref<256x32xf32, #tpu.memory_space<vmem>>, vector<16xf32>,
        tpu.vector_store %arg15[%swap3A_826, %swap3A_827], %mul3A_823 {strides = array<i32>} : memref<256x32xf32, #tpu.memory_space<vmem>>, vector<16xf32>,
        %add3A_829 = arith.constant 13 : i32
        %add3A_830 = arith.addi %mul3A_479, %add3A_829 : i32
        %get3A_831 = arith.index_cast %add3A_830 : i32 to index
        %get3A_832 = arith.constant 16 : index
        %get3A_833 = tpu.vector_load %arg15[%get3A_831, %get3A_832] {strides = array<i32>} : memref<256x32xf32, #tpu.memory_space<vmem>>, vector<16xf32>,
        %mul3A_834 = arith.mulf %get3A_833, %gather3A_817 : vector<16xf32>
        %add3A_835 = arith.constant 13 : i32
        %add3A_836 = arith.addi %mul3A_479, %add3A_835 : i32
        %swap3A_837 = arith.index_cast %add3A_836 : i32 to index
        %swap3A_838 = arith.constant 16 : index
        %swap3A_839 = tpu.vector_load %arg15[%swap3A_837, %swap3A_838] {strides = array<i32>} : memref<256x32xf32, #tpu.memory_space<vmem>>, vector<16xf32>,
        tpu.vector_store %arg15[%swap3A_837, %swap3A_838], %mul3A_834 {strides = array<i32>} : memref<256x32xf32, #tpu.memory_space<vmem>>, vector<16xf32>,
        %add3A_840 = arith.constant 14 : i32
        %add3A_841 = arith.addi %mul3A_479, %add3A_840 : i32
        %broadcast_in_dim3A_842 = vector.broadcast %add3A_841 : i32 to vector<16xi32>
        %gather3A_843 = tpu.vector_load_idx %arg14[%broadcast_in_dim3A_842] : memref<256xf32, #tpu.memory_space<vmem>>[vector<16xi32>], vector<16xf32>,
        %add3A_844 = arith.constant 14 : i32
        %add3A_845 = arith.addi %mul3A_479, %add3A_844 : i32
        %get3A_846 = arith.index_cast %add3A_845 : i32 to index
        %get3A_847 = arith.constant 0 : index
        %get3A_848 = tpu.vector_load %arg15[%get3A_846, %get3A_847] {strides = array<i32>} : memref<256x32xf32, #tpu.memory_space<vmem>>, vector<16xf32>,
        %mul3A_849 = arith.mulf %get3A_848, %gather3A_843 : vector<16xf32>
        %add3A_850 = arith.constant 14 : i32
        %add3A_851 = arith.addi %mul3A_479, %add3A_850 : i32
        %swap3A_852 = arith.index_cast %add3A_851 : i32 to index
        %swap3A_853 = arith.constant 0 : index
        %swap3A_854 = tpu.vector_load %arg15[%swap3A_852, %swap3A_853] {strides = array<i32>} : memref<256x32xf32, #tpu.memory_space<vmem>>, vector<16xf32>,
        tpu.vector_store %arg15[%swap3A_852, %swap3A_853], %mul3A_849 {strides = array<i32>} : memref<256x32xf32, #tpu.memory_space<vmem>>, vector<16xf32>,
        %add3A_855 = arith.constant 14 : i32
        %add3A_856 = arith.addi %mul3A_479, %add3A_855 : i32
        %get3A_857 = arith.index_cast %add3A_856 : i32 to index
        %get3A_858 = arith.constant 16 : index
        %get3A_859 = tpu.vector_load %arg15[%get3A_857, %get3A_858] {strides = array<i32>} : memref<256x32xf32, #tpu.memory_space<vmem>>, vector<16xf32>,
        %mul3A_860 = arith.mulf %get3A_859, %gather3A_843 : vector<16xf32>
        %add3A_861 = arith.constant 14 : i32
        %add3A_862 = arith.addi %mul3A_479, %add3A_861 : i32
        %swap3A_863 = arith.index_cast %add3A_862 : i32 to index
        %swap3A_864 = arith.constant 16 : index
        %swap3A_865 = tpu.vector_load %arg15[%swap3A_863, %swap3A_864] {strides = array<i32>} : memref<256x32xf32, #tpu.memory_space<vmem>>, vector<16xf32>,
        tpu.vector_store %arg15[%swap3A_863, %swap3A_864], %mul3A_860 {strides = array<i32>} : memref<256x32xf32, #tpu.memory_space<vmem>>, vector<16xf32>,
        %add3A_866 = arith.constant 15 : i32
        %add3A_867 = arith.addi %mul3A_479, %add3A_866 : i32
        %broadcast_in_dim3A_868 = vector.broadcast %add3A_867 : i32 to vector<16xi32>
        %gather3A_869 = tpu.vector_load_idx %arg14[%broadcast_in_dim3A_868] : memref<256xf32, #tpu.memory_space<vmem>>[vector<16xi32>], vector<16xf32>,
        %add3A_870 = arith.constant 15 : i32
        %add3A_871 = arith.addi %mul3A_479, %add3A_870 : i32
        %get3A_872 = arith.index_cast %add3A_871 : i32 to index
        %get3A_873 = arith.constant 0 : index
        %get3A_874 = tpu.vector_load %arg15[%get3A_872, %get3A_873] {strides = array<i32>} : memref<256x32xf32, #tpu.memory_space<vmem>>, vector<16xf32>,
        %mul3A_875 = arith.mulf %get3A_874, %gather3A_869 : vector<16xf32>
        %add3A_876 = arith.constant 15 : i32
        %add3A_877 = arith.addi %mul3A_479, %add3A_876 : i32
        %swap3A_878 = arith.index_cast %add3A_877 : i32 to index
        %swap3A_879 = arith.constant 0 : index
        %swap3A_880 = tpu.vector_load %arg15[%swap3A_878, %swap3A_879] {strides = array<i32>} : memref<256x32xf32, #tpu.memory_space<vmem>>, vector<16xf32>,
        tpu.vector_store %arg15[%swap3A_878, %swap3A_879], %mul3A_875 {strides = array<i32>} : memref<256x32xf32, #tpu.memory_space<vmem>>, vector<16xf32>,
        %add3A_881 = arith.constant 15 : i32
        %add3A_882 = arith.addi %mul3A_479, %add3A_881 : i32
        %get3A_883 = arith.index_cast %add3A_882 : i32 to index
        %get3A_884 = arith.constant 16 : index
        %get3A_885 = tpu.vector_load %arg15[%get3A_883, %get3A_884] {strides = array<i32>} : memref<256x32xf32, #tpu.memory_space<vmem>>, vector<16xf32>,
        %mul3A_886 = arith.mulf %get3A_885, %gather3A_869 : vector<16xf32>
        %add3A_887 = arith.constant 15 : i32
        %add3A_888 = arith.addi %mul3A_479, %add3A_887 : i32
        %swap3A_889 = arith.index_cast %add3A_888 : i32 to index
        %swap3A_890 = arith.constant 16 : index
        %swap3A_891 = tpu.vector_load %arg15[%swap3A_889, %swap3A_890] {strides = array<i32>} : memref<256x32xf32, #tpu.memory_space<vmem>>, vector<16xf32>,
        tpu.vector_store %arg15[%swap3A_889, %swap3A_890], %mul3A_886 {strides = array<i32>} : memref<256x32xf32, #tpu.memory_space<vmem>>, vector<16xf32>,
      }
      %scan3A_436 = arith.constant 16 : i32
      %dma_start3A_437 = arith.constant 0 : i32
      %dma_start3A_438 = arith.constant 0 : i32
      %dma_start3A_439 = arith.constant 0 : i32
      %dma_start3A_440 = tpu.memref_slice %arg15[%dma_start3A_438, %dma_start3A_439] : memref<256x32xf32, #tpu.memory_space<vmem>> -> memref<128x32xf32, #tpu.memory_space<vmem>>
      %dma_start3A_441 = arith.constant 0 : i32
      %dma_start3A_442 = tpu.memref_slice %arg13[%dma_start3A_437, %dma_start3A_441] : memref<2x128xi32, #tpu.memory_space<vmem>> -> memref<1x128xi32, #tpu.memory_space<vmem>>
      %dma_start3A_443 = tpu.memref_squeeze %dma_start3A_442 : memref<1x128xi32, #tpu.memory_space<vmem>> -> memref<128xi32, #tpu.memory_space<vmem>>
      %dma_start3A_444 = arith.constant 0 : i32
      %dma_start3A_445 = arith.constant 0 : i32
      %dma_start3A_446 = tpu.memref_slice %arg7[%dma_start3A_444, %dma_start3A_445] : memref<50000x32xf32, #tpu.memory_space<vmem_shared>> -> memref<50000x32xf32, #tpu.memory_space<vmem_shared>>
      tpu.enqueue_indirect_dma source(%dma_start3A_440 : memref<128x32xf32, #tpu.memory_space<vmem>>) target(%dma_start3A_446 : memref<50000x32xf32, #tpu.memory_space<vmem_shared>>) offsets(%dma_start3A_443 : memref<128xi32, #tpu.memory_space<vmem>>) semaphore(%arg18 : memref<!tpu.dma_semaphore, #tpu.memory_space<semaphore_mem>>) {add = true}
      %dma_start3A_447 = arith.constant 1 : i32
      %dma_start3A_448 = arith.constant 128 : i32
      %dma_start3A_449 = arith.constant 0 : i32
      %dma_start3A_450 = tpu.memref_slice %arg15[%dma_start3A_448, %dma_start3A_449] : memref<256x32xf32, #tpu.memory_space<vmem>> -> memref<128x32xf32, #tpu.memory_space<vmem>>
      %dma_start3A_451 = arith.constant 0 : i32
      %dma_start3A_452 = tpu.memref_slice %arg13[%dma_start3A_447, %dma_start3A_451] : memref<2x128xi32, #tpu.memory_space<vmem>> -> memref<1x128xi32, #tpu.memory_space<vmem>>
      %dma_start3A_453 = tpu.memref_squeeze %dma_start3A_452 : memref<1x128xi32, #tpu.memory_space<vmem>> -> memref<128xi32, #tpu.memory_space<vmem>>
      %dma_start3A_454 = arith.constant 0 : i32
      %dma_start3A_455 = arith.constant 0 : i32
      %dma_start3A_456 = tpu.memref_slice %arg7[%dma_start3A_454, %dma_start3A_455] : memref<50000x32xf32, #tpu.memory_space<vmem_shared>> -> memref<50000x32xf32, #tpu.memory_space<vmem_shared>>
      tpu.enqueue_indirect_dma source(%dma_start3A_450 : memref<128x32xf32, #tpu.memory_space<vmem>>) target(%dma_start3A_456 : memref<50000x32xf32, #tpu.memory_space<vmem_shared>>) offsets(%dma_start3A_453 : memref<128xi32, #tpu.memory_space<vmem>>) semaphore(%arg18 : memref<!tpu.dma_semaphore, #tpu.memory_space<semaphore_mem>>) {add = true}
      %dma_wait3A_457 = arith.constant 0 : i32
      %dma_wait3A_458 = arith.constant 0 : i32
      %dma_wait3A_459 = arith.constant 0 : i32
      %dma_wait3A_460 = tpu.memref_slice %arg15[%dma_wait3A_458, %dma_wait3A_459] : memref<256x32xf32, #tpu.memory_space<vmem>> -> memref<128x32xf32, #tpu.memory_space<vmem>>
      %dma_wait3A_461 = arith.constant 0 : i32
      %dma_wait3A_462 = tpu.memref_slice %arg13[%dma_wait3A_457, %dma_wait3A_461] : memref<2x128xi32, #tpu.memory_space<vmem>> -> memref<1x128xi32, #tpu.memory_space<vmem>>
      %dma_wait3A_463 = tpu.memref_squeeze %dma_wait3A_462 : memref<1x128xi32, #tpu.memory_space<vmem>> -> memref<128xi32, #tpu.memory_space<vmem>>
      %dma_wait3A_464 = arith.constant 0 : i32
      %dma_wait3A_465 = arith.constant 0 : i32
      %dma_wait3A_466 = tpu.memref_slice %arg7[%dma_wait3A_464, %dma_wait3A_465] : memref<50000x32xf32, #tpu.memory_space<vmem_shared>> -> memref<50000x32xf32, #tpu.memory_space<vmem_shared>>
      tpu.wait_indirect_dma semaphore(%arg18 : memref<!tpu.dma_semaphore, #tpu.memory_space<semaphore_mem>>) src(%dma_wait3A_460 : memref<128x32xf32, #tpu.memory_space<vmem>>) dst(%dma_wait3A_466 : memref<50000x32xf32, #tpu.memory_space<vmem_shared>>)
      %dma_wait3A_467 = arith.constant 1 : i32
      %dma_wait3A_468 = arith.constant 128 : i32
      %dma_wait3A_469 = arith.constant 0 : i32
      %dma_wait3A_470 = tpu.memref_slice %arg15[%dma_wait3A_468, %dma_wait3A_469] : memref<256x32xf32, #tpu.memory_space<vmem>> -> memref<128x32xf32, #tpu.memory_space<vmem>>
      %dma_wait3A_471 = arith.constant 0 : i32
      %dma_wait3A_472 = tpu.memref_slice %arg13[%dma_wait3A_467, %dma_wait3A_471] : memref<2x128xi32, #tpu.memory_space<vmem>> -> memref<1x128xi32, #tpu.memory_space<vmem>>
      %dma_wait3A_473 = tpu.memref_squeeze %dma_wait3A_472 : memref<1x128xi32, #tpu.memory_space<vmem>> -> memref<128xi32, #tpu.memory_space<vmem>>
      %dma_wait3A_474 = arith.constant 0 : i32
      %dma_wait3A_475 = arith.constant 0 : i32
      %dma_wait3A_476 = tpu.memref_slice %arg7[%dma_wait3A_474, %dma_wait3A_475] : memref<50000x32xf32, #tpu.memory_space<vmem_shared>> -> memref<50000x32xf32, #tpu.memory_space<vmem_shared>>
      tpu.wait_indirect_dma semaphore(%arg18 : memref<!tpu.dma_semaphore, #tpu.memory_space<semaphore_mem>>) src(%dma_wait3A_470 : memref<128x32xf32, #tpu.memory_space<vmem>>) dst(%dma_wait3A_476 : memref<50000x32xf32, #tpu.memory_space<vmem_shared>>)
    }
    %scan3A_164 = arith.constant 98 : i32
    %barrier3A_165 = arith.constant 0 : index
    tpu.barrier barrier_id(%barrier3A_165)
    %add3A_166 = arith.constant 0 : i32
    %add3A_167 = arith.addi %add3A_166, %arg1 : i32
    %lt3A_168 = arith.constant 250 : i32
    %lt3A_169 = arith.cmpi slt, %add3A_167, %lt3A_168 : i32
    %convert_element_type3A_170 = arith.extui %lt3A_169 : i1 to i32
    %cond3A_171 = arith.constant 0 : i32
    %cond3A_172 = arith.cmpi ne, %convert_element_type3A_170, %cond3A_171 : i32
    scf.if %cond3A_172 {
      %mul3A_278 = arith.constant 200 : i32
      %mul3A_279 = arith.muli %add3A_167, %mul3A_278 : i32
      %multiple_of3A_280 = tpu.assume_multiple %mul3A_279, 8 : i32
      %mul3A_281 = arith.constant 50000 : i32
      %mul3A_282 = arith.muli %arg0, %mul3A_281 : i32
      %mul3A_283 = arith.constant 200 : i32
      %mul3A_284 = arith.muli %add3A_167, %mul3A_283 : i32
      %add3A_285 = arith.addi %mul3A_282, %mul3A_284 : i32
      %multiple_of3A_286 = tpu.assume_multiple %add3A_285, 8 : i32
      "tpu.region"() ({
        %run_scoped3A = tpu.sem_alloc : memref<!tpu.dma_semaphore, #tpu.memory_space<semaphore_mem>>
        %dma_start3A_287 = arith.constant 0 : i32
        %dma_start3A_288 = tpu.memref_slice %arg6[%multiple_of3A_286, %dma_start3A_287] : memref<100000x32xf32, #tpu.memory_space<hbm>> -> memref<200x32xf32, #tpu.memory_space<hbm>>
        %dma_start3A_289 = arith.constant 0 : i32
        %dma_start3A_290 = tpu.memref_slice %arg7[%multiple_of3A_280, %dma_start3A_289] : memref<50000x32xf32, #tpu.memory_space<vmem_shared>> -> memref<200x32xf32, #tpu.memory_space<vmem_shared>>
        tpu.enqueue_dma source(%dma_start3A_290 : memref<200x32xf32, #tpu.memory_space<vmem_shared>>) target(%dma_start3A_288 : memref<200x32xf32, #tpu.memory_space<hbm>>) target_semaphore(%run_scoped3A : memref<!tpu.dma_semaphore, #tpu.memory_space<semaphore_mem>>)
        %dma_wait3A = arith.constant 0 : i32
        %dma_wait3A_291 = tpu.memref_slice %arg6[%multiple_of3A_286, %dma_wait3A] : memref<100000x32xf32, #tpu.memory_space<hbm>> -> memref<200x32xf32, #tpu.memory_space<hbm>>
        %dma_wait3A_292 = arith.constant 0 : i32
        %dma_wait3A_293 = tpu.memref_slice %arg7[%multiple_of3A_280, %dma_wait3A_292] : memref<50000x32xf32, #tpu.memory_space<vmem_shared>> -> memref<200x32xf32, #tpu.memory_space<vmem_shared>>
        tpu.wait_dma2 semaphore(%run_scoped3A : memref<!tpu.dma_semaphore, #tpu.memory_space<semaphore_mem>>) src(%dma_wait3A_293 : memref<200x32xf32, #tpu.memory_space<vmem_shared>>) dst(%dma_wait3A_291 : memref<200x32xf32, #tpu.memory_space<hbm>>)
        tpu.yield
      }) : () -> ()
    } else {
    }
    %add3A_173 = arith.constant 16 : i32
    %add3A_174 = arith.addi %add3A_173, %arg1 : i32
    %lt3A_175 = arith.constant 250 : i32
    %lt3A_176 = arith.cmpi slt, %add3A_174, %lt3A_175 : i32
    %convert_element_type3A_177 = arith.extui %lt3A_176 : i1 to i32
    %cond3A_178 = arith.constant 0 : i32
    %cond3A_179 = arith.cmpi ne, %convert_element_type3A_177, %cond3A_178 : i32
    scf.if %cond3A_179 {
      %mul3A_278 = arith.constant 200 : i32
      %mul3A_279 = arith.muli %add3A_174, %mul3A_278 : i32
      %multiple_of3A_280 = tpu.assume_multiple %mul3A_279, 8 : i32
      %mul3A_281 = arith.constant 50000 : i32
      %mul3A_282 = arith.muli %arg0, %mul3A_281 : i32
      %mul3A_283 = arith.constant 200 : i32
      %mul3A_284 = arith.muli %add3A_174, %mul3A_283 : i32
      %add3A_285 = arith.addi %mul3A_282, %mul3A_284 : i32
      %multiple_of3A_286 = tpu.assume_multiple %add3A_285, 8 : i32
      "tpu.region"() ({
        %run_scoped3A = tpu.sem_alloc : memref<!tpu.dma_semaphore, #tpu.memory_space<semaphore_mem>>
        %dma_start3A_287 = arith.constant 0 : i32
        %dma_start3A_288 = tpu.memref_slice %arg6[%multiple_of3A_286, %dma_start3A_287] : memref<100000x32xf32, #tpu.memory_space<hbm>> -> memref<200x32xf32, #tpu.memory_space<hbm>>
        %dma_start3A_289 = arith.constant 0 : i32
        %dma_start3A_290 = tpu.memref_slice %arg7[%multiple_of3A_280, %dma_start3A_289] : memref<50000x32xf32, #tpu.memory_space<vmem_shared>> -> memref<200x32xf32, #tpu.memory_space<vmem_shared>>
        tpu.enqueue_dma source(%dma_start3A_290 : memref<200x32xf32, #tpu.memory_space<vmem_shared>>) target(%dma_start3A_288 : memref<200x32xf32, #tpu.memory_space<hbm>>) target_semaphore(%run_scoped3A : memref<!tpu.dma_semaphore, #tpu.memory_space<semaphore_mem>>)
        %dma_wait3A = arith.constant 0 : i32
        %dma_wait3A_291 = tpu.memref_slice %arg6[%multiple_of3A_286, %dma_wait3A] : memref<100000x32xf32, #tpu.memory_space<hbm>> -> memref<200x32xf32, #tpu.memory_space<hbm>>
        %dma_wait3A_292 = arith.constant 0 : i32
        %dma_wait3A_293 = tpu.memref_slice %arg7[%multiple_of3A_280, %dma_wait3A_292] : memref<50000x32xf32, #tpu.memory_space<vmem_shared>> -> memref<200x32xf32, #tpu.memory_space<vmem_shared>>
        tpu.wait_dma2 semaphore(%run_scoped3A : memref<!tpu.dma_semaphore, #tpu.memory_space<semaphore_mem>>) src(%dma_wait3A_293 : memref<200x32xf32, #tpu.memory_space<vmem_shared>>) dst(%dma_wait3A_291 : memref<200x32xf32, #tpu.memory_space<hbm>>)
        tpu.yield
      }) : () -> ()
    } else {
    }
    %add3A_180 = arith.constant 32 : i32
    %add3A_181 = arith.addi %add3A_180, %arg1 : i32
    %lt3A_182 = arith.constant 250 : i32
    %lt3A_183 = arith.cmpi slt, %add3A_181, %lt3A_182 : i32
    %convert_element_type3A_184 = arith.extui %lt3A_183 : i1 to i32
    %cond3A_185 = arith.constant 0 : i32
    %cond3A_186 = arith.cmpi ne, %convert_element_type3A_184, %cond3A_185 : i32
    scf.if %cond3A_186 {
      %mul3A_278 = arith.constant 200 : i32
      %mul3A_279 = arith.muli %add3A_181, %mul3A_278 : i32
      %multiple_of3A_280 = tpu.assume_multiple %mul3A_279, 8 : i32
      %mul3A_281 = arith.constant 50000 : i32
      %mul3A_282 = arith.muli %arg0, %mul3A_281 : i32
      %mul3A_283 = arith.constant 200 : i32
      %mul3A_284 = arith.muli %add3A_181, %mul3A_283 : i32
      %add3A_285 = arith.addi %mul3A_282, %mul3A_284 : i32
      %multiple_of3A_286 = tpu.assume_multiple %add3A_285, 8 : i32
      "tpu.region"() ({
        %run_scoped3A = tpu.sem_alloc : memref<!tpu.dma_semaphore, #tpu.memory_space<semaphore_mem>>
        %dma_start3A_287 = arith.constant 0 : i32
        %dma_start3A_288 = tpu.memref_slice %arg6[%multiple_of3A_286, %dma_start3A_287] : memref<100000x32xf32, #tpu.memory_space<hbm>> -> memref<200x32xf32, #tpu.memory_space<hbm>>
        %dma_start3A_289 = arith.constant 0 : i32
        %dma_start3A_290 = tpu.memref_slice %arg7[%multiple_of3A_280, %dma_start3A_289] : memref<50000x32xf32, #tpu.memory_space<vmem_shared>> -> memref<200x32xf32, #tpu.memory_space<vmem_shared>>
        tpu.enqueue_dma source(%dma_start3A_290 : memref<200x32xf32, #tpu.memory_space<vmem_shared>>) target(%dma_start3A_288 : memref<200x32xf32, #tpu.memory_space<hbm>>) target_semaphore(%run_scoped3A : memref<!tpu.dma_semaphore, #tpu.memory_space<semaphore_mem>>)
        %dma_wait3A = arith.constant 0 : i32
        %dma_wait3A_291 = tpu.memref_slice %arg6[%multiple_of3A_286, %dma_wait3A] : memref<100000x32xf32, #tpu.memory_space<hbm>> -> memref<200x32xf32, #tpu.memory_space<hbm>>
        %dma_wait3A_292 = arith.constant 0 : i32
        %dma_wait3A_293 = tpu.memref_slice %arg7[%multiple_of3A_280, %dma_wait3A_292] : memref<50000x32xf32, #tpu.memory_space<vmem_shared>> -> memref<200x32xf32, #tpu.memory_space<vmem_shared>>
        tpu.wait_dma2 semaphore(%run_scoped3A : memref<!tpu.dma_semaphore, #tpu.memory_space<semaphore_mem>>) src(%dma_wait3A_293 : memref<200x32xf32, #tpu.memory_space<vmem_shared>>) dst(%dma_wait3A_291 : memref<200x32xf32, #tpu.memory_space<hbm>>)
        tpu.yield
      }) : () -> ()
    } else {
    }
    %add3A_187 = arith.constant 48 : i32
    %add3A_188 = arith.addi %add3A_187, %arg1 : i32
    %lt3A_189 = arith.constant 250 : i32
    %lt3A_190 = arith.cmpi slt, %add3A_188, %lt3A_189 : i32
    %convert_element_type3A_191 = arith.extui %lt3A_190 : i1 to i32
    %cond3A_192 = arith.constant 0 : i32
    %cond3A_193 = arith.cmpi ne, %convert_element_type3A_191, %cond3A_192 : i32
    scf.if %cond3A_193 {
      %mul3A_278 = arith.constant 200 : i32
      %mul3A_279 = arith.muli %add3A_188, %mul3A_278 : i32
      %multiple_of3A_280 = tpu.assume_multiple %mul3A_279, 8 : i32
      %mul3A_281 = arith.constant 50000 : i32
      %mul3A_282 = arith.muli %arg0, %mul3A_281 : i32
      %mul3A_283 = arith.constant 200 : i32
      %mul3A_284 = arith.muli %add3A_188, %mul3A_283 : i32
      %add3A_285 = arith.addi %mul3A_282, %mul3A_284 : i32
      %multiple_of3A_286 = tpu.assume_multiple %add3A_285, 8 : i32
      "tpu.region"() ({
        %run_scoped3A = tpu.sem_alloc : memref<!tpu.dma_semaphore, #tpu.memory_space<semaphore_mem>>
        %dma_start3A_287 = arith.constant 0 : i32
        %dma_start3A_288 = tpu.memref_slice %arg6[%multiple_of3A_286, %dma_start3A_287] : memref<100000x32xf32, #tpu.memory_space<hbm>> -> memref<200x32xf32, #tpu.memory_space<hbm>>
        %dma_start3A_289 = arith.constant 0 : i32
        %dma_start3A_290 = tpu.memref_slice %arg7[%multiple_of3A_280, %dma_start3A_289] : memref<50000x32xf32, #tpu.memory_space<vmem_shared>> -> memref<200x32xf32, #tpu.memory_space<vmem_shared>>
        tpu.enqueue_dma source(%dma_start3A_290 : memref<200x32xf32, #tpu.memory_space<vmem_shared>>) target(%dma_start3A_288 : memref<200x32xf32, #tpu.memory_space<hbm>>) target_semaphore(%run_scoped3A : memref<!tpu.dma_semaphore, #tpu.memory_space<semaphore_mem>>)
        %dma_wait3A = arith.constant 0 : i32
        %dma_wait3A_291 = tpu.memref_slice %arg6[%multiple_of3A_286, %dma_wait3A] : memref<100000x32xf32, #tpu.memory_space<hbm>> -> memref<200x32xf32, #tpu.memory_space<hbm>>
        %dma_wait3A_292 = arith.constant 0 : i32
        %dma_wait3A_293 = tpu.memref_slice %arg7[%multiple_of3A_280, %dma_wait3A_292] : memref<50000x32xf32, #tpu.memory_space<vmem_shared>> -> memref<200x32xf32, #tpu.memory_space<vmem_shared>>
        tpu.wait_dma2 semaphore(%run_scoped3A : memref<!tpu.dma_semaphore, #tpu.memory_space<semaphore_mem>>) src(%dma_wait3A_293 : memref<200x32xf32, #tpu.memory_space<vmem_shared>>) dst(%dma_wait3A_291 : memref<200x32xf32, #tpu.memory_space<hbm>>)
        tpu.yield
      }) : () -> ()
    } else {
    }
    %add3A_194 = arith.constant 64 : i32
    %add3A_195 = arith.addi %add3A_194, %arg1 : i32
    %lt3A_196 = arith.constant 250 : i32
    %lt3A_197 = arith.cmpi slt, %add3A_195, %lt3A_196 : i32
    %convert_element_type3A_198 = arith.extui %lt3A_197 : i1 to i32
    %cond3A_199 = arith.constant 0 : i32
    %cond3A_200 = arith.cmpi ne, %convert_element_type3A_198, %cond3A_199 : i32
    scf.if %cond3A_200 {
      %mul3A_278 = arith.constant 200 : i32
      %mul3A_279 = arith.muli %add3A_195, %mul3A_278 : i32
      %multiple_of3A_280 = tpu.assume_multiple %mul3A_279, 8 : i32
      %mul3A_281 = arith.constant 50000 : i32
      %mul3A_282 = arith.muli %arg0, %mul3A_281 : i32
      %mul3A_283 = arith.constant 200 : i32
      %mul3A_284 = arith.muli %add3A_195, %mul3A_283 : i32
      %add3A_285 = arith.addi %mul3A_282, %mul3A_284 : i32
      %multiple_of3A_286 = tpu.assume_multiple %add3A_285, 8 : i32
      "tpu.region"() ({
        %run_scoped3A = tpu.sem_alloc : memref<!tpu.dma_semaphore, #tpu.memory_space<semaphore_mem>>
        %dma_start3A_287 = arith.constant 0 : i32
        %dma_start3A_288 = tpu.memref_slice %arg6[%multiple_of3A_286, %dma_start3A_287] : memref<100000x32xf32, #tpu.memory_space<hbm>> -> memref<200x32xf32, #tpu.memory_space<hbm>>
        %dma_start3A_289 = arith.constant 0 : i32
        %dma_start3A_290 = tpu.memref_slice %arg7[%multiple_of3A_280, %dma_start3A_289] : memref<50000x32xf32, #tpu.memory_space<vmem_shared>> -> memref<200x32xf32, #tpu.memory_space<vmem_shared>>
        tpu.enqueue_dma source(%dma_start3A_290 : memref<200x32xf32, #tpu.memory_space<vmem_shared>>) target(%dma_start3A_288 : memref<200x32xf32, #tpu.memory_space<hbm>>) target_semaphore(%run_scoped3A : memref<!tpu.dma_semaphore, #tpu.memory_space<semaphore_mem>>)
        %dma_wait3A = arith.constant 0 : i32
        %dma_wait3A_291 = tpu.memref_slice %arg6[%multiple_of3A_286, %dma_wait3A] : memref<100000x32xf32, #tpu.memory_space<hbm>> -> memref<200x32xf32, #tpu.memory_space<hbm>>
        %dma_wait3A_292 = arith.constant 0 : i32
        %dma_wait3A_293 = tpu.memref_slice %arg7[%multiple_of3A_280, %dma_wait3A_292] : memref<50000x32xf32, #tpu.memory_space<vmem_shared>> -> memref<200x32xf32, #tpu.memory_space<vmem_shared>>
        tpu.wait_dma2 semaphore(%run_scoped3A : memref<!tpu.dma_semaphore, #tpu.memory_space<semaphore_mem>>) src(%dma_wait3A_293 : memref<200x32xf32, #tpu.memory_space<vmem_shared>>) dst(%dma_wait3A_291 : memref<200x32xf32, #tpu.memory_space<hbm>>)
        tpu.yield
      }) : () -> ()
    } else {
    }
    %add3A_201 = arith.constant 80 : i32
    %add3A_202 = arith.addi %add3A_201, %arg1 : i32
    %lt3A_203 = arith.constant 250 : i32
    %lt3A_204 = arith.cmpi slt, %add3A_202, %lt3A_203 : i32
    %convert_element_type3A_205 = arith.extui %lt3A_204 : i1 to i32
    %cond3A_206 = arith.constant 0 : i32
    %cond3A_207 = arith.cmpi ne, %convert_element_type3A_205, %cond3A_206 : i32
    scf.if %cond3A_207 {
      %mul3A_278 = arith.constant 200 : i32
      %mul3A_279 = arith.muli %add3A_202, %mul3A_278 : i32
      %multiple_of3A_280 = tpu.assume_multiple %mul3A_279, 8 : i32
      %mul3A_281 = arith.constant 50000 : i32
      %mul3A_282 = arith.muli %arg0, %mul3A_281 : i32
      %mul3A_283 = arith.constant 200 : i32
      %mul3A_284 = arith.muli %add3A_202, %mul3A_283 : i32
      %add3A_285 = arith.addi %mul3A_282, %mul3A_284 : i32
      %multiple_of3A_286 = tpu.assume_multiple %add3A_285, 8 : i32
      "tpu.region"() ({
        %run_scoped3A = tpu.sem_alloc : memref<!tpu.dma_semaphore, #tpu.memory_space<semaphore_mem>>
        %dma_start3A_287 = arith.constant 0 : i32
        %dma_start3A_288 = tpu.memref_slice %arg6[%multiple_of3A_286, %dma_start3A_287] : memref<100000x32xf32, #tpu.memory_space<hbm>> -> memref<200x32xf32, #tpu.memory_space<hbm>>
        %dma_start3A_289 = arith.constant 0 : i32
        %dma_start3A_290 = tpu.memref_slice %arg7[%multiple_of3A_280, %dma_start3A_289] : memref<50000x32xf32, #tpu.memory_space<vmem_shared>> -> memref<200x32xf32, #tpu.memory_space<vmem_shared>>
        tpu.enqueue_dma source(%dma_start3A_290 : memref<200x32xf32, #tpu.memory_space<vmem_shared>>) target(%dma_start3A_288 : memref<200x32xf32, #tpu.memory_space<hbm>>) target_semaphore(%run_scoped3A : memref<!tpu.dma_semaphore, #tpu.memory_space<semaphore_mem>>)
        %dma_wait3A = arith.constant 0 : i32
        %dma_wait3A_291 = tpu.memref_slice %arg6[%multiple_of3A_286, %dma_wait3A] : memref<100000x32xf32, #tpu.memory_space<hbm>> -> memref<200x32xf32, #tpu.memory_space<hbm>>
        %dma_wait3A_292 = arith.constant 0 : i32
        %dma_wait3A_293 = tpu.memref_slice %arg7[%multiple_of3A_280, %dma_wait3A_292] : memref<50000x32xf32, #tpu.memory_space<vmem_shared>> -> memref<200x32xf32, #tpu.memory_space<vmem_shared>>
        tpu.wait_dma2 semaphore(%run_scoped3A : memref<!tpu.dma_semaphore, #tpu.memory_space<semaphore_mem>>) src(%dma_wait3A_293 : memref<200x32xf32, #tpu.memory_space<vmem_shared>>) dst(%dma_wait3A_291 : memref<200x32xf32, #tpu.memory_space<hbm>>)
        tpu.yield
      }) : () -> ()
    } else {
    }
    %add3A_208 = arith.constant 96 : i32
    %add3A_209 = arith.addi %add3A_208, %arg1 : i32
    %lt3A_210 = arith.constant 250 : i32
    %lt3A_211 = arith.cmpi slt, %add3A_209, %lt3A_210 : i32
    %convert_element_type3A_212 = arith.extui %lt3A_211 : i1 to i32
    %cond3A_213 = arith.constant 0 : i32
    %cond3A_214 = arith.cmpi ne, %convert_element_type3A_212, %cond3A_213 : i32
    scf.if %cond3A_214 {
      %mul3A_278 = arith.constant 200 : i32
      %mul3A_279 = arith.muli %add3A_209, %mul3A_278 : i32
      %multiple_of3A_280 = tpu.assume_multiple %mul3A_279, 8 : i32
      %mul3A_281 = arith.constant 50000 : i32
      %mul3A_282 = arith.muli %arg0, %mul3A_281 : i32
      %mul3A_283 = arith.constant 200 : i32
      %mul3A_284 = arith.muli %add3A_209, %mul3A_283 : i32
      %add3A_285 = arith.addi %mul3A_282, %mul3A_284 : i32
      %multiple_of3A_286 = tpu.assume_multiple %add3A_285, 8 : i32
      "tpu.region"() ({
        %run_scoped3A = tpu.sem_alloc : memref<!tpu.dma_semaphore, #tpu.memory_space<semaphore_mem>>
        %dma_start3A_287 = arith.constant 0 : i32
        %dma_start3A_288 = tpu.memref_slice %arg6[%multiple_of3A_286, %dma_start3A_287] : memref<100000x32xf32, #tpu.memory_space<hbm>> -> memref<200x32xf32, #tpu.memory_space<hbm>>
        %dma_start3A_289 = arith.constant 0 : i32
        %dma_start3A_290 = tpu.memref_slice %arg7[%multiple_of3A_280, %dma_start3A_289] : memref<50000x32xf32, #tpu.memory_space<vmem_shared>> -> memref<200x32xf32, #tpu.memory_space<vmem_shared>>
        tpu.enqueue_dma source(%dma_start3A_290 : memref<200x32xf32, #tpu.memory_space<vmem_shared>>) target(%dma_start3A_288 : memref<200x32xf32, #tpu.memory_space<hbm>>) target_semaphore(%run_scoped3A : memref<!tpu.dma_semaphore, #tpu.memory_space<semaphore_mem>>)
        %dma_wait3A = arith.constant 0 : i32
        %dma_wait3A_291 = tpu.memref_slice %arg6[%multiple_of3A_286, %dma_wait3A] : memref<100000x32xf32, #tpu.memory_space<hbm>> -> memref<200x32xf32, #tpu.memory_space<hbm>>
        %dma_wait3A_292 = arith.constant 0 : i32
        %dma_wait3A_293 = tpu.memref_slice %arg7[%multiple_of3A_280, %dma_wait3A_292] : memref<50000x32xf32, #tpu.memory_space<vmem_shared>> -> memref<200x32xf32, #tpu.memory_space<vmem_shared>>
        tpu.wait_dma2 semaphore(%run_scoped3A : memref<!tpu.dma_semaphore, #tpu.memory_space<semaphore_mem>>) src(%dma_wait3A_293 : memref<200x32xf32, #tpu.memory_space<vmem_shared>>) dst(%dma_wait3A_291 : memref<200x32xf32, #tpu.memory_space<hbm>>)
        tpu.yield
      }) : () -> ()
    } else {
    }
    %add3A_215 = arith.constant 112 : i32
    %add3A_216 = arith.addi %add3A_215, %arg1 : i32
    %lt3A_217 = arith.constant 250 : i32
    %lt3A_218 = arith.cmpi slt, %add3A_216, %lt3A_217 : i32
    %convert_element_type3A_219 = arith.extui %lt3A_218 : i1 to i32
    %cond3A_220 = arith.constant 0 : i32
    %cond3A_221 = arith.cmpi ne, %convert_element_type3A_219, %cond3A_220 : i32
    scf.if %cond3A_221 {
      %mul3A_278 = arith.constant 200 : i32
      %mul3A_279 = arith.muli %add3A_216, %mul3A_278 : i32
      %multiple_of3A_280 = tpu.assume_multiple %mul3A_279, 8 : i32
      %mul3A_281 = arith.constant 50000 : i32
      %mul3A_282 = arith.muli %arg0, %mul3A_281 : i32
      %mul3A_283 = arith.constant 200 : i32
      %mul3A_284 = arith.muli %add3A_216, %mul3A_283 : i32
      %add3A_285 = arith.addi %mul3A_282, %mul3A_284 : i32
      %multiple_of3A_286 = tpu.assume_multiple %add3A_285, 8 : i32
      "tpu.region"() ({
        %run_scoped3A = tpu.sem_alloc : memref<!tpu.dma_semaphore, #tpu.memory_space<semaphore_mem>>
        %dma_start3A_287 = arith.constant 0 : i32
        %dma_start3A_288 = tpu.memref_slice %arg6[%multiple_of3A_286, %dma_start3A_287] : memref<100000x32xf32, #tpu.memory_space<hbm>> -> memref<200x32xf32, #tpu.memory_space<hbm>>
        %dma_start3A_289 = arith.constant 0 : i32
        %dma_start3A_290 = tpu.memref_slice %arg7[%multiple_of3A_280, %dma_start3A_289] : memref<50000x32xf32, #tpu.memory_space<vmem_shared>> -> memref<200x32xf32, #tpu.memory_space<vmem_shared>>
        tpu.enqueue_dma source(%dma_start3A_290 : memref<200x32xf32, #tpu.memory_space<vmem_shared>>) target(%dma_start3A_288 : memref<200x32xf32, #tpu.memory_space<hbm>>) target_semaphore(%run_scoped3A : memref<!tpu.dma_semaphore, #tpu.memory_space<semaphore_mem>>)
        %dma_wait3A = arith.constant 0 : i32
        %dma_wait3A_291 = tpu.memref_slice %arg6[%multiple_of3A_286, %dma_wait3A] : memref<100000x32xf32, #tpu.memory_space<hbm>> -> memref<200x32xf32, #tpu.memory_space<hbm>>
        %dma_wait3A_292 = arith.constant 0 : i32
        %dma_wait3A_293 = tpu.memref_slice %arg7[%multiple_of3A_280, %dma_wait3A_292] : memref<50000x32xf32, #tpu.memory_space<vmem_shared>> -> memref<200x32xf32, #tpu.memory_space<vmem_shared>>
        tpu.wait_dma2 semaphore(%run_scoped3A : memref<!tpu.dma_semaphore, #tpu.memory_space<semaphore_mem>>) src(%dma_wait3A_293 : memref<200x32xf32, #tpu.memory_space<vmem_shared>>) dst(%dma_wait3A_291 : memref<200x32xf32, #tpu.memory_space<hbm>>)
        tpu.yield
      }) : () -> ()
    } else {
    }
    %add3A_222 = arith.constant 128 : i32
    %add3A_223 = arith.addi %add3A_222, %arg1 : i32
    %lt3A_224 = arith.constant 250 : i32
    %lt3A_225 = arith.cmpi slt, %add3A_223, %lt3A_224 : i32
    %convert_element_type3A_226 = arith.extui %lt3A_225 : i1 to i32
    %cond3A_227 = arith.constant 0 : i32
    %cond3A_228 = arith.cmpi ne, %convert_element_type3A_226, %cond3A_227 : i32
    scf.if %cond3A_228 {
      %mul3A_278 = arith.constant 200 : i32
      %mul3A_279 = arith.muli %add3A_223, %mul3A_278 : i32
      %multiple_of3A_280 = tpu.assume_multiple %mul3A_279, 8 : i32
      %mul3A_281 = arith.constant 50000 : i32
      %mul3A_282 = arith.muli %arg0, %mul3A_281 : i32
      %mul3A_283 = arith.constant 200 : i32
      %mul3A_284 = arith.muli %add3A_223, %mul3A_283 : i32
      %add3A_285 = arith.addi %mul3A_282, %mul3A_284 : i32
      %multiple_of3A_286 = tpu.assume_multiple %add3A_285, 8 : i32
      "tpu.region"() ({
        %run_scoped3A = tpu.sem_alloc : memref<!tpu.dma_semaphore, #tpu.memory_space<semaphore_mem>>
        %dma_start3A_287 = arith.constant 0 : i32
        %dma_start3A_288 = tpu.memref_slice %arg6[%multiple_of3A_286, %dma_start3A_287] : memref<100000x32xf32, #tpu.memory_space<hbm>> -> memref<200x32xf32, #tpu.memory_space<hbm>>
        %dma_start3A_289 = arith.constant 0 : i32
        %dma_start3A_290 = tpu.memref_slice %arg7[%multiple_of3A_280, %dma_start3A_289] : memref<50000x32xf32, #tpu.memory_space<vmem_shared>> -> memref<200x32xf32, #tpu.memory_space<vmem_shared>>
        tpu.enqueue_dma source(%dma_start3A_290 : memref<200x32xf32, #tpu.memory_space<vmem_shared>>) target(%dma_start3A_288 : memref<200x32xf32, #tpu.memory_space<hbm>>) target_semaphore(%run_scoped3A : memref<!tpu.dma_semaphore, #tpu.memory_space<semaphore_mem>>)
        %dma_wait3A = arith.constant 0 : i32
        %dma_wait3A_291 = tpu.memref_slice %arg6[%multiple_of3A_286, %dma_wait3A] : memref<100000x32xf32, #tpu.memory_space<hbm>> -> memref<200x32xf32, #tpu.memory_space<hbm>>
        %dma_wait3A_292 = arith.constant 0 : i32
        %dma_wait3A_293 = tpu.memref_slice %arg7[%multiple_of3A_280, %dma_wait3A_292] : memref<50000x32xf32, #tpu.memory_space<vmem_shared>> -> memref<200x32xf32, #tpu.memory_space<vmem_shared>>
        tpu.wait_dma2 semaphore(%run_scoped3A : memref<!tpu.dma_semaphore, #tpu.memory_space<semaphore_mem>>) src(%dma_wait3A_293 : memref<200x32xf32, #tpu.memory_space<vmem_shared>>) dst(%dma_wait3A_291 : memref<200x32xf32, #tpu.memory_space<hbm>>)
        tpu.yield
      }) : () -> ()
    } else {
    }
    %add3A_229 = arith.constant 144 : i32
    %add3A_230 = arith.addi %add3A_229, %arg1 : i32
    %lt3A_231 = arith.constant 250 : i32
    %lt3A_232 = arith.cmpi slt, %add3A_230, %lt3A_231 : i32
    %convert_element_type3A_233 = arith.extui %lt3A_232 : i1 to i32
    %cond3A_234 = arith.constant 0 : i32
    %cond3A_235 = arith.cmpi ne, %convert_element_type3A_233, %cond3A_234 : i32
    scf.if %cond3A_235 {
      %mul3A_278 = arith.constant 200 : i32
      %mul3A_279 = arith.muli %add3A_230, %mul3A_278 : i32
      %multiple_of3A_280 = tpu.assume_multiple %mul3A_279, 8 : i32
      %mul3A_281 = arith.constant 50000 : i32
      %mul3A_282 = arith.muli %arg0, %mul3A_281 : i32
      %mul3A_283 = arith.constant 200 : i32
      %mul3A_284 = arith.muli %add3A_230, %mul3A_283 : i32
      %add3A_285 = arith.addi %mul3A_282, %mul3A_284 : i32
      %multiple_of3A_286 = tpu.assume_multiple %add3A_285, 8 : i32
      "tpu.region"() ({
        %run_scoped3A = tpu.sem_alloc : memref<!tpu.dma_semaphore, #tpu.memory_space<semaphore_mem>>
        %dma_start3A_287 = arith.constant 0 : i32
        %dma_start3A_288 = tpu.memref_slice %arg6[%multiple_of3A_286, %dma_start3A_287] : memref<100000x32xf32, #tpu.memory_space<hbm>> -> memref<200x32xf32, #tpu.memory_space<hbm>>
        %dma_start3A_289 = arith.constant 0 : i32
        %dma_start3A_290 = tpu.memref_slice %arg7[%multiple_of3A_280, %dma_start3A_289] : memref<50000x32xf32, #tpu.memory_space<vmem_shared>> -> memref<200x32xf32, #tpu.memory_space<vmem_shared>>
        tpu.enqueue_dma source(%dma_start3A_290 : memref<200x32xf32, #tpu.memory_space<vmem_shared>>) target(%dma_start3A_288 : memref<200x32xf32, #tpu.memory_space<hbm>>) target_semaphore(%run_scoped3A : memref<!tpu.dma_semaphore, #tpu.memory_space<semaphore_mem>>)
        %dma_wait3A = arith.constant 0 : i32
        %dma_wait3A_291 = tpu.memref_slice %arg6[%multiple_of3A_286, %dma_wait3A] : memref<100000x32xf32, #tpu.memory_space<hbm>> -> memref<200x32xf32, #tpu.memory_space<hbm>>
        %dma_wait3A_292 = arith.constant 0 : i32
        %dma_wait3A_293 = tpu.memref_slice %arg7[%multiple_of3A_280, %dma_wait3A_292] : memref<50000x32xf32, #tpu.memory_space<vmem_shared>> -> memref<200x32xf32, #tpu.memory_space<vmem_shared>>
        tpu.wait_dma2 semaphore(%run_scoped3A : memref<!tpu.dma_semaphore, #tpu.memory_space<semaphore_mem>>) src(%dma_wait3A_293 : memref<200x32xf32, #tpu.memory_space<vmem_shared>>) dst(%dma_wait3A_291 : memref<200x32xf32, #tpu.memory_space<hbm>>)
        tpu.yield
      }) : () -> ()
    } else {
    }
    %add3A_236 = arith.constant 160 : i32
    %add3A_237 = arith.addi %add3A_236, %arg1 : i32
    %lt3A_238 = arith.constant 250 : i32
    %lt3A_239 = arith.cmpi slt, %add3A_237, %lt3A_238 : i32
    %convert_element_type3A_240 = arith.extui %lt3A_239 : i1 to i32
    %cond3A_241 = arith.constant 0 : i32
    %cond3A_242 = arith.cmpi ne, %convert_element_type3A_240, %cond3A_241 : i32
    scf.if %cond3A_242 {
      %mul3A_278 = arith.constant 200 : i32
      %mul3A_279 = arith.muli %add3A_237, %mul3A_278 : i32
      %multiple_of3A_280 = tpu.assume_multiple %mul3A_279, 8 : i32
      %mul3A_281 = arith.constant 50000 : i32
      %mul3A_282 = arith.muli %arg0, %mul3A_281 : i32
      %mul3A_283 = arith.constant 200 : i32
      %mul3A_284 = arith.muli %add3A_237, %mul3A_283 : i32
      %add3A_285 = arith.addi %mul3A_282, %mul3A_284 : i32
      %multiple_of3A_286 = tpu.assume_multiple %add3A_285, 8 : i32
      "tpu.region"() ({
        %run_scoped3A = tpu.sem_alloc : memref<!tpu.dma_semaphore, #tpu.memory_space<semaphore_mem>>
        %dma_start3A_287 = arith.constant 0 : i32
        %dma_start3A_288 = tpu.memref_slice %arg6[%multiple_of3A_286, %dma_start3A_287] : memref<100000x32xf32, #tpu.memory_space<hbm>> -> memref<200x32xf32, #tpu.memory_space<hbm>>
        %dma_start3A_289 = arith.constant 0 : i32
        %dma_start3A_290 = tpu.memref_slice %arg7[%multiple_of3A_280, %dma_start3A_289] : memref<50000x32xf32, #tpu.memory_space<vmem_shared>> -> memref<200x32xf32, #tpu.memory_space<vmem_shared>>
        tpu.enqueue_dma source(%dma_start3A_290 : memref<200x32xf32, #tpu.memory_space<vmem_shared>>) target(%dma_start3A_288 : memref<200x32xf32, #tpu.memory_space<hbm>>) target_semaphore(%run_scoped3A : memref<!tpu.dma_semaphore, #tpu.memory_space<semaphore_mem>>)
        %dma_wait3A = arith.constant 0 : i32
        %dma_wait3A_291 = tpu.memref_slice %arg6[%multiple_of3A_286, %dma_wait3A] : memref<100000x32xf32, #tpu.memory_space<hbm>> -> memref<200x32xf32, #tpu.memory_space<hbm>>
        %dma_wait3A_292 = arith.constant 0 : i32
        %dma_wait3A_293 = tpu.memref_slice %arg7[%multiple_of3A_280, %dma_wait3A_292] : memref<50000x32xf32, #tpu.memory_space<vmem_shared>> -> memref<200x32xf32, #tpu.memory_space<vmem_shared>>
        tpu.wait_dma2 semaphore(%run_scoped3A : memref<!tpu.dma_semaphore, #tpu.memory_space<semaphore_mem>>) src(%dma_wait3A_293 : memref<200x32xf32, #tpu.memory_space<vmem_shared>>) dst(%dma_wait3A_291 : memref<200x32xf32, #tpu.memory_space<hbm>>)
        tpu.yield
      }) : () -> ()
    } else {
    }
    %add3A_243 = arith.constant 176 : i32
    %add3A_244 = arith.addi %add3A_243, %arg1 : i32
    %lt3A_245 = arith.constant 250 : i32
    %lt3A_246 = arith.cmpi slt, %add3A_244, %lt3A_245 : i32
    %convert_element_type3A_247 = arith.extui %lt3A_246 : i1 to i32
    %cond3A_248 = arith.constant 0 : i32
    %cond3A_249 = arith.cmpi ne, %convert_element_type3A_247, %cond3A_248 : i32
    scf.if %cond3A_249 {
      %mul3A_278 = arith.constant 200 : i32
      %mul3A_279 = arith.muli %add3A_244, %mul3A_278 : i32
      %multiple_of3A_280 = tpu.assume_multiple %mul3A_279, 8 : i32
      %mul3A_281 = arith.constant 50000 : i32
      %mul3A_282 = arith.muli %arg0, %mul3A_281 : i32
      %mul3A_283 = arith.constant 200 : i32
      %mul3A_284 = arith.muli %add3A_244, %mul3A_283 : i32
      %add3A_285 = arith.addi %mul3A_282, %mul3A_284 : i32
      %multiple_of3A_286 = tpu.assume_multiple %add3A_285, 8 : i32
      "tpu.region"() ({
        %run_scoped3A = tpu.sem_alloc : memref<!tpu.dma_semaphore, #tpu.memory_space<semaphore_mem>>
        %dma_start3A_287 = arith.constant 0 : i32
        %dma_start3A_288 = tpu.memref_slice %arg6[%multiple_of3A_286, %dma_start3A_287] : memref<100000x32xf32, #tpu.memory_space<hbm>> -> memref<200x32xf32, #tpu.memory_space<hbm>>
        %dma_start3A_289 = arith.constant 0 : i32
        %dma_start3A_290 = tpu.memref_slice %arg7[%multiple_of3A_280, %dma_start3A_289] : memref<50000x32xf32, #tpu.memory_space<vmem_shared>> -> memref<200x32xf32, #tpu.memory_space<vmem_shared>>
        tpu.enqueue_dma source(%dma_start3A_290 : memref<200x32xf32, #tpu.memory_space<vmem_shared>>) target(%dma_start3A_288 : memref<200x32xf32, #tpu.memory_space<hbm>>) target_semaphore(%run_scoped3A : memref<!tpu.dma_semaphore, #tpu.memory_space<semaphore_mem>>)
        %dma_wait3A = arith.constant 0 : i32
        %dma_wait3A_291 = tpu.memref_slice %arg6[%multiple_of3A_286, %dma_wait3A] : memref<100000x32xf32, #tpu.memory_space<hbm>> -> memref<200x32xf32, #tpu.memory_space<hbm>>
        %dma_wait3A_292 = arith.constant 0 : i32
        %dma_wait3A_293 = tpu.memref_slice %arg7[%multiple_of3A_280, %dma_wait3A_292] : memref<50000x32xf32, #tpu.memory_space<vmem_shared>> -> memref<200x32xf32, #tpu.memory_space<vmem_shared>>
        tpu.wait_dma2 semaphore(%run_scoped3A : memref<!tpu.dma_semaphore, #tpu.memory_space<semaphore_mem>>) src(%dma_wait3A_293 : memref<200x32xf32, #tpu.memory_space<vmem_shared>>) dst(%dma_wait3A_291 : memref<200x32xf32, #tpu.memory_space<hbm>>)
        tpu.yield
      }) : () -> ()
    } else {
    }
    %add3A_250 = arith.constant 192 : i32
    %add3A_251 = arith.addi %add3A_250, %arg1 : i32
    %lt3A_252 = arith.constant 250 : i32
    %lt3A_253 = arith.cmpi slt, %add3A_251, %lt3A_252 : i32
    %convert_element_type3A_254 = arith.extui %lt3A_253 : i1 to i32
    %cond3A_255 = arith.constant 0 : i32
    %cond3A_256 = arith.cmpi ne, %convert_element_type3A_254, %cond3A_255 : i32
    scf.if %cond3A_256 {
      %mul3A_278 = arith.constant 200 : i32
      %mul3A_279 = arith.muli %add3A_251, %mul3A_278 : i32
      %multiple_of3A_280 = tpu.assume_multiple %mul3A_279, 8 : i32
      %mul3A_281 = arith.constant 50000 : i32
      %mul3A_282 = arith.muli %arg0, %mul3A_281 : i32
      %mul3A_283 = arith.constant 200 : i32
      %mul3A_284 = arith.muli %add3A_251, %mul3A_283 : i32
      %add3A_285 = arith.addi %mul3A_282, %mul3A_284 : i32
      %multiple_of3A_286 = tpu.assume_multiple %add3A_285, 8 : i32
      "tpu.region"() ({
        %run_scoped3A = tpu.sem_alloc : memref<!tpu.dma_semaphore, #tpu.memory_space<semaphore_mem>>
        %dma_start3A_287 = arith.constant 0 : i32
        %dma_start3A_288 = tpu.memref_slice %arg6[%multiple_of3A_286, %dma_start3A_287] : memref<100000x32xf32, #tpu.memory_space<hbm>> -> memref<200x32xf32, #tpu.memory_space<hbm>>
        %dma_start3A_289 = arith.constant 0 : i32
        %dma_start3A_290 = tpu.memref_slice %arg7[%multiple_of3A_280, %dma_start3A_289] : memref<50000x32xf32, #tpu.memory_space<vmem_shared>> -> memref<200x32xf32, #tpu.memory_space<vmem_shared>>
        tpu.enqueue_dma source(%dma_start3A_290 : memref<200x32xf32, #tpu.memory_space<vmem_shared>>) target(%dma_start3A_288 : memref<200x32xf32, #tpu.memory_space<hbm>>) target_semaphore(%run_scoped3A : memref<!tpu.dma_semaphore, #tpu.memory_space<semaphore_mem>>)
        %dma_wait3A = arith.constant 0 : i32
        %dma_wait3A_291 = tpu.memref_slice %arg6[%multiple_of3A_286, %dma_wait3A] : memref<100000x32xf32, #tpu.memory_space<hbm>> -> memref<200x32xf32, #tpu.memory_space<hbm>>
        %dma_wait3A_292 = arith.constant 0 : i32
        %dma_wait3A_293 = tpu.memref_slice %arg7[%multiple_of3A_280, %dma_wait3A_292] : memref<50000x32xf32, #tpu.memory_space<vmem_shared>> -> memref<200x32xf32, #tpu.memory_space<vmem_shared>>
        tpu.wait_dma2 semaphore(%run_scoped3A : memref<!tpu.dma_semaphore, #tpu.memory_space<semaphore_mem>>) src(%dma_wait3A_293 : memref<200x32xf32, #tpu.memory_space<vmem_shared>>) dst(%dma_wait3A_291 : memref<200x32xf32, #tpu.memory_space<hbm>>)
        tpu.yield
      }) : () -> ()
    } else {
    }
    %add3A_257 = arith.constant 208 : i32
    %add3A_258 = arith.addi %add3A_257, %arg1 : i32
    %lt3A_259 = arith.constant 250 : i32
    %lt3A_260 = arith.cmpi slt, %add3A_258, %lt3A_259 : i32
    %convert_element_type3A_261 = arith.extui %lt3A_260 : i1 to i32
    %cond3A_262 = arith.constant 0 : i32
    %cond3A_263 = arith.cmpi ne, %convert_element_type3A_261, %cond3A_262 : i32
    scf.if %cond3A_263 {
      %mul3A_278 = arith.constant 200 : i32
      %mul3A_279 = arith.muli %add3A_258, %mul3A_278 : i32
      %multiple_of3A_280 = tpu.assume_multiple %mul3A_279, 8 : i32
      %mul3A_281 = arith.constant 50000 : i32
      %mul3A_282 = arith.muli %arg0, %mul3A_281 : i32
      %mul3A_283 = arith.constant 200 : i32
      %mul3A_284 = arith.muli %add3A_258, %mul3A_283 : i32
      %add3A_285 = arith.addi %mul3A_282, %mul3A_284 : i32
      %multiple_of3A_286 = tpu.assume_multiple %add3A_285, 8 : i32
      "tpu.region"() ({
        %run_scoped3A = tpu.sem_alloc : memref<!tpu.dma_semaphore, #tpu.memory_space<semaphore_mem>>
        %dma_start3A_287 = arith.constant 0 : i32
        %dma_start3A_288 = tpu.memref_slice %arg6[%multiple_of3A_286, %dma_start3A_287] : memref<100000x32xf32, #tpu.memory_space<hbm>> -> memref<200x32xf32, #tpu.memory_space<hbm>>
        %dma_start3A_289 = arith.constant 0 : i32
        %dma_start3A_290 = tpu.memref_slice %arg7[%multiple_of3A_280, %dma_start3A_289] : memref<50000x32xf32, #tpu.memory_space<vmem_shared>> -> memref<200x32xf32, #tpu.memory_space<vmem_shared>>
        tpu.enqueue_dma source(%dma_start3A_290 : memref<200x32xf32, #tpu.memory_space<vmem_shared>>) target(%dma_start3A_288 : memref<200x32xf32, #tpu.memory_space<hbm>>) target_semaphore(%run_scoped3A : memref<!tpu.dma_semaphore, #tpu.memory_space<semaphore_mem>>)
        %dma_wait3A = arith.constant 0 : i32
        %dma_wait3A_291 = tpu.memref_slice %arg6[%multiple_of3A_286, %dma_wait3A] : memref<100000x32xf32, #tpu.memory_space<hbm>> -> memref<200x32xf32, #tpu.memory_space<hbm>>
        %dma_wait3A_292 = arith.constant 0 : i32
        %dma_wait3A_293 = tpu.memref_slice %arg7[%multiple_of3A_280, %dma_wait3A_292] : memref<50000x32xf32, #tpu.memory_space<vmem_shared>> -> memref<200x32xf32, #tpu.memory_space<vmem_shared>>
        tpu.wait_dma2 semaphore(%run_scoped3A : memref<!tpu.dma_semaphore, #tpu.memory_space<semaphore_mem>>) src(%dma_wait3A_293 : memref<200x32xf32, #tpu.memory_space<vmem_shared>>) dst(%dma_wait3A_291 : memref<200x32xf32, #tpu.memory_space<hbm>>)
        tpu.yield
      }) : () -> ()
    } else {
    }
    %add3A_264 = arith.constant 224 : i32
    %add3A_265 = arith.addi %add3A_264, %arg1 : i32
    %lt3A_266 = arith.constant 250 : i32
    %lt3A_267 = arith.cmpi slt, %add3A_265, %lt3A_266 : i32
    %convert_element_type3A_268 = arith.extui %lt3A_267 : i1 to i32
    %cond3A_269 = arith.constant 0 : i32
    %cond3A_270 = arith.cmpi ne, %convert_element_type3A_268, %cond3A_269 : i32
    scf.if %cond3A_270 {
      %mul3A_278 = arith.constant 200 : i32
      %mul3A_279 = arith.muli %add3A_265, %mul3A_278 : i32
      %multiple_of3A_280 = tpu.assume_multiple %mul3A_279, 8 : i32
      %mul3A_281 = arith.constant 50000 : i32
      %mul3A_282 = arith.muli %arg0, %mul3A_281 : i32
      %mul3A_283 = arith.constant 200 : i32
      %mul3A_284 = arith.muli %add3A_265, %mul3A_283 : i32
      %add3A_285 = arith.addi %mul3A_282, %mul3A_284 : i32
      %multiple_of3A_286 = tpu.assume_multiple %add3A_285, 8 : i32
      "tpu.region"() ({
        %run_scoped3A = tpu.sem_alloc : memref<!tpu.dma_semaphore, #tpu.memory_space<semaphore_mem>>
        %dma_start3A_287 = arith.constant 0 : i32
        %dma_start3A_288 = tpu.memref_slice %arg6[%multiple_of3A_286, %dma_start3A_287] : memref<100000x32xf32, #tpu.memory_space<hbm>> -> memref<200x32xf32, #tpu.memory_space<hbm>>
        %dma_start3A_289 = arith.constant 0 : i32
        %dma_start3A_290 = tpu.memref_slice %arg7[%multiple_of3A_280, %dma_start3A_289] : memref<50000x32xf32, #tpu.memory_space<vmem_shared>> -> memref<200x32xf32, #tpu.memory_space<vmem_shared>>
        tpu.enqueue_dma source(%dma_start3A_290 : memref<200x32xf32, #tpu.memory_space<vmem_shared>>) target(%dma_start3A_288 : memref<200x32xf32, #tpu.memory_space<hbm>>) target_semaphore(%run_scoped3A : memref<!tpu.dma_semaphore, #tpu.memory_space<semaphore_mem>>)
        %dma_wait3A = arith.constant 0 : i32
        %dma_wait3A_291 = tpu.memref_slice %arg6[%multiple_of3A_286, %dma_wait3A] : memref<100000x32xf32, #tpu.memory_space<hbm>> -> memref<200x32xf32, #tpu.memory_space<hbm>>
        %dma_wait3A_292 = arith.constant 0 : i32
        %dma_wait3A_293 = tpu.memref_slice %arg7[%multiple_of3A_280, %dma_wait3A_292] : memref<50000x32xf32, #tpu.memory_space<vmem_shared>> -> memref<200x32xf32, #tpu.memory_space<vmem_shared>>
        tpu.wait_dma2 semaphore(%run_scoped3A : memref<!tpu.dma_semaphore, #tpu.memory_space<semaphore_mem>>) src(%dma_wait3A_293 : memref<200x32xf32, #tpu.memory_space<vmem_shared>>) dst(%dma_wait3A_291 : memref<200x32xf32, #tpu.memory_space<hbm>>)
        tpu.yield
      }) : () -> ()
    } else {
    }
    %add3A_271 = arith.constant 240 : i32
    %add3A_272 = arith.addi %add3A_271, %arg1 : i32
    %lt3A_273 = arith.constant 250 : i32
    %lt3A_274 = arith.cmpi slt, %add3A_272, %lt3A_273 : i32
    %convert_element_type3A_275 = arith.extui %lt3A_274 : i1 to i32
    %cond3A_276 = arith.constant 0 : i32
    %cond3A_277 = arith.cmpi ne, %convert_element_type3A_275, %cond3A_276 : i32
    scf.if %cond3A_277 {
      %mul3A_278 = arith.constant 200 : i32
      %mul3A_279 = arith.muli %add3A_272, %mul3A_278 : i32
      %multiple_of3A_280 = tpu.assume_multiple %mul3A_279, 8 : i32
      %mul3A_281 = arith.constant 50000 : i32
      %mul3A_282 = arith.muli %arg0, %mul3A_281 : i32
      %mul3A_283 = arith.constant 200 : i32
      %mul3A_284 = arith.muli %add3A_272, %mul3A_283 : i32
      %add3A_285 = arith.addi %mul3A_282, %mul3A_284 : i32
      %multiple_of3A_286 = tpu.assume_multiple %add3A_285, 8 : i32
      "tpu.region"() ({
        %run_scoped3A = tpu.sem_alloc : memref<!tpu.dma_semaphore, #tpu.memory_space<semaphore_mem>>
        %dma_start3A_287 = arith.constant 0 : i32
        %dma_start3A_288 = tpu.memref_slice %arg6[%multiple_of3A_286, %dma_start3A_287] : memref<100000x32xf32, #tpu.memory_space<hbm>> -> memref<200x32xf32, #tpu.memory_space<hbm>>
        %dma_start3A_289 = arith.constant 0 : i32
        %dma_start3A_290 = tpu.memref_slice %arg7[%multiple_of3A_280, %dma_start3A_289] : memref<50000x32xf32, #tpu.memory_space<vmem_shared>> -> memref<200x32xf32, #tpu.memory_space<vmem_shared>>
        tpu.enqueue_dma source(%dma_start3A_290 : memref<200x32xf32, #tpu.memory_space<vmem_shared>>) target(%dma_start3A_288 : memref<200x32xf32, #tpu.memory_space<hbm>>) target_semaphore(%run_scoped3A : memref<!tpu.dma_semaphore, #tpu.memory_space<semaphore_mem>>)
        %dma_wait3A = arith.constant 0 : i32
        %dma_wait3A_291 = tpu.memref_slice %arg6[%multiple_of3A_286, %dma_wait3A] : memref<100000x32xf32, #tpu.memory_space<hbm>> -> memref<200x32xf32, #tpu.memory_space<hbm>>
        %dma_wait3A_292 = arith.constant 0 : i32
        %dma_wait3A_293 = tpu.memref_slice %arg7[%multiple_of3A_280, %dma_wait3A_292] : memref<50000x32xf32, #tpu.memory_space<vmem_shared>> -> memref<200x32xf32, #tpu.memory_space<vmem_shared>>
        tpu.wait_dma2 semaphore(%run_scoped3A : memref<!tpu.dma_semaphore, #tpu.memory_space<semaphore_mem>>) src(%dma_wait3A_293 : memref<200x32xf32, #tpu.memory_space<vmem_shared>>) dst(%dma_wait3A_291 : memref<200x32xf32, #tpu.memory_space<hbm>>)
        tpu.yield
      }) : () -> ()
    } else {
    }
    return
  }
}

module attributes {stable_mosaic.version = 14 : i64} {
  func.func @_k1_body(%arg0: i32, %arg1: memref<2000x256xf32, #tpu.memory_space<vmem>>, %arg2: memref<2000x128xf32, #tpu.memory_space<vmem>>, %arg3: memref<256x128xf32, #tpu.memory_space<vmem>>, %arg4: memref<128x128xf32, #tpu.memory_space<vmem>>, %arg5: memref<2000x128xf32, #tpu.memory_space<vmem>>, %arg6: memref<2000x128xf32, #tpu.memory_space<vmem>>, %arg7: memref<8x128xf32, #tpu.memory_space<vmem>>) attributes {dimension_semantics = [#tpu.dimension_semantics<arbitrary>], iteration_bounds = array<i64: 25>, scalar_prefetch = 0 : i64, scratch_operands = 0 : i64, tpu.core_type = #tpu.core_type<tc>, window_params = [{transform_indices = @transform_0, window_bounds = array<i64: 2000, 256>}, {transform_indices = @transform_1, window_bounds = array<i64: 2000, 128>}, {pipeline_mode = #tpu.pipeline_mode<synchronous>, transform_indices = @transform_2, window_bounds = array<i64: 256, 128>}, {pipeline_mode = #tpu.pipeline_mode<synchronous>, transform_indices = @transform_3, window_bounds = array<i64: 128, 128>}, {transform_indices = @transform_4, window_bounds = array<i64: 2000, 128>}, {transform_indices = @transform_5, window_bounds = array<i64: 2000, 128>}, {pipeline_mode = #tpu.pipeline_mode<synchronous>, transform_indices = @transform_6, window_bounds = array<i64: 8, 128>}]} {
    %get3A = arith.constant 0 : index
    %get3A_0 = arith.constant 0 : index
    %get3A_1 = vector.load %arg1[%get3A, %get3A_0] : memref<2000x256xf32, #tpu.memory_space<vmem>>, vector<2000x256xf32>
    %mul3A = arith.mulf %get3A_1, %get3A_1 : vector<2000x256xf32>
    %reduce_sum3A = arith.constant dense<0.000000e+00> : vector<2000xf32>
    %reduce_sum3A_2 = vector.multi_reduction <add>, %mul3A, %reduce_sum3A [1] : vector<2000x256xf32> to vector<2000xf32>
    %broadcast_in_dim3A = vector.shape_cast %reduce_sum3A_2 : vector<2000xf32> to vector<2000x1xf32>
    %sqrt3A = math.sqrt %broadcast_in_dim3A : vector<2000x1xf32>
    %max3A = arith.constant 9.99999996E-13 : f32
    %max3A_3 = vector.broadcast %max3A : f32 to vector<2000x1xf32>
    %max3A_4 = arith.maximumf %sqrt3A, %max3A_3 : vector<2000x1xf32>
    %div3A = vector.broadcast %max3A_4 : vector<2000x1xf32> to vector<2000x256xf32>
    %div3A_5 = arith.divf %get3A_1, %div3A : vector<2000x256xf32>
    %get3A_6 = arith.constant 0 : index
    %get3A_7 = arith.constant 0 : index
    %get3A_8 = vector.load %arg3[%get3A_6, %get3A_7] : memref<256x128xf32, #tpu.memory_space<vmem>>, vector<256x128xf32>
    %dot_general3A = arith.constant dense<0.000000e+00> : vector<2000x128xf32>
    %dot_general3A_9 = tpu.matmul %div3A_5, %get3A_8, %dot_general3A {dimension_numbers = #tpu.dot_dimension_numbers<[1], [0], [0], [1], [0, 0, 1, 1], [], []>, precision = #tpu.contract_precision<fp32>, transpose_lhs_hint = false} : vector<2000x256xf32>, vector<256x128xf32>, vector<2000x128xf32> -> vector<2000x128xf32>
    %swap3A = arith.constant 0 : index
    %swap3A_10 = arith.constant 0 : index
    %swap3A_11 = vector.load %arg5[%swap3A, %swap3A_10] : memref<2000x128xf32, #tpu.memory_space<vmem>>, vector<2000x128xf32>
    tpu.vector_store %arg5[%swap3A, %swap3A_10], %dot_general3A_9 {strides = array<i32>} : memref<2000x128xf32, #tpu.memory_space<vmem>>, vector<2000x128xf32>,
    %get3A_12 = arith.constant 0 : index
    %get3A_13 = arith.constant 0 : index
    %get3A_14 = vector.load %arg2[%get3A_12, %get3A_13] : memref<2000x128xf32, #tpu.memory_space<vmem>>, vector<2000x128xf32>
    %mul3A_15 = arith.mulf %get3A_14, %get3A_14 : vector<2000x128xf32>
    %reduce_sum3A_16 = arith.constant dense<0.000000e+00> : vector<2000xf32>
    %reduce_sum3A_17 = vector.multi_reduction <add>, %mul3A_15, %reduce_sum3A_16 [1] : vector<2000x128xf32> to vector<2000xf32>
    %broadcast_in_dim3A_18 = vector.shape_cast %reduce_sum3A_17 : vector<2000xf32> to vector<2000x1xf32>
    %sqrt3A_19 = math.sqrt %broadcast_in_dim3A_18 : vector<2000x1xf32>
    %max3A_20 = arith.constant 9.99999996E-13 : f32
    %max3A_21 = vector.broadcast %max3A_20 : f32 to vector<2000x1xf32>
    %max3A_22 = arith.maximumf %sqrt3A_19, %max3A_21 : vector<2000x1xf32>
    %div3A_23 = vector.broadcast %max3A_22 : vector<2000x1xf32> to vector<2000x128xf32>
    %div3A_24 = arith.divf %get3A_14, %div3A_23 : vector<2000x128xf32>
    %get3A_25 = arith.constant 0 : index
    %get3A_26 = arith.constant 0 : index
    %get3A_27 = vector.load %arg4[%get3A_25, %get3A_26] : memref<128x128xf32, #tpu.memory_space<vmem>>, vector<128x128xf32>
    %dot_general3A_28 = arith.constant dense<0.000000e+00> : vector<2000x128xf32>
    %dot_general3A_29 = tpu.matmul %div3A_24, %get3A_27, %dot_general3A_28 {dimension_numbers = #tpu.dot_dimension_numbers<[1], [0], [0], [1], [0, 0, 1, 1], [], []>, precision = #tpu.contract_precision<fp32>, transpose_lhs_hint = false} : vector<2000x128xf32>, vector<128x128xf32>, vector<2000x128xf32> -> vector<2000x128xf32>
    %swap3A_30 = arith.constant 0 : index
    %swap3A_31 = arith.constant 0 : index
    %swap3A_32 = vector.load %arg6[%swap3A_30, %swap3A_31] : memref<2000x128xf32, #tpu.memory_space<vmem>>, vector<2000x128xf32>
    tpu.vector_store %arg6[%swap3A_30, %swap3A_31], %dot_general3A_29 {strides = array<i32>} : memref<2000x128xf32, #tpu.memory_space<vmem>>, vector<2000x128xf32>,
    %eq3A = arith.constant 0 : i32
    %eq3A_33 = arith.cmpi eq, %arg0, %eq3A : i32
    %convert_element_type3A = arith.extui %eq3A_33 : i1 to i32
    %cond3A = arith.constant 0 : i32
    %cond3A_34 = arith.cmpi ne, %convert_element_type3A, %cond3A : i32
    scf.if %cond3A_34 {
      %broadcast_in_dim3A_76 = arith.constant 0.000000e+00 : f32
      %broadcast_in_dim3A_77 = vector.broadcast %broadcast_in_dim3A_76 : f32 to vector<8x128xf32>
      %swap3A_78 = arith.constant 0 : index
      %swap3A_79 = arith.constant 0 : index
      %swap3A_80 = vector.load %arg7[%swap3A_78, %swap3A_79] : memref<8x128xf32, #tpu.memory_space<vmem>>, vector<8x128xf32>
      tpu.vector_store %arg7[%swap3A_78, %swap3A_79], %broadcast_in_dim3A_77 {strides = array<i32>} : memref<8x128xf32, #tpu.memory_space<vmem>>, vector<8x128xf32>,
    } else {
    }
    %get3A_35 = arith.constant 0 : index
    %get3A_36 = arith.constant 0 : index
    %get3A_37 = vector.load %arg7[%get3A_35, %get3A_36] : memref<8x128xf32, #tpu.memory_space<vmem>>, vector<1x128xf32>
    %reduce_sum3A_38 = arith.constant dense<0.000000e+00> : vector<128xf32>
    %reduce_sum3A_39 = vector.multi_reduction <add>, %dot_general3A_9, %reduce_sum3A_38 [0] : vector<2000x128xf32> to vector<128xf32>
    %broadcast_in_dim3A_40 = vector.shape_cast %reduce_sum3A_39 : vector<128xf32> to vector<1x128xf32>
    %add3A = arith.addf %get3A_37, %broadcast_in_dim3A_40 : vector<1x128xf32>
    %swap3A_41 = arith.constant 0 : index
    %swap3A_42 = arith.constant 0 : index
    %swap3A_43 = vector.load %arg7[%swap3A_41, %swap3A_42] : memref<8x128xf32, #tpu.memory_space<vmem>>, vector<1x128xf32>
    tpu.vector_store %arg7[%swap3A_41, %swap3A_42], %add3A {strides = array<i32>} : memref<8x128xf32, #tpu.memory_space<vmem>>, vector<1x128xf32>,
    %get3A_44 = arith.constant 1 : index
    %get3A_45 = arith.constant 0 : index
    %get3A_46 = vector.load %arg7[%get3A_44, %get3A_45] : memref<8x128xf32, #tpu.memory_space<vmem>>, vector<1x128xf32>
    %mul3A_47 = arith.mulf %dot_general3A_9, %dot_general3A_9 : vector<2000x128xf32>
    %reduce_sum3A_48 = arith.constant dense<0.000000e+00> : vector<128xf32>
    %reduce_sum3A_49 = vector.multi_reduction <add>, %mul3A_47, %reduce_sum3A_48 [0] : vector<2000x128xf32> to vector<128xf32>
    %broadcast_in_dim3A_50 = vector.shape_cast %reduce_sum3A_49 : vector<128xf32> to vector<1x128xf32>
    %add3A_51 = arith.addf %get3A_46, %broadcast_in_dim3A_50 : vector<1x128xf32>
    %swap3A_52 = arith.constant 1 : index
    %swap3A_53 = arith.constant 0 : index
    %swap3A_54 = vector.load %arg7[%swap3A_52, %swap3A_53] : memref<8x128xf32, #tpu.memory_space<vmem>>, vector<1x128xf32>
    tpu.vector_store %arg7[%swap3A_52, %swap3A_53], %add3A_51 {strides = array<i32>} : memref<8x128xf32, #tpu.memory_space<vmem>>, vector<1x128xf32>,
    %get3A_55 = arith.constant 2 : index
    %get3A_56 = arith.constant 0 : index
    %get3A_57 = vector.load %arg7[%get3A_55, %get3A_56] : memref<8x128xf32, #tpu.memory_space<vmem>>, vector<1x128xf32>
    %reduce_sum3A_58 = arith.constant dense<0.000000e+00> : vector<128xf32>
    %reduce_sum3A_59 = vector.multi_reduction <add>, %dot_general3A_29, %reduce_sum3A_58 [0] : vector<2000x128xf32> to vector<128xf32>
    %broadcast_in_dim3A_60 = vector.shape_cast %reduce_sum3A_59 : vector<128xf32> to vector<1x128xf32>
    %add3A_61 = arith.addf %get3A_57, %broadcast_in_dim3A_60 : vector<1x128xf32>
    %swap3A_62 = arith.constant 2 : index
    %swap3A_63 = arith.constant 0 : index
    %swap3A_64 = vector.load %arg7[%swap3A_62, %swap3A_63] : memref<8x128xf32, #tpu.memory_space<vmem>>, vector<1x128xf32>
    tpu.vector_store %arg7[%swap3A_62, %swap3A_63], %add3A_61 {strides = array<i32>} : memref<8x128xf32, #tpu.memory_space<vmem>>, vector<1x128xf32>,
    %get3A_65 = arith.constant 3 : index
    %get3A_66 = arith.constant 0 : index
    %get3A_67 = vector.load %arg7[%get3A_65, %get3A_66] : memref<8x128xf32, #tpu.memory_space<vmem>>, vector<1x128xf32>
    %mul3A_68 = arith.mulf %dot_general3A_29, %dot_general3A_29 : vector<2000x128xf32>
    %reduce_sum3A_69 = arith.constant dense<0.000000e+00> : vector<128xf32>
    %reduce_sum3A_70 = vector.multi_reduction <add>, %mul3A_68, %reduce_sum3A_69 [0] : vector<2000x128xf32> to vector<128xf32>
    %broadcast_in_dim3A_71 = vector.shape_cast %reduce_sum3A_70 : vector<128xf32> to vector<1x128xf32>
    %add3A_72 = arith.addf %get3A_67, %broadcast_in_dim3A_71 : vector<1x128xf32>
    %swap3A_73 = arith.constant 3 : index
    %swap3A_74 = arith.constant 0 : index
    %swap3A_75 = vector.load %arg7[%swap3A_73, %swap3A_74] : memref<8x128xf32, #tpu.memory_space<vmem>>, vector<1x128xf32>
    tpu.vector_store %arg7[%swap3A_73, %swap3A_74], %add3A_72 {strides = array<i32>} : memref<8x128xf32, #tpu.memory_space<vmem>>, vector<1x128xf32>,
    return
  }
  func.func @transform_0(%arg0: i32) -> (i32, i32) {
    %c0_i32 = arith.constant 0 : i32
    %c0_i32_0 = arith.constant 0 : i32
    return %arg0, %c0_i32 : i32, i32
  }
  func.func @transform_1(%arg0: i32) -> (i32, i32) {
    %c0_i32 = arith.constant 0 : i32
    %c0_i32_0 = arith.constant 0 : i32
    return %arg0, %c0_i32 : i32, i32
  }
  func.func @transform_2(%arg0: i32) -> (i32, i32) {
    %c0_i32 = arith.constant 0 : i32
    %c0_i32_0 = arith.constant 0 : i32
    %c0_i32_1 = arith.constant 0 : i32
    return %c0_i32, %c0_i32_0 : i32, i32
  }
  func.func @transform_3(%arg0: i32) -> (i32, i32) {
    %c0_i32 = arith.constant 0 : i32
    %c0_i32_0 = arith.constant 0 : i32
    %c0_i32_1 = arith.constant 0 : i32
    return %c0_i32, %c0_i32_0 : i32, i32
  }
  func.func @transform_4(%arg0: i32) -> (i32, i32) {
    %c0_i32 = arith.constant 0 : i32
    %c0_i32_0 = arith.constant 0 : i32
    return %arg0, %c0_i32 : i32, i32
  }
  func.func @transform_5(%arg0: i32) -> (i32, i32) {
    %c0_i32 = arith.constant 0 : i32
    %c0_i32_0 = arith.constant 0 : i32
    return %arg0, %c0_i32 : i32, i32
  }
  func.func @transform_6(%arg0: i32) -> (i32, i32) {
    %c0_i32 = arith.constant 0 : i32
    %c0_i32_0 = arith.constant 0 : i32
    %c0_i32_1 = arith.constant 0 : i32
    return %c0_i32, %c0_i32_0 : i32, i32
  }
}

module attributes {stable_mosaic.version = 14 : i64} {
  func.func @_k2_body(%arg0: i32, %arg1: memref<2000x128xf32, #tpu.memory_space<vmem>>, %arg2: memref<2000x128xf32, #tpu.memory_space<vmem>>, %arg3: memref<8x128xf32, #tpu.memory_space<vmem>>, %arg4: memref<128x32xf32, #tpu.memory_space<vmem>>, %arg5: memref<2000x32xf32, #tpu.memory_space<vmem>>) attributes {dimension_semantics = [#tpu.dimension_semantics<arbitrary>], iteration_bounds = array<i64: 25>, scalar_prefetch = 0 : i64, scratch_operands = 0 : i64, tpu.core_type = #tpu.core_type<tc>, window_params = [{transform_indices = @transform_0, window_bounds = array<i64: 2000, 128>}, {transform_indices = @transform_1, window_bounds = array<i64: 2000, 128>}, {pipeline_mode = #tpu.pipeline_mode<synchronous>, transform_indices = @transform_2, window_bounds = array<i64: 8, 128>}, {pipeline_mode = #tpu.pipeline_mode<synchronous>, transform_indices = @transform_3, window_bounds = array<i64: 128, 32>}, {transform_indices = @transform_4, window_bounds = array<i64: 2000, 32>}]} {
    %get3A = arith.constant 0 : index
    %get3A_0 = arith.constant 0 : index
    %get3A_1 = vector.load %arg1[%get3A, %get3A_0] : memref<2000x128xf32, #tpu.memory_space<vmem>>, vector<2000x128xf32>
    %get3A_2 = arith.constant 0 : index
    %get3A_3 = arith.constant 0 : index
    %get3A_4 = vector.load %arg3[%get3A_2, %get3A_3] : memref<8x128xf32, #tpu.memory_space<vmem>>, vector<1x128xf32>
    %mul3A = vector.broadcast %get3A_4 : vector<1x128xf32> to vector<2000x128xf32>
    %mul3A_5 = arith.mulf %get3A_1, %mul3A : vector<2000x128xf32>
    %get3A_6 = arith.constant 1 : index
    %get3A_7 = arith.constant 0 : index
    %get3A_8 = vector.load %arg3[%get3A_6, %get3A_7] : memref<8x128xf32, #tpu.memory_space<vmem>>, vector<1x128xf32>
    %add3A = vector.broadcast %get3A_8 : vector<1x128xf32> to vector<2000x128xf32>
    %add3A_9 = arith.addf %mul3A_5, %add3A : vector<2000x128xf32>
    %max3A = arith.constant 0.000000e+00 : f32
    %max3A_10 = vector.broadcast %max3A : f32 to vector<2000x128xf32>
    %max3A_11 = arith.maximumf %add3A_9, %max3A_10 : vector<2000x128xf32>
    %get3A_12 = arith.constant 0 : index
    %get3A_13 = arith.constant 0 : index
    %get3A_14 = vector.load %arg2[%get3A_12, %get3A_13] : memref<2000x128xf32, #tpu.memory_space<vmem>>, vector<2000x128xf32>
    %get3A_15 = arith.constant 2 : index
    %get3A_16 = arith.constant 0 : index
    %get3A_17 = vector.load %arg3[%get3A_15, %get3A_16] : memref<8x128xf32, #tpu.memory_space<vmem>>, vector<1x128xf32>
    %mul3A_18 = vector.broadcast %get3A_17 : vector<1x128xf32> to vector<2000x128xf32>
    %mul3A_19 = arith.mulf %get3A_14, %mul3A_18 : vector<2000x128xf32>
    %get3A_20 = arith.constant 3 : index
    %get3A_21 = arith.constant 0 : index
    %get3A_22 = vector.load %arg3[%get3A_20, %get3A_21] : memref<8x128xf32, #tpu.memory_space<vmem>>, vector<1x128xf32>
    %add3A_23 = vector.broadcast %get3A_22 : vector<1x128xf32> to vector<2000x128xf32>
    %add3A_24 = arith.addf %mul3A_19, %add3A_23 : vector<2000x128xf32>
    %max3A_25 = arith.constant 0.000000e+00 : f32
    %max3A_26 = vector.broadcast %max3A_25 : f32 to vector<2000x128xf32>
    %max3A_27 = arith.maximumf %add3A_24, %max3A_26 : vector<2000x128xf32>
    %add3A_28 = arith.addf %max3A_11, %max3A_27 : vector<2000x128xf32>
    %get3A_29 = arith.constant 0 : index
    %get3A_30 = arith.constant 0 : index
    %get3A_31 = vector.load %arg4[%get3A_29, %get3A_30] : memref<128x32xf32, #tpu.memory_space<vmem>>, vector<128x32xf32>
    %dot_general3A = arith.constant dense<0.000000e+00> : vector<2000x32xf32>
    %dot_general3A_32 = tpu.matmul %add3A_28, %get3A_31, %dot_general3A {dimension_numbers = #tpu.dot_dimension_numbers<[1], [0], [0], [1], [0, 0, 1, 1], [], []>, precision = #tpu.contract_precision<fp32>, transpose_lhs_hint = false} : vector<2000x128xf32>, vector<128x32xf32>, vector<2000x32xf32> -> vector<2000x32xf32>
    %get3A_33 = arith.constant 4 : index
    %get3A_34 = arith.constant 0 : index
    %get3A_35 = vector.load %arg3[%get3A_33, %get3A_34] : memref<8x128xf32, #tpu.memory_space<vmem>>, vector<1x32xf32>
    %add3A_36 = vector.broadcast %get3A_35 : vector<1x32xf32> to vector<2000x32xf32>
    %add3A_37 = arith.addf %dot_general3A_32, %add3A_36 : vector<2000x32xf32>
    %mul3A_38 = arith.mulf %add3A_37, %add3A_37 : vector<2000x32xf32>
    %reduce_sum3A = arith.constant dense<0.000000e+00> : vector<2000xf32>
    %reduce_sum3A_39 = vector.multi_reduction <add>, %mul3A_38, %reduce_sum3A [1] : vector<2000x32xf32> to vector<2000xf32>
    %broadcast_in_dim3A = vector.shape_cast %reduce_sum3A_39 : vector<2000xf32> to vector<2000x1xf32>
    %sqrt3A = math.sqrt %broadcast_in_dim3A : vector<2000x1xf32>
    %max3A_40 = arith.constant 9.99999996E-13 : f32
    %max3A_41 = vector.broadcast %max3A_40 : f32 to vector<2000x1xf32>
    %max3A_42 = arith.maximumf %sqrt3A, %max3A_41 : vector<2000x1xf32>
    %div3A = vector.broadcast %max3A_42 : vector<2000x1xf32> to vector<2000x32xf32>
    %div3A_43 = arith.divf %add3A_37, %div3A : vector<2000x32xf32>
    %swap3A = arith.constant 0 : index
    %swap3A_44 = arith.constant 0 : index
    %swap3A_45 = vector.load %arg5[%swap3A, %swap3A_44] : memref<2000x32xf32, #tpu.memory_space<vmem>>, vector<2000x32xf32>
    tpu.vector_store %arg5[%swap3A, %swap3A_44], %div3A_43 {strides = array<i32>} : memref<2000x32xf32, #tpu.memory_space<vmem>>, vector<2000x32xf32>,
    return
  }
  func.func @transform_0(%arg0: i32) -> (i32, i32) {
    %c0_i32 = arith.constant 0 : i32
    %c0_i32_0 = arith.constant 0 : i32
    return %arg0, %c0_i32 : i32, i32
  }
  func.func @transform_1(%arg0: i32) -> (i32, i32) {
    %c0_i32 = arith.constant 0 : i32
    %c0_i32_0 = arith.constant 0 : i32
    return %arg0, %c0_i32 : i32, i32
  }
  func.func @transform_2(%arg0: i32) -> (i32, i32) {
    %c0_i32 = arith.constant 0 : i32
    %c0_i32_0 = arith.constant 0 : i32
    %c0_i32_1 = arith.constant 0 : i32
    return %c0_i32, %c0_i32_0 : i32, i32
  }
  func.func @transform_3(%arg0: i32) -> (i32, i32) {
    %c0_i32 = arith.constant 0 : i32
    %c0_i32_0 = arith.constant 0 : i32
    %c0_i32_1 = arith.constant 0 : i32
    return %c0_i32, %c0_i32_0 : i32, i32
  }
  func.func @transform_4(%arg0: i32) -> (i32, i32) {
    %c0_i32 = arith.constant 0 : i32
    %c0_i32_0 = arith.constant 0 : i32
    return %arg0, %c0_i32 : i32, i32
  }
}

module attributes {stable_mosaic.version = 14 : i64} {
  func.func @_k4_body(%arg0: i32, %arg1: memref<2000x32xf32, #tpu.memory_space<vmem>>, %arg2: memref<2000x32xf32, #tpu.memory_space<vmem>>, %arg3: memref<2000x32xf32, #tpu.memory_space<vmem>>) attributes {dimension_semantics = [#tpu.dimension_semantics<arbitrary>], iteration_bounds = array<i64: 25>, scalar_prefetch = 0 : i64, scratch_operands = 0 : i64, tpu.core_type = #tpu.core_type<tc>, window_params = [{transform_indices = @transform_0, window_bounds = array<i64: 2000, 32>}, {transform_indices = @transform_1, window_bounds = array<i64: 2000, 32>}, {transform_indices = @transform_2, window_bounds = array<i64: 2000, 32>}]} {
    %get3A = arith.constant 0 : index
    %get3A_0 = arith.constant 0 : index
    %get3A_1 = vector.load %arg1[%get3A, %get3A_0] : memref<2000x32xf32, #tpu.memory_space<vmem>>, vector<2000x32xf32>
    %get3A_2 = arith.constant 0 : index
    %get3A_3 = arith.constant 0 : index
    %get3A_4 = vector.load %arg2[%get3A_2, %get3A_3] : memref<2000x32xf32, #tpu.memory_space<vmem>>, vector<2000x32xf32>
    %add3A = arith.addf %get3A_1, %get3A_4 : vector<2000x32xf32>
    %mul3A = arith.mulf %add3A, %add3A : vector<2000x32xf32>
    %reduce_sum3A = arith.constant dense<0.000000e+00> : vector<2000xf32>
    %reduce_sum3A_5 = vector.multi_reduction <add>, %mul3A, %reduce_sum3A [1] : vector<2000x32xf32> to vector<2000xf32>
    %broadcast_in_dim3A = vector.shape_cast %reduce_sum3A_5 : vector<2000xf32> to vector<2000x1xf32>
    %sqrt3A = math.sqrt %broadcast_in_dim3A : vector<2000x1xf32>
    %max3A = arith.constant 9.99999996E-13 : f32
    %max3A_6 = vector.broadcast %max3A : f32 to vector<2000x1xf32>
    %max3A_7 = arith.maximumf %sqrt3A, %max3A_6 : vector<2000x1xf32>
    %div3A = vector.broadcast %max3A_7 : vector<2000x1xf32> to vector<2000x32xf32>
    %div3A_8 = arith.divf %add3A, %div3A : vector<2000x32xf32>
    %swap3A = arith.constant 0 : index
    %swap3A_9 = arith.constant 0 : index
    %swap3A_10 = vector.load %arg3[%swap3A, %swap3A_9] : memref<2000x32xf32, #tpu.memory_space<vmem>>, vector<2000x32xf32>
    tpu.vector_store %arg3[%swap3A, %swap3A_9], %div3A_8 {strides = array<i32>} : memref<2000x32xf32, #tpu.memory_space<vmem>>, vector<2000x32xf32>,
    return
  }
  func.func @transform_0(%arg0: i32) -> (i32, i32) {
    %c0_i32 = arith.constant 0 : i32
    %c0_i32_0 = arith.constant 0 : i32
    return %arg0, %c0_i32 : i32, i32
  }
  func.func @transform_1(%arg0: i32) -> (i32, i32) {
    %add3A = arith.constant 25 : i32
    %add3A_0 = arith.addi %add3A, %arg0 : i32
    %c0_i32 = arith.constant 0 : i32
    %c0_i32_1 = arith.constant 0 : i32
    return %add3A_0, %c0_i32 : i32, i32
  }
  func.func @transform_2(%arg0: i32) -> (i32, i32) {
    %c0_i32 = arith.constant 0 : i32
    %c0_i32_0 = arith.constant 0 : i32
    return %arg0, %c0_i32 : i32, i32
  }
}

</mosaic_0001>

<sc_bundles>
// kernel: kernel.10.cloned.1.call-start
scs
__scs_entry_jumppad:
0x0: {  	(pc) =	sbr.rel $0x88, $3  }
0x1: {  	(tag) =	ssettag $0x0;
	lr =	simm.s32 $0x1  }
0x2: {  	[smem:$0x3F92] =	sst lr;
	_ =	strace $0xD0000000  }
0x3: {  	_ = 	snop  }
0x4: {  	_ = 	snop  }
0x5: {  	_ = 	snop  }
0x6: {  	_ = 	snop  }
0x7: {  	_ = 	snop  }
__scs_overlays_trampoline_lowered:
0x8: {  	[smem:$0x3FA1] =	sst s0  }
0x9: {  	[smem:$0x3FA2] =	sst s1  }
0xa: {  	[smem:$0x3FA3] =	sst s2  }
0xb: {  	[smem:$0x3FA4] =	sst s3  }
0xc: {  	[smem:$0x3FA5] =	sst s4  }
0xd: {  	[smem:$0x3FA6] =	sst s5  }
0xe: {  	[smem:$0x3FA7] =	sst s6  }
0xf: {  	[smem:$0x3FA8] =	sst s7  }
0x10: {  	[smem:$0x3FA9] =	sst s8  }
0x11: {  	[smem:$0x3FAA] =	sst s9;
	s0 =	simm.s32 @!p0 $0x0  }
0x12: {  	s1 =	sld [smem:$0x3F90];
	s0 =	simm.s32 @p0 $0x1  }
0x13: {  	[smem:$0x3FAB] =	sst s0;
	s0 =	simm.s32 @!p1 $0x0  }
0x14: {  	s2 =	sld [smem:$0x3F8F];
	s0 =	simm.s32 @p1 $0x1  }
0x15: {  	[smem:$0x3FAC] =	sst s0;
	s0 =	simm.s32 @!p2 $0x0  }
0x16: {  	s3 =	sld [smem:$0x3FDB];
	s0 =	simm.s32 @p2 $0x1  }
0x17: {  	s4 =	simm.s32 $0x1BF5;
	[smem:$0x3FAE] =	sst s0  }
0x18: {  	s0 =	sld [smem:$0x3F91];
	_ =	swait.ge [sflag:s4], $0x0  }
0x19: {  	s7 =	sld [smem:$0x3F92]  }
0x1a: {  	s8 =	sadd.s32 $0xFFFFE003, lr  }
0x1b: {  	s9 =	sadd.s32 $0xFFFFFEF7, lr;
	s5 =	simm.s32 $0xFFFFFFFF;
	p2 =	slt.u32 s8, $0xFFFFF086  }
0x1c: {  	p1 =	slt.u32 s9, $0xF7A;
	s5 =	simm.s32 @!p2 $0x0  }
0x1d: {  	s5 =	simm.s32 @p1 $0x1;
	p0 =	seq.s32 s7, s2  }
0x1e: {  	s7 =	smul.u32 @!p0 $0xF7A, s2;
	p2 =	seq.s32 @!p0 s5, $0x0  }
0x1f: {  	s9 =	smul.u32 $0xF7A, s1;
	s8 =	simm.s32 @!p0 $0x1BF5;
	p2 =	por !p2, p0  }
0x20: {  	[sflag:s8] =	ssyncset.s32 @!p0 $0xFFFFF086;
	s6 =	sadd.s32 @!p0 s3, s7;
	s7 =	simm.s32 @!p0 $0x108  }
0x21: {  	s3 =	sadd.s32 s3, s9;
	s6 =	sadd.s32 @!p0 $0x88, s6;
	s7 =	simm.s32 @p2 $0x1082  }
0x22: {  	[simem:s7], [sflag:s8] =	dma.local @!p0 [hbm:s6], $0xF7A  }
0x23: {  	s9 =	sor.u32 $0xD0000000, s2;
	s6 =	simm.s32 $0x108;
	_ =	swait.ge @!p0 [sflag:s8], $0x0  }
0x24: {  	s3 =	sadd.s32 $0x88, s3;
	s6 =	simm.s32 @!p1 $0x1082;
	[sflag:s4] =	ssyncset.s32 $0xFFFFF086  }
0x25: {  	[simem:s6], [sflag:s4] =	dma.local [hbm:s3], $0xF7A  }
0x26: {  	[smem:$0x3F92] =	sst s1;
	(tag) =	ssettag s2;
	_ =	strace s9  }
0x27: {  	s1 =	sld [smem:$0x3FA2]  }
0x28: {  	s2 =	sld [smem:$0x3FA3]  }
0x29: {  	s4 =	sld [smem:$0x3FA5]  }
0x2a: {  	p0 =	seq.s32 s5, $0x0;
	s5 =	sld [smem:$0x3FA6]  }
0x2b: {  	s6 =	sld [smem:$0x3FA7]  }
0x2c: {  	s7 =	sld [smem:$0x3FA8]  }
0x2d: {  	s3 =	simm.s32 $0x108;
	s8 =	sld [smem:$0x3FA9]  }
0x2e: {  	s3 =	simm.s32 @!p0 $0x1082;
	s9 =	sld [smem:$0x3FAA]  }
0x2f: {  	lr =	sadd.s32 s0, s3;
	s0 =	sld [smem:$0x3FA1]  }
0x30: {  	s3 =	sld [smem:$0x3FA4]  }
0x31: {  	[smem:$0x3FAD] =	sst s10  }
0x32: {  	s10 =	sld [smem:$0x3FAB];
	_ =	sdelay $0x3  }
0x33: {  	p0 =	seq.s32 s10, $0x1;
	s10 =	sld [smem:$0x3FAD];
	_ =	sdelay $0x3  }
0x34: {  	[smem:$0x3FAD] =	sst s10  }
0x35: {  	s10 =	sld [smem:$0x3FAC];
	_ =	sdelay $0x3  }
0x36: {  	p1 =	seq.s32 s10, $0x1;
	s10 =	sld [smem:$0x3FAD];
	_ =	sdelay $0x3  }
0x37: {  	[smem:$0x3FAD] =	sst s10  }
0x38: {  	s10 =	sld [smem:$0x3FAE]  }
0x39: {  	_ = 	snop;
	(pc) =	sbr.ind lr, $3  }
0x3a: {  	_ = 	snop  }
0x3b: {  	_ = 	snop  }
0x3c: {  	p2 =	seq.s32 s10, $0x1;
	s10 =	sld [smem:$0x3FAD]  }
0x3d: {  	_ =	shalt  }
0x3e: {  	_ =	shalt  }
0x3f: {  	_ =	shalt  }
0x40: {  	_ =	shalt  }
0x41: {  	_ =	shalt  }
0x42: {  	_ =	shalt  }
0x43: {  	_ =	shalt  }
0x44: {  	_ =	shalt  }
0x45: {  	_ =	shalt  }
0x46: {  	_ =	shalt  }
0x47: {  	_ =	shalt  }
0x48: {  	_ =	shalt  }
0x49: {  	_ =	shalt  }
0x4a: {  	_ =	shalt  }
0x4b: {  	_ =	shalt  }
0x4c: {  	_ =	shalt  }
0x4d: {  	_ =	shalt  }
0x4e: {  	_ =	shalt  }
0x4f: {  	_ =	shalt  }
0x50: {  	_ =	shalt  }
0x51: {  	_ =	shalt  }
0x52: {  	_ =	shalt  }
0x53: {  	_ =	shalt  }
0x54: {  	_ =	shalt  }
0x55: {  	_ =	shalt  }
0x56: {  	_ =	shalt  }
0x57: {  	_ =	shalt  }
0x58: {  	_ =	shalt  }
0x59: {  	_ =	shalt  }
0x5a: {  	_ =	shalt  }
0x5b: {  	_ =	shalt  }
0x5c: {  	_ =	shalt  }
0x5d: {  	_ =	shalt  }
0x5e: {  	_ =	shalt  }
0x5f: {  	_ =	shalt  }
0x60: {  	_ =	shalt  }
0x61: {  	_ =	shalt  }
0x62: {  	_ =	shalt  }
0x63: {  	_ =	shalt  }
0x64: {  	_ =	shalt  }
0x65: {  	_ =	shalt  }
0x66: {  	_ =	shalt  }
0x67: {  	_ =	shalt  }
0x68: {  	_ =	shalt  }
0x69: {  	_ =	shalt  }
0x6a: {  	_ =	shalt  }
0x6b: {  	_ =	shalt  }
0x6c: {  	_ =	shalt  }
0x6d: {  	_ =	shalt  }
0x6e: {  	_ =	shalt  }
0x6f: {  	_ =	shalt  }
0x70: {  	_ =	shalt  }
0x71: {  	_ =	shalt  }
0x72: {  	_ =	shalt  }
0x73: {  	_ =	shalt  }
0x74: {  	_ =	shalt  }
0x75: {  	_ =	shalt  }
0x76: {  	_ =	shalt  }
0x77: {  	_ =	shalt  }
0x78: {  	_ =	shalt  }
0x79: {  	_ =	shalt  }
0x7a: {  	_ =	shalt  }
0x7b: {  	_ =	shalt  }
0x7c: {  	_ =	shalt  }
0x7d: {  	_ =	shalt  }
0x7e: {  	_ =	shalt  }
0x7f: {  	_ =	shalt  }
0x80: {  	_ =	shalt  }
0x81: {  	_ =	shalt  }
0x82: {  	_ =	shalt  }
0x83: {  	_ =	shalt  }
0x84: {  	_ =	shalt  }
0x85: {  	_ =	shalt  }
0x86: {  	_ =	shalt  }
0x87: {  	_ =	shalt  }
.Lfunc_end0:
.L_simem_size_0:
called_computation.1_lowered:
.L_overlay_start_0:
0x88: {  	s2 =	sld [smem:$0x3FD9]  }
0x89: {  	s3 =	sld [smem:$0x3FFE];
	_ =	sdelay $0x1  }
0x8a: {  	s1 =	srdreg.scid  }
0x8b: {  	s0 =	sand.u32 $0x1, s1  }
0x8c: {  	s14 =	sshll.u32 s0, $0xA;
	s2 =	sadd.s32 s3, s2  }
0x8d: {  	s2 =	sadd.s32 s2, s14  }
0x8e: {  	[smem:$0x3FB9] =	sst s2  }
0x8f: {  	_ = 	snop  }
0x90: {  	s2 =	sld [smem:$0x3FD0];
	_ =	sdelay $0x2  }
0x91: {  	s15 =	simm.s32 $0xA;
	s4 =	simm.s32 $0x10  }
0x92: {  	[smem:s4], [sflag:s15] =	dma.local [hbm:s2], $0x1  }
0x93: {  	_ =	swait.eq [sflag:s15], $0x1  }
0x94: {  	[sflag:s15] =	ssyncset.done $0x0  }
0x95: {  	[sflag:s15] =	ssyncadd.s32 $0xFFFFFFFF  }
0x96: {  	s16 =	sld [smem:$0x10];
	(tm) =	ssettm $0x1  }
0x97: {  	s17 =	sld [smem:$0x3FFB];
	_ =	sdelay $0x3  }
0x98: {  	_ =	strace s17  }
0x99: {  	s3 =	sld [smem:$0x3FFC];
	_ =	sdelay $0x3  }
0x9a: {  	_ =	strace s3  }
0x9b: {  	s3 =	sld [smem:$0x3FFD];
	_ =	sdelay $0x3  }
0x9c: {  	_ =	strace s3  }
0x9d: {  	_ =	strace $0x8FFFFFFF  }
0x9e: {  	s18 =	sld [smem:$0x3FDB];
	_ =	sdelay $0x1  }
0x9f: {  	s19 =	simm.s32 $_scs_section_size  }
0xa0: {  	s5 =	simm.s32 $_size__tile_overlayer_lowered;
	s6 =	simm.s32 $_tile_overlayer_lowered  }
0xa1: {  	s22 =	simm.s32 $0x1BFF;
	s21 =	sshll.u32 s6, $0x1;
	s3 =	sadd.s32 s19, s18  }
0xa2: {  	s7 =	simm.s32 $0x0;
	s20 =	sshll.u32 s5, $0x1;
	s5 =	sadd.s32 s21, s3  }
0xa3: {  	[timem:s7], [sflag:s22] =	dma.local [hbm:s5], s20  }
0xa4: {  	_ =	swait.ge [sflag:s22], s20  }
0xa5: {  	s4 =	ssub.s32 $0x0, s20;
	[sflag:s22] =	ssyncset.done $0x0  }
0xa6: {  	[sflag:s22] =	ssyncadd.s32 s4;
	_ =	sdelay $0x1  }
0xa7: {  	s23 =	simm.s32 $0x1B8B  }
0xa8: {  	_ =	swait.ge [sflag:s23], $0x1  }
0xa9: {  	[sflag:s23] =	ssyncset.done $0x0  }
0xaa: {  	s25 =	simm.s32 $0x1B8E;
	s24 =	sld [smem:$0x3FFE];
	[sflag:s23] =	ssyncadd.s32 $0xFFFFFFFF  }
0xab: {  	s26 =	simm.s32 $execute0_lowered;
	[smem:$0x3FD2] =	sst s25  }
0xac: {  	s5 =	sshll.u32 s26, $0x1;
	_ =	strace $0x80000049;
	[dreg:$0x1] =	wrdreg $0xFFFFFFFF  }
0xad: {  	s28 =	simm.s32 $_size_execute0_lowered;
	s3 =	sadd.s32 s3, s5;
	[dreg:$0x0] =	wrdreg $0x0  }
0xae: {  	s5 =	sshll.u32 s28, $0x1;
	[dreg:$0x2] =	wrdreg s3  }
0xaf: {  	[dreg:$0x3] =	wrdreg s5  }
0xb0: {  	[dreg:$0x4] =	wrdreg $0xC0  }
0xb1: {  	_ =	task [dreg:s7], $0x5FFFF  }
0xb2: {  	[dreg:$0x1] =	wrdreg $0xFFFFFFFF  }
0xb3: {  	[dreg:$0x0] =	wrdreg $0x60  }
0xb4: {  	[dreg:$0x2] =	wrdreg s16  }
0xb5: {  	[dreg:$0x3] =	wrdreg s24  }
0xb6: {  	[dreg:$0x4] =	wrdreg $0x0  }
0xb7: {  	[dreg:$0x5] =	wrdreg $0x9  }
0xb8: {  	_ =	task.clear_ibuf [dreg:s7], $0x6FFFF;
	_ =	strace $0x90000049  }
0xb9: {  	s29 =	simm.s32 $0x9;
	_ =	strace $0x8000004B  }
0xba: {  	_ =	swait.ge [sflag:s29], $0x1  }
0xbb: {  	[sflag:s29] =	ssyncadd.s32 $0xFFFFFFFF  }
0xbc: {  	_ =	strace $0x9000004B  }
0xbd: {  	_ =	sfence  }
0xbe: {  	s30 =	sld [smem:$0x0];
	_ =	sdelay $0x2  }
0xbf: {  	s31 =	sshll.u32 s1, $0xD;
	s1 =	sshrl.u32 s1, $0x2  }
0xc0: {  	s3 =	sand.u32 $0x4000, s31;
	s1 =	sadd.s32 s1, s30  }
0xc1: {  	s0 =	sor.u32 s3, s0;
	s1 =	sshll.u32 s1, $0x11  }
0xc2: {  	s0 =	sor.u32 s1, s0  }
0xc3: {  	s0 =	sadd.s32 $0x8F2B, s0  }
0xc4: {  	[sflag:s0] =	ssyncadd.remote.s32 $0x1  }
0xc5: {  	_ =	sfence.sel $0xFFFF  }
0xc6: {  	[dreg:$0x0] =	wrdreg $0xFFFFFFFF;
	(pc) =	sbr.abs _section_cstart, $3  }
0xc7: {  	[dreg:$0x1] =	wrdreg $0xFFFFFFFF  }
0xc8: {  	_ =	task.clear_ibuf [dreg:s7], $0x2FFFF;
	_ =	strace $0x9FFFFFFF  }
0xc9: {  	(tm) =	ssettm $0x7FFFFFFF  }
tec
execute0_lowered:
.L_overlay_start_1:
0x0: {  	(tag) =	ssettag $0x1  }
0x1: {  	s0 =	srdreg.scid;
	s6 =	stileid.u32  }
0x2: {  	s5 =	sand.u32 $0x1, s0;
	s13 =	smul.u32 $0xC8, s6  }
0x3: {  	s19 =	sor.u32 $0x10, s6;
	s1 =	smul.u32 $0xC350, s5  }
0x4: {  	s9 =	sor.u32 $0x20, s6;
	s14 =	smul.u32 $0xC8, s19  }
0x5: {  	s10 =	sor.u32 $0x30, s6;
	s15 =	smul.u32 $0xC8, s9  }
0x6: {  	s11 =	sor.u32 $0x40, s6;
	s16 =	smul.u32 $0xC8, s10  }
0x7: {  	s12 =	sor.u32 $0x50, s6;
	s17 =	smul.u32 $0xC8, s11  }
0x8: {  	s8 =	sor.u32 $0x60, s6;
	s18 =	smul.u32 $0xC8, s12  }
0x9: {  	s7 =	sor.u32 $0x70, s6;
	s4 =	sor.u32 $0x80, s6;
	s20 =	smul.u32 $0xC8, s8  }
0xa: {  	s3 =	sor.u32 $0x90, s6;
	p0 =	sgt.u32 s6, $0x9;
	s21 =	smul.u32 $0xC8, s7  }
0xb: {  	s0 =	ssub.s32 $0x2, s5;
	[smem:$0x7F0] =	sst s7;
	s24 =	smul.u32 $0xC8, s4  }
0xc: {  	[smem:$0x7F1] =	sst s4;
	s26 =	smul.u32 $0xC8, s3;
	s2 =	sshrl.u32 s0, $0x1  }
0xd: {  	[smem:$0x7F2] =	sst s3;
	s12 =	smul.u32 $0x6400, s12;
	s0 =	ssub.s32 s0, s2  }
0xe: {  	s2 =	sor.u32 $0xA0, s6;
	s22 =	sadd.s32 s13, s1;
	s23 =	sadd.s32 s1, s14  }
0xf: {  	s25 =	sadd.s32 s1, s15;
	s16 =	sadd.s32 s1, s16;
	s28 =	sadd.s32 s1, s17  }
0x10: {  	s18 =	sadd.s32 s1, s18;
	s20 =	sadd.s32 s1, s20;
	s13 =	sor.u32 $0xC0, s6  }
0x11: {  	s21 =	sadd.s32 s1, s21;
	s14 =	sor.u32 $0xD0, s6;
	s29 =	smul.u32 $0xC8, s2  }
0x12: {  	s24 =	sadd.s32 s1, s24;
	s15 =	sor.u32 $0xE0, s6;
	s31 =	smul.u32 $0xC8, s13  }
0x13: {  	s26 =	sadd.s32 s1, s26;
	[smem:$0x7F3] =	sst s2;
	s2 =	smul.u32 $0xC8, s14  }
0x14: {  	s17 =	sor.u32 $0xF0, s6;
	[smem:$0x7FC] =	sst s0;
	s4 =	smul.u32 $0xC8, s15  }
0x15: {  	s0 =	sor.u32 $0xB0, s6;
	s7 =	smul.u32 $0xC8, s17;
	s22 =	sshll.u32 s22, $0x2  }
0x16: {  	s23 =	sshll.u32 s23, $0x2;
	[smem:$0x7F4] =	sst s0;
	s30 =	smul.u32 $0xC8, s0  }
0x17: {  	s29 =	sadd.s32 s1, s29;
	s31 =	sadd.s32 s1, s31;
	s3 =	sadd.s32 s1, s2  }
0x18: {  	s4 =	sadd.s32 s1, s4;
	s7 =	sadd.s32 s1, s7;
	s2 =	rddreg [dreg:$0x1]  }
0x19: {  	s30 =	sadd.s32 s1, s30;
	s1 =	simm.s32 $0x0;
	s0 =	sadd.s32 $0x98C00, s2  }
0x1a: {  	s16 =	sshll.u32 s16, $0x2;
	[smem:$0x7FF] =	sst s1;
	s22 =	sadd.s32 s0, s22  }
0x1b: {  	s18 =	sshll.u32 s18, $0x2;
	s16 =	sadd.s32 s0, s16;
	[dreg:$0x4] =	wrdreg s22  }
0x1c: {  	s3 =	sshll.u32 s3, $0x2;
	s18 =	sadd.s32 s0, s18;
	[dreg:$0x7] =	wrdreg s16  }
0x1d: {  	s25 =	sshll.u32 s25, $0x2;
	s3 =	sadd.s32 s0, s3;
	[dreg:$0x9] =	wrdreg s18  }
0x1e: {  	s24 =	sshll.u32 s24, $0x2;
	s22 =	sadd.s32 s0, s23;
	[dreg:$0x11] =	wrdreg s3  }
0x1f: {  	s26 =	sshll.u32 s26, $0x2;
	s23 =	sadd.s32 s0, s25;
	[dreg:$0x5] =	wrdreg s22  }
0x20: {  	s25 =	sshll.u32 s28, $0x2;
	s18 =	sshll.u32 s29, $0x2;
	[dreg:$0x6] =	wrdreg s23  }
0x21: {  	s16 =	sadd.s32 s0, s25;
	s22 =	sshll.u32 s20, $0x2;
	s23 =	sshll.u32 s21, $0x2  }
0x22: {  	s25 =	sadd.s32 s0, s24;
	s20 =	sshll.u32 s30, $0x2;
	[dreg:$0x8] =	wrdreg s16  }
0x23: {  	s24 =	sshll.u32 s7, $0x2;
	s16 =	sadd.s32 s0, s22;
	[dreg:$0xc] =	wrdreg s25  }
0x24: {  	s21 =	sadd.s32 s0, s20;
	s25 =	smul.u32 $0x6400, s19;
	[dreg:$0xa] =	wrdreg s16  }
0x25: {  	s20 =	smul.u32 $0x6400, s8;
	s16 =	sadd.s32 s0, s23;
	[dreg:$0xf] =	wrdreg s21  }
0x26: {  	s23 =	sshll.u32 s4, $0x2;
	s4 =	sshll.u32 s5, $0x4;
	s5 =	smul.u32 $0x6400, s9  }
0x27: {  	s9 =	smul.u32 $0x6400, s10;
	[dreg:$0xb] =	wrdreg s16;
	s16 =	sadd.s32 s0, s26  }
0x28: {  	s22 =	sshll.u32 s31, $0x2;
	s10 =	smul.u32 $0x6400, s11;
	[dreg:$0xd] =	wrdreg s16  }
0x29: {  	s3 =	sadd.s32 s0, s23;
	s16 =	sadd.s32 s0, s18;
	s18 =	rddreg [dreg:$0x2]  }
0x2a: {  	s21 =	sadd.s32 $0x36C00, s2;
	s26 =	smul.u32 $0x6400, s6;
	[dreg:$0x12] =	wrdreg s3  }
0x2b: {  	s23 =	sadd.s32 $0x67C00, s2;
	[dreg:$0xe] =	wrdreg s16;
	s16 =	sadd.s32 s0, s22  }
0x2c: {  	s11 =	sshrl.u32 s5, $0x2;
	s19 =	sshrl.u32 s9, $0x2;
	[dreg:$0x10] =	wrdreg s16  }
0x2d: {  	s0 =	sadd.s32 s0, s24;
	s3 =	sshrl.u32 s26, $0x2;
	s16 =	rddreg [dreg:$0x0]  }
0x2e: {  	s8 =	sadd.s32 s19, s18;
	[dreg:$0x13] =	wrdreg s0;
	s7 =	sadd.s32 s3, s18  }
0x2f: {  	s0 =	sshrl.u32 s25, $0x2;
	_ =	strace $0x8000004A;
	[dreg:$0x14] =	wrdreg s7  }
0x30: {  	s28 =	sadd.s32 s0, s18;
	s0 =	sadd.s32 s11, s18;
	[dreg:$0x17] =	wrdreg s8  }
0x31: {  	s22 =	sadd.s32 $0x5C00, s2;
	s2 =	sor.u32 s6, s4;
	[dreg:$0x16] =	wrdreg s0  }
0x32: {  	s24 =	sshrl.u32 s10, $0x2;
	s26 =	sshrl.u32 s12, $0x2;
	s25 =	sld [smem:$0x7F0]  }
0x33: {  	s2 =	smul.u32 $0xC400, s2;
	s0 =	sadd.s32 s24, s18;
	s9 =	sld [smem:$0x7F1]  }
0x34: {  	[dreg:$0x18] =	wrdreg s0;
	s0 =	sadd.s32 s26, s18;
	s26 =	smul.u32 $0x6400, s13  }
0x35: {  	s29 =	simm.s32 $0x1BCA0;
	s11 =	sld [smem:$0x7F2];
	s13 =	smul.u32 $0x6400, s17  }
0x36: {  	s30 =	simm.s32 $0x1;
	s19 =	sld [smem:$0x7F3];
	s3 =	smul.u32 $0x6400, s25  }
0x37: {  	s31 =	simm.s32 $0x18820;
	s24 =	sld [smem:$0x7F4];
	s4 =	smul.u32 $0x6400, s9  }
0x38: {  	s10 =	sshrl.u32 s20, $0x2;
	[dreg:$0x15] =	wrdreg s28;
	s5 =	smul.u32 $0x6400, s11  }
0x39: {  	[dreg:$0x19] =	wrdreg s0;
	s0 =	sadd.s32 s10, s18;
	s9 =	smul.u32 $0x6400, s14  }
0x3a: {  	[dreg:$0x1a] =	wrdreg s0;
	s11 =	smul.u32 $0x6400, s15;
	s17 =	sshrl.u32 s13, $0x2  }
0x3b: {  	s13 =	sor.u32 $0x200, s2;
	s12 =	sshrl.u32 s3, $0x2;
	s3 =	smul.u32 $0x6400, s19  }
0x3c: {  	s20 =	sshrl.u32 s4, $0x2;
	s4 =	smul.u32 $0x6400, s24;
	s25 =	sshrl.u32 s5, $0x2  }
0x3d: {  	s14 =	sshrl.u32 s9, $0x2;
	s15 =	sshrl.u32 s11, $0x2;
	s19 =	sadd.s32 s17, s18  }
0x3e: {  	s17 =	simm.s32 $0x189A0;
	s9 =	simm.s32 $0x188A0;
	s11 =	simm.s32 $0x199A0  }
0x3f: {  	s5 =	simm.s32 $0x0;
	s0 =	sadd.s32 s12, s18;
	[smem:$0x7F8] =	sst s19  }
0x40: {  	s12 =	sshrl.u32 s26, $0x2;
	s26 =	sld [smem:$0x7FC];
	s19 =	simm.s32 $0x4  }
0x41: {  	[dreg:$0x1b] =	wrdreg s0;
	s0 =	sadd.s32 s20, s18;
	s3 =	sshrl.u32 s3, $0x2  }
0x42: {  	s20 =	sshrl.u32 s2, $0x3;
	[dreg:$0x1c] =	wrdreg s0;
	s0 =	sadd.s32 s25, s18  }
0x43: {  	s10 =	sshrl.u32 s4, $0x2;
	s24 =	sadd.s32 s21, s20;
	[dreg:$0x1d] =	wrdreg s0  }
0x44: {  	s25 =	sadd.s32 s22, s20;
	s0 =	sadd.s32 s3, s18;
	[smem:$0x7F9] =	sst s24  }
0x45: {  	[smem:$0x7FA] =	sst s25;
	s24 =	simm.s32 $0x1AAA0;
	s25 =	simm.s32 $0x1ABA0  }
0x46: {  	[dreg:$0x1e] =	wrdreg s0;
	s0 =	sadd.s32 s10, s18;
	s10 =	simm.s32 $0x80  }
0x47: {  	[dreg:$0x1f] =	wrdreg s0;
	s0 =	sadd.s32 s12, s18;
	s12 =	sor.u32 $0x100, s2  }
0x48: {  	s2 =	simm.s32 $0x1AB20;
	[smem:$0x7F5] =	sst s0;
	s0 =	sadd.s32 s14, s18  }
0x49: {  	s14 =	simm.s32 $0x1A9A0;
	[smem:$0x7F6] =	sst s0;
	s0 =	sadd.s32 s15, s18  }
0x4a: {  	s15 =	simm.s32 $0x3;
	[smem:$0x7F7] =	sst s0;
	s0 =	sadd.s32 s23, s20  }
0x4b: {  	v1 =	vimm.s32 $0x0;
	vm0 =	vcmask $0x300;
	s20 =	simm.s32 $0x187A0;
	[smem:$0x7FB] =	sst s0;
	s0 =	smax.u32 s26, $0x1  }
0x4c: {  	v0 =	vimm.f32 $0.0e+00;
	v1 =	vsel vm0, $0x3, v1;
	s26 =	simm.s32 $0x1ACA0;
	[smem:$0x7FD] =	sst s0;
	s0 =	simm.s32 $0x2  }
.LBB2_1:
0x4d: {  	[smem:$0x7EF] =	sst s5;
	s3 =	simm.s32 $0x80;
	s4 =	simm.s32 $0x0  }
.LBB2_2:
0x4e: {  	p1 =	sne.s32 s3, $0x6380;
	[tilespmem:s4+$0x189A0] =	vst v0;
	s5 =	smov.u32 s3;
	s3 =	sadd.s32 $0x80, s3  }
.Ltmp0:
0x4f: {  	[tilespmem:s4+$0x189B0] =	vst v0;
	(pc) =	sbr.rel @p1 .LBB2_2-.Ltmp0, $2  }
0x50: {  	_ =	sdelay $0x2  }
0x51: {  	s4 =	sshra.s32 s5, $0x2  }
0x52: {  	[tilespmem:s4+$0x189A0] =	vst v0  }
0x53: {  	[tilespmem:s4+$0x189B0] =	vst v0  }
0x54: {  	[spmem:s7] =	stream.linear.scatter [tilespmem:s17], [sflag:$0x4], $0x1900, $0x38;
	[tilespmem:$0x1CCA0] =	vst v63  }
0x55: {  	_ =	swait.ge [sflag:s19], $0x1900  }
0x56: {  	[sflag:s19] =	ssyncset.done $0x0  }
0x57: {  	[sflag:s19] =	ssyncadd.s32 $0xFFFFE700  }
0x58: {  	[spmem:s28] =	stream.linear.scatter [tilespmem:s17], [sflag:$0x4], $0x1900, $0x38;
	[tilespmem:$0x1CCA0] =	vst v63  }
0x59: {  	_ =	swait.ge [sflag:s19], $0x1900  }
0x5a: {  	[sflag:s19] =	ssyncset.done $0x0  }
0x5b: {  	s3 =	rddreg [dreg:$0x16];
	[sflag:s19] =	ssyncadd.s32 $0xFFFFE700  }
0x5c: {  	[spmem:s3] =	stream.linear.scatter [tilespmem:s17], [sflag:$0x4], $0x1900, $0x38;
	[tilespmem:$0x1CCA0] =	vst v63  }
0x5d: {  	_ =	swait.ge [sflag:s19], $0x1900  }
0x5e: {  	[sflag:s19] =	ssyncset.done $0x0  }
0x5f: {  	[sflag:s19] =	ssyncadd.s32 $0xFFFFE700  }
0x60: {  	[spmem:s8] =	stream.linear.scatter [tilespmem:s17], [sflag:$0x4], $0x1900, $0x38;
	[tilespmem:$0x1CCA0] =	vst v63  }
0x61: {  	_ =	swait.ge [sflag:s19], $0x1900  }
0x62: {  	[sflag:s19] =	ssyncset.done $0x0  }
0x63: {  	s7 =	rddreg [dreg:$0x18];
	[sflag:s19] =	ssyncadd.s32 $0xFFFFE700  }
0x64: {  	[spmem:s7] =	stream.linear.scatter [tilespmem:s17], [sflag:$0x4], $0x1900, $0x38;
	[tilespmem:$0x1CCA0] =	vst v63  }
0x65: {  	_ =	swait.ge [sflag:s19], $0x1900  }
0x66: {  	[sflag:s19] =	ssyncset.done $0x0  }
0x67: {  	s8 =	rddreg [dreg:$0x19];
	[sflag:s19] =	ssyncadd.s32 $0xFFFFE700  }
0x68: {  	[spmem:s8] =	stream.linear.scatter [tilespmem:s17], [sflag:$0x4], $0x1900, $0x38;
	[tilespmem:$0x1CCA0] =	vst v63  }
0x69: {  	_ =	swait.ge [sflag:s19], $0x1900  }
0x6a: {  	[sflag:s19] =	ssyncset.done $0x0  }
0x6b: {  	s28 =	rddreg [dreg:$0x1a];
	[sflag:s19] =	ssyncadd.s32 $0xFFFFE700  }
0x6c: {  	[spmem:s28] =	stream.linear.scatter [tilespmem:s17], [sflag:$0x4], $0x1900, $0x38;
	[tilespmem:$0x1CCA0] =	vst v63  }
0x6d: {  	_ =	swait.ge [sflag:s19], $0x1900  }
0x6e: {  	[sflag:s19] =	ssyncset.done $0x0  }
0x6f: {  	s4 =	rddreg [dreg:$0x1b];
	[sflag:s19] =	ssyncadd.s32 $0xFFFFE700  }
0x70: {  	[spmem:s4] =	stream.linear.scatter [tilespmem:s17], [sflag:$0x4], $0x1900, $0x38;
	[tilespmem:$0x1CCA0] =	vst v63  }
0x71: {  	_ =	swait.ge [sflag:s19], $0x1900  }
0x72: {  	[sflag:s19] =	ssyncset.done $0x0  }
0x73: {  	s5 =	rddreg [dreg:$0x1c];
	[sflag:s19] =	ssyncadd.s32 $0xFFFFE700  }
0x74: {  	[spmem:s5] =	stream.linear.scatter [tilespmem:s17], [sflag:$0x4], $0x1900, $0x38;
	[tilespmem:$0x1CCA0] =	vst v63  }
0x75: {  	_ =	swait.ge [sflag:s19], $0x1900  }
0x76: {  	[sflag:s19] =	ssyncset.done $0x0  }
0x77: {  	s6 =	rddreg [dreg:$0x1d];
	[sflag:s19] =	ssyncadd.s32 $0xFFFFE700  }
0x78: {  	[spmem:s6] =	stream.linear.scatter [tilespmem:s17], [sflag:$0x4], $0x1900, $0x38;
	[tilespmem:$0x1CCA0] =	vst v63  }
0x79: {  	_ =	swait.ge [sflag:s19], $0x1900  }
0x7a: {  	[sflag:s19] =	ssyncset.done $0x0  }
0x7b: {  	s7 =	rddreg [dreg:$0x1e];
	[sflag:s19] =	ssyncadd.s32 $0xFFFFE700  }
0x7c: {  	[spmem:s7] =	stream.linear.scatter [tilespmem:s17], [sflag:$0x4], $0x1900, $0x38;
	[tilespmem:$0x1CCA0] =	vst v63  }
0x7d: {  	_ =	swait.ge [sflag:s19], $0x1900  }
0x7e: {  	[sflag:s19] =	ssyncset.done $0x0  }
0x7f: {  	s8 =	rddreg [dreg:$0x1f];
	[sflag:s19] =	ssyncadd.s32 $0xFFFFE700  }
0x80: {  	[spmem:s8] =	stream.linear.scatter [tilespmem:s17], [sflag:$0x4], $0x1900, $0x38;
	[tilespmem:$0x1CCA0] =	vst v63  }
0x81: {  	_ =	swait.ge [sflag:s19], $0x1900  }
0x82: {  	s28 =	sld [smem:$0x7F5]  }
0x83: {  	[sflag:s19] =	ssyncset.done $0x0  }
0x84: {  	[sflag:s19] =	ssyncadd.s32 $0xFFFFE700  }
0x85: {  	[spmem:s28] =	stream.linear.scatter [tilespmem:s17], [sflag:$0x4], $0x1900, $0x38;
	[tilespmem:$0x1CCA0] =	vst v63  }
0x86: {  	_ =	swait.ge [sflag:s19], $0x1900  }
0x87: {  	s4 =	sld [smem:$0x7F6]  }
0x88: {  	[sflag:s19] =	ssyncset.done $0x0  }
0x89: {  	[sflag:s19] =	ssyncadd.s32 $0xFFFFE700  }
0x8a: {  	[spmem:s4] =	stream.linear.scatter [tilespmem:s17], [sflag:$0x4], $0x1900, $0x38;
	[tilespmem:$0x1CCA0] =	vst v63  }
0x8b: {  	_ =	swait.ge [sflag:s19], $0x1900  }
0x8c: {  	s5 =	sld [smem:$0x7F7]  }
0x8d: {  	[sflag:s19] =	ssyncset.done $0x0  }
0x8e: {  	[sflag:s19] =	ssyncadd.s32 $0xFFFFE700  }
0x8f: {  	[spmem:s5] =	stream.linear.scatter [tilespmem:s17], [sflag:$0x4], $0x1900, $0x38;
	[tilespmem:$0x1CCA0] =	vst v63  }
0x90: {  	_ =	swait.ge [sflag:s19], $0x1900  }
0x91: {  	s4 =	sld [smem:$0x7F8]  }
0x92: {  	[sflag:s19] =	ssyncset.done $0x0  }
0x93: {  	s3 =	simm.s32 @!p0 $0x189A0;
	[sflag:s19] =	ssyncadd.s32 $0xFFFFE700  }
0x94: {  	[spmem:s4] =	stream.linear.scatter @!p0 [tilespmem:s3], [sflag:$0x4], $0x1900, $0x38;
	[tilespmem:$0x1CCA0] =	vst v63  }
0x95: {  	s3 =	simm.s32 @!p0 $0x4  }
0x96: {  	_ =	swait.ge @!p0 [sflag:s3], $0x1900  }
0x97: {  	[sflag:s3] =	ssyncset.done @!p0 $0x0  }
0x98: {  	[sflag:s3] =	ssyncadd.s32 @!p0 $0xFFFFE700  }
0x99: {  	[bflag:$0x0] =	sbarrier.arrive $0xFFFF  }
0x9a: {  	s6 =	sld [smem:$0x7F9];
	_ =	sdelay $0x1  }
0x9b: {  	s5 =	simm.s32 $0x186A0;
	s4 =	simm.s32 $0x0  }
0x9c: {  	[tilespmem:s5], [sflag:$0x4] =	stream.linear.gather [hbm4b:s6+s4], $0x100, $0x38;
	[tilespmem:$0x1CCA0] =	vst v63  }
0x9d: {  	_ =	swait.ge [sflag:s19], $0x100  }
0x9e: {  	s7 =	sld [smem:$0x7FA]  }
0x9f: {  	[sflag:s19] =	ssyncset.done $0x0  }
0xa0: {  	[sflag:s19] =	ssyncadd.s32 $0xFFFFFF00  }
0xa1: {  	[tilespmem:s20], [sflag:$0x4] =	stream.linear.gather [hbm4b:s7+s4], $0x100, $0x38;
	[tilespmem:$0x1CCA0] =	vst v63  }
0xa2: {  	_ =	swait.ge [sflag:s19], $0x100  }
0xa3: {  	s8 =	sld [smem:$0x7FB]  }
0xa4: {  	[sflag:s19] =	ssyncset.done $0x0  }
0xa5: {  	[sflag:s19] =	ssyncadd.s32 $0xFFFFFF00  }
0xa6: {  	[tilespmem:s9], [sflag:$0x4] =	stream.linear.gather [hbm4b:s8+s4], $0x100, $0x38;
	[tilespmem:$0x1CCA0] =	vst v63  }
0xa7: {  	_ =	swait.ge [sflag:s19], $0x100  }
0xa8: {  	[sflag:s19] =	ssyncset.done $0x0  }
0xa9: {  	[sflag:s19] =	ssyncadd.s32 $0xFFFFFF00  }
0xaa: {  	[tilespmem:s17], [sflag:$0x1] =	stream.indirect.gather [hbm4b:s16+s10], $0x20, s5, s10, $0xb8;
	[tilespmem:$0x1CCA0] =	vst v63  }
0xab: {  	s28 =	simm.s32 $0x18720  }
0xac: {  	[tilespmem:s11], [sflag:$0x1] =	stream.indirect.gather [hbm4b:s16+s10], $0x20, s28, s10, $0xb8;
	[tilespmem:$0x1CCA0] =	vst v63  }
.LBB2_4:
0xad: {  	s5 =	sshll.u32 s4, $0x9  }
0xae: {  	s3 =	sadd.s32 s5, s12  }
0xaf: {  	s3 =	sshrl.u32 s3, $0x3  }
0xb0: {  	s6 =	sadd.s32 s21, s3  }
0xb1: {  	[tilespmem:s14], [sflag:$0x4] =	stream.linear.gather [hbm4b:s6+s1], $0x100, $0x38;
	[tilespmem:$0x1CCA0] =	vst v63  }
0xb2: {  	_ =	swait.ge [sflag:s19], $0x100  }
0xb3: {  	[sflag:s19] =	ssyncset.done $0x0  }
0xb4: {  	s8 =	sadd.s32 s22, s3;
	[sflag:s19] =	ssyncadd.s32 $0xFFFFFF00  }
0xb5: {  	[tilespmem:s24], [sflag:$0x4] =	stream.linear.gather [hbm4b:s8+s1], $0x100, $0x38;
	[tilespmem:$0x1CCA0] =	vst v63  }
0xb6: {  	_ =	swait.ge [sflag:s19], $0x100  }
0xb7: {  	[sflag:s19] =	ssyncset.done $0x0  }
0xb8: {  	s3 =	sadd.s32 s23, s3;
	[sflag:s19] =	ssyncadd.s32 $0xFFFFFF00  }
0xb9: {  	[tilespmem:s25], [sflag:$0x4] =	stream.linear.gather [hbm4b:s3+s1], $0x100, $0x38;
	[tilespmem:$0x1CCA0] =	vst v63  }
0xba: {  	_ =	swait.ge [sflag:s19], $0x100  }
0xbb: {  	[sflag:s19] =	ssyncset.done $0x0  }
0xbc: {  	s28 =	simm.s32 $0x0;
	[sflag:s19] =	ssyncadd.s32 $0xFFFFFF00  }
0xbd: {  	v2 =	vmov s28;
	[tilespmem:s26], [sflag:$0x2] =	stream.indirect.gather [hbm4b:s16+s10], $0x20, s14, s10, $0xb8;
	[tilespmem:$0x1CCA0] =	vst v63  }
0xbe: {  	v2 =	vshrl.u32 v2, $0x3;
	s6 =	simm.s32 $0x1AA20  }
0xbf: {  	v2 =	vshll.u32 v2, v1;
	[tilespmem:s29], [sflag:$0x2] =	stream.indirect.gather [hbm4b:s16+s10], $0x20, s6, s10, $0xb8;
	[tilespmem:$0x1CCA0] =	vst v63  }
0xc0: {  	v2 =	vbroadcast v2, $0x0;
	_ =	swait.ge [sflag:s30], $0x1000  }
0xc1: {  	[sflag:s30] =	ssyncset.done $0x0  }
0xc2: {  	[sflag:s30] =	ssyncadd.s32 $0xFFFFF000  }
0xc3: {  	_ =	swait.ge [sflag:s30], $0x1000  }
0xc4: {  	[sflag:s30] =	ssyncset.done $0x0  }
0xc5: {  	s7 =	simm.s32 $0x1;
	[sflag:s30] =	ssyncadd.s32 $0xFFFFF000  }
0xc6: {  	v3 =	vmov s7;
	s6 =	simm.s32 $0x18AA0;
	v2 =	vld.idx.msk [tilespmem:v2+s9+$0x0], $0xffff  }
0xc7: {  	v3 =	vshrl.u32 v3, $0x3;
	v4 =	vld [tilespmem:s6+$0xFFFFFF00]  }
0xc8: {  	v3 =	vshll.u32 v3, v1;
	v5 =	vld [tilespmem:s6+$0xFFFFFF10]  }
0xc9: {  	v3 =	vadd.s32 $0x1, v3  }
0xca: {  	v3 =	vbroadcast v3, $0x0;
	_ =	sdelay $0x1  }
0xcb: {  	v4 =	vmul.f32 v4, v2  }
0xcc: {  	v2 =	vmul.f32 v5, v2  }
0xcd: {  	s8 =	simm.s32 $0x2;
	[tilespmem:s6+$0xFFFFFF00] =	vst v4  }
0xce: {  	[tilespmem:s6+$0xFFFFFF10] =	vst v2;
	v2 =	vmov s8;
	v4 =	vld [tilespmem:s6+$0xFFFFFF20]  }
0xcf: {  	v3 =	vld.idx.msk [tilespmem:v3+s9+$0x0], $0xffff;
	v2 =	vshrl.u32 v2, $0x3  }
0xd0: {  	v5 =	vld [tilespmem:s6+$0xFFFFFF30];
	v2 =	vshll.u32 v2, v1  }
0xd1: {  	v2 =	vadd.s32 $0x2, v2  }
0xd2: {  	v2 =	vbroadcast v2, $0x0;
	_ =	sdelay $0x1  }
0xd3: {  	v4 =	vmul.f32 v4, v3  }
0xd4: {  	v3 =	vmul.f32 v5, v3  }
0xd5: {  	s28 =	simm.s32 $0x3;
	[tilespmem:s6+$0xFFFFFF20] =	vst v4  }
0xd6: {  	[tilespmem:s6+$0xFFFFFF30] =	vst v3;
	v3 =	vmov s28;
	v4 =	vld [tilespmem:s6+$0xFFFFFF40]  }
0xd7: {  	v3 =	vshrl.u32 v3, $0x3;
	v2 =	vld.idx.msk [tilespmem:v2+s9+$0x0], $0xffff  }
0xd8: {  	v5 =	vld [tilespmem:s6+$0xFFFFFF50];
	v3 =	vshll.u32 v3, v1  }
0xd9: {  	v3 =	vadd.s32 $0x3, v3  }
0xda: {  	v3 =	vbroadcast v3, $0x0;
	_ =	sdelay $0x1  }
0xdb: {  	v4 =	vmul.f32 v4, v2  }
0xdc: {  	v2 =	vmul.f32 v5, v2  }
0xdd: {  	s7 =	simm.s32 $0x4;
	[tilespmem:s6+$0xFFFFFF40] =	vst v4  }
0xde: {  	[tilespmem:s6+$0xFFFFFF50] =	vst v2;
	v2 =	vmov s7;
	v4 =	vld [tilespmem:s6+$0xFFFFFF60]  }
0xdf: {  	v3 =	vld.idx.msk [tilespmem:v3+s9+$0x0], $0xffff;
	v2 =	vshrl.u32 v2, $0x3  }
0xe0: {  	v5 =	vld [tilespmem:s6+$0xFFFFFF70];
	v2 =	vshll.u32 v2, v1  }
0xe1: {  	v2 =	vadd.s32 $0x4, v2  }
0xe2: {  	v2 =	vbroadcast v2, $0x0;
	_ =	sdelay $0x1  }
0xe3: {  	v4 =	vmul.f32 v4, v3  }
0xe4: {  	v3 =	vmul.f32 v5, v3  }
0xe5: {  	s8 =	simm.s32 $0x5;
	[tilespmem:s6+$0xFFFFFF60] =	vst v4  }
0xe6: {  	[tilespmem:s6+$0xFFFFFF70] =	vst v3;
	v3 =	vmov s8;
	v4 =	vld [tilespmem:s6+$0xFFFFFF80]  }
0xe7: {  	v3 =	vshrl.u32 v3, $0x3;
	v2 =	vld.idx.msk [tilespmem:v2+s9+$0x0], $0xffff  }
0xe8: {  	v5 =	vld [tilespmem:s6+$0xFFFFFF90];
	v3 =	vshll.u32 v3, v1  }
0xe9: {  	v3 =	vadd.s32 $0x5, v3  }
0xea: {  	v3 =	vbroadcast v3, $0x0;
	_ =	sdelay $0x1  }
0xeb: {  	v4 =	vmul.f32 v4, v2  }
0xec: {  	v2 =	vmul.f32 v5, v2  }
0xed: {  	s28 =	simm.s32 $0x6;
	[tilespmem:s6+$0xFFFFFF80] =	vst v4  }
0xee: {  	[tilespmem:s6+$0xFFFFFF90] =	vst v2;
	v2 =	vmov s28;
	v4 =	vld [tilespmem:s6+$0xFFFFFFA0]  }
0xef: {  	v3 =	vld.idx.msk [tilespmem:v3+s9+$0x0], $0xffff;
	v2 =	vshrl.u32 v2, $0x3  }
0xf0: {  	v5 =	vld [tilespmem:s6+$0xFFFFFFB0];
	v2 =	vshll.u32 v2, v1  }
0xf1: {  	v2 =	vadd.s32 $0x6, v2  }
0xf2: {  	v2 =	vbroadcast v2, $0x0;
	_ =	sdelay $0x1  }
0xf3: {  	v4 =	vmul.f32 v4, v3  }
0xf4: {  	v3 =	vmul.f32 v5, v3  }
0xf5: {  	s7 =	simm.s32 $0x7;
	[tilespmem:s6+$0xFFFFFFA0] =	vst v4  }
0xf6: {  	[tilespmem:s6+$0xFFFFFFB0] =	vst v3;
	v3 =	vmov s7;
	v4 =	vld [tilespmem:s6+$0xFFFFFFC0]  }
0xf7: {  	v3 =	vshrl.u32 v3, $0x3;
	v2 =	vld.idx.msk [tilespmem:v2+s9+$0x0], $0xffff  }
0xf8: {  	v5 =	vld [tilespmem:s6+$0xFFFFFFD0];
	v3 =	vshll.u32 v3, v1  }
0xf9: {  	v3 =	vadd.s32 $0x7, v3  }
0xfa: {  	v3 =	vbroadcast v3, $0x0;
	_ =	sdelay $0x1  }
0xfb: {  	v4 =	vmul.f32 v4, v2  }
0xfc: {  	v2 =	vmul.f32 v5, v2  }
0xfd: {  	[tilespmem:s6+$0xFFFFFFC0] =	vst v4  }
0xfe: {  	s8 =	simm.s32 $0x8;
	[tilespmem:s6+$0xFFFFFFD0] =	vst v2;
	v4 =	vld [tilespmem:s6+$0xFFFFFFE0]  }
0xff: {  	v2 =	vld.idx.msk [tilespmem:v3+s9+$0x0], $0xffff;
	v3 =	vmov s8  }
0x100: {  	v6 =	vld [tilespmem:s6+$0xFFFFFFF0];
	v3 =	vshrl.u32 v3, $0x3  }
0x101: {  	v3 =	vshll.u32 v3, v1  }
0x102: {  	v3 =	vbroadcast v3, $0x0;
	_ =	sdelay $0x1  }
0x103: {  	v4 =	vmul.f32 v4, v2  }
0x104: {  	v2 =	vmul.f32 v6, v2  }
0x105: {  	s28 =	simm.s32 $0x9;
	[tilespmem:s6+$0xFFFFFFE0] =	vst v4  }
0x106: {  	[tilespmem:s6+$0xFFFFFFF0] =	vst v2;
	v2 =	vmov s28;
	v4 =	vld [tilespmem:s6+$0x0]  }
0x107: {  	v2 =	vshrl.u32 v2, $0x3;
	v3 =	vld.idx.msk [tilespmem:v3+s9+$0x0], $0xffff  }
0x108: {  	v5 =	vld [tilespmem:s6+$0x10];
	v2 =	vshll.u32 v2, v1  }
0x109: {  	v2 =	vadd.s32 $0x1, v2  }
0x10a: {  	v2 =	vbroadcast v2, $0x0;
	_ =	sdelay $0x1  }
0x10b: {  	v4 =	vmul.f32 v4, v3  }
0x10c: {  	v3 =	vmul.f32 v5, v3  }
0x10d: {  	s7 =	simm.s32 $0xA;
	[tilespmem:s6+$0x0] =	vst v4  }
0x10e: {  	[tilespmem:s6+$0x10] =	vst v3;
	v3 =	vmov s7;
	v4 =	vld [tilespmem:s6+$0x20]  }
0x10f: {  	v2 =	vld.idx.msk [tilespmem:v2+s9+$0x0], $0xffff;
	v3 =	vshrl.u32 v3, $0x3  }
0x110: {  	v5 =	vld [tilespmem:s6+$0x30];
	v3 =	vshll.u32 v3, v1  }
0x111: {  	v3 =	vadd.s32 $0x2, v3  }
0x112: {  	v3 =	vbroadcast v3, $0x0;
	_ =	sdelay $0x1  }
0x113: {  	v4 =	vmul.f32 v4, v2  }
0x114: {  	v2 =	vmul.f32 v5, v2  }
0x115: {  	s8 =	simm.s32 $0xB;
	[tilespmem:s6+$0x20] =	vst v4  }
0x116: {  	[tilespmem:s6+$0x30] =	vst v2;
	v2 =	vmov s8;
	v4 =	vld [tilespmem:s6+$0x40]  }
0x117: {  	v2 =	vshrl.u32 v2, $0x3;
	v3 =	vld.idx.msk [tilespmem:v3+s9+$0x0], $0xffff  }
0x118: {  	v5 =	vld [tilespmem:s6+$0x50];
	v2 =	vshll.u32 v2, v1  }
0x119: {  	v2 =	vadd.s32 $0x3, v2  }
0x11a: {  	v2 =	vbroadcast v2, $0x0;
	_ =	sdelay $0x1  }
0x11b: {  	v4 =	vmul.f32 v4, v3  }
0x11c: {  	v3 =	vmul.f32 v5, v3  }
0x11d: {  	s28 =	simm.s32 $0xC;
	[tilespmem:s6+$0x40] =	vst v4  }
0x11e: {  	[tilespmem:s6+$0x50] =	vst v3;
	v3 =	vmov s28;
	v4 =	vld [tilespmem:s6+$0x60]  }
0x11f: {  	v2 =	vld.idx.msk [tilespmem:v2+s9+$0x0], $0xffff;
	v3 =	vshrl.u32 v3, $0x3  }
0x120: {  	v5 =	vld [tilespmem:s6+$0x70];
	v3 =	vshll.u32 v3, v1  }
0x121: {  	v3 =	vadd.s32 $0x4, v3  }
0x122: {  	v3 =	vbroadcast v3, $0x0;
	_ =	sdelay $0x1  }
0x123: {  	v4 =	vmul.f32 v4, v2  }
0x124: {  	v2 =	vmul.f32 v5, v2  }
0x125: {  	s7 =	simm.s32 $0xD;
	[tilespmem:s6+$0x60] =	vst v4  }
0x126: {  	[tilespmem:s6+$0x70] =	vst v2;
	v2 =	vmov s7;
	v4 =	vld [tilespmem:s6+$0x80]  }
0x127: {  	v2 =	vshrl.u32 v2, $0x3;
	v3 =	vld.idx.msk [tilespmem:v3+s9+$0x0], $0xffff  }
0x128: {  	v5 =	vld [tilespmem:s6+$0x90];
	v2 =	vshll.u32 v2, v1  }
0x129: {  	v2 =	vadd.s32 $0x5, v2  }
0x12a: {  	v2 =	vbroadcast v2, $0x0;
	_ =	sdelay $0x1  }
0x12b: {  	v4 =	vmul.f32 v4, v3  }
0x12c: {  	v3 =	vmul.f32 v5, v3  }
0x12d: {  	[tilespmem:s6+$0x80] =	vst v4  }
0x12e: {  	s8 =	simm.s32 $0xE;
	[tilespmem:s6+$0x90] =	vst v3;
	v4 =	vld [tilespmem:s6+$0xA0]  }
0x12f: {  	v3 =	vmov s8;
	v2 =	vld.idx.msk [tilespmem:v2+s9+$0x0], $0xffff  }
0x130: {  	v5 =	vld [tilespmem:s6+$0xB0];
	v3 =	vshrl.u32 v3, $0x3  }
0x131: {  	v3 =	vshll.u32 v3, v1  }
0x132: {  	v3 =	vadd.s32 $0x6, v3  }
0x133: {  	v6 =	vbroadcast v3, $0x0  }
0x134: {  	s28 =	simm.s32 $0xF;
	v3 =	vmul.f32 v4, v2  }
0x135: {  	v2 =	vmul.f32 v5, v2;
	v4 =	vmov s28  }
0x136: {  	[tilespmem:s6+$0xA0] =	vst v3;
	v3 =	vshrl.u32 v4, $0x3  }
0x137: {  	v5 =	vld [tilespmem:s6+$0xD0];
	[tilespmem:s6+$0xB0] =	vst v2;
	v2 =	vshll.u32 v3, v1  }
0x138: {  	v3 =	vld [tilespmem:s6+$0xC0];
	v2 =	vadd.s32 $0x7, v2  }
0x139: {  	s7 =	simm.s32 $0x18AA0;
	s8 =	simm.s32 $0x1F;
	v4 =	vld.idx.msk [tilespmem:v6+s9+$0x0], $0xffff;
	v2 =	vbroadcast v2, $0x0  }
.LBB2_5:
0x13a: {  	p1 =	sne.s32 s8, $0xFF  }
0x13b: {  	s6 =	sadd.s32 $0x200, s6;
	s3 =	smov.u32 s8;
	s8 =	sadd.s32 $0x10, s8  }
0x13c: {  	_ =	sdelay $0x1  }
0x13d: {  	v3 =	vmul.f32 v3, v4;
	v4 =	vmul.f32 v5, v4;
	_ =	sdelay $0x1  }
0x13e: {  	[tilespmem:s7+$0xC0] =	vst v3  }
0x13f: {  	[tilespmem:s7+$0xD0] =	vst v4;
	v3 =	vld [tilespmem:s7+$0xE0]  }
0x140: {  	s28 =	sadd.s32 $0xFFFFFFF1, s3;
	v2 =	vld.idx.msk [tilespmem:v2+s9+$0x0], $0xffff  }
0x141: {  	v4 =	vmov s28;
	v5 =	vld [tilespmem:s7+$0xF0]  }
0x142: {  	v4 =	vshrl.u32 v4, $0x3  }
0x143: {  	v4 =	vshll.u32 v4, v1  }
0x144: {  	v4 =	vbroadcast v4, $0x0;
	_ =	sdelay $0x1  }
0x145: {  	v3 =	vmul.f32 v3, v2;
	v2 =	vmul.f32 v5, v2;
	_ =	sdelay $0x1  }
0x146: {  	s28 =	sadd.s32 $0xFFFFFFF2, s3;
	[tilespmem:s7+$0xE0] =	vst v3  }
0x147: {  	v5 =	vmov s28;
	v3 =	vld [tilespmem:s6+$0xFFFFFF10];
	[tilespmem:s7+$0xF0] =	vst v2;
	s7 =	smov.u32 s6  }
0x148: {  	v2 =	vld.idx.msk [tilespmem:v4+s9+$0x0], $0xffff;
	v4 =	vshrl.u32 v5, $0x3  }
0x149: {  	v5 =	vld [tilespmem:s6+$0xFFFFFF00];
	v4 =	vshll.u32 v4, v1  }
0x14a: {  	v4 =	vadd.s32 $0x1, v4  }
0x14b: {  	v4 =	vbroadcast v4, $0x0;
	_ =	sdelay $0x2  }
0x14c: {  	v5 =	vmul.f32 v5, v2;
	v2 =	vmul.f32 v3, v2  }
0x14d: {  	s28 =	sadd.s32 $0xFFFFFFF3, s3  }
0x14e: {  	v3 =	vmov s28;
	[tilespmem:s6+$0xFFFFFF00] =	vst v5  }
0x14f: {  	v3 =	vshrl.u32 v3, $0x3;
	[tilespmem:s6+$0xFFFFFF10] =	vst v2;
	v2 =	vld [tilespmem:s6+$0xFFFFFF30]  }
0x150: {  	v3 =	vshll.u32 v3, v1;
	v4 =	vld.idx.msk [tilespmem:v4+s9+$0x0], $0xffff  }
0x151: {  	v3 =	vadd.s32 $0x2, v3;
	v5 =	vld [tilespmem:s6+$0xFFFFFF20]  }
0x152: {  	v3 =	vbroadcast v3, $0x0;
	_ =	sdelay $0x3  }
0x153: {  	s28 =	sadd.s32 $0xFFFFFFF4, s3;
	v2 =	vmul.f32 v2, v4;
	v5 =	vmul.f32 v5, v4  }
0x154: {  	v4 =	vmov s28  }
0x155: {  	v4 =	vshrl.u32 v4, $0x3;
	[tilespmem:s6+$0xFFFFFF20] =	vst v5  }
0x156: {  	v4 =	vshll.u32 v4, v1;
	[tilespmem:s6+$0xFFFFFF30] =	vst v2;
	v2 =	vld [tilespmem:s6+$0xFFFFFF50]  }
0x157: {  	v4 =	vadd.s32 $0x3, v4;
	v3 =	vld.idx.msk [tilespmem:v3+s9+$0x0], $0xffff  }
0x158: {  	v4 =	vbroadcast v4, $0x0;
	v5 =	vld [tilespmem:s6+$0xFFFFFF40];
	_ =	sdelay $0x3  }
0x159: {  	s28 =	sadd.s32 $0xFFFFFFF5, s3  }
0x15a: {  	v2 =	vmul.f32 v2, v3;
	v5 =	vmul.f32 v5, v3;
	v3 =	vmov s28  }
0x15b: {  	v3 =	vshrl.u32 v3, $0x3  }
0x15c: {  	[tilespmem:s6+$0xFFFFFF40] =	vst v5;
	v3 =	vshll.u32 v3, v1  }
0x15d: {  	[tilespmem:s6+$0xFFFFFF50] =	vst v2;
	v2 =	vld [tilespmem:s6+$0xFFFFFF70];
	v3 =	vadd.s32 $0x4, v3  }
0x15e: {  	v4 =	vld.idx.msk [tilespmem:v4+s9+$0x0], $0xffff;
	v3 =	vbroadcast v3, $0x0  }
0x15f: {  	v5 =	vld [tilespmem:s6+$0xFFFFFF60];
	_ =	sdelay $0x2  }
0x160: {  	s28 =	sadd.s32 $0xFFFFFFF6, s3  }
0x161: {  	v6 =	vmov s28  }
0x162: {  	v2 =	vmul.f32 v2, v4;
	v5 =	vmul.f32 v5, v4;
	v4 =	vshrl.u32 v6, $0x3  }
0x163: {  	v4 =	vshll.u32 v4, v1  }
0x164: {  	[tilespmem:s6+$0xFFFFFF60] =	vst v5;
	v4 =	vadd.s32 $0x5, v4  }
0x165: {  	[tilespmem:s6+$0xFFFFFF70] =	vst v2;
	v2 =	vld [tilespmem:s6+$0xFFFFFF90];
	v4 =	vbroadcast v4, $0x0  }
0x166: {  	v3 =	vld.idx.msk [tilespmem:v3+s9+$0x0], $0xffff  }
0x167: {  	v5 =	vld [tilespmem:s6+$0xFFFFFF80];
	_ =	sdelay $0x1  }
0x168: {  	s28 =	sadd.s32 $0xFFFFFFF7, s3  }
0x169: {  	v6 =	vmov s28  }
0x16a: {  	v6 =	vshrl.u32 v6, $0x3  }
0x16b: {  	v2 =	vmul.f32 v2, v3;
	v5 =	vmul.f32 v5, v3;
	v3 =	vshll.u32 v6, v1  }
0x16c: {  	v3 =	vadd.s32 $0x6, v3  }
0x16d: {  	[tilespmem:s6+$0xFFFFFF80] =	vst v5;
	v3 =	vbroadcast v3, $0x0  }
0x16e: {  	[tilespmem:s6+$0xFFFFFF90] =	vst v2;
	v2 =	vld [tilespmem:s6+$0xFFFFFFB0]  }
0x16f: {  	v4 =	vld.idx.msk [tilespmem:v4+s9+$0x0], $0xffff  }
0x170: {  	v5 =	vld [tilespmem:s6+$0xFFFFFFA0]  }
0x171: {  	s28 =	sadd.s32 $0xFFFFFFF8, s3  }
0x172: {  	v6 =	vmov s28  }
0x173: {  	v6 =	vshrl.u32 v6, $0x3  }
0x174: {  	v6 =	vshll.u32 v6, v1  }
0x175: {  	v2 =	vmul.f32 v2, v4;
	v5 =	vmul.f32 v5, v4;
	v4 =	vadd.s32 $0x7, v6  }
0x176: {  	v4 =	vbroadcast v4, $0x0  }
0x177: {  	[tilespmem:s6+$0xFFFFFFA0] =	vst v5  }
0x178: {  	[tilespmem:s6+$0xFFFFFFB0] =	vst v2;
	v2 =	vld [tilespmem:s6+$0xFFFFFFD0]  }
0x179: {  	v3 =	vld.idx.msk [tilespmem:v3+s9+$0x0], $0xffff  }
0x17a: {  	v5 =	vld [tilespmem:s6+$0xFFFFFFC0]  }
0x17b: {  	s28 =	sadd.s32 $0xFFFFFFF9, s3  }
0x17c: {  	v6 =	vmov s28  }
0x17d: {  	v6 =	vshrl.u32 v6, $0x3;
	v7 =	vld [tilespmem:s6+$0xFFFFFFF0]  }
0x17e: {  	v6 =	vshll.u32 v6, v1  }
0x17f: {  	v6 =	vbroadcast v6, $0x0;
	v5 =	vmul.f32 v5, v3  }
0x180: {  	v2 =	vmul.f32 v2, v3  }
0x181: {  	[tilespmem:s6+$0xFFFFFFC0] =	vst v5  }
0x182: {  	[tilespmem:s6+$0xFFFFFFD0] =	vst v2  }
0x183: {  	s28 =	sadd.s32 $0xFFFFFFFA, s3;
	v2 =	vld.idx.msk [tilespmem:v4+s9+$0x0], $0xffff  }
0x184: {  	v4 =	vmov s28;
	v3 =	vld [tilespmem:s6+$0xFFFFFFE0]  }
0x185: {  	v4 =	vshrl.u32 v4, $0x3  }
0x186: {  	v4 =	vshll.u32 v4, v1  }
0x187: {  	v4 =	vadd.s32 $0x1, v4  }
0x188: {  	v4 =	vbroadcast v4, $0x0  }
0x189: {  	v3 =	vmul.f32 v3, v2;
	v2 =	vmul.f32 v7, v2;
	_ =	sdelay $0x1  }
0x18a: {  	[tilespmem:s6+$0xFFFFFFE0] =	vst v3  }
0x18b: {  	s28 =	sadd.s32 $0xFFFFFFFB, s3;
	[tilespmem:s6+$0xFFFFFFF0] =	vst v2;
	v2 =	vld [tilespmem:s6+$0x10]  }
0x18c: {  	v5 =	vmov s28;
	v3 =	vld.idx.msk [tilespmem:v6+s9+$0x0], $0xffff  }
0x18d: {  	v5 =	vshrl.u32 v5, $0x3;
	v6 =	vld [tilespmem:s6+$0x0]  }
0x18e: {  	v5 =	vshll.u32 v5, v1  }
0x18f: {  	v5 =	vadd.s32 $0x2, v5  }
0x190: {  	v5 =	vbroadcast v5, $0x0;
	_ =	sdelay $0x1  }
0x191: {  	v2 =	vmul.f32 v2, v3;
	v6 =	vmul.f32 v6, v3;
	_ =	sdelay $0x1  }
0x192: {  	s28 =	sadd.s32 $0xFFFFFFFC, s3;
	[tilespmem:s6+$0x0] =	vst v6  }
0x193: {  	v3 =	vmov s28;
	[tilespmem:s6+$0x10] =	vst v2;
	v2 =	vld [tilespmem:s6+$0x30]  }
0x194: {  	v3 =	vshrl.u32 v3, $0x3;
	v4 =	vld.idx.msk [tilespmem:v4+s9+$0x0], $0xffff  }
0x195: {  	v3 =	vshll.u32 v3, v1;
	v6 =	vld [tilespmem:s6+$0x20]  }
0x196: {  	v3 =	vadd.s32 $0x3, v3  }
0x197: {  	v3 =	vbroadcast v3, $0x0;
	_ =	sdelay $0x2  }
0x198: {  	v2 =	vmul.f32 v2, v4;
	v6 =	vmul.f32 v6, v4  }
0x199: {  	s28 =	sadd.s32 $0xFFFFFFFD, s3  }
0x19a: {  	v4 =	vmov s28;
	[tilespmem:s6+$0x20] =	vst v6  }
0x19b: {  	v4 =	vshrl.u32 v4, $0x3;
	[tilespmem:s6+$0x30] =	vst v2;
	v2 =	vld [tilespmem:s6+$0x50]  }
0x19c: {  	v4 =	vshll.u32 v4, v1;
	v5 =	vld.idx.msk [tilespmem:v5+s9+$0x0], $0xffff  }
0x19d: {  	v4 =	vadd.s32 $0x4, v4;
	v6 =	vld [tilespmem:s6+$0x40]  }
0x19e: {  	v4 =	vbroadcast v4, $0x0;
	_ =	sdelay $0x3  }
0x19f: {  	s28 =	sadd.s32 $0xFFFFFFFE, s3;
	v2 =	vmul.f32 v2, v5;
	v6 =	vmul.f32 v6, v5  }
0x1a0: {  	v5 =	vmov s28  }
0x1a1: {  	v5 =	vshrl.u32 v5, $0x3;
	[tilespmem:s6+$0x40] =	vst v6  }
0x1a2: {  	v5 =	vshll.u32 v5, v1;
	[tilespmem:s6+$0x50] =	vst v2;
	v2 =	vld [tilespmem:s6+$0x70]  }
0x1a3: {  	v5 =	vadd.s32 $0x5, v5;
	v3 =	vld.idx.msk [tilespmem:v3+s9+$0x0], $0xffff  }
0x1a4: {  	v5 =	vbroadcast v5, $0x0;
	v6 =	vld [tilespmem:s6+$0x60];
	_ =	sdelay $0x3  }
0x1a5: {  	s28 =	sadd.s32 $0xFFFFFFFF, s3  }
0x1a6: {  	v2 =	vmul.f32 v2, v3;
	v6 =	vmul.f32 v6, v3;
	v3 =	vmov s28  }
0x1a7: {  	v3 =	vshrl.u32 v3, $0x3  }
0x1a8: {  	[tilespmem:s6+$0x60] =	vst v6;
	v3 =	vshll.u32 v3, v1  }
0x1a9: {  	[tilespmem:s6+$0x70] =	vst v2;
	v2 =	vld [tilespmem:s6+$0x90];
	v3 =	vadd.s32 $0x6, v3  }
0x1aa: {  	v4 =	vld.idx.msk [tilespmem:v4+s9+$0x0], $0xffff;
	v6 =	vbroadcast v3, $0x0  }
0x1ab: {  	v3 =	vld [tilespmem:s6+$0x80];
	_ =	sdelay $0x3  }
0x1ac: {  	v7 =	vmov s3  }
0x1ad: {  	v2 =	vmul.f32 v2, v4;
	v3 =	vmul.f32 v3, v4;
	v4 =	vshrl.u32 v7, $0x3  }
0x1ae: {  	v4 =	vshll.u32 v4, v1  }
0x1af: {  	[tilespmem:s6+$0x80] =	vst v3;
	v3 =	vadd.s32 $0x7, v4  }
0x1b0: {  	[tilespmem:s6+$0x90] =	vst v2;
	v4 =	vld [tilespmem:s6+$0xB0];
	v2 =	vbroadcast v3, $0x0  }
0x1b1: {  	v3 =	vld.idx.msk [tilespmem:v5+s9+$0x0], $0xffff  }
0x1b2: {  	v5 =	vld [tilespmem:s6+$0xA0];
	_ =	sdelay $0x4  }
0x1b3: {  	v5 =	vmul.f32 v5, v3;
	v3 =	vmul.f32 v4, v3  }
.Ltmp1:
0x1b4: {  	(pc) =	sbr.rel @p1 .LBB2_5-.Ltmp1, $4  }
0x1b5: {  	[tilespmem:s6+$0xA0] =	vst v5  }
0x1b6: {  	[tilespmem:s6+$0xB0] =	vst v3;
	v3 =	vld [tilespmem:s6+$0xC0]  }
0x1b7: {  	v4 =	vld.idx.msk [tilespmem:v6+s9+$0x0], $0xffff  }
0x1b8: {  	v5 =	vld [tilespmem:s6+$0xD0]  }
0x1b9: {  	_ =	sdelay $0x2  }
0x1ba: {  	v3 =	vmul.f32 v3, v4  }
0x1bb: {  	v4 =	vmul.f32 v5, v4  }
0x1bc: {  	[tilespmem:s7+$0xC0] =	vst v3  }
0x1bd: {  	v3 =	vld [tilespmem:s7+$0xE0];
	[tilespmem:s7+$0xD0] =	vst v4  }
0x1be: {  	v2 =	vld.idx.msk [tilespmem:v2+s9+$0x0], $0xffff  }
0x1bf: {  	v4 =	vld [tilespmem:s7+$0xF0];
	_ =	sdelay $0x3  }
0x1c0: {  	v3 =	vmul.f32 v3, v2  }
0x1c1: {  	v2 =	vmul.f32 v4, v2  }
0x1c2: {  	[tilespmem:s7+$0xE0] =	vst v3  }
0x1c3: {  	[tilespmem:s7+$0xF0] =	vst v2  }
0x1c4: {  	[spmem:s18] =	stream.indirect.scatter.add.f32 [tilespmem:s17], [sflag:$0x3], $0x20, s20, s10, $0xb8;
	[tilespmem:$0x1CCA0] =	vst v63  }
0x1c5: {  	_ = 	snop  }
0x1c6: {  	[spmem:s18] =	stream.indirect.scatter.add.f32 [tilespmem:s11], [sflag:$0x3], $0x20, s31, s10, $0xb8;
	[tilespmem:$0x1CCA0] =	vst v63  }
0x1c7: {  	_ =	swait.ge [sflag:s15], $0x1000  }
0x1c8: {  	[sflag:s15] =	ssyncset.done $0x0  }
0x1c9: {  	p1 =	seq.s32 s4, $0x61;
	[sflag:s15] =	ssyncadd.s32 $0xFFFFF000  }
0x1ca: {  	s3 =	sadd.s32 @!p1 s5, s13;
	_ =	swait.ge [sflag:s15], $0x1000  }
0x1cb: {  	s6 =	simm.s32 @!p1 $0x0;
	s3 =	sshrl.u32 @!p1 s3, $0x3;
	[sflag:s15] =	ssyncset.done $0x0  }
0x1cc: {  	s5 =	sadd.s32 @!p1 s21, s3;
	s7 =	simm.s32 @!p1 $0x186A0;
	[sflag:s15] =	ssyncadd.s32 $0xFFFFF000  }
0x1cd: {  	[tilespmem:s7], [sflag:$0x4] =	stream.linear.gather @!p1 [hbm4b:s5+s6], $0x100, $0x38;
	[tilespmem:$0x1CCA0] =	vst v63  }
0x1ce: {  	s5 =	simm.s32 @!p1 $0x4  }
0x1cf: {  	_ =	swait.ge @!p1 [sflag:s5], $0x100  }
0x1d0: {  	[sflag:s5] =	ssyncset.done @!p1 $0x0  }
0x1d1: {  	s28 =	simm.s32 @!p1 $0x187A0;
	s8 =	sadd.s32 @!p1 s22, s3;
	[sflag:s5] =	ssyncadd.s32 @!p1 $0xFFFFFF00  }
0x1d2: {  	[tilespmem:s28], [sflag:$0x4] =	stream.linear.gather @!p1 [hbm4b:s8+s6], $0x100, $0x38;
	[tilespmem:$0x1CCA0] =	vst v63  }
0x1d3: {  	_ =	swait.ge @!p1 [sflag:s5], $0x100  }
0x1d4: {  	[sflag:s5] =	ssyncset.done @!p1 $0x0  }
0x1d5: {  	s3 =	sadd.s32 @!p1 s23, s3;
	s8 =	simm.s32 @!p1 $0x188A0;
	[sflag:s5] =	ssyncadd.s32 @!p1 $0xFFFFFF00  }
0x1d6: {  	[tilespmem:s8], [sflag:$0x4] =	stream.linear.gather @!p1 [hbm4b:s3+s6], $0x100, $0x38;
	[tilespmem:$0x1CCA0] =	vst v63  }
0x1d7: {  	_ =	swait.ge @!p1 [sflag:s5], $0x100  }
0x1d8: {  	s28 =	simm.s32 $0x0;
	[sflag:s5] =	ssyncset.done @!p1 $0x0  }
0x1d9: {  	s3 =	simm.s32 @!p1 $0x80;
	[sflag:s5] =	ssyncadd.s32 @!p1 $0xFFFFFF00;
	s5 =	simm.s32 @!p1 $0x189A0  }
0x1da: {  	v2 =	vmov s28;
	[tilespmem:s5], [sflag:$0x1] =	stream.indirect.gather @!p1 [hbm4b:s16+s3], $0x20, s7, s3, $0xb8;
	[tilespmem:$0x1CCA0] =	vst v63  }
0x1db: {  	v2 =	vshrl.u32 v2, $0x3;
	s6 =	simm.s32 @!p1 $0x199A0;
	s5 =	simm.s32 @!p1 $0x18720  }
0x1dc: {  	v2 =	vshll.u32 v2, v1;
	[tilespmem:s6], [sflag:$0x1] =	stream.indirect.gather @!p1 [hbm4b:s16+s3], $0x20, s5, s3, $0xb8;
	[tilespmem:$0x1CCA0] =	vst v63  }
0x1dd: {  	v2 =	vbroadcast v2, $0x0;
	_ =	swait.ge [sflag:s0], $0x1000  }
0x1de: {  	[sflag:s0] =	ssyncset.done $0x0  }
0x1df: {  	[sflag:s0] =	ssyncadd.s32 $0xFFFFF000  }
0x1e0: {  	_ =	swait.ge [sflag:s0], $0x1000  }
0x1e1: {  	[sflag:s0] =	ssyncset.done $0x0  }
0x1e2: {  	s7 =	simm.s32 $0x1;
	[sflag:s0] =	ssyncadd.s32 $0xFFFFF000  }
0x1e3: {  	v3 =	vmov s7;
	s5 =	simm.s32 $0x1ADA0;
	v2 =	vld.idx.msk [tilespmem:v2+s25+$0x0], $0xffff  }
0x1e4: {  	v3 =	vshrl.u32 v3, $0x3;
	v4 =	vld [tilespmem:s5+$0xFFFFFF00]  }
0x1e5: {  	v3 =	vshll.u32 v3, v1;
	v5 =	vld [tilespmem:s5+$0xFFFFFF10]  }
0x1e6: {  	v3 =	vadd.s32 $0x1, v3  }
0x1e7: {  	v3 =	vbroadcast v3, $0x0;
	_ =	sdelay $0x1  }
0x1e8: {  	v4 =	vmul.f32 v4, v2  }
0x1e9: {  	v2 =	vmul.f32 v5, v2  }
0x1ea: {  	s8 =	simm.s32 $0x2;
	[tilespmem:s5+$0xFFFFFF00] =	vst v4  }
0x1eb: {  	[tilespmem:s5+$0xFFFFFF10] =	vst v2;
	v2 =	vmov s8;
	v4 =	vld [tilespmem:s5+$0xFFFFFF20]  }
0x1ec: {  	v3 =	vld.idx.msk [tilespmem:v3+s25+$0x0], $0xffff;
	v2 =	vshrl.u32 v2, $0x3  }
0x1ed: {  	v5 =	vld [tilespmem:s5+$0xFFFFFF30];
	v2 =	vshll.u32 v2, v1  }
0x1ee: {  	v2 =	vadd.s32 $0x2, v2  }
0x1ef: {  	v2 =	vbroadcast v2, $0x0;
	_ =	sdelay $0x1  }
0x1f0: {  	v4 =	vmul.f32 v4, v3  }
0x1f1: {  	v3 =	vmul.f32 v5, v3  }
0x1f2: {  	s28 =	simm.s32 $0x3;
	[tilespmem:s5+$0xFFFFFF20] =	vst v4  }
0x1f3: {  	[tilespmem:s5+$0xFFFFFF30] =	vst v3;
	v3 =	vmov s28;
	v4 =	vld [tilespmem:s5+$0xFFFFFF40]  }
0x1f4: {  	v3 =	vshrl.u32 v3, $0x3;
	v2 =	vld.idx.msk [tilespmem:v2+s25+$0x0], $0xffff  }
0x1f5: {  	v5 =	vld [tilespmem:s5+$0xFFFFFF50];
	v3 =	vshll.u32 v3, v1  }
0x1f6: {  	v3 =	vadd.s32 $0x3, v3  }
0x1f7: {  	v3 =	vbroadcast v3, $0x0;
	_ =	sdelay $0x1  }
0x1f8: {  	v4 =	vmul.f32 v4, v2  }
0x1f9: {  	v2 =	vmul.f32 v5, v2  }
0x1fa: {  	s6 =	simm.s32 $0x4;
	[tilespmem:s5+$0xFFFFFF40] =	vst v4  }
0x1fb: {  	[tilespmem:s5+$0xFFFFFF50] =	vst v2;
	v2 =	vmov s6;
	v4 =	vld [tilespmem:s5+$0xFFFFFF60]  }
0x1fc: {  	v3 =	vld.idx.msk [tilespmem:v3+s25+$0x0], $0xffff;
	v2 =	vshrl.u32 v2, $0x3  }
0x1fd: {  	v5 =	vld [tilespmem:s5+$0xFFFFFF70];
	v2 =	vshll.u32 v2, v1  }
0x1fe: {  	v2 =	vadd.s32 $0x4, v2  }
0x1ff: {  	v2 =	vbroadcast v2, $0x0;
	_ =	sdelay $0x1  }
0x200: {  	v4 =	vmul.f32 v4, v3  }
0x201: {  	v3 =	vmul.f32 v5, v3  }
0x202: {  	s7 =	simm.s32 $0x5;
	[tilespmem:s5+$0xFFFFFF60] =	vst v4  }
0x203: {  	[tilespmem:s5+$0xFFFFFF70] =	vst v3;
	v3 =	vmov s7;
	v4 =	vld [tilespmem:s5+$0xFFFFFF80]  }
0x204: {  	v3 =	vshrl.u32 v3, $0x3;
	v2 =	vld.idx.msk [tilespmem:v2+s25+$0x0], $0xffff  }
0x205: {  	v5 =	vld [tilespmem:s5+$0xFFFFFF90];
	v3 =	vshll.u32 v3, v1  }
0x206: {  	v3 =	vadd.s32 $0x5, v3  }
0x207: {  	v3 =	vbroadcast v3, $0x0;
	_ =	sdelay $0x1  }
0x208: {  	v4 =	vmul.f32 v4, v2  }
0x209: {  	v2 =	vmul.f32 v5, v2  }
0x20a: {  	s8 =	simm.s32 $0x6;
	[tilespmem:s5+$0xFFFFFF80] =	vst v4  }
0x20b: {  	[tilespmem:s5+$0xFFFFFF90] =	vst v2;
	v2 =	vmov s8;
	v4 =	vld [tilespmem:s5+$0xFFFFFFA0]  }
0x20c: {  	v3 =	vld.idx.msk [tilespmem:v3+s25+$0x0], $0xffff;
	v2 =	vshrl.u32 v2, $0x3  }
0x20d: {  	v5 =	vld [tilespmem:s5+$0xFFFFFFB0];
	v2 =	vshll.u32 v2, v1  }
0x20e: {  	v2 =	vadd.s32 $0x6, v2  }
0x20f: {  	v2 =	vbroadcast v2, $0x0;
	_ =	sdelay $0x1  }
0x210: {  	v4 =	vmul.f32 v4, v3  }
0x211: {  	v3 =	vmul.f32 v5, v3  }
0x212: {  	s28 =	simm.s32 $0x7;
	[tilespmem:s5+$0xFFFFFFA0] =	vst v4  }
0x213: {  	[tilespmem:s5+$0xFFFFFFB0] =	vst v3;
	v3 =	vmov s28;
	v4 =	vld [tilespmem:s5+$0xFFFFFFC0]  }
0x214: {  	v3 =	vshrl.u32 v3, $0x3;
	v2 =	vld.idx.msk [tilespmem:v2+s25+$0x0], $0xffff  }
0x215: {  	v5 =	vld [tilespmem:s5+$0xFFFFFFD0];
	v3 =	vshll.u32 v3, v1  }
0x216: {  	v3 =	vadd.s32 $0x7, v3  }
0x217: {  	v3 =	vbroadcast v3, $0x0;
	_ =	sdelay $0x1  }
0x218: {  	v4 =	vmul.f32 v4, v2  }
0x219: {  	v2 =	vmul.f32 v5, v2  }
0x21a: {  	[tilespmem:s5+$0xFFFFFFC0] =	vst v4  }
0x21b: {  	s6 =	simm.s32 $0x8;
	[tilespmem:s5+$0xFFFFFFD0] =	vst v2;
	v4 =	vld [tilespmem:s5+$0xFFFFFFE0]  }
0x21c: {  	v2 =	vld.idx.msk [tilespmem:v3+s25+$0x0], $0xffff;
	v3 =	vmov s6  }
0x21d: {  	v6 =	vld [tilespmem:s5+$0xFFFFFFF0];
	v3 =	vshrl.u32 v3, $0x3  }
0x21e: {  	v3 =	vshll.u32 v3, v1  }
0x21f: {  	v3 =	vbroadcast v3, $0x0;
	_ =	sdelay $0x1  }
0x220: {  	v4 =	vmul.f32 v4, v2  }
0x221: {  	v2 =	vmul.f32 v6, v2  }
0x222: {  	s7 =	simm.s32 $0x9;
	[tilespmem:s5+$0xFFFFFFE0] =	vst v4  }
0x223: {  	[tilespmem:s5+$0xFFFFFFF0] =	vst v2;
	v2 =	vmov s7;
	v4 =	vld [tilespmem:s5+$0x0]  }
0x224: {  	v2 =	vshrl.u32 v2, $0x3;
	v3 =	vld.idx.msk [tilespmem:v3+s25+$0x0], $0xffff  }
0x225: {  	v5 =	vld [tilespmem:s5+$0x10];
	v2 =	vshll.u32 v2, v1  }
0x226: {  	v2 =	vadd.s32 $0x1, v2  }
0x227: {  	v2 =	vbroadcast v2, $0x0;
	_ =	sdelay $0x1  }
0x228: {  	v4 =	vmul.f32 v4, v3  }
0x229: {  	v3 =	vmul.f32 v5, v3  }
0x22a: {  	s8 =	simm.s32 $0xA;
	[tilespmem:s5+$0x0] =	vst v4  }
0x22b: {  	[tilespmem:s5+$0x10] =	vst v3;
	v3 =	vmov s8;
	v4 =	vld [tilespmem:s5+$0x20]  }
0x22c: {  	v2 =	vld.idx.msk [tilespmem:v2+s25+$0x0], $0xffff;
	v3 =	vshrl.u32 v3, $0x3  }
0x22d: {  	v5 =	vld [tilespmem:s5+$0x30];
	v3 =	vshll.u32 v3, v1  }
0x22e: {  	v3 =	vadd.s32 $0x2, v3  }
0x22f: {  	v3 =	vbroadcast v3, $0x0;
	_ =	sdelay $0x1  }
0x230: {  	v4 =	vmul.f32 v4, v2  }
0x231: {  	v2 =	vmul.f32 v5, v2  }
0x232: {  	s28 =	simm.s32 $0xB;
	[tilespmem:s5+$0x20] =	vst v4  }
0x233: {  	[tilespmem:s5+$0x30] =	vst v2;
	v2 =	vmov s28;
	v4 =	vld [tilespmem:s5+$0x40]  }
0x234: {  	v2 =	vshrl.u32 v2, $0x3;
	v3 =	vld.idx.msk [tilespmem:v3+s25+$0x0], $0xffff  }
0x235: {  	v5 =	vld [tilespmem:s5+$0x50];
	v2 =	vshll.u32 v2, v1  }
0x236: {  	v2 =	vadd.s32 $0x3, v2  }
0x237: {  	v2 =	vbroadcast v2, $0x0;
	_ =	sdelay $0x1  }
0x238: {  	v4 =	vmul.f32 v4, v3  }
0x239: {  	v3 =	vmul.f32 v5, v3  }
0x23a: {  	s6 =	simm.s32 $0xC;
	[tilespmem:s5+$0x40] =	vst v4  }
0x23b: {  	[tilespmem:s5+$0x50] =	vst v3;
	v3 =	vmov s6;
	v4 =	vld [tilespmem:s5+$0x60]  }
0x23c: {  	v2 =	vld.idx.msk [tilespmem:v2+s25+$0x0], $0xffff;
	v3 =	vshrl.u32 v3, $0x3  }
0x23d: {  	v5 =	vld [tilespmem:s5+$0x70];
	v3 =	vshll.u32 v3, v1  }
0x23e: {  	v3 =	vadd.s32 $0x4, v3  }
0x23f: {  	v3 =	vbroadcast v3, $0x0;
	_ =	sdelay $0x1  }
0x240: {  	v4 =	vmul.f32 v4, v2  }
0x241: {  	v2 =	vmul.f32 v5, v2  }
0x242: {  	s7 =	simm.s32 $0xD;
	[tilespmem:s5+$0x60] =	vst v4  }
0x243: {  	[tilespmem:s5+$0x70] =	vst v2;
	v2 =	vmov s7;
	v4 =	vld [tilespmem:s5+$0x80]  }
0x244: {  	v2 =	vshrl.u32 v2, $0x3;
	v3 =	vld.idx.msk [tilespmem:v3+s25+$0x0], $0xffff  }
0x245: {  	v5 =	vld [tilespmem:s5+$0x90];
	v2 =	vshll.u32 v2, v1  }
0x246: {  	v2 =	vadd.s32 $0x5, v2  }
0x247: {  	v2 =	vbroadcast v2, $0x0;
	_ =	sdelay $0x1  }
0x248: {  	v4 =	vmul.f32 v4, v3  }
0x249: {  	v3 =	vmul.f32 v5, v3  }
0x24a: {  	[tilespmem:s5+$0x80] =	vst v4  }
0x24b: {  	s8 =	simm.s32 $0xE;
	[tilespmem:s5+$0x90] =	vst v3;
	v4 =	vld [tilespmem:s5+$0xA0]  }
0x24c: {  	v3 =	vmov s8;
	v2 =	vld.idx.msk [tilespmem:v2+s25+$0x0], $0xffff  }
0x24d: {  	v5 =	vld [tilespmem:s5+$0xB0];
	v3 =	vshrl.u32 v3, $0x3  }
0x24e: {  	v3 =	vshll.u32 v3, v1  }
0x24f: {  	v3 =	vadd.s32 $0x6, v3  }
0x250: {  	v6 =	vbroadcast v3, $0x0  }
0x251: {  	s28 =	simm.s32 $0xF;
	v3 =	vmul.f32 v4, v2  }
0x252: {  	v2 =	vmul.f32 v5, v2;
	v4 =	vmov s28  }
0x253: {  	[tilespmem:s5+$0xA0] =	vst v3;
	v3 =	vshrl.u32 v4, $0x3  }
0x254: {  	v5 =	vld [tilespmem:s5+$0xD0];
	[tilespmem:s5+$0xB0] =	vst v2;
	v2 =	vshll.u32 v3, v1  }
0x255: {  	v3 =	vld [tilespmem:s5+$0xC0];
	v2 =	vadd.s32 $0x7, v2  }
0x256: {  	s6 =	simm.s32 $0x1ADA0;
	s7 =	simm.s32 $0x1F;
	v4 =	vld.idx.msk [tilespmem:v6+s25+$0x0], $0xffff;
	v2 =	vbroadcast v2, $0x0  }
.LBB2_7:
0x257: {  	p1 =	sne.s32 s7, $0xFF  }
0x258: {  	s5 =	sadd.s32 $0x200, s5;
	s3 =	smov.u32 s7;
	s7 =	sadd.s32 $0x10, s7  }
0x259: {  	_ =	sdelay $0x1  }
0x25a: {  	v3 =	vmul.f32 v3, v4;
	v4 =	vmul.f32 v5, v4;
	_ =	sdelay $0x1  }
0x25b: {  	[tilespmem:s6+$0xC0] =	vst v3  }
0x25c: {  	[tilespmem:s6+$0xD0] =	vst v4;
	v3 =	vld [tilespmem:s6+$0xE0]  }
0x25d: {  	s8 =	sadd.s32 $0xFFFFFFF1, s3;
	v2 =	vld.idx.msk [tilespmem:v2+s25+$0x0], $0xffff  }
0x25e: {  	v4 =	vmov s8;
	v5 =	vld [tilespmem:s6+$0xF0]  }
0x25f: {  	v4 =	vshrl.u32 v4, $0x3  }
0x260: {  	v4 =	vshll.u32 v4, v1  }
0x261: {  	v4 =	vbroadcast v4, $0x0;
	_ =	sdelay $0x1  }
0x262: {  	v3 =	vmul.f32 v3, v2;
	v2 =	vmul.f32 v5, v2;
	_ =	sdelay $0x1  }
0x263: {  	s8 =	sadd.s32 $0xFFFFFFF2, s3;
	[tilespmem:s6+$0xE0] =	vst v3  }
0x264: {  	v5 =	vmov s8;
	v3 =	vld [tilespmem:s5+$0xFFFFFF10];
	[tilespmem:s6+$0xF0] =	vst v2;
	s6 =	smov.u32 s5  }
0x265: {  	v2 =	vld.idx.msk [tilespmem:v4+s25+$0x0], $0xffff;
	v4 =	vshrl.u32 v5, $0x3  }
0x266: {  	v5 =	vld [tilespmem:s5+$0xFFFFFF00];
	v4 =	vshll.u32 v4, v1  }
0x267: {  	v4 =	vadd.s32 $0x1, v4  }
0x268: {  	v4 =	vbroadcast v4, $0x0;
	_ =	sdelay $0x2  }
0x269: {  	v5 =	vmul.f32 v5, v2;
	v2 =	vmul.f32 v3, v2  }
0x26a: {  	s8 =	sadd.s32 $0xFFFFFFF3, s3  }
0x26b: {  	v3 =	vmov s8;
	[tilespmem:s5+$0xFFFFFF00] =	vst v5  }
0x26c: {  	v3 =	vshrl.u32 v3, $0x3;
	[tilespmem:s5+$0xFFFFFF10] =	vst v2;
	v2 =	vld [tilespmem:s5+$0xFFFFFF30]  }
0x26d: {  	v3 =	vshll.u32 v3, v1;
	v4 =	vld.idx.msk [tilespmem:v4+s25+$0x0], $0xffff  }
0x26e: {  	v3 =	vadd.s32 $0x2, v3;
	v5 =	vld [tilespmem:s5+$0xFFFFFF20]  }
0x26f: {  	v3 =	vbroadcast v3, $0x0;
	_ =	sdelay $0x3  }
0x270: {  	s8 =	sadd.s32 $0xFFFFFFF4, s3;
	v2 =	vmul.f32 v2, v4;
	v5 =	vmul.f32 v5, v4  }
0x271: {  	v4 =	vmov s8  }
0x272: {  	v4 =	vshrl.u32 v4, $0x3;
	[tilespmem:s5+$0xFFFFFF20] =	vst v5  }
0x273: {  	v4 =	vshll.u32 v4, v1;
	[tilespmem:s5+$0xFFFFFF30] =	vst v2;
	v2 =	vld [tilespmem:s5+$0xFFFFFF50]  }
0x274: {  	v4 =	vadd.s32 $0x3, v4;
	v3 =	vld.idx.msk [tilespmem:v3+s25+$0x0], $0xffff  }
0x275: {  	v4 =	vbroadcast v4, $0x0;
	v5 =	vld [tilespmem:s5+$0xFFFFFF40];
	_ =	sdelay $0x3  }
0x276: {  	s8 =	sadd.s32 $0xFFFFFFF5, s3  }
0x277: {  	v2 =	vmul.f32 v2, v3;
	v5 =	vmul.f32 v5, v3;
	v3 =	vmov s8  }
0x278: {  	v3 =	vshrl.u32 v3, $0x3  }
0x279: {  	[tilespmem:s5+$0xFFFFFF40] =	vst v5;
	v3 =	vshll.u32 v3, v1  }
0x27a: {  	[tilespmem:s5+$0xFFFFFF50] =	vst v2;
	v2 =	vld [tilespmem:s5+$0xFFFFFF70];
	v3 =	vadd.s32 $0x4, v3  }
0x27b: {  	v4 =	vld.idx.msk [tilespmem:v4+s25+$0x0], $0xffff;
	v3 =	vbroadcast v3, $0x0  }
0x27c: {  	v5 =	vld [tilespmem:s5+$0xFFFFFF60];
	_ =	sdelay $0x2  }
0x27d: {  	s8 =	sadd.s32 $0xFFFFFFF6, s3  }
0x27e: {  	v6 =	vmov s8  }
0x27f: {  	v2 =	vmul.f32 v2, v4;
	v5 =	vmul.f32 v5, v4;
	v4 =	vshrl.u32 v6, $0x3  }
0x280: {  	v4 =	vshll.u32 v4, v1  }
0x281: {  	[tilespmem:s5+$0xFFFFFF60] =	vst v5;
	v4 =	vadd.s32 $0x5, v4  }
0x282: {  	[tilespmem:s5+$0xFFFFFF70] =	vst v2;
	v2 =	vld [tilespmem:s5+$0xFFFFFF90];
	v4 =	vbroadcast v4, $0x0  }
0x283: {  	v3 =	vld.idx.msk [tilespmem:v3+s25+$0x0], $0xffff  }
0x284: {  	v5 =	vld [tilespmem:s5+$0xFFFFFF80];
	_ =	sdelay $0x1  }
0x285: {  	s8 =	sadd.s32 $0xFFFFFFF7, s3  }
0x286: {  	v6 =	vmov s8  }
0x287: {  	v6 =	vshrl.u32 v6, $0x3  }
0x288: {  	v2 =	vmul.f32 v2, v3;
	v5 =	vmul.f32 v5, v3;
	v3 =	vshll.u32 v6, v1  }
0x289: {  	v3 =	vadd.s32 $0x6, v3  }
0x28a: {  	[tilespmem:s5+$0xFFFFFF80] =	vst v5;
	v3 =	vbroadcast v3, $0x0  }
0x28b: {  	[tilespmem:s5+$0xFFFFFF90] =	vst v2;
	v2 =	vld [tilespmem:s5+$0xFFFFFFB0]  }
0x28c: {  	v4 =	vld.idx.msk [tilespmem:v4+s25+$0x0], $0xffff  }
0x28d: {  	v5 =	vld [tilespmem:s5+$0xFFFFFFA0]  }
0x28e: {  	s8 =	sadd.s32 $0xFFFFFFF8, s3  }
0x28f: {  	v6 =	vmov s8  }
0x290: {  	v6 =	vshrl.u32 v6, $0x3  }
0x291: {  	v6 =	vshll.u32 v6, v1  }
0x292: {  	v2 =	vmul.f32 v2, v4;
	v5 =	vmul.f32 v5, v4;
	v4 =	vadd.s32 $0x7, v6  }
0x293: {  	v4 =	vbroadcast v4, $0x0  }
0x294: {  	[tilespmem:s5+$0xFFFFFFA0] =	vst v5  }
0x295: {  	[tilespmem:s5+$0xFFFFFFB0] =	vst v2;
	v2 =	vld [tilespmem:s5+$0xFFFFFFD0]  }
0x296: {  	v3 =	vld.idx.msk [tilespmem:v3+s25+$0x0], $0xffff  }
0x297: {  	v5 =	vld [tilespmem:s5+$0xFFFFFFC0]  }
0x298: {  	s8 =	sadd.s32 $0xFFFFFFF9, s3  }
0x299: {  	v6 =	vmov s8  }
0x29a: {  	v6 =	vshrl.u32 v6, $0x3;
	v7 =	vld [tilespmem:s5+$0xFFFFFFF0]  }
0x29b: {  	v6 =	vshll.u32 v6, v1  }
0x29c: {  	v6 =	vbroadcast v6, $0x0;
	v5 =	vmul.f32 v5, v3  }
0x29d: {  	v2 =	vmul.f32 v2, v3  }
0x29e: {  	[tilespmem:s5+$0xFFFFFFC0] =	vst v5  }
0x29f: {  	[tilespmem:s5+$0xFFFFFFD0] =	vst v2  }
0x2a0: {  	s8 =	sadd.s32 $0xFFFFFFFA, s3;
	v2 =	vld.idx.msk [tilespmem:v4+s25+$0x0], $0xffff  }
0x2a1: {  	v4 =	vmov s8;
	v3 =	vld [tilespmem:s5+$0xFFFFFFE0]  }
0x2a2: {  	v4 =	vshrl.u32 v4, $0x3  }
0x2a3: {  	v4 =	vshll.u32 v4, v1  }
0x2a4: {  	v4 =	vadd.s32 $0x1, v4  }
0x2a5: {  	v4 =	vbroadcast v4, $0x0  }
0x2a6: {  	v3 =	vmul.f32 v3, v2;
	v2 =	vmul.f32 v7, v2;
	_ =	sdelay $0x1  }
0x2a7: {  	[tilespmem:s5+$0xFFFFFFE0] =	vst v3  }
0x2a8: {  	s8 =	sadd.s32 $0xFFFFFFFB, s3;
	[tilespmem:s5+$0xFFFFFFF0] =	vst v2;
	v2 =	vld [tilespmem:s5+$0x10]  }
0x2a9: {  	v5 =	vmov s8;
	v3 =	vld.idx.msk [tilespmem:v6+s25+$0x0], $0xffff  }
0x2aa: {  	v5 =	vshrl.u32 v5, $0x3;
	v6 =	vld [tilespmem:s5+$0x0]  }
0x2ab: {  	v5 =	vshll.u32 v5, v1  }
0x2ac: {  	v5 =	vadd.s32 $0x2, v5  }
0x2ad: {  	v5 =	vbroadcast v5, $0x0;
	_ =	sdelay $0x1  }
0x2ae: {  	v2 =	vmul.f32 v2, v3;
	v6 =	vmul.f32 v6, v3;
	_ =	sdelay $0x1  }
0x2af: {  	s8 =	sadd.s32 $0xFFFFFFFC, s3;
	[tilespmem:s5+$0x0] =	vst v6  }
0x2b0: {  	v3 =	vmov s8;
	[tilespmem:s5+$0x10] =	vst v2;
	v2 =	vld [tilespmem:s5+$0x30]  }
0x2b1: {  	v3 =	vshrl.u32 v3, $0x3;
	v4 =	vld.idx.msk [tilespmem:v4+s25+$0x0], $0xffff  }
0x2b2: {  	v3 =	vshll.u32 v3, v1;
	v6 =	vld [tilespmem:s5+$0x20]  }
0x2b3: {  	v3 =	vadd.s32 $0x3, v3  }
0x2b4: {  	v3 =	vbroadcast v3, $0x0;
	_ =	sdelay $0x2  }
0x2b5: {  	v2 =	vmul.f32 v2, v4;
	v6 =	vmul.f32 v6, v4  }
0x2b6: {  	s8 =	sadd.s32 $0xFFFFFFFD, s3  }
0x2b7: {  	v4 =	vmov s8;
	[tilespmem:s5+$0x20] =	vst v6  }
0x2b8: {  	v4 =	vshrl.u32 v4, $0x3;
	[tilespmem:s5+$0x30] =	vst v2;
	v2 =	vld [tilespmem:s5+$0x50]  }
0x2b9: {  	v4 =	vshll.u32 v4, v1;
	v5 =	vld.idx.msk [tilespmem:v5+s25+$0x0], $0xffff  }
0x2ba: {  	v4 =	vadd.s32 $0x4, v4;
	v6 =	vld [tilespmem:s5+$0x40]  }
0x2bb: {  	v4 =	vbroadcast v4, $0x0;
	_ =	sdelay $0x3  }
0x2bc: {  	s8 =	sadd.s32 $0xFFFFFFFE, s3;
	v2 =	vmul.f32 v2, v5;
	v6 =	vmul.f32 v6, v5  }
0x2bd: {  	v5 =	vmov s8  }
0x2be: {  	v5 =	vshrl.u32 v5, $0x3;
	[tilespmem:s5+$0x40] =	vst v6  }
0x2bf: {  	v5 =	vshll.u32 v5, v1;
	[tilespmem:s5+$0x50] =	vst v2;
	v2 =	vld [tilespmem:s5+$0x70]  }
0x2c0: {  	v5 =	vadd.s32 $0x5, v5;
	v3 =	vld.idx.msk [tilespmem:v3+s25+$0x0], $0xffff  }
0x2c1: {  	v5 =	vbroadcast v5, $0x0;
	v6 =	vld [tilespmem:s5+$0x60];
	_ =	sdelay $0x3  }
0x2c2: {  	s8 =	sadd.s32 $0xFFFFFFFF, s3  }
0x2c3: {  	v2 =	vmul.f32 v2, v3;
	v6 =	vmul.f32 v6, v3;
	v3 =	vmov s8  }
0x2c4: {  	v3 =	vshrl.u32 v3, $0x3  }
0x2c5: {  	[tilespmem:s5+$0x60] =	vst v6;
	v3 =	vshll.u32 v3, v1  }
0x2c6: {  	[tilespmem:s5+$0x70] =	vst v2;
	v2 =	vld [tilespmem:s5+$0x90];
	v3 =	vadd.s32 $0x6, v3  }
0x2c7: {  	v4 =	vld.idx.msk [tilespmem:v4+s25+$0x0], $0xffff;
	v6 =	vbroadcast v3, $0x0  }
0x2c8: {  	v3 =	vld [tilespmem:s5+$0x80];
	_ =	sdelay $0x3  }
0x2c9: {  	v7 =	vmov s3  }
0x2ca: {  	v2 =	vmul.f32 v2, v4;
	v3 =	vmul.f32 v3, v4;
	v4 =	vshrl.u32 v7, $0x3  }
0x2cb: {  	v4 =	vshll.u32 v4, v1  }
0x2cc: {  	[tilespmem:s5+$0x80] =	vst v3;
	v3 =	vadd.s32 $0x7, v4  }
0x2cd: {  	[tilespmem:s5+$0x90] =	vst v2;
	v4 =	vld [tilespmem:s5+$0xB0];
	v2 =	vbroadcast v3, $0x0  }
0x2ce: {  	v3 =	vld.idx.msk [tilespmem:v5+s25+$0x0], $0xffff  }
0x2cf: {  	v5 =	vld [tilespmem:s5+$0xA0];
	_ =	sdelay $0x4  }
0x2d0: {  	v5 =	vmul.f32 v5, v3;
	v3 =	vmul.f32 v4, v3  }
.Ltmp2:
0x2d1: {  	(pc) =	sbr.rel @p1 .LBB2_7-.Ltmp2, $4  }
0x2d2: {  	[tilespmem:s5+$0xA0] =	vst v5  }
0x2d3: {  	[tilespmem:s5+$0xB0] =	vst v3;
	v3 =	vld [tilespmem:s5+$0xC0]  }
0x2d4: {  	v4 =	vld.idx.msk [tilespmem:v6+s25+$0x0], $0xffff  }
0x2d5: {  	v5 =	vld [tilespmem:s5+$0xD0]  }
0x2d6: {  	_ =	sdelay $0x2  }
0x2d7: {  	v3 =	vmul.f32 v3, v4  }
0x2d8: {  	v62 =	vmul.f32 v5, v4  }
0x2d9: {  	[tilespmem:s6+$0xC0] =	vst v3  }
0x2da: {  	v3 =	vld [tilespmem:s6+$0xE0];
	[tilespmem:s6+$0xD0] =	vst v62  }
0x2db: {  	v2 =	vld.idx.msk [tilespmem:v2+s25+$0x0], $0xffff  }
0x2dc: {  	v63 =	vld [tilespmem:s6+$0xF0];
	_ =	sdelay $0x3  }
0x2dd: {  	v3 =	vmul.f32 v3, v2  }
0x2de: {  	v2 =	vmul.f32 v63, v2  }
0x2df: {  	[tilespmem:s6+$0xE0] =	vst v3  }
0x2e0: {  	[tilespmem:s6+$0xF0] =	vst v2  }
0x2e1: {  	[spmem:s18] =	stream.indirect.scatter.add.f32 [tilespmem:s26], [sflag:$0x3], $0x20, s24, s10, $0xb8;
	[tilespmem:$0x1CCA0] =	vst v63  }
0x2e2: {  	s4 =	sadd.s32 $0x1, s4  }
0x2e3: {  	[spmem:s18] =	stream.indirect.scatter.add.f32 [tilespmem:s29], [sflag:$0x3], $0x20, s2, s10, $0xb8;
	[tilespmem:$0x1CCA0] =	vst v63  }
0x2e4: {  	p1 =	sne.s32 s4, $0x62;
	_ =	swait.ge [sflag:s15], $0x1000  }
.Ltmp3:
0x2e5: {  	[sflag:s15] =	ssyncset.done $0x0;
	(pc) =	sbr.rel @p1 .LBB2_4-.Ltmp3, $4  }
0x2e6: {  	[sflag:s15] =	ssyncadd.s32 $0xFFFFF000  }
0x2e7: {  	_ =	swait.ge [sflag:s15], $0x1000  }
0x2e8: {  	[sflag:s15] =	ssyncset.done $0x0  }
0x2e9: {  	[sflag:s15] =	ssyncadd.s32 $0xFFFFF000  }
0x2ea: {  	s3 =	stileid.u32;
	[bflag:$0x0] =	sbarrier.arrive $0xFFFF  }
0x2eb: {  	s3 =	sshll.u32 s3, $0x6;
	s7 =	rddreg [dreg:$0x14]  }
0x2ec: {  	s5 =	rddreg [dreg:$0x4];
	s3 =	sor.u32 $0x1C04, s3;
	s4 =	sshrl.u32 s7, $0x3  }
0x2ed: {  	[hbm:s5], [sflag:s3] =	dma.local [spmem:s4], $0x320  }
0x2ee: {  	_ =	swait.ge [sflag:s19], $0x320  }
0x2ef: {  	[sflag:s19] =	ssyncset.done $0x0;
	s28 =	rddreg [dreg:$0x15]  }
0x2f0: {  	s8 =	rddreg [dreg:$0x5];
	[sflag:s19] =	ssyncadd.s32 $0xFFFFFCE0;
	s6 =	sshrl.u32 s28, $0x3  }
0x2f1: {  	[hbm:s8], [sflag:s3] =	dma.local [spmem:s6], $0x320  }
0x2f2: {  	_ =	swait.ge [sflag:s19], $0x320  }
0x2f3: {  	[sflag:s19] =	ssyncset.done $0x0;
	s6 =	rddreg [dreg:$0x16]  }
0x2f4: {  	s8 =	rddreg [dreg:$0x6];
	[sflag:s19] =	ssyncadd.s32 $0xFFFFFCE0;
	s4 =	sshrl.u32 s6, $0x3  }
0x2f5: {  	[hbm:s8], [sflag:s3] =	dma.local [spmem:s4], $0x320  }
0x2f6: {  	_ =	swait.ge [sflag:s19], $0x320  }
0x2f7: {  	[sflag:s19] =	ssyncset.done $0x0;
	s8 =	rddreg [dreg:$0x17]  }
0x2f8: {  	s6 =	rddreg [dreg:$0x7];
	[sflag:s19] =	ssyncadd.s32 $0xFFFFFCE0;
	s5 =	sshrl.u32 s8, $0x3  }
0x2f9: {  	[hbm:s6], [sflag:s3] =	dma.local [spmem:s5], $0x320  }
0x2fa: {  	_ =	swait.ge [sflag:s19], $0x320  }
0x2fb: {  	[sflag:s19] =	ssyncset.done $0x0;
	s5 =	rddreg [dreg:$0x18]  }
0x2fc: {  	s6 =	rddreg [dreg:$0x8];
	[sflag:s19] =	ssyncadd.s32 $0xFFFFFCE0;
	s4 =	sshrl.u32 s5, $0x3  }
0x2fd: {  	[hbm:s6], [sflag:s3] =	dma.local [spmem:s4], $0x320  }
0x2fe: {  	_ =	swait.ge [sflag:s19], $0x320  }
0x2ff: {  	[sflag:s19] =	ssyncset.done $0x0;
	s5 =	rddreg [dreg:$0x19]  }
0x300: {  	s6 =	rddreg [dreg:$0x9];
	[sflag:s19] =	ssyncadd.s32 $0xFFFFFCE0;
	s4 =	sshrl.u32 s5, $0x3  }
0x301: {  	[hbm:s6], [sflag:s3] =	dma.local [spmem:s4], $0x320  }
0x302: {  	_ =	swait.ge [sflag:s19], $0x320  }
0x303: {  	[sflag:s19] =	ssyncset.done $0x0;
	s5 =	rddreg [dreg:$0x1a]  }
0x304: {  	s6 =	rddreg [dreg:$0xa];
	[sflag:s19] =	ssyncadd.s32 $0xFFFFFCE0;
	s4 =	sshrl.u32 s5, $0x3  }
0x305: {  	[hbm:s6], [sflag:s3] =	dma.local [spmem:s4], $0x320  }
0x306: {  	_ =	swait.ge [sflag:s19], $0x320  }
0x307: {  	[sflag:s19] =	ssyncset.done $0x0;
	s5 =	rddreg [dreg:$0x1b]  }
0x308: {  	s6 =	rddreg [dreg:$0xb];
	[sflag:s19] =	ssyncadd.s32 $0xFFFFFCE0;
	s4 =	sshrl.u32 s5, $0x3  }
0x309: {  	[hbm:s6], [sflag:s3] =	dma.local [spmem:s4], $0x320  }
0x30a: {  	_ =	swait.ge [sflag:s19], $0x320  }
0x30b: {  	[sflag:s19] =	ssyncset.done $0x0;
	s5 =	rddreg [dreg:$0x1c]  }
0x30c: {  	s6 =	rddreg [dreg:$0xc];
	[sflag:s19] =	ssyncadd.s32 $0xFFFFFCE0;
	s4 =	sshrl.u32 s5, $0x3  }
0x30d: {  	[hbm:s6], [sflag:s3] =	dma.local [spmem:s4], $0x320  }
0x30e: {  	_ =	swait.ge [sflag:s19], $0x320  }
0x30f: {  	[sflag:s19] =	ssyncset.done $0x0;
	s5 =	rddreg [dreg:$0x1d]  }
0x310: {  	s6 =	rddreg [dreg:$0xd];
	[sflag:s19] =	ssyncadd.s32 $0xFFFFFCE0;
	s4 =	sshrl.u32 s5, $0x3  }
0x311: {  	[hbm:s6], [sflag:s3] =	dma.local [spmem:s4], $0x320  }
0x312: {  	_ =	swait.ge [sflag:s19], $0x320  }
0x313: {  	[sflag:s19] =	ssyncset.done $0x0;
	s5 =	rddreg [dreg:$0x1e]  }
0x314: {  	s6 =	rddreg [dreg:$0xe];
	[sflag:s19] =	ssyncadd.s32 $0xFFFFFCE0;
	s4 =	sshrl.u32 s5, $0x3  }
0x315: {  	[hbm:s6], [sflag:s3] =	dma.local [spmem:s4], $0x320  }
0x316: {  	_ =	swait.ge [sflag:s19], $0x320  }
0x317: {  	[sflag:s19] =	ssyncset.done $0x0;
	s5 =	rddreg [dreg:$0x1f]  }
0x318: {  	s6 =	rddreg [dreg:$0xf];
	[sflag:s19] =	ssyncadd.s32 $0xFFFFFCE0;
	s4 =	sshrl.u32 s5, $0x3  }
0x319: {  	[hbm:s6], [sflag:s3] =	dma.local [spmem:s4], $0x320  }
0x31a: {  	_ =	swait.ge [sflag:s19], $0x320  }
0x31b: {  	s5 =	sld [smem:$0x7F5];
	_ =	sdelay $0x1  }
0x31c: {  	[sflag:s19] =	ssyncset.done $0x0  }
0x31d: {  	s6 =	rddreg [dreg:$0x10];
	[sflag:s19] =	ssyncadd.s32 $0xFFFFFCE0;
	s4 =	sshrl.u32 s5, $0x3  }
0x31e: {  	[hbm:s6], [sflag:s3] =	dma.local [spmem:s4], $0x320  }
0x31f: {  	_ =	swait.ge [sflag:s19], $0x320  }
0x320: {  	s5 =	sld [smem:$0x7F6];
	_ =	sdelay $0x1  }
0x321: {  	[sflag:s19] =	ssyncset.done $0x0  }
0x322: {  	s6 =	rddreg [dreg:$0x11];
	[sflag:s19] =	ssyncadd.s32 $0xFFFFFCE0;
	s4 =	sshrl.u32 s5, $0x3  }
0x323: {  	[hbm:s6], [sflag:s3] =	dma.local [spmem:s4], $0x320  }
0x324: {  	_ =	swait.ge [sflag:s19], $0x320  }
0x325: {  	s5 =	sld [smem:$0x7F7];
	_ =	sdelay $0x1  }
0x326: {  	[sflag:s19] =	ssyncset.done $0x0  }
0x327: {  	s6 =	rddreg [dreg:$0x12];
	[sflag:s19] =	ssyncadd.s32 $0xFFFFFCE0;
	s4 =	sshrl.u32 s5, $0x3  }
0x328: {  	[hbm:s6], [sflag:s3] =	dma.local [spmem:s4], $0x320  }
0x329: {  	_ =	swait.ge [sflag:s19], $0x320  }
0x32a: {  	s4 =	sld [smem:$0x7F8];
	_ =	sdelay $0x1  }
0x32b: {  	[sflag:s19] =	ssyncset.done $0x0  }
0x32c: {  	s5 =	rddreg [dreg:$0x13];
	[sflag:s19] =	ssyncadd.s32 $0xFFFFFCE0;
	s4 =	sshrl.u32 @!p0 s4, $0x3  }
0x32d: {  	[hbm:s5], [sflag:s3] =	dma.local @!p0 [spmem:s4], $0x320  }
0x32e: {  	s3 =	simm.s32 @!p0 $0x4  }
0x32f: {  	_ =	swait.ge @!p0 [sflag:s3], $0x320  }
0x330: {  	s4 =	sld [smem:$0x7EF]  }
0x331: {  	s6 =	sld [smem:$0x7FD];
	_ =	sdelay $0x1  }
0x332: {  	s5 =	sadd.s32 $0x1, s4  }
0x333: {  	p1 =	sne.s32 s5, s6  }
.Ltmp4:
0x334: {  	_ = 	snop;
	(pc) =	sbr.rel @p1 .LBB2_1-.Ltmp4, $3  }
0x335: {  	_ =	sdelay $0x1  }
0x336: {  	[sflag:s3] =	ssyncset.done @!p0 $0x0  }
0x337: {  	[sflag:s3] =	ssyncadd.s32 @!p0 $0xFFFFFCE0  }
0x338: {  	_ =	sfence.sel $0x180000  }
0x339: {  	[bflag:$0x0] =	sbarrier.arrive $0xFFFF  }
0x33a: {  	_ =	strace $0x9000004A  }
0x33b: {  	s0 =	stileid.u32;
	[bflag:$0x2] =	sbarrier.arrive $0xFFFF  }
0x33c: {  	p0 =	sne.s32 s0, $0x0;
	s0 =	rddreg [dreg:$0x3]  }
0x33d: {  	s0 =	sadd.s32 @!p0 $0x100000, s0  }
0x33e: {  	[sflag:s0] =	ssyncadd.tile.s32 @!p0 $0x1;
	_ =	shalt  }
.Lfunc_end2:
_tile_overlayer_lowered:
.L_overlay_start_2:
0x33f: {  	(tag) =	ssettag $0x2  }
0x340: {  	s0 =	rddreg [dreg:$0x0];
	s2 =	stileid.u32  }
0x341: {  	s1 =	rddreg [dreg:$0x1];
	p0 =	sne.s32 s2, $0x0  }
0x342: {  	s3 =	rddreg [dreg:$0x2];
	[bflag:$0x3] =	sbarrier.arrive $0xFFFF;
	s2 =	simm.s32 @!p0 $0x1C04  }
0x343: {  	[timem:s3], [sflag:s2] =	dma.local @!p0 [hbm:s0], s1  }
0x344: {  	s0 =	simm.s32 @!p0 $0x4  }
0x345: {  	_ =	swait.ge @!p0 [sflag:s0], s1  }
0x346: {  	s1 =	ssub.s32 @!p0 $0x0, s1;
	[sflag:s0] =	ssyncset.done @!p0 $0x0  }
0x347: {  	[sflag:s0] =	ssyncadd.s32 @!p0 s1  }
0x348: {  	[bflag:$0x3] =	sbarrier.arrive $0xFFFF  }
0x349: {  	_ =	shalt  }

// kernel: kernel.7.cloned.1.call-start
scs
__scs_entry_jumppad:
0x0: {  	(pc) =	sbr.rel $0x88, $3  }
0x1: {  	(tag) =	ssettag $0x0;
	lr =	simm.s32 $0x1  }
0x2: {  	[smem:$0x3F92] =	sst lr;
	_ =	strace $0xD0000000  }
0x3: {  	_ = 	snop  }
0x4: {  	_ = 	snop  }
0x5: {  	_ = 	snop  }
0x6: {  	_ = 	snop  }
0x7: {  	_ = 	snop  }
__scs_overlays_trampoline_lowered:
0x8: {  	[smem:$0x3FA1] =	sst s0  }
0x9: {  	[smem:$0x3FA2] =	sst s1  }
0xa: {  	[smem:$0x3FA3] =	sst s2  }
0xb: {  	[smem:$0x3FA4] =	sst s3  }
0xc: {  	[smem:$0x3FA5] =	sst s4  }
0xd: {  	[smem:$0x3FA6] =	sst s5  }
0xe: {  	[smem:$0x3FA7] =	sst s6  }
0xf: {  	[smem:$0x3FA8] =	sst s7  }
0x10: {  	[smem:$0x3FA9] =	sst s8  }
0x11: {  	[smem:$0x3FAA] =	sst s9;
	s0 =	simm.s32 @!p0 $0x0  }
0x12: {  	s1 =	sld [smem:$0x3F90];
	s0 =	simm.s32 @p0 $0x1  }
0x13: {  	[smem:$0x3FAB] =	sst s0;
	s0 =	simm.s32 @!p1 $0x0  }
0x14: {  	s2 =	sld [smem:$0x3F8F];
	s0 =	simm.s32 @p1 $0x1  }
0x15: {  	[smem:$0x3FAC] =	sst s0;
	s0 =	simm.s32 @!p2 $0x0  }
0x16: {  	s3 =	sld [smem:$0x3FDB];
	s0 =	simm.s32 @p2 $0x1  }
0x17: {  	s4 =	simm.s32 $0x1BF5;
	[smem:$0x3FAE] =	sst s0  }
0x18: {  	s0 =	sld [smem:$0x3F91];
	_ =	swait.ge [sflag:s4], $0x0  }
0x19: {  	s7 =	sld [smem:$0x3F92]  }
0x1a: {  	s8 =	sadd.s32 $0xFFFFE003, lr  }
0x1b: {  	s9 =	sadd.s32 $0xFFFFFEF7, lr;
	s5 =	simm.s32 $0xFFFFFFFF;
	p2 =	slt.u32 s8, $0xFFFFF086  }
0x1c: {  	p1 =	slt.u32 s9, $0xF7A;
	s5 =	simm.s32 @!p2 $0x0  }
0x1d: {  	s5 =	simm.s32 @p1 $0x1;
	p0 =	seq.s32 s7, s2  }
0x1e: {  	s7 =	smul.u32 @!p0 $0xF7A, s2;
	p2 =	seq.s32 @!p0 s5, $0x0  }
0x1f: {  	s9 =	smul.u32 $0xF7A, s1;
	s8 =	simm.s32 @!p0 $0x1BF5;
	p2 =	por !p2, p0  }
0x20: {  	[sflag:s8] =	ssyncset.s32 @!p0 $0xFFFFF086;
	s6 =	sadd.s32 @!p0 s3, s7;
	s7 =	simm.s32 @!p0 $0x108  }
0x21: {  	s3 =	sadd.s32 s3, s9;
	s6 =	sadd.s32 @!p0 $0x88, s6;
	s7 =	simm.s32 @p2 $0x1082  }
0x22: {  	[simem:s7], [sflag:s8] =	dma.local @!p0 [hbm:s6], $0xF7A  }
0x23: {  	s9 =	sor.u32 $0xD0000000, s2;
	s6 =	simm.s32 $0x108;
	_ =	swait.ge @!p0 [sflag:s8], $0x0  }
0x24: {  	s3 =	sadd.s32 $0x88, s3;
	s6 =	simm.s32 @!p1 $0x1082;
	[sflag:s4] =	ssyncset.s32 $0xFFFFF086  }
0x25: {  	[simem:s6], [sflag:s4] =	dma.local [hbm:s3], $0xF7A  }
0x26: {  	[smem:$0x3F92] =	sst s1;
	(tag) =	ssettag s2;
	_ =	strace s9  }
0x27: {  	s1 =	sld [smem:$0x3FA2]  }
0x28: {  	s2 =	sld [smem:$0x3FA3]  }
0x29: {  	s4 =	sld [smem:$0x3FA5]  }
0x2a: {  	p0 =	seq.s32 s5, $0x0;
	s5 =	sld [smem:$0x3FA6]  }
0x2b: {  	s6 =	sld [smem:$0x3FA7]  }
0x2c: {  	s7 =	sld [smem:$0x3FA8]  }
0x2d: {  	s3 =	simm.s32 $0x108;
	s8 =	sld [smem:$0x3FA9]  }
0x2e: {  	s3 =	simm.s32 @!p0 $0x1082;
	s9 =	sld [smem:$0x3FAA]  }
0x2f: {  	lr =	sadd.s32 s0, s3;
	s0 =	sld [smem:$0x3FA1]  }
0x30: {  	s3 =	sld [smem:$0x3FA4]  }
0x31: {  	[smem:$0x3FAD] =	sst s10  }
0x32: {  	s10 =	sld [smem:$0x3FAB];
	_ =	sdelay $0x3  }
0x33: {  	p0 =	seq.s32 s10, $0x1;
	s10 =	sld [smem:$0x3FAD];
	_ =	sdelay $0x3  }
0x34: {  	[smem:$0x3FAD] =	sst s10  }
0x35: {  	s10 =	sld [smem:$0x3FAC];
	_ =	sdelay $0x3  }
0x36: {  	p1 =	seq.s32 s10, $0x1;
	s10 =	sld [smem:$0x3FAD];
	_ =	sdelay $0x3  }
0x37: {  	[smem:$0x3FAD] =	sst s10  }
0x38: {  	s10 =	sld [smem:$0x3FAE]  }
0x39: {  	_ = 	snop;
	(pc) =	sbr.ind lr, $3  }
0x3a: {  	_ = 	snop  }
0x3b: {  	_ = 	snop  }
0x3c: {  	p2 =	seq.s32 s10, $0x1;
	s10 =	sld [smem:$0x3FAD]  }
0x3d: {  	_ =	shalt  }
0x3e: {  	_ =	shalt  }
0x3f: {  	_ =	shalt  }
0x40: {  	_ =	shalt  }
0x41: {  	_ =	shalt  }
0x42: {  	_ =	shalt  }
0x43: {  	_ =	shalt  }
0x44: {  	_ =	shalt  }
0x45: {  	_ =	shalt  }
0x46: {  	_ =	shalt  }
0x47: {  	_ =	shalt  }
0x48: {  	_ =	shalt  }
0x49: {  	_ =	shalt  }
0x4a: {  	_ =	shalt  }
0x4b: {  	_ =	shalt  }
0x4c: {  	_ =	shalt  }
0x4d: {  	_ =	shalt  }
0x4e: {  	_ =	shalt  }
0x4f: {  	_ =	shalt  }
0x50: {  	_ =	shalt  }
0x51: {  	_ =	shalt  }
0x52: {  	_ =	shalt  }
0x53: {  	_ =	shalt  }
0x54: {  	_ =	shalt  }
0x55: {  	_ =	shalt  }
0x56: {  	_ =	shalt  }
0x57: {  	_ =	shalt  }
0x58: {  	_ =	shalt  }
0x59: {  	_ =	shalt  }
0x5a: {  	_ =	shalt  }
0x5b: {  	_ =	shalt  }
0x5c: {  	_ =	shalt  }
0x5d: {  	_ =	shalt  }
0x5e: {  	_ =	shalt  }
0x5f: {  	_ =	shalt  }
0x60: {  	_ =	shalt  }
0x61: {  	_ =	shalt  }
0x62: {  	_ =	shalt  }
0x63: {  	_ =	shalt  }
0x64: {  	_ =	shalt  }
0x65: {  	_ =	shalt  }
0x66: {  	_ =	shalt  }
0x67: {  	_ =	shalt  }
0x68: {  	_ =	shalt  }
0x69: {  	_ =	shalt  }
0x6a: {  	_ =	shalt  }
0x6b: {  	_ =	shalt  }
0x6c: {  	_ =	shalt  }
0x6d: {  	_ =	shalt  }
0x6e: {  	_ =	shalt  }
0x6f: {  	_ =	shalt  }
0x70: {  	_ =	shalt  }
0x71: {  	_ =	shalt  }
0x72: {  	_ =	shalt  }
0x73: {  	_ =	shalt  }
0x74: {  	_ =	shalt  }
0x75: {  	_ =	shalt  }
0x76: {  	_ =	shalt  }
0x77: {  	_ =	shalt  }
0x78: {  	_ =	shalt  }
0x79: {  	_ =	shalt  }
0x7a: {  	_ =	shalt  }
0x7b: {  	_ =	shalt  }
0x7c: {  	_ =	shalt  }
0x7d: {  	_ =	shalt  }
0x7e: {  	_ =	shalt  }
0x7f: {  	_ =	shalt  }
0x80: {  	_ =	shalt  }
0x81: {  	_ =	shalt  }
0x82: {  	_ =	shalt  }
0x83: {  	_ =	shalt  }
0x84: {  	_ =	shalt  }
0x85: {  	_ =	shalt  }
0x86: {  	_ =	shalt  }
0x87: {  	_ =	shalt  }
.Lfunc_end0:
.L_simem_size_0:
called_computation_lowered:
.L_overlay_start_0:
0x88: {  	s2 =	sld [smem:$0x3FD9]  }
0x89: {  	s3 =	sld [smem:$0x3FFE];
	_ =	sdelay $0x1  }
0x8a: {  	s1 =	srdreg.scid  }
0x8b: {  	s0 =	sand.u32 $0x1, s1  }
0x8c: {  	s14 =	sshll.u32 s0, $0xA;
	s2 =	sadd.s32 s3, s2  }
0x8d: {  	s2 =	sadd.s32 s2, s14  }
0x8e: {  	[smem:$0x3FB9] =	sst s2  }
0x8f: {  	_ = 	snop  }
0x90: {  	s2 =	sld [smem:$0x3FD0];
	_ =	sdelay $0x2  }
0x91: {  	s15 =	simm.s32 $0xA;
	s4 =	simm.s32 $0x10  }
0x92: {  	[smem:s4], [sflag:s15] =	dma.local [hbm:s2], $0x1  }
0x93: {  	_ =	swait.eq [sflag:s15], $0x1  }
0x94: {  	[sflag:s15] =	ssyncset.done $0x0  }
0x95: {  	s16 =	sld [smem:$0x10];
	[sflag:s15] =	ssyncadd.s32 $0xFFFFFFFF  }
0x96: {  	s17 =	sld [smem:$0x11];
	(tm) =	ssettm $0x1  }
0x97: {  	s18 =	sld [smem:$0x3FFB];
	_ =	sdelay $0x3  }
0x98: {  	_ =	strace s18  }
0x99: {  	s4 =	sld [smem:$0x3FFC];
	_ =	sdelay $0x3  }
0x9a: {  	_ =	strace s4  }
0x9b: {  	s4 =	sld [smem:$0x3FFD];
	_ =	sdelay $0x3  }
0x9c: {  	_ =	strace s4  }
0x9d: {  	_ =	strace $0x8FFFFFFF  }
0x9e: {  	s19 =	sld [smem:$0x3FDB];
	_ =	sdelay $0x1  }
0x9f: {  	s5 =	simm.s32 $_scs_section_size  }
0xa0: {  	s6 =	simm.s32 $_size__tile_overlayer_lowered;
	s7 =	simm.s32 $_tile_overlayer_lowered  }
0xa1: {  	s22 =	simm.s32 $0x1BFF;
	s21 =	sshll.u32 s7, $0x1;
	s4 =	sadd.s32 s5, s19  }
0xa2: {  	s8 =	simm.s32 $0x0;
	s20 =	sshll.u32 s6, $0x1;
	s6 =	sadd.s32 s21, s4  }
0xa3: {  	[timem:s8], [sflag:s22] =	dma.local [hbm:s6], s20  }
0xa4: {  	_ =	swait.ge [sflag:s22], s20  }
0xa5: {  	s5 =	ssub.s32 $0x0, s20;
	[sflag:s22] =	ssyncset.done $0x0  }
0xa6: {  	[sflag:s22] =	ssyncadd.s32 s5;
	_ =	sdelay $0x1  }
0xa7: {  	s23 =	simm.s32 $0x1B8B  }
0xa8: {  	_ =	swait.ge [sflag:s23], $0x1  }
0xa9: {  	[sflag:s23] =	ssyncset.done $0x0  }
0xaa: {  	s25 =	simm.s32 $0x1B8E;
	s24 =	sld [smem:$0x3FFE];
	[sflag:s23] =	ssyncadd.s32 $0xFFFFFFFF  }
0xab: {  	s26 =	simm.s32 $execute0_lowered;
	[smem:$0x3FD2] =	sst s25  }
0xac: {  	s6 =	sshll.u32 s26, $0x1;
	_ =	strace $0x80000046;
	[dreg:$0x1] =	wrdreg $0xFFFFFFFF  }
0xad: {  	s28 =	simm.s32 $_size_execute0_lowered;
	s4 =	sadd.s32 s4, s6;
	[dreg:$0x0] =	wrdreg $0x0  }
0xae: {  	s6 =	sshll.u32 s28, $0x1;
	[dreg:$0x2] =	wrdreg s4  }
0xaf: {  	[dreg:$0x3] =	wrdreg s6  }
0xb0: {  	[dreg:$0x4] =	wrdreg $0xC0  }
0xb1: {  	_ =	task [dreg:s8], $0x5FFFF  }
0xb2: {  	[dreg:$0x1] =	wrdreg $0xFFFFFFFF  }
0xb3: {  	[dreg:$0x0] =	wrdreg $0x60  }
0xb4: {  	[dreg:$0x2] =	wrdreg s17  }
0xb5: {  	[dreg:$0x3] =	wrdreg s24  }
0xb6: {  	[dreg:$0x4] =	wrdreg s16  }
0xb7: {  	[dreg:$0x5] =	wrdreg $0x9  }
0xb8: {  	_ =	task.clear_ibuf [dreg:s8], $0x6FFFF;
	_ =	strace $0x90000046  }
0xb9: {  	s29 =	simm.s32 $0x9;
	_ =	strace $0x80000048  }
0xba: {  	_ =	swait.ge [sflag:s29], $0x1  }
0xbb: {  	[sflag:s29] =	ssyncadd.s32 $0xFFFFFFFF  }
0xbc: {  	_ =	strace $0x90000048  }
0xbd: {  	_ =	sfence  }
0xbe: {  	s30 =	sld [smem:$0x0];
	_ =	sdelay $0x2  }
0xbf: {  	s31 =	sshll.u32 s1, $0xD;
	s1 =	sshrl.u32 s1, $0x2  }
0xc0: {  	s3 =	sand.u32 $0x4000, s31;
	s1 =	sadd.s32 s1, s30  }
0xc1: {  	s0 =	sor.u32 s3, s0;
	s1 =	sshll.u32 s1, $0x11  }
0xc2: {  	s0 =	sor.u32 s1, s0  }
0xc3: {  	s0 =	sadd.s32 $0x8F2B, s0  }
0xc4: {  	[sflag:s0] =	ssyncadd.remote.s32 $0x1  }
0xc5: {  	_ =	sfence.sel $0xFFFF  }
0xc6: {  	[dreg:$0x0] =	wrdreg $0xFFFFFFFF;
	(pc) =	sbr.abs _section_cstart, $3  }
0xc7: {  	[dreg:$0x1] =	wrdreg $0xFFFFFFFF  }
0xc8: {  	_ =	task.clear_ibuf [dreg:s8], $0x2FFFF;
	_ =	strace $0x9FFFFFFF  }
0xc9: {  	(tm) =	ssettm $0x7FFFFFFF  }
tec
execute0_lowered:
.L_overlay_start_1:
0x0: {  	(tag) =	ssettag $0x1  }
0x1: {  	s0 =	srdreg.scid  }
0x2: {  	s2 =	rddreg [dreg:$0x0];
	s29 =	sand.u32 $0x1, s0  }
0x3: {  	s4 =	rddreg [dreg:$0x1];
	s26 =	stileid.u32;
	s5 =	sshll.u32 s29, $0x4  }
0x4: {  	s1 =	rddreg [dreg:$0x2];
	s3 =	simm.s32 $0x0;
	s26 =	sor.u32 s26, s5  }
0x5: {  	[smem:$0x7FF] =	sst s3;
	s25 =	sadd.s32 $0x4800, s4;
	s0 =	sshll.u32 s26, $0x4  }
0x6: {  	_ =	strace $0x80000047;
	s5 =	simm.s32 $0x2;
	s4 =	sadd.s32 s25, s0  }
0x7: {  	[tilespmem:s3], [sflag:$0x2] =	stream.linear.gather [hbm4b:s4+s3], $0x80, $0x38;
	[tilespmem:$0x1080] =	vst v63  }
0x8: {  	_ =	swait.ge [sflag:s5], $0x80  }
0x9: {  	[sflag:s5] =	ssyncset.done $0x0  }
0xa: {  	s6 =	simm.s32 $0x80;
	s7 =	simm.s32 $0x1;
	[sflag:s5] =	ssyncadd.s32 $0xFFFFFF80  }
0xb: {  	[tilespmem:s6], [sflag:$0x1] =	stream.indirect.gather [hbm4b:s2+s6], $0x20, s3, s6, $0xb8;
	[tilespmem:$0x1080] =	vst v63  }
0xc: {  	_ =	swait.ge [sflag:s7], $0x1000  }
0xd: {  	s8 =	sshll.u32 s26, $0x9;
	[sflag:s7] =	ssyncset.done $0x0  }
0xe: {  	s8 =	sadd.s32 s1, s8;
	[sflag:s7] =	ssyncadd.s32 $0xFFFFF000  }
0xf: {  	[hbm4b:s8+s3] =	stream.linear.scatter [tilespmem:s6], [sflag:$0x2], $0x1000, $0x38;
	[tilespmem:$0x1080] =	vst v63  }
0x10: {  	s10 =	sor.u32 $0x20, s26;
	_ =	swait.ge [sflag:s5], $0x1000  }
0x11: {  	s9 =	sshll.u32 s10, $0x4;
	[sflag:s5] =	ssyncset.done $0x0  }
0x12: {  	s9 =	sadd.s32 s25, s9;
	[sflag:s5] =	ssyncadd.s32 $0xFFFFF000  }
0x13: {  	[tilespmem:s3], [sflag:$0x2] =	stream.linear.gather [hbm4b:s9+s3], $0x80, $0x38;
	[tilespmem:$0x1080] =	vst v63  }
0x14: {  	_ =	swait.ge [sflag:s5], $0x80  }
0x15: {  	[sflag:s5] =	ssyncset.done $0x0  }
0x16: {  	[sflag:s5] =	ssyncadd.s32 $0xFFFFFF80  }
0x17: {  	[tilespmem:s6], [sflag:$0x1] =	stream.indirect.gather [hbm4b:s2+s6], $0x20, s3, s6, $0xb8;
	[tilespmem:$0x1080] =	vst v63  }
0x18: {  	_ =	swait.ge [sflag:s7], $0x1000  }
0x19: {  	s10 =	sshll.u32 s10, $0x9;
	[sflag:s7] =	ssyncset.done $0x0  }
0x1a: {  	s10 =	sadd.s32 s1, s10;
	[sflag:s7] =	ssyncadd.s32 $0xFFFFF000  }
0x1b: {  	[hbm4b:s10+s3] =	stream.linear.scatter [tilespmem:s6], [sflag:$0x2], $0x1000, $0x38;
	[tilespmem:$0x1080] =	vst v63  }
0x1c: {  	s12 =	sor.u32 $0x40, s26;
	_ =	swait.ge [sflag:s5], $0x1000  }
0x1d: {  	s11 =	sshll.u32 s12, $0x4;
	[sflag:s5] =	ssyncset.done $0x0  }
0x1e: {  	s11 =	sadd.s32 s25, s11;
	[sflag:s5] =	ssyncadd.s32 $0xFFFFF000  }
0x1f: {  	[tilespmem:s3], [sflag:$0x2] =	stream.linear.gather [hbm4b:s11+s3], $0x80, $0x38;
	[tilespmem:$0x1080] =	vst v63  }
0x20: {  	_ =	swait.ge [sflag:s5], $0x80  }
0x21: {  	[sflag:s5] =	ssyncset.done $0x0  }
0x22: {  	[sflag:s5] =	ssyncadd.s32 $0xFFFFFF80  }
0x23: {  	[tilespmem:s6], [sflag:$0x1] =	stream.indirect.gather [hbm4b:s2+s6], $0x20, s3, s6, $0xb8;
	[tilespmem:$0x1080] =	vst v63  }
0x24: {  	_ =	swait.ge [sflag:s7], $0x1000  }
0x25: {  	s12 =	sshll.u32 s12, $0x9;
	[sflag:s7] =	ssyncset.done $0x0  }
0x26: {  	s12 =	sadd.s32 s1, s12;
	[sflag:s7] =	ssyncadd.s32 $0xFFFFF000  }
0x27: {  	[hbm4b:s12+s3] =	stream.linear.scatter [tilespmem:s6], [sflag:$0x2], $0x1000, $0x38;
	[tilespmem:$0x1080] =	vst v63  }
0x28: {  	s14 =	sor.u32 $0x60, s26;
	_ =	swait.ge [sflag:s5], $0x1000  }
0x29: {  	s13 =	sshll.u32 s14, $0x4;
	[sflag:s5] =	ssyncset.done $0x0  }
0x2a: {  	s13 =	sadd.s32 s25, s13;
	[sflag:s5] =	ssyncadd.s32 $0xFFFFF000  }
0x2b: {  	[tilespmem:s3], [sflag:$0x2] =	stream.linear.gather [hbm4b:s13+s3], $0x80, $0x38;
	[tilespmem:$0x1080] =	vst v63  }
0x2c: {  	_ =	swait.ge [sflag:s5], $0x80  }
0x2d: {  	[sflag:s5] =	ssyncset.done $0x0  }
0x2e: {  	[sflag:s5] =	ssyncadd.s32 $0xFFFFFF80  }
0x2f: {  	[tilespmem:s6], [sflag:$0x1] =	stream.indirect.gather [hbm4b:s2+s6], $0x20, s3, s6, $0xb8;
	[tilespmem:$0x1080] =	vst v63  }
0x30: {  	_ =	swait.ge [sflag:s7], $0x1000  }
0x31: {  	s14 =	sshll.u32 s14, $0x9;
	[sflag:s7] =	ssyncset.done $0x0  }
0x32: {  	s14 =	sadd.s32 s1, s14;
	[sflag:s7] =	ssyncadd.s32 $0xFFFFF000  }
0x33: {  	[hbm4b:s14+s3] =	stream.linear.scatter [tilespmem:s6], [sflag:$0x2], $0x1000, $0x38;
	[tilespmem:$0x1080] =	vst v63  }
0x34: {  	s16 =	sor.u32 $0x80, s26;
	_ =	swait.ge [sflag:s5], $0x1000  }
0x35: {  	s15 =	sshll.u32 s16, $0x4;
	[sflag:s5] =	ssyncset.done $0x0  }
0x36: {  	s15 =	sadd.s32 s25, s15;
	[sflag:s5] =	ssyncadd.s32 $0xFFFFF000  }
0x37: {  	[tilespmem:s3], [sflag:$0x2] =	stream.linear.gather [hbm4b:s15+s3], $0x80, $0x38;
	[tilespmem:$0x1080] =	vst v63  }
0x38: {  	_ =	swait.ge [sflag:s5], $0x80  }
0x39: {  	[sflag:s5] =	ssyncset.done $0x0  }
0x3a: {  	[sflag:s5] =	ssyncadd.s32 $0xFFFFFF80  }
0x3b: {  	[tilespmem:s6], [sflag:$0x1] =	stream.indirect.gather [hbm4b:s2+s6], $0x20, s3, s6, $0xb8;
	[tilespmem:$0x1080] =	vst v63  }
0x3c: {  	_ =	swait.ge [sflag:s7], $0x1000  }
0x3d: {  	s16 =	sshll.u32 s16, $0x9;
	[sflag:s7] =	ssyncset.done $0x0  }
0x3e: {  	s16 =	sadd.s32 s1, s16;
	[sflag:s7] =	ssyncadd.s32 $0xFFFFF000  }
0x3f: {  	[hbm4b:s16+s3] =	stream.linear.scatter [tilespmem:s6], [sflag:$0x2], $0x1000, $0x38;
	[tilespmem:$0x1080] =	vst v63  }
0x40: {  	s18 =	sor.u32 $0xA0, s26;
	_ =	swait.ge [sflag:s5], $0x1000  }
0x41: {  	s17 =	sshll.u32 s18, $0x4;
	[sflag:s5] =	ssyncset.done $0x0  }
0x42: {  	s17 =	sadd.s32 s25, s17;
	[sflag:s5] =	ssyncadd.s32 $0xFFFFF000  }
0x43: {  	[tilespmem:s3], [sflag:$0x2] =	stream.linear.gather [hbm4b:s17+s3], $0x80, $0x38;
	[tilespmem:$0x1080] =	vst v63  }
0x44: {  	_ =	swait.ge [sflag:s5], $0x80  }
0x45: {  	[sflag:s5] =	ssyncset.done $0x0  }
0x46: {  	[sflag:s5] =	ssyncadd.s32 $0xFFFFFF80  }
0x47: {  	[tilespmem:s6], [sflag:$0x1] =	stream.indirect.gather [hbm4b:s2+s6], $0x20, s3, s6, $0xb8;
	[tilespmem:$0x1080] =	vst v63  }
0x48: {  	_ =	swait.ge [sflag:s7], $0x1000  }
0x49: {  	s18 =	sshll.u32 s18, $0x9;
	[sflag:s7] =	ssyncset.done $0x0  }
0x4a: {  	s18 =	sadd.s32 s1, s18;
	[sflag:s7] =	ssyncadd.s32 $0xFFFFF000  }
0x4b: {  	[hbm4b:s18+s3] =	stream.linear.scatter [tilespmem:s6], [sflag:$0x2], $0x1000, $0x38;
	[tilespmem:$0x1080] =	vst v63  }
0x4c: {  	s20 =	sor.u32 $0xC0, s26;
	_ =	swait.ge [sflag:s5], $0x1000  }
0x4d: {  	s19 =	sshll.u32 s20, $0x4;
	[sflag:s5] =	ssyncset.done $0x0  }
0x4e: {  	s19 =	sadd.s32 s25, s19;
	[sflag:s5] =	ssyncadd.s32 $0xFFFFF000  }
0x4f: {  	[tilespmem:s3], [sflag:$0x2] =	stream.linear.gather [hbm4b:s19+s3], $0x80, $0x38;
	[tilespmem:$0x1080] =	vst v63  }
0x50: {  	_ =	swait.ge [sflag:s5], $0x80  }
0x51: {  	[sflag:s5] =	ssyncset.done $0x0  }
0x52: {  	[sflag:s5] =	ssyncadd.s32 $0xFFFFFF80  }
0x53: {  	[tilespmem:s6], [sflag:$0x1] =	stream.indirect.gather [hbm4b:s2+s6], $0x20, s3, s6, $0xb8;
	[tilespmem:$0x1080] =	vst v63  }
0x54: {  	_ =	swait.ge [sflag:s7], $0x1000  }
0x55: {  	s20 =	sshll.u32 s20, $0x9;
	[sflag:s7] =	ssyncset.done $0x0  }
0x56: {  	s20 =	sadd.s32 s1, s20;
	[sflag:s7] =	ssyncadd.s32 $0xFFFFF000  }
0x57: {  	[hbm4b:s20+s3] =	stream.linear.scatter [tilespmem:s6], [sflag:$0x2], $0x1000, $0x38;
	[tilespmem:$0x1080] =	vst v63  }
0x58: {  	s22 =	sor.u32 $0xE0, s26;
	_ =	swait.ge [sflag:s5], $0x1000  }
0x59: {  	s21 =	sshll.u32 s22, $0x4;
	[sflag:s5] =	ssyncset.done $0x0  }
0x5a: {  	s21 =	sadd.s32 s25, s21;
	[sflag:s5] =	ssyncadd.s32 $0xFFFFF000  }
0x5b: {  	[tilespmem:s3], [sflag:$0x2] =	stream.linear.gather [hbm4b:s21+s3], $0x80, $0x38;
	[tilespmem:$0x1080] =	vst v63  }
0x5c: {  	_ =	swait.ge [sflag:s5], $0x80  }
0x5d: {  	[sflag:s5] =	ssyncset.done $0x0  }
0x5e: {  	[sflag:s5] =	ssyncadd.s32 $0xFFFFFF80  }
0x5f: {  	[tilespmem:s6], [sflag:$0x1] =	stream.indirect.gather [hbm4b:s2+s6], $0x20, s3, s6, $0xb8;
	[tilespmem:$0x1080] =	vst v63  }
0x60: {  	_ =	swait.ge [sflag:s7], $0x1000  }
0x61: {  	s22 =	sshll.u32 s22, $0x9;
	[sflag:s7] =	ssyncset.done $0x0  }
0x62: {  	s22 =	sadd.s32 s1, s22;
	[sflag:s7] =	ssyncadd.s32 $0xFFFFF000  }
0x63: {  	[hbm4b:s22+s3] =	stream.linear.scatter [tilespmem:s6], [sflag:$0x2], $0x1000, $0x38;
	[tilespmem:$0x1080] =	vst v63  }
0x64: {  	s24 =	sor.u32 $0x100, s26;
	_ =	swait.ge [sflag:s5], $0x1000  }
0x65: {  	s23 =	sshll.u32 s24, $0x4;
	[sflag:s5] =	ssyncset.done $0x0  }
0x66: {  	s23 =	sadd.s32 s25, s23;
	[sflag:s5] =	ssyncadd.s32 $0xFFFFF000  }
0x67: {  	[tilespmem:s3], [sflag:$0x2] =	stream.linear.gather [hbm4b:s23+s3], $0x80, $0x38;
	[tilespmem:$0x1080] =	vst v63  }
0x68: {  	_ =	swait.ge [sflag:s5], $0x80  }
0x69: {  	[sflag:s5] =	ssyncset.done $0x0  }
0x6a: {  	[sflag:s5] =	ssyncadd.s32 $0xFFFFFF80  }
0x6b: {  	[tilespmem:s6], [sflag:$0x1] =	stream.indirect.gather [hbm4b:s2+s6], $0x20, s3, s6, $0xb8;
	[tilespmem:$0x1080] =	vst v63  }
0x6c: {  	_ =	swait.ge [sflag:s7], $0x1000  }
0x6d: {  	s24 =	sshll.u32 s24, $0x9;
	[sflag:s7] =	ssyncset.done $0x0  }
0x6e: {  	s31 =	sor.u32 $0x120, s26;
	s24 =	sadd.s32 s1, s24;
	[sflag:s7] =	ssyncadd.s32 $0xFFFFF000  }
0x6f: {  	[hbm4b:s24+s3] =	stream.linear.scatter [tilespmem:s6], [sflag:$0x2], $0x1000, $0x38;
	[tilespmem:$0x1080] =	vst v63  }
0x70: {  	p0 =	sgt.u32 s26, $0x18;
	s1 =	sshll.u32 s31, $0x4;
	_ =	swait.ge [sflag:s5], $0x1000  }
0x71: {  	s28 =	simm.s32 @!p0 $0x0;
	s26 =	sadd.s32 s25, s1;
	[sflag:s5] =	ssyncset.done $0x0  }
0x72: {  	s25 =	simm.s32 @!p0 $0x2;
	s1 =	ssub.s32 $0x2, s29;
	[sflag:s5] =	ssyncadd.s32 $0xFFFFF000  }
0x73: {  	[tilespmem:s28], [sflag:$0x2] =	stream.linear.gather @!p0 [hbm4b:s26+s28], $0x80, $0x38;
	[tilespmem:$0x1080] =	vst v63  }
0x74: {  	s0 =	sshrl.u32 s1, $0x1;
	_ =	swait.ge @!p0 [sflag:s25], $0x80  }
0x75: {  	s30 =	simm.s32 @!p0 $0x1;
	s0 =	ssub.s32 s1, s0;
	[sflag:s25] =	ssyncset.done @!p0 $0x0  }
0x76: {  	s29 =	simm.s32 @!p0 $0x80;
	s0 =	smax.u32 s0, $0x1;
	[sflag:s25] =	ssyncadd.s32 @!p0 $0xFFFFFF80  }
0x77: {  	[tilespmem:s29], [sflag:$0x1] =	stream.indirect.gather @!p0 [hbm4b:s2+s29], $0x20, s28, s29, $0xb8;
	[tilespmem:$0x1080] =	vst v63  }
0x78: {  	s0 =	sadd.s32 $0xFFFFFFFF, s0;
	_ =	swait.ge @!p0 [sflag:s30], $0x1000  }
0x79: {  	p1 =	sne.s32 s0, $0x0;
	[sflag:s30] =	ssyncset.done @!p0 $0x0  }
.Ltmp0:
0x7a: {  	s1 =	sshll.u32 s31, $0x9;
	s31 =	rddreg [dreg:$0x2];
	(pc) =	sbr.rel @!p1 .LBB2_2-.Ltmp0, $4  }
0x7b: {  	[sflag:s30] =	ssyncadd.s32 @!p0 $0xFFFFF000;
	s31 =	sadd.s32 s31, s1  }
0x7c: {  	[hbm4b:s31+s28] =	stream.linear.scatter @!p0 [tilespmem:s29], [sflag:$0x2], $0x1000, $0x38;
	[tilespmem:$0x1080] =	vst v63  }
0x7d: {  	_ =	swait.ge @!p0 [sflag:s25], $0x1000  }
0x7e: {  	[sflag:s25] =	ssyncset.done @!p0 $0x0  }
.LBB2_1:
0x7f: {  	s0 =	sadd.s32 $0xFFFFFFFF, s0;
	[sflag:s25] =	ssyncadd.s32 @!p0 $0xFFFFF000  }
0x80: {  	[tilespmem:s3], [sflag:$0x2] =	stream.linear.gather [hbm4b:s4+s3], $0x80, $0x38;
	[tilespmem:$0x1080] =	vst v63  }
0x81: {  	p1 =	sne.s32 s0, $0x0;
	_ =	swait.ge [sflag:s5], $0x80  }
0x82: {  	[sflag:s5] =	ssyncset.done $0x0  }
0x83: {  	[sflag:s5] =	ssyncadd.s32 $0xFFFFFF80  }
0x84: {  	[tilespmem:s6], [sflag:$0x1] =	stream.indirect.gather [hbm4b:s2+s6], $0x20, s3, s6, $0xb8;
	[tilespmem:$0x1080] =	vst v63  }
0x85: {  	_ =	swait.ge [sflag:s7], $0x1000  }
0x86: {  	[sflag:s7] =	ssyncset.done $0x0  }
0x87: {  	[sflag:s7] =	ssyncadd.s32 $0xFFFFF000  }
0x88: {  	[hbm4b:s8+s3] =	stream.linear.scatter [tilespmem:s6], [sflag:$0x2], $0x1000, $0x38;
	[tilespmem:$0x1080] =	vst v63  }
0x89: {  	_ =	swait.ge [sflag:s5], $0x1000  }
0x8a: {  	[sflag:s5] =	ssyncset.done $0x0  }
0x8b: {  	[sflag:s5] =	ssyncadd.s32 $0xFFFFF000  }
0x8c: {  	[tilespmem:s3], [sflag:$0x2] =	stream.linear.gather [hbm4b:s9+s3], $0x80, $0x38;
	[tilespmem:$0x1080] =	vst v63  }
0x8d: {  	_ =	swait.ge [sflag:s5], $0x80  }
0x8e: {  	[sflag:s5] =	ssyncset.done $0x0  }
0x8f: {  	[sflag:s5] =	ssyncadd.s32 $0xFFFFFF80  }
0x90: {  	[tilespmem:s6], [sflag:$0x1] =	stream.indirect.gather [hbm4b:s2+s6], $0x20, s3, s6, $0xb8;
	[tilespmem:$0x1080] =	vst v63  }
0x91: {  	_ =	swait.ge [sflag:s7], $0x1000  }
0x92: {  	[sflag:s7] =	ssyncset.done $0x0  }
0x93: {  	[sflag:s7] =	ssyncadd.s32 $0xFFFFF000  }
0x94: {  	[hbm4b:s10+s3] =	stream.linear.scatter [tilespmem:s6], [sflag:$0x2], $0x1000, $0x38;
	[tilespmem:$0x1080] =	vst v63  }
0x95: {  	_ =	swait.ge [sflag:s5], $0x1000  }
0x96: {  	[sflag:s5] =	ssyncset.done $0x0  }
0x97: {  	[sflag:s5] =	ssyncadd.s32 $0xFFFFF000  }
0x98: {  	[tilespmem:s3], [sflag:$0x2] =	stream.linear.gather [hbm4b:s11+s3], $0x80, $0x38;
	[tilespmem:$0x1080] =	vst v63  }
0x99: {  	_ =	swait.ge [sflag:s5], $0x80  }
0x9a: {  	[sflag:s5] =	ssyncset.done $0x0  }
0x9b: {  	[sflag:s5] =	ssyncadd.s32 $0xFFFFFF80  }
0x9c: {  	[tilespmem:s6], [sflag:$0x1] =	stream.indirect.gather [hbm4b:s2+s6], $0x20, s3, s6, $0xb8;
	[tilespmem:$0x1080] =	vst v63  }
0x9d: {  	_ =	swait.ge [sflag:s7], $0x1000  }
0x9e: {  	[sflag:s7] =	ssyncset.done $0x0  }
0x9f: {  	[sflag:s7] =	ssyncadd.s32 $0xFFFFF000  }
0xa0: {  	[hbm4b:s12+s3] =	stream.linear.scatter [tilespmem:s6], [sflag:$0x2], $0x1000, $0x38;
	[tilespmem:$0x1080] =	vst v63  }
0xa1: {  	_ =	swait.ge [sflag:s5], $0x1000  }
0xa2: {  	[sflag:s5] =	ssyncset.done $0x0  }
0xa3: {  	[sflag:s5] =	ssyncadd.s32 $0xFFFFF000  }
0xa4: {  	[tilespmem:s3], [sflag:$0x2] =	stream.linear.gather [hbm4b:s13+s3], $0x80, $0x38;
	[tilespmem:$0x1080] =	vst v63  }
0xa5: {  	_ =	swait.ge [sflag:s5], $0x80  }
0xa6: {  	[sflag:s5] =	ssyncset.done $0x0  }
0xa7: {  	[sflag:s5] =	ssyncadd.s32 $0xFFFFFF80  }
0xa8: {  	[tilespmem:s6], [sflag:$0x1] =	stream.indirect.gather [hbm4b:s2+s6], $0x20, s3, s6, $0xb8;
	[tilespmem:$0x1080] =	vst v63  }
0xa9: {  	_ =	swait.ge [sflag:s7], $0x1000  }
0xaa: {  	[sflag:s7] =	ssyncset.done $0x0  }
0xab: {  	[sflag:s7] =	ssyncadd.s32 $0xFFFFF000  }
0xac: {  	[hbm4b:s14+s3] =	stream.linear.scatter [tilespmem:s6], [sflag:$0x2], $0x1000, $0x38;
	[tilespmem:$0x1080] =	vst v63  }
0xad: {  	_ =	swait.ge [sflag:s5], $0x1000  }
0xae: {  	[sflag:s5] =	ssyncset.done $0x0  }
0xaf: {  	[sflag:s5] =	ssyncadd.s32 $0xFFFFF000  }
0xb0: {  	[tilespmem:s3], [sflag:$0x2] =	stream.linear.gather [hbm4b:s15+s3], $0x80, $0x38;
	[tilespmem:$0x1080] =	vst v63  }
0xb1: {  	_ =	swait.ge [sflag:s5], $0x80  }
0xb2: {  	[sflag:s5] =	ssyncset.done $0x0  }
0xb3: {  	[sflag:s5] =	ssyncadd.s32 $0xFFFFFF80  }
0xb4: {  	[tilespmem:s6], [sflag:$0x1] =	stream.indirect.gather [hbm4b:s2+s6], $0x20, s3, s6, $0xb8;
	[tilespmem:$0x1080] =	vst v63  }
0xb5: {  	_ =	swait.ge [sflag:s7], $0x1000  }
0xb6: {  	[sflag:s7] =	ssyncset.done $0x0  }
0xb7: {  	[sflag:s7] =	ssyncadd.s32 $0xFFFFF000  }
0xb8: {  	[hbm4b:s16+s3] =	stream.linear.scatter [tilespmem:s6], [sflag:$0x2], $0x1000, $0x38;
	[tilespmem:$0x1080] =	vst v63  }
0xb9: {  	_ =	swait.ge [sflag:s5], $0x1000  }
0xba: {  	[sflag:s5] =	ssyncset.done $0x0  }
0xbb: {  	[sflag:s5] =	ssyncadd.s32 $0xFFFFF000  }
0xbc: {  	[tilespmem:s3], [sflag:$0x2] =	stream.linear.gather [hbm4b:s17+s3], $0x80, $0x38;
	[tilespmem:$0x1080] =	vst v63  }
0xbd: {  	_ =	swait.ge [sflag:s5], $0x80  }
0xbe: {  	[sflag:s5] =	ssyncset.done $0x0  }
0xbf: {  	[sflag:s5] =	ssyncadd.s32 $0xFFFFFF80  }
0xc0: {  	[tilespmem:s6], [sflag:$0x1] =	stream.indirect.gather [hbm4b:s2+s6], $0x20, s3, s6, $0xb8;
	[tilespmem:$0x1080] =	vst v63  }
0xc1: {  	_ =	swait.ge [sflag:s7], $0x1000  }
0xc2: {  	[sflag:s7] =	ssyncset.done $0x0  }
0xc3: {  	[sflag:s7] =	ssyncadd.s32 $0xFFFFF000  }
0xc4: {  	[hbm4b:s18+s3] =	stream.linear.scatter [tilespmem:s6], [sflag:$0x2], $0x1000, $0x38;
	[tilespmem:$0x1080] =	vst v63  }
0xc5: {  	_ =	swait.ge [sflag:s5], $0x1000  }
0xc6: {  	[sflag:s5] =	ssyncset.done $0x0  }
0xc7: {  	[sflag:s5] =	ssyncadd.s32 $0xFFFFF000  }
0xc8: {  	[tilespmem:s3], [sflag:$0x2] =	stream.linear.gather [hbm4b:s19+s3], $0x80, $0x38;
	[tilespmem:$0x1080] =	vst v63  }
0xc9: {  	_ =	swait.ge [sflag:s5], $0x80  }
0xca: {  	[sflag:s5] =	ssyncset.done $0x0  }
0xcb: {  	[sflag:s5] =	ssyncadd.s32 $0xFFFFFF80  }
0xcc: {  	[tilespmem:s6], [sflag:$0x1] =	stream.indirect.gather [hbm4b:s2+s6], $0x20, s3, s6, $0xb8;
	[tilespmem:$0x1080] =	vst v63  }
0xcd: {  	_ =	swait.ge [sflag:s7], $0x1000  }
0xce: {  	[sflag:s7] =	ssyncset.done $0x0  }
0xcf: {  	[sflag:s7] =	ssyncadd.s32 $0xFFFFF000  }
0xd0: {  	[hbm4b:s20+s3] =	stream.linear.scatter [tilespmem:s6], [sflag:$0x2], $0x1000, $0x38;
	[tilespmem:$0x1080] =	vst v63  }
0xd1: {  	_ =	swait.ge [sflag:s5], $0x1000  }
0xd2: {  	[sflag:s5] =	ssyncset.done $0x0  }
0xd3: {  	[sflag:s5] =	ssyncadd.s32 $0xFFFFF000  }
0xd4: {  	[tilespmem:s3], [sflag:$0x2] =	stream.linear.gather [hbm4b:s21+s3], $0x80, $0x38;
	[tilespmem:$0x1080] =	vst v63  }
0xd5: {  	_ =	swait.ge [sflag:s5], $0x80  }
0xd6: {  	[sflag:s5] =	ssyncset.done $0x0  }
0xd7: {  	[sflag:s5] =	ssyncadd.s32 $0xFFFFFF80  }
0xd8: {  	[tilespmem:s6], [sflag:$0x1] =	stream.indirect.gather [hbm4b:s2+s6], $0x20, s3, s6, $0xb8;
	[tilespmem:$0x1080] =	vst v63  }
0xd9: {  	_ =	swait.ge [sflag:s7], $0x1000  }
0xda: {  	[sflag:s7] =	ssyncset.done $0x0  }
0xdb: {  	[sflag:s7] =	ssyncadd.s32 $0xFFFFF000  }
0xdc: {  	[hbm4b:s22+s3] =	stream.linear.scatter [tilespmem:s6], [sflag:$0x2], $0x1000, $0x38;
	[tilespmem:$0x1080] =	vst v63  }
0xdd: {  	_ =	swait.ge [sflag:s5], $0x1000  }
0xde: {  	[sflag:s5] =	ssyncset.done $0x0  }
0xdf: {  	[sflag:s5] =	ssyncadd.s32 $0xFFFFF000  }
0xe0: {  	[tilespmem:s3], [sflag:$0x2] =	stream.linear.gather [hbm4b:s23+s3], $0x80, $0x38;
	[tilespmem:$0x1080] =	vst v63  }
0xe1: {  	_ =	swait.ge [sflag:s5], $0x80  }
0xe2: {  	[sflag:s5] =	ssyncset.done $0x0  }
0xe3: {  	[sflag:s5] =	ssyncadd.s32 $0xFFFFFF80  }
0xe4: {  	[tilespmem:s6], [sflag:$0x1] =	stream.indirect.gather [hbm4b:s2+s6], $0x20, s3, s6, $0xb8;
	[tilespmem:$0x1080] =	vst v63  }
0xe5: {  	_ =	swait.ge [sflag:s7], $0x1000  }
0xe6: {  	[sflag:s7] =	ssyncset.done $0x0  }
0xe7: {  	[sflag:s7] =	ssyncadd.s32 $0xFFFFF000  }
0xe8: {  	[hbm4b:s24+s3] =	stream.linear.scatter [tilespmem:s6], [sflag:$0x2], $0x1000, $0x38;
	[tilespmem:$0x1080] =	vst v63  }
0xe9: {  	_ =	swait.ge [sflag:s5], $0x1000  }
0xea: {  	[sflag:s5] =	ssyncset.done $0x0  }
0xeb: {  	[sflag:s5] =	ssyncadd.s32 $0xFFFFF000  }
0xec: {  	[tilespmem:s28], [sflag:$0x2] =	stream.linear.gather @!p0 [hbm4b:s26+s28], $0x80, $0x38;
	[tilespmem:$0x1080] =	vst v63  }
0xed: {  	_ =	swait.ge @!p0 [sflag:s25], $0x80  }
0xee: {  	[sflag:s25] =	ssyncset.done @!p0 $0x0  }
0xef: {  	[sflag:s25] =	ssyncadd.s32 @!p0 $0xFFFFFF80  }
0xf0: {  	[tilespmem:s29], [sflag:$0x1] =	stream.indirect.gather @!p0 [hbm4b:s2+s29], $0x20, s28, s29, $0xb8;
	[tilespmem:$0x1080] =	vst v63  }
0xf1: {  	_ =	swait.ge @!p0 [sflag:s30], $0x1000  }
.Ltmp1:
0xf2: {  	[sflag:s30] =	ssyncset.done @!p0 $0x0;
	(pc) =	sbr.rel @p1 .LBB2_1-.Ltmp1, $4  }
0xf3: {  	[sflag:s30] =	ssyncadd.s32 @!p0 $0xFFFFF000  }
0xf4: {  	[hbm4b:s31+s28] =	stream.linear.scatter @!p0 [tilespmem:s29], [sflag:$0x2], $0x1000, $0x38;
	[tilespmem:$0x1080] =	vst v63  }
0xf5: {  	_ =	swait.ge @!p0 [sflag:s25], $0x1000  }
0xf6: {  	[sflag:s25] =	ssyncset.done @!p0 $0x0  }
.LBB2_2:
0xf7: {  	[sflag:s25] =	ssyncadd.s32 @!p0 $0xFFFFF000  }
0xf8: {  	_ =	sfence.sel $0x180000  }
0xf9: {  	[bflag:$0x0] =	sbarrier.arrive $0xFFFF  }
0xfa: {  	_ =	strace $0x90000047  }
0xfb: {  	s0 =	stileid.u32;
	[bflag:$0x2] =	sbarrier.arrive $0xFFFF  }
0xfc: {  	p0 =	sne.s32 s0, $0x0;
	s0 =	rddreg [dreg:$0x3]  }
0xfd: {  	s0 =	sadd.s32 @!p0 $0x100000, s0  }
0xfe: {  	[sflag:s0] =	ssyncadd.tile.s32 @!p0 $0x1;
	_ =	shalt  }
.Lfunc_end2:
_tile_overlayer_lowered:
.L_overlay_start_2:
0xff: {  	(tag) =	ssettag $0x2  }
0x100: {  	s0 =	rddreg [dreg:$0x0];
	s2 =	stileid.u32  }
0x101: {  	s1 =	rddreg [dreg:$0x1];
	p0 =	sne.s32 s2, $0x0  }
0x102: {  	s3 =	rddreg [dreg:$0x2];
	[bflag:$0x3] =	sbarrier.arrive $0xFFFF;
	s2 =	simm.s32 @!p0 $0x1C02  }
0x103: {  	[timem:s3], [sflag:s2] =	dma.local @!p0 [hbm:s0], s1  }
0x104: {  	s0 =	simm.s32 @!p0 $0x2  }
0x105: {  	_ =	swait.ge @!p0 [sflag:s0], s1  }
0x106: {  	s1 =	ssub.s32 @!p0 $0x0, s1;
	[sflag:s0] =	ssyncset.done @!p0 $0x0  }
0x107: {  	[sflag:s0] =	ssyncadd.s32 @!p0 s1  }
0x108: {  	[bflag:$0x3] =	sbarrier.arrive $0xFFFF  }
0x109: {  	_ =	shalt  }

</sc_bundles>
